<compile_context>
chip_gen: v7x
topology: tpu7x:2x2x1
jax: 0.10.2.dev20260603
libtpu: 0.0.44.dev20260713+nightly
codegen_flags: <defaults>
</compile_context>

<pallas_src>
import jax
import jax.numpy as jnp
from jax import lax
from jax.experimental import pallas as pl
from jax.experimental.pallas import tpu as pltpu
from jax.experimental.pallas import tpu_sc as plsc

B = 64
N = 10000
M = 43000
K = 3
ALPHA = 5.0
BETA = 20.0
GAMMA = 0.25
DELTA = 0.05
EPSILON = 0.001
ZETA = 0.1

L = 16
CH = 2048
NFULL = M // CH
NPAIR = NFULL // 2
TAIL = M - NFULL * CH
TAIL_VECS = TAIL // L
TAIL_REM = TAIL - TAIL_VECS * L
MP = NFULL * CH + CH


def _row_vec(sl, i0, i1, i2, q0, q1, q2, v_ref, dv_ref, xs_ref,
             c_ref, ds_ref, dl_ref, mx, mask):
    vl0 = plsc.load_gather(v_ref, [i0])
    vl1 = plsc.load_gather(v_ref, [i1])
    vl2 = plsc.load_gather(v_ref, [i2])
    t0 = 1.0 - q0 * vl0
    t1 = 1.0 - q1 * vl1
    t2 = 1.0 - q2 * vl2
    m01 = jnp.minimum(t0, t1)
    m12 = jnp.minimum(t1, t2)
    m02 = jnp.minimum(t0, t2)
    c = 0.5 * jnp.minimum(m01, t2)
    a0 = (t0 <= t1) & (t0 <= t2)
    a1 = (t1 < t0) & (t1 <= t2)
    a2 = (t2 < t0) & (t2 < t1)
    r0 = jnp.where(a0, 0.5 * (q0 - vl0), 0.0)
    r1 = jnp.where(a1, 0.5 * (q1 - vl1), 0.0)
    r2 = jnp.where(a2, 0.5 * (q2 - vl2), 0.0)
    xs = xs_ref[sl]
    cr = (1.0 + ZETA) * (1.0 - xs)
    g0 = xs * (0.5 * q0 * m12) + cr * r0
    g1 = xs * (0.5 * q1 * m02) + cr * r1
    g2 = xs * (0.5 * q2 * m01) + cr * r2
    plsc.addupdate_scatter(dv_ref, [i0], g0, mask=mask)
    plsc.addupdate_scatter(dv_ref, [i1], g1, mask=mask)
    plsc.addupdate_scatter(dv_ref, [i2], g2, mask=mask)
    c_ref[sl] = c
    ds_ref[sl] = BETA * (xs + EPSILON) * (c - GAMMA)
    dl_ref[sl] = ALPHA * (c - DELTA)
    if mask is None:
        return jnp.maximum(mx, c)
    return jnp.maximum(mx, jnp.where(mask, c, 0.0))


def _body(v_hbm, xs_hbm, idx_hbm,
          c_hbm, dv_hbm, dxs_hbm, dxl_hbm, mx_hbm,
          v0, v1, dv0, dv1,
          ia0, ia1, ia2, xa0, xa1,
          ib0, ib1, ib2, xb0, xb1,
          ca0, ca1, sa0, sa1, la0, la1,
          cb0, cb1, sb0, sb1, lb0, lb1,
          mxbuf, si0, si1, so0, so1):
    wid = lax.axis_index("s") * 2 + lax.axis_index("c")
    b0 = wid * 2
    b1 = b0 + 1

    IB0 = (ia0, ia1, ia2, xa0, xa1)
    IB1 = (ib0, ib1, ib2, xb0, xb1)
    OB0 = (ca0, ca1, sa0, sa1, la0, la1)
    OB1 = (cb0, cb1, sb0, sb1, lb0, lb1)

    def _stage_copies(base, nelem, ib, sem):
        cps = []
        for k in range(K):
            cps.append(pltpu.make_async_copy(
                idx_hbm.at[pl.ds(k * MP + base, CH)], ib[k], sem))
        for j, b in enumerate((b0, b1)):
            cps.append(pltpu.make_async_copy(
                xs_hbm.at[pl.ds(b * M + base, nelem)],
                ib[3 + j].at[pl.ds(0, nelem)], sem))
        return cps

    def _drain_copies(base, nelem, ob, sem):
        del nelem
        cps = []
        for j, b in enumerate((b0, b1)):
            for ref, hbm in ((ob[j], c_hbm), (ob[2 + j], dxs_hbm),
                             (ob[4 + j], dxl_hbm)):
                cps.append(pltpu.make_async_copy(
                    ref, hbm.at[b, pl.ds(base, CH)], sem))
        return cps

    def _start(cps):
        for cp in cps:
            cp.start()

    def _wait(cps):
        for cp in cps:
            cp.wait()

    IMASK = jnp.int32(0x7fffffff)
    SBIT = jnp.int32(-2147483648)
    ONEF = jnp.int32(0x3f800000)

    def _unpack(p):
        i = p & IMASK
        q = plsc.bitcast((jnp.invert(p) & SBIT) | ONEF, jnp.float32)
        return i, q

    def _mk_vec(ib, ob):
        ix0, ix1, ix2, xsa, xsb = ib
        ca, cb, sa, sb, la, lb = ob

        def _vec(i, mx, mask=None):
            mxa, mxb = mx
            off = pl.multiple_of(i * L, L)
            sl = pl.ds(off, L)
            i0, q0 = _unpack(ix0[sl])
            i1, q1 = _unpack(ix1[sl])
            i2, q2 = _unpack(ix2[sl])
            mxa = _row_vec(sl, i0, i1, i2, q0, q1, q2, v0, dv0, xsa,
                           ca, sa, la, mxa, mask)
            mxb = _row_vec(sl, i0, i1, i2, q0, q1, q2, v1, dv1, xsb,
                           cb, sb, lb, mxb, mask)
            return (mxa, mxb)

        return _vec

    vec0 = _mk_vec(IB0, OB0)
    vec1 = _mk_vec(IB1, OB1)

    vcp0 = pltpu.make_async_copy(v_hbm.at[pl.ds(b0 * N, N)], v0, si0)
    vcp1 = pltpu.make_async_copy(v_hbm.at[pl.ds(b1 * N, N)], v1, si1)
    vcp0.start()
    vcp1.start()

    zeros = jnp.zeros((L,), jnp.float32)

    @plsc.parallel_loop(0, N // L, 1, unroll=4)
    def _zero(i):
        sl = pl.ds(pl.multiple_of(i * L, L), L)
        dv0[sl] = zeros
        dv1[sl] = zeros

    vcp0.wait()
    vcp1.wait()

    _start(_stage_copies(0, CH, IB0, si0))
    _start(_stage_copies(CH, CH, IB1, si1))

    def _pair(g, mx):
        base0 = pl.multiple_of(2 * g * CH, CH)
        base1 = base0 + CH

        _wait(_stage_copies(base0, CH, IB0, si0))

        @pl.when(g > 0)
        def _():
            _wait(_drain_copies(base0 - 2 * CH, CH, OB0, so0))

        mx = plsc.parallel_loop(0, CH // L, 1, unroll=4, carry=mx)(vec0)
        _start(_drain_copies(base0, CH, OB0, so0))

        @pl.when(g < NPAIR - 1)
        def _():
            _start(_stage_copies(base0 + 2 * CH, CH, IB0, si0))

        _wait(_stage_copies(base1, CH, IB1, si1))

        @pl.when(g > 0)
        def _():
            _wait(_drain_copies(base1 - 2 * CH, CH, OB1, so1))

        mx = plsc.parallel_loop(0, CH // L, 1, unroll=4, carry=mx)(vec1)
        _start(_drain_copies(base1, CH, OB1, so1))

        @pl.when(g < NPAIR - 1)
        def _():
            _start(_stage_copies(base1 + 2 * CH, CH, IB1, si1))

        return mx

    mx0, mx1 = lax.fori_loop(0, NPAIR, _pair, (zeros, zeros))

    tb = NFULL * CH
    tail_in = _stage_copies(tb, TAIL, IB0, si0)
    _start(tail_in)
    _wait(tail_in)
    _wait(_drain_copies(tb - 2 * CH, CH, OB0, so0))
    mx0, mx1 = plsc.parallel_loop(0, TAIL_VECS, 1, unroll=2,
                                  carry=(mx0, mx1))(vec0)
    lane = lax.broadcasted_iota(jnp.int32, (L,), 0)
    mask = lane < TAIL_REM
    mx0, mx1 = vec0(TAIL_VECS, (mx0, mx1), mask)
    tail_out = _drain_copies(tb, CH, OB0, so0)
    _start(tail_out)
    _wait(tail_out)
    _wait(_drain_copies(tb - CH, CH, OB1, so1))

    pltpu.sync_copy(dv0, dv_hbm.at[pl.ds(b0 * N, N)])
    pltpu.sync_copy(dv1, dv_hbm.at[pl.ds(b1 * N, N)])
    mxbuf[...] = mx0
    pltpu.sync_copy(mxbuf, mx_hbm.at[pl.ds(b0 * L, L)])
    mxbuf[...] = mx1
    pltpu.sync_copy(mxbuf, mx_hbm.at[pl.ds(b1 * L, L)])


@jax.jit
def kernel(v, xl, xs, clause_idx, clause_sign):
    packed = (clause_idx.astype(jnp.int32)
              | (clause_sign.astype(jnp.int32) << 31))
    idx_t = jnp.zeros((K, MP), jnp.int32)
    idx_t = idx_t.at[:, :M].set(packed.T).reshape(-1)

    f32 = jnp.float32
    i32 = jnp.int32
    out_type = (
        jax.ShapeDtypeStruct((B, MP), f32),
        jax.ShapeDtypeStruct((B * N,), f32),
        jax.ShapeDtypeStruct((B, MP), f32),
        jax.ShapeDtypeStruct((B, MP), f32),
        jax.ShapeDtypeStruct((B * L,), f32),
    )
    scratch = (
        [pltpu.VMEM((N,), f32)] * 4 +
        [pltpu.VMEM((CH,), i32)] * 3 +
        [pltpu.VMEM((CH,), f32)] * 2 +
        [pltpu.VMEM((CH,), i32)] * 3 +
        [pltpu.VMEM((CH,), f32)] * 2 +
        [pltpu.VMEM((CH,), f32)] * 12 +
        [pltpu.VMEM((L,), f32)] +
        [pltpu.SemaphoreType.DMA] * 4
    )
    mesh = plsc.VectorSubcoreMesh(core_axis_name="c", subcore_axis_name="s")
    fn = pl.kernel(_body, out_type=out_type, mesh=mesh, scratch_types=scratch,
                   compiler_params=pltpu.CompilerParams(
                       needs_layout_passes=False))
    c_pad, dv_flat, dxs_pad, dxl_pad, mx = fn(
        v.reshape(-1), xs.reshape(-1), idx_t)
    c_out = c_pad[:, :M]
    dv = dv_flat.reshape(B, N)
    dxs = dxs_pad[:, :M]
    dxl = dxl_pad[:, :M]
    is_solved = jnp.max(mx.reshape(B, L), axis=1) < 0.5
    return c_out, dv, dxs, dxl, is_solved

# --- scband reference (transcript-rebuilt; emitter-appended) ---
"""Pipeline reference for scband-sat-4544075399222 (READ-ONLY COPY).

The authoritative reference and input builder live on the scoring server;
editing this copy changes nothing except your own understanding.
"""

import jax, jax.numpy as jnp
import numpy as np

BATCH = 64
N = 10000
R = 4.3
M = 43000  # int(R * N)
K = 3      # 3-SAT literals per clause
ALPHA = 5.0
BETA = 20.0
GAMMA = 0.25
DELTA = 0.05
EPSILON = 0.001
ZETA = 0.1


def setup_inputs(seed: int = 0) -> dict:
    key = jax.random.key(seed)
    k1, k2, k3, k4, k5 = jax.random.split(key, 5)
    # v in [-1, 1] (2 * rand - 1, as in the torch __init__)
    v = 2.0 * jax.random.uniform(k1, (BATCH, N), dtype=jnp.float32) - 1.0
    # long-term memory initialized to 1, short-term memory in (0, 1)
    xl = jnp.ones((BATCH, M), dtype=jnp.float32)
    xs = jax.random.uniform(k3, (BATCH, M), dtype=jnp.float32)
    # clause structure: K variable indices and K signs (0/1 -> -1/+1) per clause
    clause_idx = jax.random.randint(k4, (M, K), 0, N)
    clause_sign = jax.random.randint(k5, (M, K), 0, 2)
    return {"v": v, "xl": xl, "xs": xs, "clause_idx": clause_idx, "clause_sign": clause_sign}


def reference(v, xl, xs, clause_idx, clause_sign):
    # Digital-memcomputing (DMM) style SAT dynamics: OR.calc_grad(v, [alpha..zeta])
    q = (2.0 * clause_sign - 1.0).astype(jnp.float32)           # [M, K] literal signs
    vl = v[:, clause_idx]                                        # gather -> [B, M, K]
    terms = 1.0 - q[None, :, :] * vl                             # [B, M, K]
    C = 0.5 * jnp.min(terms, axis=-1)                            # clause values [B, M]
    # gradient-like term G_{m,i} = 0.5 * q_i * min_{j != i}(1 - q_j v_j)
    t0, t1, t2 = terms[..., 0], terms[..., 1], terms[..., 2]
    min_excl = jnp.stack([jnp.minimum(t1, t2), jnp.minimum(t0, t2), jnp.minimum(t0, t1)], axis=-1)
    G = 0.5 * q[None, :, :] * min_excl                           # [B, M, K]
    # rigidity term R_{m,i}: only on the argmin literal of the clause
    am = jnp.argmin(terms, axis=-1)                              # [B, M]
    onehot = jax.nn.one_hot(am, K, dtype=terms.dtype)            # [B, M, K]
    R = onehot * 0.5 * (q[None, :, :] - vl)
    # combined per-literal contribution
    xl_e = xl[..., None]
    xs_e = xs[..., None]
    g = xl_e * xs_e * G + (1.0 + ZETA * xl_e) * (1.0 - xs_e) * R  # [B, M, K]
    # scatter-add contributions back to variables -> dv/dt (stored in v.grad)
    flat_idx = clause_idx.reshape(-1)                             # [M*K]
    dv = jnp.zeros_like(v).at[:, flat_idx].add(g.reshape(v.shape[0], -1))
    # memory dynamics
    dxs = BETA * (xs + EPSILON) * (C - GAMMA)
    dxl = ALPHA * (C - DELTA)
    is_solved = jnp.all(C < 0.5, axis=1)
    return C, dv, dxs, dxl, is_solved

if __name__ == "__main__":
    import jax
    _d = setup_inputs()
    print(jax.jit(kernel)(*tuple(_d.values())))

</pallas_src>

<mosaic_0001>
#map = affine_map<(d0, d1) -> (0)>
#map1 = affine_map<(d0, d1) -> (0, 0)>
module attributes {stable_mosaic.version = 14 : i64} {
  func.func @_body(%arg0: i32, %arg1: i32, %arg2: memref<640000xf32, #tpu.memory_space<hbm>>, %arg3: memref<2752000xf32, #tpu.memory_space<hbm>>, %arg4: memref<129024xi32, #tpu.memory_space<hbm>>, %arg5: memref<64x43008xf32, #tpu.memory_space<hbm>>, %arg6: memref<640000xf32, #tpu.memory_space<hbm>>, %arg7: memref<64x43008xf32, #tpu.memory_space<hbm>>, %arg8: memref<64x43008xf32, #tpu.memory_space<hbm>>, %arg9: memref<1024xf32, #tpu.memory_space<hbm>>, %arg10: memref<10000xf32, #tpu.memory_space<vmem>>, %arg11: memref<10000xf32, #tpu.memory_space<vmem>>, %arg12: memref<10000xf32, #tpu.memory_space<vmem>>, %arg13: memref<10000xf32, #tpu.memory_space<vmem>>, %arg14: memref<2048xi32, #tpu.memory_space<vmem>>, %arg15: memref<2048xi32, #tpu.memory_space<vmem>>, %arg16: memref<2048xi32, #tpu.memory_space<vmem>>, %arg17: memref<2048xf32, #tpu.memory_space<vmem>>, %arg18: memref<2048xf32, #tpu.memory_space<vmem>>, %arg19: memref<2048xi32, #tpu.memory_space<vmem>>, %arg20: memref<2048xi32, #tpu.memory_space<vmem>>, %arg21: memref<2048xi32, #tpu.memory_space<vmem>>, %arg22: memref<2048xf32, #tpu.memory_space<vmem>>, %arg23: memref<2048xf32, #tpu.memory_space<vmem>>, %arg24: memref<2048xf32, #tpu.memory_space<vmem>>, %arg25: memref<2048xf32, #tpu.memory_space<vmem>>, %arg26: memref<2048xf32, #tpu.memory_space<vmem>>, %arg27: memref<2048xf32, #tpu.memory_space<vmem>>, %arg28: memref<2048xf32, #tpu.memory_space<vmem>>, %arg29: memref<2048xf32, #tpu.memory_space<vmem>>, %arg30: memref<2048xf32, #tpu.memory_space<vmem>>, %arg31: memref<2048xf32, #tpu.memory_space<vmem>>, %arg32: memref<2048xf32, #tpu.memory_space<vmem>>, %arg33: memref<2048xf32, #tpu.memory_space<vmem>>, %arg34: memref<2048xf32, #tpu.memory_space<vmem>>, %arg35: memref<2048xf32, #tpu.memory_space<vmem>>, %arg36: memref<16xf32, #tpu.memory_space<vmem>>, %arg37: memref<!tpu.dma_semaphore, #tpu.memory_space<semaphore_mem>>, %arg38: memref<!tpu.dma_semaphore, #tpu.memory_space<semaphore_mem>>, %arg39: memref<!tpu.dma_semaphore, #tpu.memory_space<semaphore_mem>>, %arg40: memref<!tpu.dma_semaphore, #tpu.memory_space<semaphore_mem>>) attributes {dimension_semantics = [#tpu.dimension_semantics<core_parallel>, #tpu.dimension_semantics<subcore_parallel>], iteration_bounds = array<i64: 2, 16>, scalar_prefetch = 0 : i64, scratch_operands = 31 : i64, tpu.core_type = #tpu.core_type<sc_vector_subcore>, window_params = [{transform_indices = #map}, {transform_indices = #map}, {transform_indices = #map}, {transform_indices = #map1}, {transform_indices = #map}, {transform_indices = #map1}, {transform_indices = #map1}, {transform_indices = #map}]} {
    %mul3A = arith.constant 2 : i32
    %mul3A_0 = arith.muli %arg1, %mul3A : i32
    %add3A = arith.addi %mul3A_0, %arg0 : i32
    %mul3A_1 = arith.constant 2 : i32
    %mul3A_2 = arith.muli %add3A, %mul3A_1 : i32
    %add3A_3 = arith.constant 1 : i32
    %add3A_4 = arith.addi %mul3A_2, %add3A_3 : i32
    %mul3A_5 = arith.constant 10000 : i32
    %mul3A_6 = arith.muli %mul3A_2, %mul3A_5 : i32
    %mul3A_7 = arith.constant 10000 : i32
    %mul3A_8 = arith.muli %add3A_4, %mul3A_7 : i32
    %dma_start3A = tpu.memref_slice %arg2[%mul3A_6] : memref<640000xf32, #tpu.memory_space<hbm>> -> memref<10000xf32, #tpu.memory_space<hbm>>
    %dma_start3A_9 = tpu.memref_slice %arg2[%mul3A_6] : memref<640000xf32, #tpu.memory_space<hbm>> -> memref<10000xf32, #tpu.memory_space<hbm>>
    tpu.enqueue_dma source(%dma_start3A_9 : memref<10000xf32, #tpu.memory_space<hbm>>) target(%arg10 : memref<10000xf32, #tpu.memory_space<vmem>>) target_semaphore(%arg37 : memref<!tpu.dma_semaphore, #tpu.memory_space<semaphore_mem>>)
    %dma_start3A_10 = tpu.memref_slice %arg2[%mul3A_8] : memref<640000xf32, #tpu.memory_space<hbm>> -> memref<10000xf32, #tpu.memory_space<hbm>>
    %dma_start3A_11 = tpu.memref_slice %arg2[%mul3A_8] : memref<640000xf32, #tpu.memory_space<hbm>> -> memref<10000xf32, #tpu.memory_space<hbm>>
    tpu.enqueue_dma source(%dma_start3A_11 : memref<10000xf32, #tpu.memory_space<hbm>>) target(%arg11 : memref<10000xf32, #tpu.memory_space<vmem>>) target_semaphore(%arg38 : memref<!tpu.dma_semaphore, #tpu.memory_space<semaphore_mem>>)
    %broadcast_in_dim3A = arith.constant 0.000000e+00 : f32
    %broadcast_in_dim3A_12 = vector.broadcast %broadcast_in_dim3A : f32 to vector<16xf32>
    %parallel_loop3A = arith.constant 0 : i32
    %parallel_loop3A_13 = arith.constant 625 : i32
    %parallel_loop3A_14 = arith.constant 1 : i32
    scf.for %parallel_loop3A_555 = %parallel_loop3A to %parallel_loop3A_13 step %parallel_loop3A_14  : i32 {
      %parallel_loop3A_556 = arith.constant 16 : i32
      %parallel_loop3A_557 = arith.muli %parallel_loop3A_555, %parallel_loop3A_556 : i32
      %parallel_loop3A_558 = tpu.assume_multiple %parallel_loop3A_557, 16 : i32
      %parallel_loop3A_559 = arith.index_cast %parallel_loop3A_558 : i32 to index
      %parallel_loop3A_560 = tpu.vector_load %arg12[%parallel_loop3A_559] {strides = array<i32>} : memref<10000xf32, #tpu.memory_space<vmem>>, vector<16xf32>,
      tpu.vector_store %arg12[%parallel_loop3A_559], %broadcast_in_dim3A_12 {strides = array<i32>} : memref<10000xf32, #tpu.memory_space<vmem>>, vector<16xf32>,
      %parallel_loop3A_561 = arith.index_cast %parallel_loop3A_558 : i32 to index
      %parallel_loop3A_562 = tpu.vector_load %arg13[%parallel_loop3A_561] {strides = array<i32>} : memref<10000xf32, #tpu.memory_space<vmem>>, vector<16xf32>,
      tpu.vector_store %arg13[%parallel_loop3A_561], %broadcast_in_dim3A_12 {strides = array<i32>} : memref<10000xf32, #tpu.memory_space<vmem>>, vector<16xf32>,
    } {sc.loop_unroll_factor = 4 : i64, sc.parallel_access}
    %dma_wait3A = tpu.memref_slice %arg2[%mul3A_6] : memref<640000xf32, #tpu.memory_space<hbm>> -> memref<10000xf32, #tpu.memory_space<hbm>>
    %dma_wait3A_15 = tpu.memref_slice %arg2[%mul3A_6] : memref<640000xf32, #tpu.memory_space<hbm>> -> memref<10000xf32, #tpu.memory_space<hbm>>
    tpu.wait_dma2 semaphore(%arg37 : memref<!tpu.dma_semaphore, #tpu.memory_space<semaphore_mem>>) src(%dma_wait3A_15 : memref<10000xf32, #tpu.memory_space<hbm>>) dst(%arg10 : memref<10000xf32, #tpu.memory_space<vmem>>)
    %dma_wait3A_16 = tpu.memref_slice %arg2[%mul3A_8] : memref<640000xf32, #tpu.memory_space<hbm>> -> memref<10000xf32, #tpu.memory_space<hbm>>
    %dma_wait3A_17 = tpu.memref_slice %arg2[%mul3A_8] : memref<640000xf32, #tpu.memory_space<hbm>> -> memref<10000xf32, #tpu.memory_space<hbm>>
    tpu.wait_dma2 semaphore(%arg38 : memref<!tpu.dma_semaphore, #tpu.memory_space<semaphore_mem>>) src(%dma_wait3A_17 : memref<10000xf32, #tpu.memory_space<hbm>>) dst(%arg11 : memref<10000xf32, #tpu.memory_space<vmem>>)
    %mul3A_18 = arith.constant 43000 : i32
    %mul3A_19 = arith.muli %mul3A_2, %mul3A_18 : i32
    %add3A_20 = arith.constant 0 : i32
    %add3A_21 = arith.addi %mul3A_19, %add3A_20 : i32
    %mul3A_22 = arith.constant 43000 : i32
    %mul3A_23 = arith.muli %add3A_4, %mul3A_22 : i32
    %add3A_24 = arith.constant 0 : i32
    %add3A_25 = arith.addi %mul3A_23, %add3A_24 : i32
    %dma_start3A_26 = arith.constant 0 : i32
    %dma_start3A_27 = tpu.memref_slice %arg4[%dma_start3A_26] : memref<129024xi32, #tpu.memory_space<hbm>> -> memref<2048xi32, #tpu.memory_space<hbm>>
    %dma_start3A_28 = arith.constant 0 : i32
    %dma_start3A_29 = tpu.memref_slice %arg4[%dma_start3A_28] : memref<129024xi32, #tpu.memory_space<hbm>> -> memref<2048xi32, #tpu.memory_space<hbm>>
    tpu.enqueue_dma source(%dma_start3A_29 : memref<2048xi32, #tpu.memory_space<hbm>>) target(%arg14 : memref<2048xi32, #tpu.memory_space<vmem>>) target_semaphore(%arg37 : memref<!tpu.dma_semaphore, #tpu.memory_space<semaphore_mem>>)
    %dma_start3A_30 = arith.constant 43008 : i32
    %dma_start3A_31 = tpu.memref_slice %arg4[%dma_start3A_30] : memref<129024xi32, #tpu.memory_space<hbm>> -> memref<2048xi32, #tpu.memory_space<hbm>>
    %dma_start3A_32 = arith.constant 43008 : i32
    %dma_start3A_33 = tpu.memref_slice %arg4[%dma_start3A_32] : memref<129024xi32, #tpu.memory_space<hbm>> -> memref<2048xi32, #tpu.memory_space<hbm>>
    tpu.enqueue_dma source(%dma_start3A_33 : memref<2048xi32, #tpu.memory_space<hbm>>) target(%arg15 : memref<2048xi32, #tpu.memory_space<vmem>>) target_semaphore(%arg37 : memref<!tpu.dma_semaphore, #tpu.memory_space<semaphore_mem>>)
    %dma_start3A_34 = arith.constant 86016 : i32
    %dma_start3A_35 = tpu.memref_slice %arg4[%dma_start3A_34] : memref<129024xi32, #tpu.memory_space<hbm>> -> memref<2048xi32, #tpu.memory_space<hbm>>
    %dma_start3A_36 = arith.constant 86016 : i32
    %dma_start3A_37 = tpu.memref_slice %arg4[%dma_start3A_36] : memref<129024xi32, #tpu.memory_space<hbm>> -> memref<2048xi32, #tpu.memory_space<hbm>>
    tpu.enqueue_dma source(%dma_start3A_37 : memref<2048xi32, #tpu.memory_space<hbm>>) target(%arg16 : memref<2048xi32, #tpu.memory_space<vmem>>) target_semaphore(%arg37 : memref<!tpu.dma_semaphore, #tpu.memory_space<semaphore_mem>>)
    %dma_start3A_38 = arith.constant 0 : i32
    %dma_start3A_39 = tpu.memref_slice %arg17[%dma_start3A_38] : memref<2048xf32, #tpu.memory_space<vmem>> -> memref<2048xf32, #tpu.memory_space<vmem>>
    %dma_start3A_40 = tpu.memref_slice %arg3[%add3A_21] : memref<2752000xf32, #tpu.memory_space<hbm>> -> memref<2048xf32, #tpu.memory_space<hbm>>
    %dma_start3A_41 = arith.constant 0 : i32
    %dma_start3A_42 = tpu.memref_slice %arg17[%dma_start3A_41] : memref<2048xf32, #tpu.memory_space<vmem>> -> memref<2048xf32, #tpu.memory_space<vmem>>
    %dma_start3A_43 = tpu.memref_slice %arg3[%add3A_21] : memref<2752000xf32, #tpu.memory_space<hbm>> -> memref<2048xf32, #tpu.memory_space<hbm>>
    tpu.enqueue_dma source(%dma_start3A_43 : memref<2048xf32, #tpu.memory_space<hbm>>) target(%dma_start3A_42 : memref<2048xf32, #tpu.memory_space<vmem>>) target_semaphore(%arg37 : memref<!tpu.dma_semaphore, #tpu.memory_space<semaphore_mem>>)
    %dma_start3A_44 = arith.constant 0 : i32
    %dma_start3A_45 = tpu.memref_slice %arg18[%dma_start3A_44] : memref<2048xf32, #tpu.memory_space<vmem>> -> memref<2048xf32, #tpu.memory_space<vmem>>
    %dma_start3A_46 = tpu.memref_slice %arg3[%add3A_25] : memref<2752000xf32, #tpu.memory_space<hbm>> -> memref<2048xf32, #tpu.memory_space<hbm>>
    %dma_start3A_47 = arith.constant 0 : i32
    %dma_start3A_48 = tpu.memref_slice %arg18[%dma_start3A_47] : memref<2048xf32, #tpu.memory_space<vmem>> -> memref<2048xf32, #tpu.memory_space<vmem>>
    %dma_start3A_49 = tpu.memref_slice %arg3[%add3A_25] : memref<2752000xf32, #tpu.memory_space<hbm>> -> memref<2048xf32, #tpu.memory_space<hbm>>
    tpu.enqueue_dma source(%dma_start3A_49 : memref<2048xf32, #tpu.memory_space<hbm>>) target(%dma_start3A_48 : memref<2048xf32, #tpu.memory_space<vmem>>) target_semaphore(%arg37 : memref<!tpu.dma_semaphore, #tpu.memory_space<semaphore_mem>>)
    %mul3A_50 = arith.constant 43000 : i32
    %mul3A_51 = arith.muli %mul3A_2, %mul3A_50 : i32
    %add3A_52 = arith.constant 2048 : i32
    %add3A_53 = arith.addi %mul3A_51, %add3A_52 : i32
    %mul3A_54 = arith.constant 43000 : i32
    %mul3A_55 = arith.muli %add3A_4, %mul3A_54 : i32
    %add3A_56 = arith.constant 2048 : i32
    %add3A_57 = arith.addi %mul3A_55, %add3A_56 : i32
    %dma_start3A_58 = arith.constant 2048 : i32
    %dma_start3A_59 = tpu.memref_slice %arg4[%dma_start3A_58] : memref<129024xi32, #tpu.memory_space<hbm>> -> memref<2048xi32, #tpu.memory_space<hbm>>
    %dma_start3A_60 = arith.constant 2048 : i32
    %dma_start3A_61 = tpu.memref_slice %arg4[%dma_start3A_60] : memref<129024xi32, #tpu.memory_space<hbm>> -> memref<2048xi32, #tpu.memory_space<hbm>>
    tpu.enqueue_dma source(%dma_start3A_61 : memref<2048xi32, #tpu.memory_space<hbm>>) target(%arg19 : memref<2048xi32, #tpu.memory_space<vmem>>) target_semaphore(%arg38 : memref<!tpu.dma_semaphore, #tpu.memory_space<semaphore_mem>>)
    %dma_start3A_62 = arith.constant 45056 : i32
    %dma_start3A_63 = tpu.memref_slice %arg4[%dma_start3A_62] : memref<129024xi32, #tpu.memory_space<hbm>> -> memref<2048xi32, #tpu.memory_space<hbm>>
    %dma_start3A_64 = arith.constant 45056 : i32
    %dma_start3A_65 = tpu.memref_slice %arg4[%dma_start3A_64] : memref<129024xi32, #tpu.memory_space<hbm>> -> memref<2048xi32, #tpu.memory_space<hbm>>
    tpu.enqueue_dma source(%dma_start3A_65 : memref<2048xi32, #tpu.memory_space<hbm>>) target(%arg20 : memref<2048xi32, #tpu.memory_space<vmem>>) target_semaphore(%arg38 : memref<!tpu.dma_semaphore, #tpu.memory_space<semaphore_mem>>)
    %dma_start3A_66 = arith.constant 88064 : i32
    %dma_start3A_67 = tpu.memref_slice %arg4[%dma_start3A_66] : memref<129024xi32, #tpu.memory_space<hbm>> -> memref<2048xi32, #tpu.memory_space<hbm>>
    %dma_start3A_68 = arith.constant 88064 : i32
    %dma_start3A_69 = tpu.memref_slice %arg4[%dma_start3A_68] : memref<129024xi32, #tpu.memory_space<hbm>> -> memref<2048xi32, #tpu.memory_space<hbm>>
    tpu.enqueue_dma source(%dma_start3A_69 : memref<2048xi32, #tpu.memory_space<hbm>>) target(%arg21 : memref<2048xi32, #tpu.memory_space<vmem>>) target_semaphore(%arg38 : memref<!tpu.dma_semaphore, #tpu.memory_space<semaphore_mem>>)
    %dma_start3A_70 = arith.constant 0 : i32
    %dma_start3A_71 = tpu.memref_slice %arg22[%dma_start3A_70] : memref<2048xf32, #tpu.memory_space<vmem>> -> memref<2048xf32, #tpu.memory_space<vmem>>
    %dma_start3A_72 = tpu.memref_slice %arg3[%add3A_53] : memref<2752000xf32, #tpu.memory_space<hbm>> -> memref<2048xf32, #tpu.memory_space<hbm>>
    %dma_start3A_73 = arith.constant 0 : i32
    %dma_start3A_74 = tpu.memref_slice %arg22[%dma_start3A_73] : memref<2048xf32, #tpu.memory_space<vmem>> -> memref<2048xf32, #tpu.memory_space<vmem>>
    %dma_start3A_75 = tpu.memref_slice %arg3[%add3A_53] : memref<2752000xf32, #tpu.memory_space<hbm>> -> memref<2048xf32, #tpu.memory_space<hbm>>
    tpu.enqueue_dma source(%dma_start3A_75 : memref<2048xf32, #tpu.memory_space<hbm>>) target(%dma_start3A_74 : memref<2048xf32, #tpu.memory_space<vmem>>) target_semaphore(%arg38 : memref<!tpu.dma_semaphore, #tpu.memory_space<semaphore_mem>>)
    %dma_start3A_76 = arith.constant 0 : i32
    %dma_start3A_77 = tpu.memref_slice %arg23[%dma_start3A_76] : memref<2048xf32, #tpu.memory_space<vmem>> -> memref<2048xf32, #tpu.memory_space<vmem>>
    %dma_start3A_78 = tpu.memref_slice %arg3[%add3A_57] : memref<2752000xf32, #tpu.memory_space<hbm>> -> memref<2048xf32, #tpu.memory_space<hbm>>
    %dma_start3A_79 = arith.constant 0 : i32
    %dma_start3A_80 = tpu.memref_slice %arg23[%dma_start3A_79] : memref<2048xf32, #tpu.memory_space<vmem>> -> memref<2048xf32, #tpu.memory_space<vmem>>
    %dma_start3A_81 = tpu.memref_slice %arg3[%add3A_57] : memref<2752000xf32, #tpu.memory_space<hbm>> -> memref<2048xf32, #tpu.memory_space<hbm>>
    tpu.enqueue_dma source(%dma_start3A_81 : memref<2048xf32, #tpu.memory_space<hbm>>) target(%dma_start3A_80 : memref<2048xf32, #tpu.memory_space<vmem>>) target_semaphore(%arg38 : memref<!tpu.dma_semaphore, #tpu.memory_space<semaphore_mem>>)
    %scan3A = arith.constant 2147483647 : i32
    %scan3A_82 = arith.constant -2147483648 : i32
    %scan3A_83 = arith.constant 1065353216 : i32
    %scan3A_84 = arith.constant 0 : i32
    %scan3A_85 = arith.constant 10 : i32
    %scan3A_86 = arith.addi %scan3A_84, %scan3A_85 : i32
    %scan3A_87 = arith.constant 1 : i32
    %scan3A_88:2 = scf.for %scan3A_555 = %scan3A_84 to %scan3A_86 step %scan3A_87 iter_args(%scan3A_556 = %broadcast_in_dim3A_12, %scan3A_557 = %broadcast_in_dim3A_12) -> (vector<16xf32>, vector<16xf32>)  : i32 {
      %mul3A_558 = arith.constant 2 : i32
      %mul3A_559 = arith.muli %mul3A_558, %scan3A_555 : i32
      %mul3A_560 = arith.constant 2048 : i32
      %mul3A_561 = arith.muli %mul3A_559, %mul3A_560 : i32
      %multiple_of3A_562 = tpu.assume_multiple %mul3A_561, 2048 : i32
      %add3A_563 = arith.constant 2048 : i32
      %add3A_564 = arith.addi %multiple_of3A_562, %add3A_563 : i32
      %add3A_565 = arith.constant 0 : i32
      %add3A_566 = arith.addi %add3A_565, %multiple_of3A_562 : i32
      %add3A_567 = arith.constant 43008 : i32
      %add3A_568 = arith.addi %add3A_567, %multiple_of3A_562 : i32
      %add3A_569 = arith.constant 86016 : i32
      %add3A_570 = arith.addi %add3A_569, %multiple_of3A_562 : i32
      %mul3A_571 = arith.constant 43000 : i32
      %mul3A_572 = arith.muli %mul3A_2, %mul3A_571 : i32
      %add3A_573 = arith.addi %mul3A_572, %multiple_of3A_562 : i32
      %mul3A_574 = arith.constant 43000 : i32
      %mul3A_575 = arith.muli %add3A_4, %mul3A_574 : i32
      %add3A_576 = arith.addi %mul3A_575, %multiple_of3A_562 : i32
      %dma_wait3A_577 = tpu.memref_slice %arg4[%add3A_566] : memref<129024xi32, #tpu.memory_space<hbm>> -> memref<2048xi32, #tpu.memory_space<hbm>>
      %dma_wait3A_578 = tpu.memref_slice %arg4[%add3A_566] : memref<129024xi32, #tpu.memory_space<hbm>> -> memref<2048xi32, #tpu.memory_space<hbm>>
      tpu.wait_dma2 semaphore(%arg37 : memref<!tpu.dma_semaphore, #tpu.memory_space<semaphore_mem>>) src(%dma_wait3A_578 : memref<2048xi32, #tpu.memory_space<hbm>>) dst(%arg14 : memref<2048xi32, #tpu.memory_space<vmem>>)
      %dma_wait3A_579 = tpu.memref_slice %arg4[%add3A_568] : memref<129024xi32, #tpu.memory_space<hbm>> -> memref<2048xi32, #tpu.memory_space<hbm>>
      %dma_wait3A_580 = tpu.memref_slice %arg4[%add3A_568] : memref<129024xi32, #tpu.memory_space<hbm>> -> memref<2048xi32, #tpu.memory_space<hbm>>
      tpu.wait_dma2 semaphore(%arg37 : memref<!tpu.dma_semaphore, #tpu.memory_space<semaphore_mem>>) src(%dma_wait3A_580 : memref<2048xi32, #tpu.memory_space<hbm>>) dst(%arg15 : memref<2048xi32, #tpu.memory_space<vmem>>)
      %dma_wait3A_581 = tpu.memref_slice %arg4[%add3A_570] : memref<129024xi32, #tpu.memory_space<hbm>> -> memref<2048xi32, #tpu.memory_space<hbm>>
      %dma_wait3A_582 = tpu.memref_slice %arg4[%add3A_570] : memref<129024xi32, #tpu.memory_space<hbm>> -> memref<2048xi32, #tpu.memory_space<hbm>>
      tpu.wait_dma2 semaphore(%arg37 : memref<!tpu.dma_semaphore, #tpu.memory_space<semaphore_mem>>) src(%dma_wait3A_582 : memref<2048xi32, #tpu.memory_space<hbm>>) dst(%arg16 : memref<2048xi32, #tpu.memory_space<vmem>>)
      %dma_wait3A_583 = arith.constant 0 : i32
      %dma_wait3A_584 = tpu.memref_slice %arg17[%dma_wait3A_583] : memref<2048xf32, #tpu.memory_space<vmem>> -> memref<2048xf32, #tpu.memory_space<vmem>>
      %dma_wait3A_585 = tpu.memref_slice %arg3[%add3A_573] : memref<2752000xf32, #tpu.memory_space<hbm>> -> memref<2048xf32, #tpu.memory_space<hbm>>
      %dma_wait3A_586 = arith.constant 0 : i32
      %dma_wait3A_587 = tpu.memref_slice %arg17[%dma_wait3A_586] : memref<2048xf32, #tpu.memory_space<vmem>> -> memref<2048xf32, #tpu.memory_space<vmem>>
      %dma_wait3A_588 = tpu.memref_slice %arg3[%add3A_573] : memref<2752000xf32, #tpu.memory_space<hbm>> -> memref<2048xf32, #tpu.memory_space<hbm>>
      tpu.wait_dma2 semaphore(%arg37 : memref<!tpu.dma_semaphore, #tpu.memory_space<semaphore_mem>>) src(%dma_wait3A_588 : memref<2048xf32, #tpu.memory_space<hbm>>) dst(%dma_wait3A_587 : memref<2048xf32, #tpu.memory_space<vmem>>)
      %dma_wait3A_589 = arith.constant 0 : i32
      %dma_wait3A_590 = tpu.memref_slice %arg18[%dma_wait3A_589] : memref<2048xf32, #tpu.memory_space<vmem>> -> memref<2048xf32, #tpu.memory_space<vmem>>
      %dma_wait3A_591 = tpu.memref_slice %arg3[%add3A_576] : memref<2752000xf32, #tpu.memory_space<hbm>> -> memref<2048xf32, #tpu.memory_space<hbm>>
      %dma_wait3A_592 = arith.constant 0 : i32
      %dma_wait3A_593 = tpu.memref_slice %arg18[%dma_wait3A_592] : memref<2048xf32, #tpu.memory_space<vmem>> -> memref<2048xf32, #tpu.memory_space<vmem>>
      %dma_wait3A_594 = tpu.memref_slice %arg3[%add3A_576] : memref<2752000xf32, #tpu.memory_space<hbm>> -> memref<2048xf32, #tpu.memory_space<hbm>>
      tpu.wait_dma2 semaphore(%arg37 : memref<!tpu.dma_semaphore, #tpu.memory_space<semaphore_mem>>) src(%dma_wait3A_594 : memref<2048xf32, #tpu.memory_space<hbm>>) dst(%dma_wait3A_593 : memref<2048xf32, #tpu.memory_space<vmem>>)
      %gt3A = arith.constant 0 : i32
      %gt3A_595 = arith.cmpi sgt, %scan3A_555, %gt3A : i32
      %convert_element_type3A = arith.extui %gt3A_595 : i1 to i32
      %cond3A = arith.constant 0 : i32
      %cond3A_596 = arith.cmpi ne, %convert_element_type3A, %cond3A : i32
      scf.if %cond3A_596 {
        %sub3A_698 = arith.constant 4096 : i32
        %sub3A_699 = arith.subi %multiple_of3A_562, %sub3A_698 : i32
        %dma_wait3A_700 = tpu.memref_slice %arg5[%mul3A_2, %sub3A_699] : memref<64x43008xf32, #tpu.memory_space<hbm>> -> memref<1x2048xf32, #tpu.memory_space<hbm>>
        %dma_wait3A_701 = tpu.memref_squeeze %dma_wait3A_700 : memref<1x2048xf32, #tpu.memory_space<hbm>> -> memref<2048xf32, #tpu.memory_space<hbm>>
        %dma_wait3A_702 = tpu.memref_slice %arg5[%mul3A_2, %sub3A_699] : memref<64x43008xf32, #tpu.memory_space<hbm>> -> memref<1x2048xf32, #tpu.memory_space<hbm>>
        %dma_wait3A_703 = tpu.memref_squeeze %dma_wait3A_702 : memref<1x2048xf32, #tpu.memory_space<hbm>> -> memref<2048xf32, #tpu.memory_space<hbm>>
        tpu.wait_dma2 semaphore(%arg39 : memref<!tpu.dma_semaphore, #tpu.memory_space<semaphore_mem>>) src(%arg24 : memref<2048xf32, #tpu.memory_space<vmem>>) dst(%dma_wait3A_703 : memref<2048xf32, #tpu.memory_space<hbm>>)
        %dma_wait3A_704 = tpu.memref_slice %arg7[%mul3A_2, %sub3A_699] : memref<64x43008xf32, #tpu.memory_space<hbm>> -> memref<1x2048xf32, #tpu.memory_space<hbm>>
        %dma_wait3A_705 = tpu.memref_squeeze %dma_wait3A_704 : memref<1x2048xf32, #tpu.memory_space<hbm>> -> memref<2048xf32, #tpu.memory_space<hbm>>
        %dma_wait3A_706 = tpu.memref_slice %arg7[%mul3A_2, %sub3A_699] : memref<64x43008xf32, #tpu.memory_space<hbm>> -> memref<1x2048xf32, #tpu.memory_space<hbm>>
        %dma_wait3A_707 = tpu.memref_squeeze %dma_wait3A_706 : memref<1x2048xf32, #tpu.memory_space<hbm>> -> memref<2048xf32, #tpu.memory_space<hbm>>
        tpu.wait_dma2 semaphore(%arg39 : memref<!tpu.dma_semaphore, #tpu.memory_space<semaphore_mem>>) src(%arg26 : memref<2048xf32, #tpu.memory_space<vmem>>) dst(%dma_wait3A_707 : memref<2048xf32, #tpu.memory_space<hbm>>)
        %dma_wait3A_708 = tpu.memref_slice %arg8[%mul3A_2, %sub3A_699] : memref<64x43008xf32, #tpu.memory_space<hbm>> -> memref<1x2048xf32, #tpu.memory_space<hbm>>
        %dma_wait3A_709 = tpu.memref_squeeze %dma_wait3A_708 : memref<1x2048xf32, #tpu.memory_space<hbm>> -> memref<2048xf32, #tpu.memory_space<hbm>>
        %dma_wait3A_710 = tpu.memref_slice %arg8[%mul3A_2, %sub3A_699] : memref<64x43008xf32, #tpu.memory_space<hbm>> -> memref<1x2048xf32, #tpu.memory_space<hbm>>
        %dma_wait3A_711 = tpu.memref_squeeze %dma_wait3A_710 : memref<1x2048xf32, #tpu.memory_space<hbm>> -> memref<2048xf32, #tpu.memory_space<hbm>>
        tpu.wait_dma2 semaphore(%arg39 : memref<!tpu.dma_semaphore, #tpu.memory_space<semaphore_mem>>) src(%arg28 : memref<2048xf32, #tpu.memory_space<vmem>>) dst(%dma_wait3A_711 : memref<2048xf32, #tpu.memory_space<hbm>>)
        %dma_wait3A_712 = tpu.memref_slice %arg5[%add3A_4, %sub3A_699] : memref<64x43008xf32, #tpu.memory_space<hbm>> -> memref<1x2048xf32, #tpu.memory_space<hbm>>
        %dma_wait3A_713 = tpu.memref_squeeze %dma_wait3A_712 : memref<1x2048xf32, #tpu.memory_space<hbm>> -> memref<2048xf32, #tpu.memory_space<hbm>>
        %dma_wait3A_714 = tpu.memref_slice %arg5[%add3A_4, %sub3A_699] : memref<64x43008xf32, #tpu.memory_space<hbm>> -> memref<1x2048xf32, #tpu.memory_space<hbm>>
        %dma_wait3A_715 = tpu.memref_squeeze %dma_wait3A_714 : memref<1x2048xf32, #tpu.memory_space<hbm>> -> memref<2048xf32, #tpu.memory_space<hbm>>
        tpu.wait_dma2 semaphore(%arg39 : memref<!tpu.dma_semaphore, #tpu.memory_space<semaphore_mem>>) src(%arg25 : memref<2048xf32, #tpu.memory_space<vmem>>) dst(%dma_wait3A_715 : memref<2048xf32, #tpu.memory_space<hbm>>)
        %dma_wait3A_716 = tpu.memref_slice %arg7[%add3A_4, %sub3A_699] : memref<64x43008xf32, #tpu.memory_space<hbm>> -> memref<1x2048xf32, #tpu.memory_space<hbm>>
        %dma_wait3A_717 = tpu.memref_squeeze %dma_wait3A_716 : memref<1x2048xf32, #tpu.memory_space<hbm>> -> memref<2048xf32, #tpu.memory_space<hbm>>
        %dma_wait3A_718 = tpu.memref_slice %arg7[%add3A_4, %sub3A_699] : memref<64x43008xf32, #tpu.memory_space<hbm>> -> memref<1x2048xf32, #tpu.memory_space<hbm>>
        %dma_wait3A_719 = tpu.memref_squeeze %dma_wait3A_718 : memref<1x2048xf32, #tpu.memory_space<hbm>> -> memref<2048xf32, #tpu.memory_space<hbm>>
        tpu.wait_dma2 semaphore(%arg39 : memref<!tpu.dma_semaphore, #tpu.memory_space<semaphore_mem>>) src(%arg27 : memref<2048xf32, #tpu.memory_space<vmem>>) dst(%dma_wait3A_719 : memref<2048xf32, #tpu.memory_space<hbm>>)
        %dma_wait3A_720 = tpu.memref_slice %arg8[%add3A_4, %sub3A_699] : memref<64x43008xf32, #tpu.memory_space<hbm>> -> memref<1x2048xf32, #tpu.memory_space<hbm>>
        %dma_wait3A_721 = tpu.memref_squeeze %dma_wait3A_720 : memref<1x2048xf32, #tpu.memory_space<hbm>> -> memref<2048xf32, #tpu.memory_space<hbm>>
        %dma_wait3A_722 = tpu.memref_slice %arg8[%add3A_4, %sub3A_699] : memref<64x43008xf32, #tpu.memory_space<hbm>> -> memref<1x2048xf32, #tpu.memory_space<hbm>>
        %dma_wait3A_723 = tpu.memref_squeeze %dma_wait3A_722 : memref<1x2048xf32, #tpu.memory_space<hbm>> -> memref<2048xf32, #tpu.memory_space<hbm>>
        tpu.wait_dma2 semaphore(%arg39 : memref<!tpu.dma_semaphore, #tpu.memory_space<semaphore_mem>>) src(%arg29 : memref<2048xf32, #tpu.memory_space<vmem>>) dst(%dma_wait3A_723 : memref<2048xf32, #tpu.memory_space<hbm>>)
      } else {
      }
      %parallel_loop3A_597 = arith.constant 0 : i32
      %parallel_loop3A_598 = arith.constant 128 : i32
      %parallel_loop3A_599 = arith.constant 1 : i32
      %parallel_loop3A_600:2 = scf.for %parallel_loop3A_698 = %parallel_loop3A_597 to %parallel_loop3A_598 step %parallel_loop3A_599 iter_args(%parallel_loop3A_699 = %scan3A_556, %parallel_loop3A_700 = %scan3A_557) -> (vector<16xf32>, vector<16xf32>)  : i32 {
        %parallel_loop3A_701 = arith.constant 16 : i32
        %parallel_loop3A_702 = arith.muli %parallel_loop3A_698, %parallel_loop3A_701 : i32
        %parallel_loop3A_703 = tpu.assume_multiple %parallel_loop3A_702, 16 : i32
        %parallel_loop3A_704 = arith.index_cast %parallel_loop3A_703 : i32 to index
        %parallel_loop3A_705 = tpu.vector_load %arg14[%parallel_loop3A_704] {strides = array<i32>} : memref<2048xi32, #tpu.memory_space<vmem>>, vector<16xi32>,
        %parallel_loop3A_706 = vector.broadcast %scan3A : i32 to vector<16xi32>
        %parallel_loop3A_707 = arith.andi %parallel_loop3A_705, %parallel_loop3A_706 : vector<16xi32>
        %parallel_loop3A_708 = arith.constant dense<-1> : vector<16xi32>
        %parallel_loop3A_709 = arith.xori %parallel_loop3A_705, %parallel_loop3A_708 : vector<16xi32>
        %parallel_loop3A_710 = vector.broadcast %scan3A_82 : i32 to vector<16xi32>
        %parallel_loop3A_711 = arith.andi %parallel_loop3A_709, %parallel_loop3A_710 : vector<16xi32>
        %parallel_loop3A_712 = vector.broadcast %scan3A_83 : i32 to vector<16xi32>
        %parallel_loop3A_713 = arith.ori %parallel_loop3A_711, %parallel_loop3A_712 : vector<16xi32>
        %parallel_loop3A_714 = vector.bitcast %parallel_loop3A_713 : vector<16xi32> to vector<16xf32>
        %parallel_loop3A_715 = arith.index_cast %parallel_loop3A_703 : i32 to index
        %parallel_loop3A_716 = tpu.vector_load %arg15[%parallel_loop3A_715] {strides = array<i32>} : memref<2048xi32, #tpu.memory_space<vmem>>, vector<16xi32>,
        %parallel_loop3A_717 = vector.broadcast %scan3A : i32 to vector<16xi32>
        %parallel_loop3A_718 = arith.andi %parallel_loop3A_716, %parallel_loop3A_717 : vector<16xi32>
        %parallel_loop3A_719 = arith.constant dense<-1> : vector<16xi32>
        %parallel_loop3A_720 = arith.xori %parallel_loop3A_716, %parallel_loop3A_719 : vector<16xi32>
        %parallel_loop3A_721 = vector.broadcast %scan3A_82 : i32 to vector<16xi32>
        %parallel_loop3A_722 = arith.andi %parallel_loop3A_720, %parallel_loop3A_721 : vector<16xi32>
        %parallel_loop3A_723 = vector.broadcast %scan3A_83 : i32 to vector<16xi32>
        %parallel_loop3A_724 = arith.ori %parallel_loop3A_722, %parallel_loop3A_723 : vector<16xi32>
        %parallel_loop3A_725 = vector.bitcast %parallel_loop3A_724 : vector<16xi32> to vector<16xf32>
        %parallel_loop3A_726 = arith.index_cast %parallel_loop3A_703 : i32 to index
        %parallel_loop3A_727 = tpu.vector_load %arg16[%parallel_loop3A_726] {strides = array<i32>} : memref<2048xi32, #tpu.memory_space<vmem>>, vector<16xi32>,
        %parallel_loop3A_728 = vector.broadcast %scan3A : i32 to vector<16xi32>
        %parallel_loop3A_729 = arith.andi %parallel_loop3A_727, %parallel_loop3A_728 : vector<16xi32>
        %parallel_loop3A_730 = arith.constant dense<-1> : vector<16xi32>
        %parallel_loop3A_731 = arith.xori %parallel_loop3A_727, %parallel_loop3A_730 : vector<16xi32>
        %parallel_loop3A_732 = vector.broadcast %scan3A_82 : i32 to vector<16xi32>
        %parallel_loop3A_733 = arith.andi %parallel_loop3A_731, %parallel_loop3A_732 : vector<16xi32>
        %parallel_loop3A_734 = vector.broadcast %scan3A_83 : i32 to vector<16xi32>
        %parallel_loop3A_735 = arith.ori %parallel_loop3A_733, %parallel_loop3A_734 : vector<16xi32>
        %parallel_loop3A_736 = vector.bitcast %parallel_loop3A_735 : vector<16xi32> to vector<16xf32>
        %parallel_loop3A_737 = tpu.vector_load_idx %arg10[%parallel_loop3A_707] : memref<10000xf32, #tpu.memory_space<vmem>>[vector<16xi32>], vector<16xf32>,
        %parallel_loop3A_738 = tpu.vector_load_idx %arg10[%parallel_loop3A_718] : memref<10000xf32, #tpu.memory_space<vmem>>[vector<16xi32>], vector<16xf32>,
        %parallel_loop3A_739 = tpu.vector_load_idx %arg10[%parallel_loop3A_729] : memref<10000xf32, #tpu.memory_space<vmem>>[vector<16xi32>], vector<16xf32>,
        %parallel_loop3A_740 = arith.mulf %parallel_loop3A_714, %parallel_loop3A_737 : vector<16xf32>
        %parallel_loop3A_741 = arith.constant 1.000000e+00 : f32
        %parallel_loop3A_742 = vector.broadcast %parallel_loop3A_741 : f32 to vector<16xf32>
        %parallel_loop3A_743 = arith.subf %parallel_loop3A_742, %parallel_loop3A_740 : vector<16xf32>
        %parallel_loop3A_744 = arith.mulf %parallel_loop3A_725, %parallel_loop3A_738 : vector<16xf32>
        %parallel_loop3A_745 = arith.constant 1.000000e+00 : f32
        %parallel_loop3A_746 = vector.broadcast %parallel_loop3A_745 : f32 to vector<16xf32>
        %parallel_loop3A_747 = arith.subf %parallel_loop3A_746, %parallel_loop3A_744 : vector<16xf32>
        %parallel_loop3A_748 = arith.mulf %parallel_loop3A_736, %parallel_loop3A_739 : vector<16xf32>
        %parallel_loop3A_749 = arith.constant 1.000000e+00 : f32
        %parallel_loop3A_750 = vector.broadcast %parallel_loop3A_749 : f32 to vector<16xf32>
        %parallel_loop3A_751 = arith.subf %parallel_loop3A_750, %parallel_loop3A_748 : vector<16xf32>
        %parallel_loop3A_752 = arith.minimumf %parallel_loop3A_743, %parallel_loop3A_747 : vector<16xf32>
        %parallel_loop3A_753 = arith.minimumf %parallel_loop3A_747, %parallel_loop3A_751 : vector<16xf32>
        %parallel_loop3A_754 = arith.minimumf %parallel_loop3A_743, %parallel_loop3A_751 : vector<16xf32>
        %parallel_loop3A_755 = arith.minimumf %parallel_loop3A_752, %parallel_loop3A_751 : vector<16xf32>
        %parallel_loop3A_756 = arith.constant 5.000000e-01 : f32
        %parallel_loop3A_757 = vector.broadcast %parallel_loop3A_756 : f32 to vector<16xf32>
        %parallel_loop3A_758 = arith.mulf %parallel_loop3A_757, %parallel_loop3A_755 : vector<16xf32>
        %parallel_loop3A_759 = arith.cmpf ole, %parallel_loop3A_743, %parallel_loop3A_747 : vector<16xf32>
        %parallel_loop3A_760 = arith.cmpf ole, %parallel_loop3A_743, %parallel_loop3A_751 : vector<16xf32>
        %parallel_loop3A_761 = arith.andi %parallel_loop3A_759, %parallel_loop3A_760 : vector<16xi1>
        %parallel_loop3A_762 = arith.cmpf olt, %parallel_loop3A_747, %parallel_loop3A_743 : vector<16xf32>
        %parallel_loop3A_763 = arith.cmpf ole, %parallel_loop3A_747, %parallel_loop3A_751 : vector<16xf32>
        %parallel_loop3A_764 = arith.andi %parallel_loop3A_762, %parallel_loop3A_763 : vector<16xi1>
        %parallel_loop3A_765 = arith.cmpf olt, %parallel_loop3A_751, %parallel_loop3A_743 : vector<16xf32>
        %parallel_loop3A_766 = arith.cmpf olt, %parallel_loop3A_751, %parallel_loop3A_747 : vector<16xf32>
        %parallel_loop3A_767 = arith.andi %parallel_loop3A_765, %parallel_loop3A_766 : vector<16xi1>
        %parallel_loop3A_768 = arith.subf %parallel_loop3A_714, %parallel_loop3A_737 : vector<16xf32>
        %parallel_loop3A_769 = arith.constant 5.000000e-01 : f32
        %parallel_loop3A_770 = vector.broadcast %parallel_loop3A_769 : f32 to vector<16xf32>
        %parallel_loop3A_771 = arith.mulf %parallel_loop3A_770, %parallel_loop3A_768 : vector<16xf32>
        %parallel_loop3A_772 = arith.constant 0.000000e+00 : f32
        %parallel_loop3A_773 = vector.broadcast %parallel_loop3A_772 : f32 to vector<16xf32>
        %parallel_loop3A_774 = arith.select %parallel_loop3A_761, %parallel_loop3A_771, %parallel_loop3A_773 : vector<16xi1>, vector<16xf32>
        %parallel_loop3A_775 = arith.subf %parallel_loop3A_725, %parallel_loop3A_738 : vector<16xf32>
        %parallel_loop3A_776 = arith.constant 5.000000e-01 : f32
        %parallel_loop3A_777 = vector.broadcast %parallel_loop3A_776 : f32 to vector<16xf32>
        %parallel_loop3A_778 = arith.mulf %parallel_loop3A_777, %parallel_loop3A_775 : vector<16xf32>
        %parallel_loop3A_779 = arith.constant 0.000000e+00 : f32
        %parallel_loop3A_780 = vector.broadcast %parallel_loop3A_779 : f32 to vector<16xf32>
        %parallel_loop3A_781 = arith.select %parallel_loop3A_764, %parallel_loop3A_778, %parallel_loop3A_780 : vector<16xi1>, vector<16xf32>
        %parallel_loop3A_782 = arith.subf %parallel_loop3A_736, %parallel_loop3A_739 : vector<16xf32>
        %parallel_loop3A_783 = arith.constant 5.000000e-01 : f32
        %parallel_loop3A_784 = vector.broadcast %parallel_loop3A_783 : f32 to vector<16xf32>
        %parallel_loop3A_785 = arith.mulf %parallel_loop3A_784, %parallel_loop3A_782 : vector<16xf32>
        %parallel_loop3A_786 = arith.constant 0.000000e+00 : f32
        %parallel_loop3A_787 = vector.broadcast %parallel_loop3A_786 : f32 to vector<16xf32>
        %parallel_loop3A_788 = arith.select %parallel_loop3A_767, %parallel_loop3A_785, %parallel_loop3A_787 : vector<16xi1>, vector<16xf32>
        %parallel_loop3A_789 = arith.index_cast %parallel_loop3A_703 : i32 to index
        %parallel_loop3A_790 = tpu.vector_load %arg17[%parallel_loop3A_789] {strides = array<i32>} : memref<2048xf32, #tpu.memory_space<vmem>>, vector<16xf32>,
        %parallel_loop3A_791 = arith.constant 1.000000e+00 : f32
        %parallel_loop3A_792 = vector.broadcast %parallel_loop3A_791 : f32 to vector<16xf32>
        %parallel_loop3A_793 = arith.subf %parallel_loop3A_792, %parallel_loop3A_790 : vector<16xf32>
        %parallel_loop3A_794 = arith.constant 1.100000e+00 : f32
        %parallel_loop3A_795 = vector.broadcast %parallel_loop3A_794 : f32 to vector<16xf32>
        %parallel_loop3A_796 = arith.mulf %parallel_loop3A_795, %parallel_loop3A_793 : vector<16xf32>
        %parallel_loop3A_797 = arith.constant 5.000000e-01 : f32
        %parallel_loop3A_798 = vector.broadcast %parallel_loop3A_797 : f32 to vector<16xf32>
        %parallel_loop3A_799 = arith.mulf %parallel_loop3A_798, %parallel_loop3A_714 : vector<16xf32>
        %parallel_loop3A_800 = arith.mulf %parallel_loop3A_799, %parallel_loop3A_753 : vector<16xf32>
        %parallel_loop3A_801 = arith.mulf %parallel_loop3A_790, %parallel_loop3A_800 : vector<16xf32>
        %parallel_loop3A_802 = arith.mulf %parallel_loop3A_796, %parallel_loop3A_774 : vector<16xf32>
        %parallel_loop3A_803 = arith.addf %parallel_loop3A_801, %parallel_loop3A_802 : vector<16xf32>
        %parallel_loop3A_804 = arith.constant 5.000000e-01 : f32
        %parallel_loop3A_805 = vector.broadcast %parallel_loop3A_804 : f32 to vector<16xf32>
        %parallel_loop3A_806 = arith.mulf %parallel_loop3A_805, %parallel_loop3A_725 : vector<16xf32>
        %parallel_loop3A_807 = arith.mulf %parallel_loop3A_806, %parallel_loop3A_754 : vector<16xf32>
        %parallel_loop3A_808 = arith.mulf %parallel_loop3A_790, %parallel_loop3A_807 : vector<16xf32>
        %parallel_loop3A_809 = arith.mulf %parallel_loop3A_796, %parallel_loop3A_781 : vector<16xf32>
        %parallel_loop3A_810 = arith.addf %parallel_loop3A_808, %parallel_loop3A_809 : vector<16xf32>
        %parallel_loop3A_811 = arith.constant 5.000000e-01 : f32
        %parallel_loop3A_812 = vector.broadcast %parallel_loop3A_811 : f32 to vector<16xf32>
        %parallel_loop3A_813 = arith.mulf %parallel_loop3A_812, %parallel_loop3A_736 : vector<16xf32>
        %parallel_loop3A_814 = arith.mulf %parallel_loop3A_813, %parallel_loop3A_752 : vector<16xf32>
        %parallel_loop3A_815 = arith.mulf %parallel_loop3A_790, %parallel_loop3A_814 : vector<16xf32>
        %parallel_loop3A_816 = arith.mulf %parallel_loop3A_796, %parallel_loop3A_788 : vector<16xf32>
        %parallel_loop3A_817 = arith.addf %parallel_loop3A_815, %parallel_loop3A_816 : vector<16xf32>
        tpu.vector_store_idx %arg12[%parallel_loop3A_707], %parallel_loop3A_803 {add = true} : memref<10000xf32, #tpu.memory_space<vmem>>[vector<16xi32>], vector<16xf32>,
        tpu.vector_store_idx %arg12[%parallel_loop3A_718], %parallel_loop3A_810 {add = true} : memref<10000xf32, #tpu.memory_space<vmem>>[vector<16xi32>], vector<16xf32>,
        tpu.vector_store_idx %arg12[%parallel_loop3A_729], %parallel_loop3A_817 {add = true} : memref<10000xf32, #tpu.memory_space<vmem>>[vector<16xi32>], vector<16xf32>,
        %parallel_loop3A_818 = arith.index_cast %parallel_loop3A_703 : i32 to index
        %parallel_loop3A_819 = tpu.vector_load %arg24[%parallel_loop3A_818] {strides = array<i32>} : memref<2048xf32, #tpu.memory_space<vmem>>, vector<16xf32>,
        tpu.vector_store %arg24[%parallel_loop3A_818], %parallel_loop3A_758 {strides = array<i32>} : memref<2048xf32, #tpu.memory_space<vmem>>, vector<16xf32>,
        %parallel_loop3A_820 = arith.constant 1.000000e-03 : f32
        %parallel_loop3A_821 = vector.broadcast %parallel_loop3A_820 : f32 to vector<16xf32>
        %parallel_loop3A_822 = arith.addf %parallel_loop3A_790, %parallel_loop3A_821 : vector<16xf32>
        %parallel_loop3A_823 = arith.constant 2.000000e+01 : f32
        %parallel_loop3A_824 = vector.broadcast %parallel_loop3A_823 : f32 to vector<16xf32>
        %parallel_loop3A_825 = arith.mulf %parallel_loop3A_824, %parallel_loop3A_822 : vector<16xf32>
        %parallel_loop3A_826 = arith.constant 2.500000e-01 : f32
        %parallel_loop3A_827 = vector.broadcast %parallel_loop3A_826 : f32 to vector<16xf32>
        %parallel_loop3A_828 = arith.subf %parallel_loop3A_758, %parallel_loop3A_827 : vector<16xf32>
        %parallel_loop3A_829 = arith.mulf %parallel_loop3A_825, %parallel_loop3A_828 : vector<16xf32>
        %parallel_loop3A_830 = arith.index_cast %parallel_loop3A_703 : i32 to index
        %parallel_loop3A_831 = tpu.vector_load %arg26[%parallel_loop3A_830] {strides = array<i32>} : memref<2048xf32, #tpu.memory_space<vmem>>, vector<16xf32>,
        tpu.vector_store %arg26[%parallel_loop3A_830], %parallel_loop3A_829 {strides = array<i32>} : memref<2048xf32, #tpu.memory_space<vmem>>, vector<16xf32>,
        %parallel_loop3A_832 = arith.constant 5.000000e-02 : f32
        %parallel_loop3A_833 = vector.broadcast %parallel_loop3A_832 : f32 to vector<16xf32>
        %parallel_loop3A_834 = arith.subf %parallel_loop3A_758, %parallel_loop3A_833 : vector<16xf32>
        %parallel_loop3A_835 = arith.constant 5.000000e+00 : f32
        %parallel_loop3A_836 = vector.broadcast %parallel_loop3A_835 : f32 to vector<16xf32>
        %parallel_loop3A_837 = arith.mulf %parallel_loop3A_836, %parallel_loop3A_834 : vector<16xf32>
        %parallel_loop3A_838 = arith.index_cast %parallel_loop3A_703 : i32 to index
        %parallel_loop3A_839 = tpu.vector_load %arg28[%parallel_loop3A_838] {strides = array<i32>} : memref<2048xf32, #tpu.memory_space<vmem>>, vector<16xf32>,
        tpu.vector_store %arg28[%parallel_loop3A_838], %parallel_loop3A_837 {strides = array<i32>} : memref<2048xf32, #tpu.memory_space<vmem>>, vector<16xf32>,
        %parallel_loop3A_840 = arith.maximumf %parallel_loop3A_699, %parallel_loop3A_758 : vector<16xf32>
        %parallel_loop3A_841 = tpu.vector_load_idx %arg11[%parallel_loop3A_707] : memref<10000xf32, #tpu.memory_space<vmem>>[vector<16xi32>], vector<16xf32>,
        %parallel_loop3A_842 = tpu.vector_load_idx %arg11[%parallel_loop3A_718] : memref<10000xf32, #tpu.memory_space<vmem>>[vector<16xi32>], vector<16xf32>,
        %parallel_loop3A_843 = tpu.vector_load_idx %arg11[%parallel_loop3A_729] : memref<10000xf32, #tpu.memory_space<vmem>>[vector<16xi32>], vector<16xf32>,
        %parallel_loop3A_844 = arith.mulf %parallel_loop3A_714, %parallel_loop3A_841 : vector<16xf32>
        %parallel_loop3A_845 = arith.constant 1.000000e+00 : f32
        %parallel_loop3A_846 = vector.broadcast %parallel_loop3A_845 : f32 to vector<16xf32>
        %parallel_loop3A_847 = arith.subf %parallel_loop3A_846, %parallel_loop3A_844 : vector<16xf32>
        %parallel_loop3A_848 = arith.mulf %parallel_loop3A_725, %parallel_loop3A_842 : vector<16xf32>
        %parallel_loop3A_849 = arith.constant 1.000000e+00 : f32
        %parallel_loop3A_850 = vector.broadcast %parallel_loop3A_849 : f32 to vector<16xf32>
        %parallel_loop3A_851 = arith.subf %parallel_loop3A_850, %parallel_loop3A_848 : vector<16xf32>
        %parallel_loop3A_852 = arith.mulf %parallel_loop3A_736, %parallel_loop3A_843 : vector<16xf32>
        %parallel_loop3A_853 = arith.constant 1.000000e+00 : f32
        %parallel_loop3A_854 = vector.broadcast %parallel_loop3A_853 : f32 to vector<16xf32>
        %parallel_loop3A_855 = arith.subf %parallel_loop3A_854, %parallel_loop3A_852 : vector<16xf32>
        %parallel_loop3A_856 = arith.minimumf %parallel_loop3A_847, %parallel_loop3A_851 : vector<16xf32>
        %parallel_loop3A_857 = arith.minimumf %parallel_loop3A_851, %parallel_loop3A_855 : vector<16xf32>
        %parallel_loop3A_858 = arith.minimumf %parallel_loop3A_847, %parallel_loop3A_855 : vector<16xf32>
        %parallel_loop3A_859 = arith.minimumf %parallel_loop3A_856, %parallel_loop3A_855 : vector<16xf32>
        %parallel_loop3A_860 = arith.constant 5.000000e-01 : f32
        %parallel_loop3A_861 = vector.broadcast %parallel_loop3A_860 : f32 to vector<16xf32>
        %parallel_loop3A_862 = arith.mulf %parallel_loop3A_861, %parallel_loop3A_859 : vector<16xf32>
        %parallel_loop3A_863 = arith.cmpf ole, %parallel_loop3A_847, %parallel_loop3A_851 : vector<16xf32>
        %parallel_loop3A_864 = arith.cmpf ole, %parallel_loop3A_847, %parallel_loop3A_855 : vector<16xf32>
        %parallel_loop3A_865 = arith.andi %parallel_loop3A_863, %parallel_loop3A_864 : vector<16xi1>
        %parallel_loop3A_866 = arith.cmpf olt, %parallel_loop3A_851, %parallel_loop3A_847 : vector<16xf32>
        %parallel_loop3A_867 = arith.cmpf ole, %parallel_loop3A_851, %parallel_loop3A_855 : vector<16xf32>
        %parallel_loop3A_868 = arith.andi %parallel_loop3A_866, %parallel_loop3A_867 : vector<16xi1>
        %parallel_loop3A_869 = arith.cmpf olt, %parallel_loop3A_855, %parallel_loop3A_847 : vector<16xf32>
        %parallel_loop3A_870 = arith.cmpf olt, %parallel_loop3A_855, %parallel_loop3A_851 : vector<16xf32>
        %parallel_loop3A_871 = arith.andi %parallel_loop3A_869, %parallel_loop3A_870 : vector<16xi1>
        %parallel_loop3A_872 = arith.subf %parallel_loop3A_714, %parallel_loop3A_841 : vector<16xf32>
        %parallel_loop3A_873 = arith.constant 5.000000e-01 : f32
        %parallel_loop3A_874 = vector.broadcast %parallel_loop3A_873 : f32 to vector<16xf32>
        %parallel_loop3A_875 = arith.mulf %parallel_loop3A_874, %parallel_loop3A_872 : vector<16xf32>
        %parallel_loop3A_876 = arith.constant 0.000000e+00 : f32
        %parallel_loop3A_877 = vector.broadcast %parallel_loop3A_876 : f32 to vector<16xf32>
        %parallel_loop3A_878 = arith.select %parallel_loop3A_865, %parallel_loop3A_875, %parallel_loop3A_877 : vector<16xi1>, vector<16xf32>
        %parallel_loop3A_879 = arith.subf %parallel_loop3A_725, %parallel_loop3A_842 : vector<16xf32>
        %parallel_loop3A_880 = arith.constant 5.000000e-01 : f32
        %parallel_loop3A_881 = vector.broadcast %parallel_loop3A_880 : f32 to vector<16xf32>
        %parallel_loop3A_882 = arith.mulf %parallel_loop3A_881, %parallel_loop3A_879 : vector<16xf32>
        %parallel_loop3A_883 = arith.constant 0.000000e+00 : f32
        %parallel_loop3A_884 = vector.broadcast %parallel_loop3A_883 : f32 to vector<16xf32>
        %parallel_loop3A_885 = arith.select %parallel_loop3A_868, %parallel_loop3A_882, %parallel_loop3A_884 : vector<16xi1>, vector<16xf32>
        %parallel_loop3A_886 = arith.subf %parallel_loop3A_736, %parallel_loop3A_843 : vector<16xf32>
        %parallel_loop3A_887 = arith.constant 5.000000e-01 : f32
        %parallel_loop3A_888 = vector.broadcast %parallel_loop3A_887 : f32 to vector<16xf32>
        %parallel_loop3A_889 = arith.mulf %parallel_loop3A_888, %parallel_loop3A_886 : vector<16xf32>
        %parallel_loop3A_890 = arith.constant 0.000000e+00 : f32
        %parallel_loop3A_891 = vector.broadcast %parallel_loop3A_890 : f32 to vector<16xf32>
        %parallel_loop3A_892 = arith.select %parallel_loop3A_871, %parallel_loop3A_889, %parallel_loop3A_891 : vector<16xi1>, vector<16xf32>
        %parallel_loop3A_893 = arith.index_cast %parallel_loop3A_703 : i32 to index
        %parallel_loop3A_894 = tpu.vector_load %arg18[%parallel_loop3A_893] {strides = array<i32>} : memref<2048xf32, #tpu.memory_space<vmem>>, vector<16xf32>,
        %parallel_loop3A_895 = arith.constant 1.000000e+00 : f32
        %parallel_loop3A_896 = vector.broadcast %parallel_loop3A_895 : f32 to vector<16xf32>
        %parallel_loop3A_897 = arith.subf %parallel_loop3A_896, %parallel_loop3A_894 : vector<16xf32>
        %parallel_loop3A_898 = arith.constant 1.100000e+00 : f32
        %parallel_loop3A_899 = vector.broadcast %parallel_loop3A_898 : f32 to vector<16xf32>
        %parallel_loop3A_900 = arith.mulf %parallel_loop3A_899, %parallel_loop3A_897 : vector<16xf32>
        %parallel_loop3A_901 = arith.constant 5.000000e-01 : f32
        %parallel_loop3A_902 = vector.broadcast %parallel_loop3A_901 : f32 to vector<16xf32>
        %parallel_loop3A_903 = arith.mulf %parallel_loop3A_902, %parallel_loop3A_714 : vector<16xf32>
        %parallel_loop3A_904 = arith.mulf %parallel_loop3A_903, %parallel_loop3A_857 : vector<16xf32>
        %parallel_loop3A_905 = arith.mulf %parallel_loop3A_894, %parallel_loop3A_904 : vector<16xf32>
        %parallel_loop3A_906 = arith.mulf %parallel_loop3A_900, %parallel_loop3A_878 : vector<16xf32>
        %parallel_loop3A_907 = arith.addf %parallel_loop3A_905, %parallel_loop3A_906 : vector<16xf32>
        %parallel_loop3A_908 = arith.constant 5.000000e-01 : f32
        %parallel_loop3A_909 = vector.broadcast %parallel_loop3A_908 : f32 to vector<16xf32>
        %parallel_loop3A_910 = arith.mulf %parallel_loop3A_909, %parallel_loop3A_725 : vector<16xf32>
        %parallel_loop3A_911 = arith.mulf %parallel_loop3A_910, %parallel_loop3A_858 : vector<16xf32>
        %parallel_loop3A_912 = arith.mulf %parallel_loop3A_894, %parallel_loop3A_911 : vector<16xf32>
        %parallel_loop3A_913 = arith.mulf %parallel_loop3A_900, %parallel_loop3A_885 : vector<16xf32>
        %parallel_loop3A_914 = arith.addf %parallel_loop3A_912, %parallel_loop3A_913 : vector<16xf32>
        %parallel_loop3A_915 = arith.constant 5.000000e-01 : f32
        %parallel_loop3A_916 = vector.broadcast %parallel_loop3A_915 : f32 to vector<16xf32>
        %parallel_loop3A_917 = arith.mulf %parallel_loop3A_916, %parallel_loop3A_736 : vector<16xf32>
        %parallel_loop3A_918 = arith.mulf %parallel_loop3A_917, %parallel_loop3A_856 : vector<16xf32>
        %parallel_loop3A_919 = arith.mulf %parallel_loop3A_894, %parallel_loop3A_918 : vector<16xf32>
        %parallel_loop3A_920 = arith.mulf %parallel_loop3A_900, %parallel_loop3A_892 : vector<16xf32>
        %parallel_loop3A_921 = arith.addf %parallel_loop3A_919, %parallel_loop3A_920 : vector<16xf32>
        tpu.vector_store_idx %arg13[%parallel_loop3A_707], %parallel_loop3A_907 {add = true} : memref<10000xf32, #tpu.memory_space<vmem>>[vector<16xi32>], vector<16xf32>,
        tpu.vector_store_idx %arg13[%parallel_loop3A_718], %parallel_loop3A_914 {add = true} : memref<10000xf32, #tpu.memory_space<vmem>>[vector<16xi32>], vector<16xf32>,
        tpu.vector_store_idx %arg13[%parallel_loop3A_729], %parallel_loop3A_921 {add = true} : memref<10000xf32, #tpu.memory_space<vmem>>[vector<16xi32>], vector<16xf32>,
        %parallel_loop3A_922 = arith.index_cast %parallel_loop3A_703 : i32 to index
        %parallel_loop3A_923 = tpu.vector_load %arg25[%parallel_loop3A_922] {strides = array<i32>} : memref<2048xf32, #tpu.memory_space<vmem>>, vector<16xf32>,
        tpu.vector_store %arg25[%parallel_loop3A_922], %parallel_loop3A_862 {strides = array<i32>} : memref<2048xf32, #tpu.memory_space<vmem>>, vector<16xf32>,
        %parallel_loop3A_924 = arith.constant 1.000000e-03 : f32
        %parallel_loop3A_925 = vector.broadcast %parallel_loop3A_924 : f32 to vector<16xf32>
        %parallel_loop3A_926 = arith.addf %parallel_loop3A_894, %parallel_loop3A_925 : vector<16xf32>
        %parallel_loop3A_927 = arith.constant 2.000000e+01 : f32
        %parallel_loop3A_928 = vector.broadcast %parallel_loop3A_927 : f32 to vector<16xf32>
        %parallel_loop3A_929 = arith.mulf %parallel_loop3A_928, %parallel_loop3A_926 : vector<16xf32>
        %parallel_loop3A_930 = arith.constant 2.500000e-01 : f32
        %parallel_loop3A_931 = vector.broadcast %parallel_loop3A_930 : f32 to vector<16xf32>
        %parallel_loop3A_932 = arith.subf %parallel_loop3A_862, %parallel_loop3A_931 : vector<16xf32>
        %parallel_loop3A_933 = arith.mulf %parallel_loop3A_929, %parallel_loop3A_932 : vector<16xf32>
        %parallel_loop3A_934 = arith.index_cast %parallel_loop3A_703 : i32 to index
        %parallel_loop3A_935 = tpu.vector_load %arg27[%parallel_loop3A_934] {strides = array<i32>} : memref<2048xf32, #tpu.memory_space<vmem>>, vector<16xf32>,
        tpu.vector_store %arg27[%parallel_loop3A_934], %parallel_loop3A_933 {strides = array<i32>} : memref<2048xf32, #tpu.memory_space<vmem>>, vector<16xf32>,
        %parallel_loop3A_936 = arith.constant 5.000000e-02 : f32
        %parallel_loop3A_937 = vector.broadcast %parallel_loop3A_936 : f32 to vector<16xf32>
        %parallel_loop3A_938 = arith.subf %parallel_loop3A_862, %parallel_loop3A_937 : vector<16xf32>
        %parallel_loop3A_939 = arith.constant 5.000000e+00 : f32
        %parallel_loop3A_940 = vector.broadcast %parallel_loop3A_939 : f32 to vector<16xf32>
        %parallel_loop3A_941 = arith.mulf %parallel_loop3A_940, %parallel_loop3A_938 : vector<16xf32>
        %parallel_loop3A_942 = arith.index_cast %parallel_loop3A_703 : i32 to index
        %parallel_loop3A_943 = tpu.vector_load %arg29[%parallel_loop3A_942] {strides = array<i32>} : memref<2048xf32, #tpu.memory_space<vmem>>, vector<16xf32>,
        tpu.vector_store %arg29[%parallel_loop3A_942], %parallel_loop3A_941 {strides = array<i32>} : memref<2048xf32, #tpu.memory_space<vmem>>, vector<16xf32>,
        %parallel_loop3A_944 = arith.maximumf %parallel_loop3A_700, %parallel_loop3A_862 : vector<16xf32>
        scf.yield %parallel_loop3A_840, %parallel_loop3A_944 : vector<16xf32>, vector<16xf32>
      } {sc.loop_unroll_factor = 4 : i64, sc.parallel_access}
      %dma_start3A_601 = tpu.memref_slice %arg5[%mul3A_2, %multiple_of3A_562] : memref<64x43008xf32, #tpu.memory_space<hbm>> -> memref<1x2048xf32, #tpu.memory_space<hbm>>
      %dma_start3A_602 = tpu.memref_squeeze %dma_start3A_601 : memref<1x2048xf32, #tpu.memory_space<hbm>> -> memref<2048xf32, #tpu.memory_space<hbm>>
      %dma_start3A_603 = tpu.memref_slice %arg5[%mul3A_2, %multiple_of3A_562] : memref<64x43008xf32, #tpu.memory_space<hbm>> -> memref<1x2048xf32, #tpu.memory_space<hbm>>
      %dma_start3A_604 = tpu.memref_squeeze %dma_start3A_603 : memref<1x2048xf32, #tpu.memory_space<hbm>> -> memref<2048xf32, #tpu.memory_space<hbm>>
      tpu.enqueue_dma source(%arg24 : memref<2048xf32, #tpu.memory_space<vmem>>) target(%dma_start3A_604 : memref<2048xf32, #tpu.memory_space<hbm>>) target_semaphore(%arg39 : memref<!tpu.dma_semaphore, #tpu.memory_space<semaphore_mem>>)
      %dma_start3A_605 = tpu.memref_slice %arg7[%mul3A_2, %multiple_of3A_562] : memref<64x43008xf32, #tpu.memory_space<hbm>> -> memref<1x2048xf32, #tpu.memory_space<hbm>>
      %dma_start3A_606 = tpu.memref_squeeze %dma_start3A_605 : memref<1x2048xf32, #tpu.memory_space<hbm>> -> memref<2048xf32, #tpu.memory_space<hbm>>
      %dma_start3A_607 = tpu.memref_slice %arg7[%mul3A_2, %multiple_of3A_562] : memref<64x43008xf32, #tpu.memory_space<hbm>> -> memref<1x2048xf32, #tpu.memory_space<hbm>>
      %dma_start3A_608 = tpu.memref_squeeze %dma_start3A_607 : memref<1x2048xf32, #tpu.memory_space<hbm>> -> memref<2048xf32, #tpu.memory_space<hbm>>
      tpu.enqueue_dma source(%arg26 : memref<2048xf32, #tpu.memory_space<vmem>>) target(%dma_start3A_608 : memref<2048xf32, #tpu.memory_space<hbm>>) target_semaphore(%arg39 : memref<!tpu.dma_semaphore, #tpu.memory_space<semaphore_mem>>)
      %dma_start3A_609 = tpu.memref_slice %arg8[%mul3A_2, %multiple_of3A_562] : memref<64x43008xf32, #tpu.memory_space<hbm>> -> memref<1x2048xf32, #tpu.memory_space<hbm>>
      %dma_start3A_610 = tpu.memref_squeeze %dma_start3A_609 : memref<1x2048xf32, #tpu.memory_space<hbm>> -> memref<2048xf32, #tpu.memory_space<hbm>>
      %dma_start3A_611 = tpu.memref_slice %arg8[%mul3A_2, %multiple_of3A_562] : memref<64x43008xf32, #tpu.memory_space<hbm>> -> memref<1x2048xf32, #tpu.memory_space<hbm>>
      %dma_start3A_612 = tpu.memref_squeeze %dma_start3A_611 : memref<1x2048xf32, #tpu.memory_space<hbm>> -> memref<2048xf32, #tpu.memory_space<hbm>>
      tpu.enqueue_dma source(%arg28 : memref<2048xf32, #tpu.memory_space<vmem>>) target(%dma_start3A_612 : memref<2048xf32, #tpu.memory_space<hbm>>) target_semaphore(%arg39 : memref<!tpu.dma_semaphore, #tpu.memory_space<semaphore_mem>>)
      %dma_start3A_613 = tpu.memref_slice %arg5[%add3A_4, %multiple_of3A_562] : memref<64x43008xf32, #tpu.memory_space<hbm>> -> memref<1x2048xf32, #tpu.memory_space<hbm>>
      %dma_start3A_614 = tpu.memref_squeeze %dma_start3A_613 : memref<1x2048xf32, #tpu.memory_space<hbm>> -> memref<2048xf32, #tpu.memory_space<hbm>>
      %dma_start3A_615 = tpu.memref_slice %arg5[%add3A_4, %multiple_of3A_562] : memref<64x43008xf32, #tpu.memory_space<hbm>> -> memref<1x2048xf32, #tpu.memory_space<hbm>>
      %dma_start3A_616 = tpu.memref_squeeze %dma_start3A_615 : memref<1x2048xf32, #tpu.memory_space<hbm>> -> memref<2048xf32, #tpu.memory_space<hbm>>
      tpu.enqueue_dma source(%arg25 : memref<2048xf32, #tpu.memory_space<vmem>>) target(%dma_start3A_616 : memref<2048xf32, #tpu.memory_space<hbm>>) target_semaphore(%arg39 : memref<!tpu.dma_semaphore, #tpu.memory_space<semaphore_mem>>)
      %dma_start3A_617 = tpu.memref_slice %arg7[%add3A_4, %multiple_of3A_562] : memref<64x43008xf32, #tpu.memory_space<hbm>> -> memref<1x2048xf32, #tpu.memory_space<hbm>>
      %dma_start3A_618 = tpu.memref_squeeze %dma_start3A_617 : memref<1x2048xf32, #tpu.memory_space<hbm>> -> memref<2048xf32, #tpu.memory_space<hbm>>
      %dma_start3A_619 = tpu.memref_slice %arg7[%add3A_4, %multiple_of3A_562] : memref<64x43008xf32, #tpu.memory_space<hbm>> -> memref<1x2048xf32, #tpu.memory_space<hbm>>
      %dma_start3A_620 = tpu.memref_squeeze %dma_start3A_619 : memref<1x2048xf32, #tpu.memory_space<hbm>> -> memref<2048xf32, #tpu.memory_space<hbm>>
      tpu.enqueue_dma source(%arg27 : memref<2048xf32, #tpu.memory_space<vmem>>) target(%dma_start3A_620 : memref<2048xf32, #tpu.memory_space<hbm>>) target_semaphore(%arg39 : memref<!tpu.dma_semaphore, #tpu.memory_space<semaphore_mem>>)
      %dma_start3A_621 = tpu.memref_slice %arg8[%add3A_4, %multiple_of3A_562] : memref<64x43008xf32, #tpu.memory_space<hbm>> -> memref<1x2048xf32, #tpu.memory_space<hbm>>
      %dma_start3A_622 = tpu.memref_squeeze %dma_start3A_621 : memref<1x2048xf32, #tpu.memory_space<hbm>> -> memref<2048xf32, #tpu.memory_space<hbm>>
      %dma_start3A_623 = tpu.memref_slice %arg8[%add3A_4, %multiple_of3A_562] : memref<64x43008xf32, #tpu.memory_space<hbm>> -> memref<1x2048xf32, #tpu.memory_space<hbm>>
      %dma_start3A_624 = tpu.memref_squeeze %dma_start3A_623 : memref<1x2048xf32, #tpu.memory_space<hbm>> -> memref<2048xf32, #tpu.memory_space<hbm>>
      tpu.enqueue_dma source(%arg29 : memref<2048xf32, #tpu.memory_space<vmem>>) target(%dma_start3A_624 : memref<2048xf32, #tpu.memory_space<hbm>>) target_semaphore(%arg39 : memref<!tpu.dma_semaphore, #tpu.memory_space<semaphore_mem>>)
      %lt3A_625 = arith.constant 9 : i32
      %lt3A_626 = arith.cmpi slt, %scan3A_555, %lt3A_625 : i32
      %convert_element_type3A_627 = arith.extui %lt3A_626 : i1 to i32
      %cond3A_628 = arith.constant 0 : i32
      %cond3A_629 = arith.cmpi ne, %convert_element_type3A_627, %cond3A_628 : i32
      scf.if %cond3A_629 {
        %add3A_698 = arith.constant 4096 : i32
        %add3A_699 = arith.addi %multiple_of3A_562, %add3A_698 : i32
        %add3A_700 = arith.constant 0 : i32
        %add3A_701 = arith.addi %add3A_700, %add3A_699 : i32
        %add3A_702 = arith.constant 43008 : i32
        %add3A_703 = arith.addi %add3A_702, %add3A_699 : i32
        %add3A_704 = arith.constant 86016 : i32
        %add3A_705 = arith.addi %add3A_704, %add3A_699 : i32
        %mul3A_706 = arith.constant 43000 : i32
        %mul3A_707 = arith.muli %mul3A_2, %mul3A_706 : i32
        %add3A_708 = arith.addi %mul3A_707, %add3A_699 : i32
        %mul3A_709 = arith.constant 43000 : i32
        %mul3A_710 = arith.muli %add3A_4, %mul3A_709 : i32
        %add3A_711 = arith.addi %mul3A_710, %add3A_699 : i32
        %dma_start3A_712 = tpu.memref_slice %arg4[%add3A_701] : memref<129024xi32, #tpu.memory_space<hbm>> -> memref<2048xi32, #tpu.memory_space<hbm>>
        %dma_start3A_713 = tpu.memref_slice %arg4[%add3A_701] : memref<129024xi32, #tpu.memory_space<hbm>> -> memref<2048xi32, #tpu.memory_space<hbm>>
        tpu.enqueue_dma source(%dma_start3A_713 : memref<2048xi32, #tpu.memory_space<hbm>>) target(%arg14 : memref<2048xi32, #tpu.memory_space<vmem>>) target_semaphore(%arg37 : memref<!tpu.dma_semaphore, #tpu.memory_space<semaphore_mem>>)
        %dma_start3A_714 = tpu.memref_slice %arg4[%add3A_703] : memref<129024xi32, #tpu.memory_space<hbm>> -> memref<2048xi32, #tpu.memory_space<hbm>>
        %dma_start3A_715 = tpu.memref_slice %arg4[%add3A_703] : memref<129024xi32, #tpu.memory_space<hbm>> -> memref<2048xi32, #tpu.memory_space<hbm>>
        tpu.enqueue_dma source(%dma_start3A_715 : memref<2048xi32, #tpu.memory_space<hbm>>) target(%arg15 : memref<2048xi32, #tpu.memory_space<vmem>>) target_semaphore(%arg37 : memref<!tpu.dma_semaphore, #tpu.memory_space<semaphore_mem>>)
        %dma_start3A_716 = tpu.memref_slice %arg4[%add3A_705] : memref<129024xi32, #tpu.memory_space<hbm>> -> memref<2048xi32, #tpu.memory_space<hbm>>
        %dma_start3A_717 = tpu.memref_slice %arg4[%add3A_705] : memref<129024xi32, #tpu.memory_space<hbm>> -> memref<2048xi32, #tpu.memory_space<hbm>>
        tpu.enqueue_dma source(%dma_start3A_717 : memref<2048xi32, #tpu.memory_space<hbm>>) target(%arg16 : memref<2048xi32, #tpu.memory_space<vmem>>) target_semaphore(%arg37 : memref<!tpu.dma_semaphore, #tpu.memory_space<semaphore_mem>>)
        %dma_start3A_718 = arith.constant 0 : i32
        %dma_start3A_719 = tpu.memref_slice %arg17[%dma_start3A_718] : memref<2048xf32, #tpu.memory_space<vmem>> -> memref<2048xf32, #tpu.memory_space<vmem>>
        %dma_start3A_720 = tpu.memref_slice %arg3[%add3A_708] : memref<2752000xf32, #tpu.memory_space<hbm>> -> memref<2048xf32, #tpu.memory_space<hbm>>
        %dma_start3A_721 = arith.constant 0 : i32
        %dma_start3A_722 = tpu.memref_slice %arg17[%dma_start3A_721] : memref<2048xf32, #tpu.memory_space<vmem>> -> memref<2048xf32, #tpu.memory_space<vmem>>
        %dma_start3A_723 = tpu.memref_slice %arg3[%add3A_708] : memref<2752000xf32, #tpu.memory_space<hbm>> -> memref<2048xf32, #tpu.memory_space<hbm>>
        tpu.enqueue_dma source(%dma_start3A_723 : memref<2048xf32, #tpu.memory_space<hbm>>) target(%dma_start3A_722 : memref<2048xf32, #tpu.memory_space<vmem>>) target_semaphore(%arg37 : memref<!tpu.dma_semaphore, #tpu.memory_space<semaphore_mem>>)
        %dma_start3A_724 = arith.constant 0 : i32
        %dma_start3A_725 = tpu.memref_slice %arg18[%dma_start3A_724] : memref<2048xf32, #tpu.memory_space<vmem>> -> memref<2048xf32, #tpu.memory_space<vmem>>
        %dma_start3A_726 = tpu.memref_slice %arg3[%add3A_711] : memref<2752000xf32, #tpu.memory_space<hbm>> -> memref<2048xf32, #tpu.memory_space<hbm>>
        %dma_start3A_727 = arith.constant 0 : i32
        %dma_start3A_728 = tpu.memref_slice %arg18[%dma_start3A_727] : memref<2048xf32, #tpu.memory_space<vmem>> -> memref<2048xf32, #tpu.memory_space<vmem>>
        %dma_start3A_729 = tpu.memref_slice %arg3[%add3A_711] : memref<2752000xf32, #tpu.memory_space<hbm>> -> memref<2048xf32, #tpu.memory_space<hbm>>
        tpu.enqueue_dma source(%dma_start3A_729 : memref<2048xf32, #tpu.memory_space<hbm>>) target(%dma_start3A_728 : memref<2048xf32, #tpu.memory_space<vmem>>) target_semaphore(%arg37 : memref<!tpu.dma_semaphore, #tpu.memory_space<semaphore_mem>>)
      } else {
      }
      %add3A_630 = arith.constant 0 : i32
      %add3A_631 = arith.addi %add3A_630, %add3A_564 : i32
      %add3A_632 = arith.constant 43008 : i32
      %add3A_633 = arith.addi %add3A_632, %add3A_564 : i32
      %add3A_634 = arith.constant 86016 : i32
      %add3A_635 = arith.addi %add3A_634, %add3A_564 : i32
      %mul3A_636 = arith.constant 43000 : i32
      %mul3A_637 = arith.muli %mul3A_2, %mul3A_636 : i32
      %add3A_638 = arith.addi %mul3A_637, %add3A_564 : i32
      %mul3A_639 = arith.constant 43000 : i32
      %mul3A_640 = arith.muli %add3A_4, %mul3A_639 : i32
      %add3A_641 = arith.addi %mul3A_640, %add3A_564 : i32
      %dma_wait3A_642 = tpu.memref_slice %arg4[%add3A_631] : memref<129024xi32, #tpu.memory_space<hbm>> -> memref<2048xi32, #tpu.memory_space<hbm>>
      %dma_wait3A_643 = tpu.memref_slice %arg4[%add3A_631] : memref<129024xi32, #tpu.memory_space<hbm>> -> memref<2048xi32, #tpu.memory_space<hbm>>
      tpu.wait_dma2 semaphore(%arg38 : memref<!tpu.dma_semaphore, #tpu.memory_space<semaphore_mem>>) src(%dma_wait3A_643 : memref<2048xi32, #tpu.memory_space<hbm>>) dst(%arg19 : memref<2048xi32, #tpu.memory_space<vmem>>)
      %dma_wait3A_644 = tpu.memref_slice %arg4[%add3A_633] : memref<129024xi32, #tpu.memory_space<hbm>> -> memref<2048xi32, #tpu.memory_space<hbm>>
      %dma_wait3A_645 = tpu.memref_slice %arg4[%add3A_633] : memref<129024xi32, #tpu.memory_space<hbm>> -> memref<2048xi32, #tpu.memory_space<hbm>>
      tpu.wait_dma2 semaphore(%arg38 : memref<!tpu.dma_semaphore, #tpu.memory_space<semaphore_mem>>) src(%dma_wait3A_645 : memref<2048xi32, #tpu.memory_space<hbm>>) dst(%arg20 : memref<2048xi32, #tpu.memory_space<vmem>>)
      %dma_wait3A_646 = tpu.memref_slice %arg4[%add3A_635] : memref<129024xi32, #tpu.memory_space<hbm>> -> memref<2048xi32, #tpu.memory_space<hbm>>
      %dma_wait3A_647 = tpu.memref_slice %arg4[%add3A_635] : memref<129024xi32, #tpu.memory_space<hbm>> -> memref<2048xi32, #tpu.memory_space<hbm>>
      tpu.wait_dma2 semaphore(%arg38 : memref<!tpu.dma_semaphore, #tpu.memory_space<semaphore_mem>>) src(%dma_wait3A_647 : memref<2048xi32, #tpu.memory_space<hbm>>) dst(%arg21 : memref<2048xi32, #tpu.memory_space<vmem>>)
      %dma_wait3A_648 = arith.constant 0 : i32
      %dma_wait3A_649 = tpu.memref_slice %arg22[%dma_wait3A_648] : memref<2048xf32, #tpu.memory_space<vmem>> -> memref<2048xf32, #tpu.memory_space<vmem>>
      %dma_wait3A_650 = tpu.memref_slice %arg3[%add3A_638] : memref<2752000xf32, #tpu.memory_space<hbm>> -> memref<2048xf32, #tpu.memory_space<hbm>>
      %dma_wait3A_651 = arith.constant 0 : i32
      %dma_wait3A_652 = tpu.memref_slice %arg22[%dma_wait3A_651] : memref<2048xf32, #tpu.memory_space<vmem>> -> memref<2048xf32, #tpu.memory_space<vmem>>
      %dma_wait3A_653 = tpu.memref_slice %arg3[%add3A_638] : memref<2752000xf32, #tpu.memory_space<hbm>> -> memref<2048xf32, #tpu.memory_space<hbm>>
      tpu.wait_dma2 semaphore(%arg38 : memref<!tpu.dma_semaphore, #tpu.memory_space<semaphore_mem>>) src(%dma_wait3A_653 : memref<2048xf32, #tpu.memory_space<hbm>>) dst(%dma_wait3A_652 : memref<2048xf32, #tpu.memory_space<vmem>>)
      %dma_wait3A_654 = arith.constant 0 : i32
      %dma_wait3A_655 = tpu.memref_slice %arg23[%dma_wait3A_654] : memref<2048xf32, #tpu.memory_space<vmem>> -> memref<2048xf32, #tpu.memory_space<vmem>>
      %dma_wait3A_656 = tpu.memref_slice %arg3[%add3A_641] : memref<2752000xf32, #tpu.memory_space<hbm>> -> memref<2048xf32, #tpu.memory_space<hbm>>
      %dma_wait3A_657 = arith.constant 0 : i32
      %dma_wait3A_658 = tpu.memref_slice %arg23[%dma_wait3A_657] : memref<2048xf32, #tpu.memory_space<vmem>> -> memref<2048xf32, #tpu.memory_space<vmem>>
      %dma_wait3A_659 = tpu.memref_slice %arg3[%add3A_641] : memref<2752000xf32, #tpu.memory_space<hbm>> -> memref<2048xf32, #tpu.memory_space<hbm>>
      tpu.wait_dma2 semaphore(%arg38 : memref<!tpu.dma_semaphore, #tpu.memory_space<semaphore_mem>>) src(%dma_wait3A_659 : memref<2048xf32, #tpu.memory_space<hbm>>) dst(%dma_wait3A_658 : memref<2048xf32, #tpu.memory_space<vmem>>)
      %gt3A_660 = arith.constant 0 : i32
      %gt3A_661 = arith.cmpi sgt, %scan3A_555, %gt3A_660 : i32
      %convert_element_type3A_662 = arith.extui %gt3A_661 : i1 to i32
      %cond3A_663 = arith.constant 0 : i32
      %cond3A_664 = arith.cmpi ne, %convert_element_type3A_662, %cond3A_663 : i32
      scf.if %cond3A_664 {
        %sub3A_698 = arith.constant 4096 : i32
        %sub3A_699 = arith.subi %add3A_564, %sub3A_698 : i32
        %dma_wait3A_700 = tpu.memref_slice %arg5[%mul3A_2, %sub3A_699] : memref<64x43008xf32, #tpu.memory_space<hbm>> -> memref<1x2048xf32, #tpu.memory_space<hbm>>
        %dma_wait3A_701 = tpu.memref_squeeze %dma_wait3A_700 : memref<1x2048xf32, #tpu.memory_space<hbm>> -> memref<2048xf32, #tpu.memory_space<hbm>>
        %dma_wait3A_702 = tpu.memref_slice %arg5[%mul3A_2, %sub3A_699] : memref<64x43008xf32, #tpu.memory_space<hbm>> -> memref<1x2048xf32, #tpu.memory_space<hbm>>
        %dma_wait3A_703 = tpu.memref_squeeze %dma_wait3A_702 : memref<1x2048xf32, #tpu.memory_space<hbm>> -> memref<2048xf32, #tpu.memory_space<hbm>>
        tpu.wait_dma2 semaphore(%arg40 : memref<!tpu.dma_semaphore, #tpu.memory_space<semaphore_mem>>) src(%arg30 : memref<2048xf32, #tpu.memory_space<vmem>>) dst(%dma_wait3A_703 : memref<2048xf32, #tpu.memory_space<hbm>>)
        %dma_wait3A_704 = tpu.memref_slice %arg7[%mul3A_2, %sub3A_699] : memref<64x43008xf32, #tpu.memory_space<hbm>> -> memref<1x2048xf32, #tpu.memory_space<hbm>>
        %dma_wait3A_705 = tpu.memref_squeeze %dma_wait3A_704 : memref<1x2048xf32, #tpu.memory_space<hbm>> -> memref<2048xf32, #tpu.memory_space<hbm>>
        %dma_wait3A_706 = tpu.memref_slice %arg7[%mul3A_2, %sub3A_699] : memref<64x43008xf32, #tpu.memory_space<hbm>> -> memref<1x2048xf32, #tpu.memory_space<hbm>>
        %dma_wait3A_707 = tpu.memref_squeeze %dma_wait3A_706 : memref<1x2048xf32, #tpu.memory_space<hbm>> -> memref<2048xf32, #tpu.memory_space<hbm>>
        tpu.wait_dma2 semaphore(%arg40 : memref<!tpu.dma_semaphore, #tpu.memory_space<semaphore_mem>>) src(%arg32 : memref<2048xf32, #tpu.memory_space<vmem>>) dst(%dma_wait3A_707 : memref<2048xf32, #tpu.memory_space<hbm>>)
        %dma_wait3A_708 = tpu.memref_slice %arg8[%mul3A_2, %sub3A_699] : memref<64x43008xf32, #tpu.memory_space<hbm>> -> memref<1x2048xf32, #tpu.memory_space<hbm>>
        %dma_wait3A_709 = tpu.memref_squeeze %dma_wait3A_708 : memref<1x2048xf32, #tpu.memory_space<hbm>> -> memref<2048xf32, #tpu.memory_space<hbm>>
        %dma_wait3A_710 = tpu.memref_slice %arg8[%mul3A_2, %sub3A_699] : memref<64x43008xf32, #tpu.memory_space<hbm>> -> memref<1x2048xf32, #tpu.memory_space<hbm>>
        %dma_wait3A_711 = tpu.memref_squeeze %dma_wait3A_710 : memref<1x2048xf32, #tpu.memory_space<hbm>> -> memref<2048xf32, #tpu.memory_space<hbm>>
        tpu.wait_dma2 semaphore(%arg40 : memref<!tpu.dma_semaphore, #tpu.memory_space<semaphore_mem>>) src(%arg34 : memref<2048xf32, #tpu.memory_space<vmem>>) dst(%dma_wait3A_711 : memref<2048xf32, #tpu.memory_space<hbm>>)
        %dma_wait3A_712 = tpu.memref_slice %arg5[%add3A_4, %sub3A_699] : memref<64x43008xf32, #tpu.memory_space<hbm>> -> memref<1x2048xf32, #tpu.memory_space<hbm>>
        %dma_wait3A_713 = tpu.memref_squeeze %dma_wait3A_712 : memref<1x2048xf32, #tpu.memory_space<hbm>> -> memref<2048xf32, #tpu.memory_space<hbm>>
        %dma_wait3A_714 = tpu.memref_slice %arg5[%add3A_4, %sub3A_699] : memref<64x43008xf32, #tpu.memory_space<hbm>> -> memref<1x2048xf32, #tpu.memory_space<hbm>>
        %dma_wait3A_715 = tpu.memref_squeeze %dma_wait3A_714 : memref<1x2048xf32, #tpu.memory_space<hbm>> -> memref<2048xf32, #tpu.memory_space<hbm>>
        tpu.wait_dma2 semaphore(%arg40 : memref<!tpu.dma_semaphore, #tpu.memory_space<semaphore_mem>>) src(%arg31 : memref<2048xf32, #tpu.memory_space<vmem>>) dst(%dma_wait3A_715 : memref<2048xf32, #tpu.memory_space<hbm>>)
        %dma_wait3A_716 = tpu.memref_slice %arg7[%add3A_4, %sub3A_699] : memref<64x43008xf32, #tpu.memory_space<hbm>> -> memref<1x2048xf32, #tpu.memory_space<hbm>>
        %dma_wait3A_717 = tpu.memref_squeeze %dma_wait3A_716 : memref<1x2048xf32, #tpu.memory_space<hbm>> -> memref<2048xf32, #tpu.memory_space<hbm>>
        %dma_wait3A_718 = tpu.memref_slice %arg7[%add3A_4, %sub3A_699] : memref<64x43008xf32, #tpu.memory_space<hbm>> -> memref<1x2048xf32, #tpu.memory_space<hbm>>
        %dma_wait3A_719 = tpu.memref_squeeze %dma_wait3A_718 : memref<1x2048xf32, #tpu.memory_space<hbm>> -> memref<2048xf32, #tpu.memory_space<hbm>>
        tpu.wait_dma2 semaphore(%arg40 : memref<!tpu.dma_semaphore, #tpu.memory_space<semaphore_mem>>) src(%arg33 : memref<2048xf32, #tpu.memory_space<vmem>>) dst(%dma_wait3A_719 : memref<2048xf32, #tpu.memory_space<hbm>>)
        %dma_wait3A_720 = tpu.memref_slice %arg8[%add3A_4, %sub3A_699] : memref<64x43008xf32, #tpu.memory_space<hbm>> -> memref<1x2048xf32, #tpu.memory_space<hbm>>
        %dma_wait3A_721 = tpu.memref_squeeze %dma_wait3A_720 : memref<1x2048xf32, #tpu.memory_space<hbm>> -> memref<2048xf32, #tpu.memory_space<hbm>>
        %dma_wait3A_722 = tpu.memref_slice %arg8[%add3A_4, %sub3A_699] : memref<64x43008xf32, #tpu.memory_space<hbm>> -> memref<1x2048xf32, #tpu.memory_space<hbm>>
        %dma_wait3A_723 = tpu.memref_squeeze %dma_wait3A_722 : memref<1x2048xf32, #tpu.memory_space<hbm>> -> memref<2048xf32, #tpu.memory_space<hbm>>
        tpu.wait_dma2 semaphore(%arg40 : memref<!tpu.dma_semaphore, #tpu.memory_space<semaphore_mem>>) src(%arg35 : memref<2048xf32, #tpu.memory_space<vmem>>) dst(%dma_wait3A_723 : memref<2048xf32, #tpu.memory_space<hbm>>)
      } else {
      }
      %parallel_loop3A_665 = arith.constant 0 : i32
      %parallel_loop3A_666 = arith.constant 128 : i32
      %parallel_loop3A_667 = arith.constant 1 : i32
      %parallel_loop3A_668:2 = scf.for %parallel_loop3A_698 = %parallel_loop3A_665 to %parallel_loop3A_666 step %parallel_loop3A_667 iter_args(%parallel_loop3A_699 = %parallel_loop3A_600#0, %parallel_loop3A_700 = %parallel_loop3A_600#1) -> (vector<16xf32>, vector<16xf32>)  : i32 {
        %parallel_loop3A_701 = arith.constant 16 : i32
        %parallel_loop3A_702 = arith.muli %parallel_loop3A_698, %parallel_loop3A_701 : i32
        %parallel_loop3A_703 = tpu.assume_multiple %parallel_loop3A_702, 16 : i32
        %parallel_loop3A_704 = arith.index_cast %parallel_loop3A_703 : i32 to index
        %parallel_loop3A_705 = tpu.vector_load %arg19[%parallel_loop3A_704] {strides = array<i32>} : memref<2048xi32, #tpu.memory_space<vmem>>, vector<16xi32>,
        %parallel_loop3A_706 = vector.broadcast %scan3A : i32 to vector<16xi32>
        %parallel_loop3A_707 = arith.andi %parallel_loop3A_705, %parallel_loop3A_706 : vector<16xi32>
        %parallel_loop3A_708 = arith.constant dense<-1> : vector<16xi32>
        %parallel_loop3A_709 = arith.xori %parallel_loop3A_705, %parallel_loop3A_708 : vector<16xi32>
        %parallel_loop3A_710 = vector.broadcast %scan3A_82 : i32 to vector<16xi32>
        %parallel_loop3A_711 = arith.andi %parallel_loop3A_709, %parallel_loop3A_710 : vector<16xi32>
        %parallel_loop3A_712 = vector.broadcast %scan3A_83 : i32 to vector<16xi32>
        %parallel_loop3A_713 = arith.ori %parallel_loop3A_711, %parallel_loop3A_712 : vector<16xi32>
        %parallel_loop3A_714 = vector.bitcast %parallel_loop3A_713 : vector<16xi32> to vector<16xf32>
        %parallel_loop3A_715 = arith.index_cast %parallel_loop3A_703 : i32 to index
        %parallel_loop3A_716 = tpu.vector_load %arg20[%parallel_loop3A_715] {strides = array<i32>} : memref<2048xi32, #tpu.memory_space<vmem>>, vector<16xi32>,
        %parallel_loop3A_717 = vector.broadcast %scan3A : i32 to vector<16xi32>
        %parallel_loop3A_718 = arith.andi %parallel_loop3A_716, %parallel_loop3A_717 : vector<16xi32>
        %parallel_loop3A_719 = arith.constant dense<-1> : vector<16xi32>
        %parallel_loop3A_720 = arith.xori %parallel_loop3A_716, %parallel_loop3A_719 : vector<16xi32>
        %parallel_loop3A_721 = vector.broadcast %scan3A_82 : i32 to vector<16xi32>
        %parallel_loop3A_722 = arith.andi %parallel_loop3A_720, %parallel_loop3A_721 : vector<16xi32>
        %parallel_loop3A_723 = vector.broadcast %scan3A_83 : i32 to vector<16xi32>
        %parallel_loop3A_724 = arith.ori %parallel_loop3A_722, %parallel_loop3A_723 : vector<16xi32>
        %parallel_loop3A_725 = vector.bitcast %parallel_loop3A_724 : vector<16xi32> to vector<16xf32>
        %parallel_loop3A_726 = arith.index_cast %parallel_loop3A_703 : i32 to index
        %parallel_loop3A_727 = tpu.vector_load %arg21[%parallel_loop3A_726] {strides = array<i32>} : memref<2048xi32, #tpu.memory_space<vmem>>, vector<16xi32>,
        %parallel_loop3A_728 = vector.broadcast %scan3A : i32 to vector<16xi32>
        %parallel_loop3A_729 = arith.andi %parallel_loop3A_727, %parallel_loop3A_728 : vector<16xi32>
        %parallel_loop3A_730 = arith.constant dense<-1> : vector<16xi32>
        %parallel_loop3A_731 = arith.xori %parallel_loop3A_727, %parallel_loop3A_730 : vector<16xi32>
        %parallel_loop3A_732 = vector.broadcast %scan3A_82 : i32 to vector<16xi32>
        %parallel_loop3A_733 = arith.andi %parallel_loop3A_731, %parallel_loop3A_732 : vector<16xi32>
        %parallel_loop3A_734 = vector.broadcast %scan3A_83 : i32 to vector<16xi32>
        %parallel_loop3A_735 = arith.ori %parallel_loop3A_733, %parallel_loop3A_734 : vector<16xi32>
        %parallel_loop3A_736 = vector.bitcast %parallel_loop3A_735 : vector<16xi32> to vector<16xf32>
        %parallel_loop3A_737 = tpu.vector_load_idx %arg10[%parallel_loop3A_707] : memref<10000xf32, #tpu.memory_space<vmem>>[vector<16xi32>], vector<16xf32>,
        %parallel_loop3A_738 = tpu.vector_load_idx %arg10[%parallel_loop3A_718] : memref<10000xf32, #tpu.memory_space<vmem>>[vector<16xi32>], vector<16xf32>,
        %parallel_loop3A_739 = tpu.vector_load_idx %arg10[%parallel_loop3A_729] : memref<10000xf32, #tpu.memory_space<vmem>>[vector<16xi32>], vector<16xf32>,
        %parallel_loop3A_740 = arith.mulf %parallel_loop3A_714, %parallel_loop3A_737 : vector<16xf32>
        %parallel_loop3A_741 = arith.constant 1.000000e+00 : f32
        %parallel_loop3A_742 = vector.broadcast %parallel_loop3A_741 : f32 to vector<16xf32>
        %parallel_loop3A_743 = arith.subf %parallel_loop3A_742, %parallel_loop3A_740 : vector<16xf32>
        %parallel_loop3A_744 = arith.mulf %parallel_loop3A_725, %parallel_loop3A_738 : vector<16xf32>
        %parallel_loop3A_745 = arith.constant 1.000000e+00 : f32
        %parallel_loop3A_746 = vector.broadcast %parallel_loop3A_745 : f32 to vector<16xf32>
        %parallel_loop3A_747 = arith.subf %parallel_loop3A_746, %parallel_loop3A_744 : vector<16xf32>
        %parallel_loop3A_748 = arith.mulf %parallel_loop3A_736, %parallel_loop3A_739 : vector<16xf32>
        %parallel_loop3A_749 = arith.constant 1.000000e+00 : f32
        %parallel_loop3A_750 = vector.broadcast %parallel_loop3A_749 : f32 to vector<16xf32>
        %parallel_loop3A_751 = arith.subf %parallel_loop3A_750, %parallel_loop3A_748 : vector<16xf32>
        %parallel_loop3A_752 = arith.minimumf %parallel_loop3A_743, %parallel_loop3A_747 : vector<16xf32>
        %parallel_loop3A_753 = arith.minimumf %parallel_loop3A_747, %parallel_loop3A_751 : vector<16xf32>
        %parallel_loop3A_754 = arith.minimumf %parallel_loop3A_743, %parallel_loop3A_751 : vector<16xf32>
        %parallel_loop3A_755 = arith.minimumf %parallel_loop3A_752, %parallel_loop3A_751 : vector<16xf32>
        %parallel_loop3A_756 = arith.constant 5.000000e-01 : f32
        %parallel_loop3A_757 = vector.broadcast %parallel_loop3A_756 : f32 to vector<16xf32>
        %parallel_loop3A_758 = arith.mulf %parallel_loop3A_757, %parallel_loop3A_755 : vector<16xf32>
        %parallel_loop3A_759 = arith.cmpf ole, %parallel_loop3A_743, %parallel_loop3A_747 : vector<16xf32>
        %parallel_loop3A_760 = arith.cmpf ole, %parallel_loop3A_743, %parallel_loop3A_751 : vector<16xf32>
        %parallel_loop3A_761 = arith.andi %parallel_loop3A_759, %parallel_loop3A_760 : vector<16xi1>
        %parallel_loop3A_762 = arith.cmpf olt, %parallel_loop3A_747, %parallel_loop3A_743 : vector<16xf32>
        %parallel_loop3A_763 = arith.cmpf ole, %parallel_loop3A_747, %parallel_loop3A_751 : vector<16xf32>
        %parallel_loop3A_764 = arith.andi %parallel_loop3A_762, %parallel_loop3A_763 : vector<16xi1>
        %parallel_loop3A_765 = arith.cmpf olt, %parallel_loop3A_751, %parallel_loop3A_743 : vector<16xf32>
        %parallel_loop3A_766 = arith.cmpf olt, %parallel_loop3A_751, %parallel_loop3A_747 : vector<16xf32>
        %parallel_loop3A_767 = arith.andi %parallel_loop3A_765, %parallel_loop3A_766 : vector<16xi1>
        %parallel_loop3A_768 = arith.subf %parallel_loop3A_714, %parallel_loop3A_737 : vector<16xf32>
        %parallel_loop3A_769 = arith.constant 5.000000e-01 : f32
        %parallel_loop3A_770 = vector.broadcast %parallel_loop3A_769 : f32 to vector<16xf32>
        %parallel_loop3A_771 = arith.mulf %parallel_loop3A_770, %parallel_loop3A_768 : vector<16xf32>
        %parallel_loop3A_772 = arith.constant 0.000000e+00 : f32
        %parallel_loop3A_773 = vector.broadcast %parallel_loop3A_772 : f32 to vector<16xf32>
        %parallel_loop3A_774 = arith.select %parallel_loop3A_761, %parallel_loop3A_771, %parallel_loop3A_773 : vector<16xi1>, vector<16xf32>
        %parallel_loop3A_775 = arith.subf %parallel_loop3A_725, %parallel_loop3A_738 : vector<16xf32>
        %parallel_loop3A_776 = arith.constant 5.000000e-01 : f32
        %parallel_loop3A_777 = vector.broadcast %parallel_loop3A_776 : f32 to vector<16xf32>
        %parallel_loop3A_778 = arith.mulf %parallel_loop3A_777, %parallel_loop3A_775 : vector<16xf32>
        %parallel_loop3A_779 = arith.constant 0.000000e+00 : f32
        %parallel_loop3A_780 = vector.broadcast %parallel_loop3A_779 : f32 to vector<16xf32>
        %parallel_loop3A_781 = arith.select %parallel_loop3A_764, %parallel_loop3A_778, %parallel_loop3A_780 : vector<16xi1>, vector<16xf32>
        %parallel_loop3A_782 = arith.subf %parallel_loop3A_736, %parallel_loop3A_739 : vector<16xf32>
        %parallel_loop3A_783 = arith.constant 5.000000e-01 : f32
        %parallel_loop3A_784 = vector.broadcast %parallel_loop3A_783 : f32 to vector<16xf32>
        %parallel_loop3A_785 = arith.mulf %parallel_loop3A_784, %parallel_loop3A_782 : vector<16xf32>
        %parallel_loop3A_786 = arith.constant 0.000000e+00 : f32
        %parallel_loop3A_787 = vector.broadcast %parallel_loop3A_786 : f32 to vector<16xf32>
        %parallel_loop3A_788 = arith.select %parallel_loop3A_767, %parallel_loop3A_785, %parallel_loop3A_787 : vector<16xi1>, vector<16xf32>
        %parallel_loop3A_789 = arith.index_cast %parallel_loop3A_703 : i32 to index
        %parallel_loop3A_790 = tpu.vector_load %arg22[%parallel_loop3A_789] {strides = array<i32>} : memref<2048xf32, #tpu.memory_space<vmem>>, vector<16xf32>,
        %parallel_loop3A_791 = arith.constant 1.000000e+00 : f32
        %parallel_loop3A_792 = vector.broadcast %parallel_loop3A_791 : f32 to vector<16xf32>
        %parallel_loop3A_793 = arith.subf %parallel_loop3A_792, %parallel_loop3A_790 : vector<16xf32>
        %parallel_loop3A_794 = arith.constant 1.100000e+00 : f32
        %parallel_loop3A_795 = vector.broadcast %parallel_loop3A_794 : f32 to vector<16xf32>
        %parallel_loop3A_796 = arith.mulf %parallel_loop3A_795, %parallel_loop3A_793 : vector<16xf32>
        %parallel_loop3A_797 = arith.constant 5.000000e-01 : f32
        %parallel_loop3A_798 = vector.broadcast %parallel_loop3A_797 : f32 to vector<16xf32>
        %parallel_loop3A_799 = arith.mulf %parallel_loop3A_798, %parallel_loop3A_714 : vector<16xf32>
        %parallel_loop3A_800 = arith.mulf %parallel_loop3A_799, %parallel_loop3A_753 : vector<16xf32>
        %parallel_loop3A_801 = arith.mulf %parallel_loop3A_790, %parallel_loop3A_800 : vector<16xf32>
        %parallel_loop3A_802 = arith.mulf %parallel_loop3A_796, %parallel_loop3A_774 : vector<16xf32>
        %parallel_loop3A_803 = arith.addf %parallel_loop3A_801, %parallel_loop3A_802 : vector<16xf32>
        %parallel_loop3A_804 = arith.constant 5.000000e-01 : f32
        %parallel_loop3A_805 = vector.broadcast %parallel_loop3A_804 : f32 to vector<16xf32>
        %parallel_loop3A_806 = arith.mulf %parallel_loop3A_805, %parallel_loop3A_725 : vector<16xf32>
        %parallel_loop3A_807 = arith.mulf %parallel_loop3A_806, %parallel_loop3A_754 : vector<16xf32>
        %parallel_loop3A_808 = arith.mulf %parallel_loop3A_790, %parallel_loop3A_807 : vector<16xf32>
        %parallel_loop3A_809 = arith.mulf %parallel_loop3A_796, %parallel_loop3A_781 : vector<16xf32>
        %parallel_loop3A_810 = arith.addf %parallel_loop3A_808, %parallel_loop3A_809 : vector<16xf32>
        %parallel_loop3A_811 = arith.constant 5.000000e-01 : f32
        %parallel_loop3A_812 = vector.broadcast %parallel_loop3A_811 : f32 to vector<16xf32>
        %parallel_loop3A_813 = arith.mulf %parallel_loop3A_812, %parallel_loop3A_736 : vector<16xf32>
        %parallel_loop3A_814 = arith.mulf %parallel_loop3A_813, %parallel_loop3A_752 : vector<16xf32>
        %parallel_loop3A_815 = arith.mulf %parallel_loop3A_790, %parallel_loop3A_814 : vector<16xf32>
        %parallel_loop3A_816 = arith.mulf %parallel_loop3A_796, %parallel_loop3A_788 : vector<16xf32>
        %parallel_loop3A_817 = arith.addf %parallel_loop3A_815, %parallel_loop3A_816 : vector<16xf32>
        tpu.vector_store_idx %arg12[%parallel_loop3A_707], %parallel_loop3A_803 {add = true} : memref<10000xf32, #tpu.memory_space<vmem>>[vector<16xi32>], vector<16xf32>,
        tpu.vector_store_idx %arg12[%parallel_loop3A_718], %parallel_loop3A_810 {add = true} : memref<10000xf32, #tpu.memory_space<vmem>>[vector<16xi32>], vector<16xf32>,
        tpu.vector_store_idx %arg12[%parallel_loop3A_729], %parallel_loop3A_817 {add = true} : memref<10000xf32, #tpu.memory_space<vmem>>[vector<16xi32>], vector<16xf32>,
        %parallel_loop3A_818 = arith.index_cast %parallel_loop3A_703 : i32 to index
        %parallel_loop3A_819 = tpu.vector_load %arg30[%parallel_loop3A_818] {strides = array<i32>} : memref<2048xf32, #tpu.memory_space<vmem>>, vector<16xf32>,
        tpu.vector_store %arg30[%parallel_loop3A_818], %parallel_loop3A_758 {strides = array<i32>} : memref<2048xf32, #tpu.memory_space<vmem>>, vector<16xf32>,
        %parallel_loop3A_820 = arith.constant 1.000000e-03 : f32
        %parallel_loop3A_821 = vector.broadcast %parallel_loop3A_820 : f32 to vector<16xf32>
        %parallel_loop3A_822 = arith.addf %parallel_loop3A_790, %parallel_loop3A_821 : vector<16xf32>
        %parallel_loop3A_823 = arith.constant 2.000000e+01 : f32
        %parallel_loop3A_824 = vector.broadcast %parallel_loop3A_823 : f32 to vector<16xf32>
        %parallel_loop3A_825 = arith.mulf %parallel_loop3A_824, %parallel_loop3A_822 : vector<16xf32>
        %parallel_loop3A_826 = arith.constant 2.500000e-01 : f32
        %parallel_loop3A_827 = vector.broadcast %parallel_loop3A_826 : f32 to vector<16xf32>
        %parallel_loop3A_828 = arith.subf %parallel_loop3A_758, %parallel_loop3A_827 : vector<16xf32>
        %parallel_loop3A_829 = arith.mulf %parallel_loop3A_825, %parallel_loop3A_828 : vector<16xf32>
        %parallel_loop3A_830 = arith.index_cast %parallel_loop3A_703 : i32 to index
        %parallel_loop3A_831 = tpu.vector_load %arg32[%parallel_loop3A_830] {strides = array<i32>} : memref<2048xf32, #tpu.memory_space<vmem>>, vector<16xf32>,
        tpu.vector_store %arg32[%parallel_loop3A_830], %parallel_loop3A_829 {strides = array<i32>} : memref<2048xf32, #tpu.memory_space<vmem>>, vector<16xf32>,
        %parallel_loop3A_832 = arith.constant 5.000000e-02 : f32
        %parallel_loop3A_833 = vector.broadcast %parallel_loop3A_832 : f32 to vector<16xf32>
        %parallel_loop3A_834 = arith.subf %parallel_loop3A_758, %parallel_loop3A_833 : vector<16xf32>
        %parallel_loop3A_835 = arith.constant 5.000000e+00 : f32
        %parallel_loop3A_836 = vector.broadcast %parallel_loop3A_835 : f32 to vector<16xf32>
        %parallel_loop3A_837 = arith.mulf %parallel_loop3A_836, %parallel_loop3A_834 : vector<16xf32>
        %parallel_loop3A_838 = arith.index_cast %parallel_loop3A_703 : i32 to index
        %parallel_loop3A_839 = tpu.vector_load %arg34[%parallel_loop3A_838] {strides = array<i32>} : memref<2048xf32, #tpu.memory_space<vmem>>, vector<16xf32>,
        tpu.vector_store %arg34[%parallel_loop3A_838], %parallel_loop3A_837 {strides = array<i32>} : memref<2048xf32, #tpu.memory_space<vmem>>, vector<16xf32>,
        %parallel_loop3A_840 = arith.maximumf %parallel_loop3A_699, %parallel_loop3A_758 : vector<16xf32>
        %parallel_loop3A_841 = tpu.vector_load_idx %arg11[%parallel_loop3A_707] : memref<10000xf32, #tpu.memory_space<vmem>>[vector<16xi32>], vector<16xf32>,
        %parallel_loop3A_842 = tpu.vector_load_idx %arg11[%parallel_loop3A_718] : memref<10000xf32, #tpu.memory_space<vmem>>[vector<16xi32>], vector<16xf32>,
        %parallel_loop3A_843 = tpu.vector_load_idx %arg11[%parallel_loop3A_729] : memref<10000xf32, #tpu.memory_space<vmem>>[vector<16xi32>], vector<16xf32>,
        %parallel_loop3A_844 = arith.mulf %parallel_loop3A_714, %parallel_loop3A_841 : vector<16xf32>
        %parallel_loop3A_845 = arith.constant 1.000000e+00 : f32
        %parallel_loop3A_846 = vector.broadcast %parallel_loop3A_845 : f32 to vector<16xf32>
        %parallel_loop3A_847 = arith.subf %parallel_loop3A_846, %parallel_loop3A_844 : vector<16xf32>
        %parallel_loop3A_848 = arith.mulf %parallel_loop3A_725, %parallel_loop3A_842 : vector<16xf32>
        %parallel_loop3A_849 = arith.constant 1.000000e+00 : f32
        %parallel_loop3A_850 = vector.broadcast %parallel_loop3A_849 : f32 to vector<16xf32>
        %parallel_loop3A_851 = arith.subf %parallel_loop3A_850, %parallel_loop3A_848 : vector<16xf32>
        %parallel_loop3A_852 = arith.mulf %parallel_loop3A_736, %parallel_loop3A_843 : vector<16xf32>
        %parallel_loop3A_853 = arith.constant 1.000000e+00 : f32
        %parallel_loop3A_854 = vector.broadcast %parallel_loop3A_853 : f32 to vector<16xf32>
        %parallel_loop3A_855 = arith.subf %parallel_loop3A_854, %parallel_loop3A_852 : vector<16xf32>
        %parallel_loop3A_856 = arith.minimumf %parallel_loop3A_847, %parallel_loop3A_851 : vector<16xf32>
        %parallel_loop3A_857 = arith.minimumf %parallel_loop3A_851, %parallel_loop3A_855 : vector<16xf32>
        %parallel_loop3A_858 = arith.minimumf %parallel_loop3A_847, %parallel_loop3A_855 : vector<16xf32>
        %parallel_loop3A_859 = arith.minimumf %parallel_loop3A_856, %parallel_loop3A_855 : vector<16xf32>
        %parallel_loop3A_860 = arith.constant 5.000000e-01 : f32
        %parallel_loop3A_861 = vector.broadcast %parallel_loop3A_860 : f32 to vector<16xf32>
        %parallel_loop3A_862 = arith.mulf %parallel_loop3A_861, %parallel_loop3A_859 : vector<16xf32>
        %parallel_loop3A_863 = arith.cmpf ole, %parallel_loop3A_847, %parallel_loop3A_851 : vector<16xf32>
        %parallel_loop3A_864 = arith.cmpf ole, %parallel_loop3A_847, %parallel_loop3A_855 : vector<16xf32>
        %parallel_loop3A_865 = arith.andi %parallel_loop3A_863, %parallel_loop3A_864 : vector<16xi1>
        %parallel_loop3A_866 = arith.cmpf olt, %parallel_loop3A_851, %parallel_loop3A_847 : vector<16xf32>
        %parallel_loop3A_867 = arith.cmpf ole, %parallel_loop3A_851, %parallel_loop3A_855 : vector<16xf32>
        %parallel_loop3A_868 = arith.andi %parallel_loop3A_866, %parallel_loop3A_867 : vector<16xi1>
        %parallel_loop3A_869 = arith.cmpf olt, %parallel_loop3A_855, %parallel_loop3A_847 : vector<16xf32>
        %parallel_loop3A_870 = arith.cmpf olt, %parallel_loop3A_855, %parallel_loop3A_851 : vector<16xf32>
        %parallel_loop3A_871 = arith.andi %parallel_loop3A_869, %parallel_loop3A_870 : vector<16xi1>
        %parallel_loop3A_872 = arith.subf %parallel_loop3A_714, %parallel_loop3A_841 : vector<16xf32>
        %parallel_loop3A_873 = arith.constant 5.000000e-01 : f32
        %parallel_loop3A_874 = vector.broadcast %parallel_loop3A_873 : f32 to vector<16xf32>
        %parallel_loop3A_875 = arith.mulf %parallel_loop3A_874, %parallel_loop3A_872 : vector<16xf32>
        %parallel_loop3A_876 = arith.constant 0.000000e+00 : f32
        %parallel_loop3A_877 = vector.broadcast %parallel_loop3A_876 : f32 to vector<16xf32>
        %parallel_loop3A_878 = arith.select %parallel_loop3A_865, %parallel_loop3A_875, %parallel_loop3A_877 : vector<16xi1>, vector<16xf32>
        %parallel_loop3A_879 = arith.subf %parallel_loop3A_725, %parallel_loop3A_842 : vector<16xf32>
        %parallel_loop3A_880 = arith.constant 5.000000e-01 : f32
        %parallel_loop3A_881 = vector.broadcast %parallel_loop3A_880 : f32 to vector<16xf32>
        %parallel_loop3A_882 = arith.mulf %parallel_loop3A_881, %parallel_loop3A_879 : vector<16xf32>
        %parallel_loop3A_883 = arith.constant 0.000000e+00 : f32
        %parallel_loop3A_884 = vector.broadcast %parallel_loop3A_883 : f32 to vector<16xf32>
        %parallel_loop3A_885 = arith.select %parallel_loop3A_868, %parallel_loop3A_882, %parallel_loop3A_884 : vector<16xi1>, vector<16xf32>
        %parallel_loop3A_886 = arith.subf %parallel_loop3A_736, %parallel_loop3A_843 : vector<16xf32>
        %parallel_loop3A_887 = arith.constant 5.000000e-01 : f32
        %parallel_loop3A_888 = vector.broadcast %parallel_loop3A_887 : f32 to vector<16xf32>
        %parallel_loop3A_889 = arith.mulf %parallel_loop3A_888, %parallel_loop3A_886 : vector<16xf32>
        %parallel_loop3A_890 = arith.constant 0.000000e+00 : f32
        %parallel_loop3A_891 = vector.broadcast %parallel_loop3A_890 : f32 to vector<16xf32>
        %parallel_loop3A_892 = arith.select %parallel_loop3A_871, %parallel_loop3A_889, %parallel_loop3A_891 : vector<16xi1>, vector<16xf32>
        %parallel_loop3A_893 = arith.index_cast %parallel_loop3A_703 : i32 to index
        %parallel_loop3A_894 = tpu.vector_load %arg23[%parallel_loop3A_893] {strides = array<i32>} : memref<2048xf32, #tpu.memory_space<vmem>>, vector<16xf32>,
        %parallel_loop3A_895 = arith.constant 1.000000e+00 : f32
        %parallel_loop3A_896 = vector.broadcast %parallel_loop3A_895 : f32 to vector<16xf32>
        %parallel_loop3A_897 = arith.subf %parallel_loop3A_896, %parallel_loop3A_894 : vector<16xf32>
        %parallel_loop3A_898 = arith.constant 1.100000e+00 : f32
        %parallel_loop3A_899 = vector.broadcast %parallel_loop3A_898 : f32 to vector<16xf32>
        %parallel_loop3A_900 = arith.mulf %parallel_loop3A_899, %parallel_loop3A_897 : vector<16xf32>
        %parallel_loop3A_901 = arith.constant 5.000000e-01 : f32
        %parallel_loop3A_902 = vector.broadcast %parallel_loop3A_901 : f32 to vector<16xf32>
        %parallel_loop3A_903 = arith.mulf %parallel_loop3A_902, %parallel_loop3A_714 : vector<16xf32>
        %parallel_loop3A_904 = arith.mulf %parallel_loop3A_903, %parallel_loop3A_857 : vector<16xf32>
        %parallel_loop3A_905 = arith.mulf %parallel_loop3A_894, %parallel_loop3A_904 : vector<16xf32>
        %parallel_loop3A_906 = arith.mulf %parallel_loop3A_900, %parallel_loop3A_878 : vector<16xf32>
        %parallel_loop3A_907 = arith.addf %parallel_loop3A_905, %parallel_loop3A_906 : vector<16xf32>
        %parallel_loop3A_908 = arith.constant 5.000000e-01 : f32
        %parallel_loop3A_909 = vector.broadcast %parallel_loop3A_908 : f32 to vector<16xf32>
        %parallel_loop3A_910 = arith.mulf %parallel_loop3A_909, %parallel_loop3A_725 : vector<16xf32>
        %parallel_loop3A_911 = arith.mulf %parallel_loop3A_910, %parallel_loop3A_858 : vector<16xf32>
        %parallel_loop3A_912 = arith.mulf %parallel_loop3A_894, %parallel_loop3A_911 : vector<16xf32>
        %parallel_loop3A_913 = arith.mulf %parallel_loop3A_900, %parallel_loop3A_885 : vector<16xf32>
        %parallel_loop3A_914 = arith.addf %parallel_loop3A_912, %parallel_loop3A_913 : vector<16xf32>
        %parallel_loop3A_915 = arith.constant 5.000000e-01 : f32
        %parallel_loop3A_916 = vector.broadcast %parallel_loop3A_915 : f32 to vector<16xf32>
        %parallel_loop3A_917 = arith.mulf %parallel_loop3A_916, %parallel_loop3A_736 : vector<16xf32>
        %parallel_loop3A_918 = arith.mulf %parallel_loop3A_917, %parallel_loop3A_856 : vector<16xf32>
        %parallel_loop3A_919 = arith.mulf %parallel_loop3A_894, %parallel_loop3A_918 : vector<16xf32>
        %parallel_loop3A_920 = arith.mulf %parallel_loop3A_900, %parallel_loop3A_892 : vector<16xf32>
        %parallel_loop3A_921 = arith.addf %parallel_loop3A_919, %parallel_loop3A_920 : vector<16xf32>
        tpu.vector_store_idx %arg13[%parallel_loop3A_707], %parallel_loop3A_907 {add = true} : memref<10000xf32, #tpu.memory_space<vmem>>[vector<16xi32>], vector<16xf32>,
        tpu.vector_store_idx %arg13[%parallel_loop3A_718], %parallel_loop3A_914 {add = true} : memref<10000xf32, #tpu.memory_space<vmem>>[vector<16xi32>], vector<16xf32>,
        tpu.vector_store_idx %arg13[%parallel_loop3A_729], %parallel_loop3A_921 {add = true} : memref<10000xf32, #tpu.memory_space<vmem>>[vector<16xi32>], vector<16xf32>,
        %parallel_loop3A_922 = arith.index_cast %parallel_loop3A_703 : i32 to index
        %parallel_loop3A_923 = tpu.vector_load %arg31[%parallel_loop3A_922] {strides = array<i32>} : memref<2048xf32, #tpu.memory_space<vmem>>, vector<16xf32>,
        tpu.vector_store %arg31[%parallel_loop3A_922], %parallel_loop3A_862 {strides = array<i32>} : memref<2048xf32, #tpu.memory_space<vmem>>, vector<16xf32>,
        %parallel_loop3A_924 = arith.constant 1.000000e-03 : f32
        %parallel_loop3A_925 = vector.broadcast %parallel_loop3A_924 : f32 to vector<16xf32>
        %parallel_loop3A_926 = arith.addf %parallel_loop3A_894, %parallel_loop3A_925 : vector<16xf32>
        %parallel_loop3A_927 = arith.constant 2.000000e+01 : f32
        %parallel_loop3A_928 = vector.broadcast %parallel_loop3A_927 : f32 to vector<16xf32>
        %parallel_loop3A_929 = arith.mulf %parallel_loop3A_928, %parallel_loop3A_926 : vector<16xf32>
        %parallel_loop3A_930 = arith.constant 2.500000e-01 : f32
        %parallel_loop3A_931 = vector.broadcast %parallel_loop3A_930 : f32 to vector<16xf32>
        %parallel_loop3A_932 = arith.subf %parallel_loop3A_862, %parallel_loop3A_931 : vector<16xf32>
        %parallel_loop3A_933 = arith.mulf %parallel_loop3A_929, %parallel_loop3A_932 : vector<16xf32>
        %parallel_loop3A_934 = arith.index_cast %parallel_loop3A_703 : i32 to index
        %parallel_loop3A_935 = tpu.vector_load %arg33[%parallel_loop3A_934] {strides = array<i32>} : memref<2048xf32, #tpu.memory_space<vmem>>, vector<16xf32>,
        tpu.vector_store %arg33[%parallel_loop3A_934], %parallel_loop3A_933 {strides = array<i32>} : memref<2048xf32, #tpu.memory_space<vmem>>, vector<16xf32>,
        %parallel_loop3A_936 = arith.constant 5.000000e-02 : f32
        %parallel_loop3A_937 = vector.broadcast %parallel_loop3A_936 : f32 to vector<16xf32>
        %parallel_loop3A_938 = arith.subf %parallel_loop3A_862, %parallel_loop3A_937 : vector<16xf32>
        %parallel_loop3A_939 = arith.constant 5.000000e+00 : f32
        %parallel_loop3A_940 = vector.broadcast %parallel_loop3A_939 : f32 to vector<16xf32>
        %parallel_loop3A_941 = arith.mulf %parallel_loop3A_940, %parallel_loop3A_938 : vector<16xf32>
        %parallel_loop3A_942 = arith.index_cast %parallel_loop3A_703 : i32 to index
        %parallel_loop3A_943 = tpu.vector_load %arg35[%parallel_loop3A_942] {strides = array<i32>} : memref<2048xf32, #tpu.memory_space<vmem>>, vector<16xf32>,
        tpu.vector_store %arg35[%parallel_loop3A_942], %parallel_loop3A_941 {strides = array<i32>} : memref<2048xf32, #tpu.memory_space<vmem>>, vector<16xf32>,
        %parallel_loop3A_944 = arith.maximumf %parallel_loop3A_700, %parallel_loop3A_862 : vector<16xf32>
        scf.yield %parallel_loop3A_840, %parallel_loop3A_944 : vector<16xf32>, vector<16xf32>
      } {sc.loop_unroll_factor = 4 : i64, sc.parallel_access}
      %dma_start3A_669 = tpu.memref_slice %arg5[%mul3A_2, %add3A_564] : memref<64x43008xf32, #tpu.memory_space<hbm>> -> memref<1x2048xf32, #tpu.memory_space<hbm>>
      %dma_start3A_670 = tpu.memref_squeeze %dma_start3A_669 : memref<1x2048xf32, #tpu.memory_space<hbm>> -> memref<2048xf32, #tpu.memory_space<hbm>>
      %dma_start3A_671 = tpu.memref_slice %arg5[%mul3A_2, %add3A_564] : memref<64x43008xf32, #tpu.memory_space<hbm>> -> memref<1x2048xf32, #tpu.memory_space<hbm>>
      %dma_start3A_672 = tpu.memref_squeeze %dma_start3A_671 : memref<1x2048xf32, #tpu.memory_space<hbm>> -> memref<2048xf32, #tpu.memory_space<hbm>>
      tpu.enqueue_dma source(%arg30 : memref<2048xf32, #tpu.memory_space<vmem>>) target(%dma_start3A_672 : memref<2048xf32, #tpu.memory_space<hbm>>) target_semaphore(%arg40 : memref<!tpu.dma_semaphore, #tpu.memory_space<semaphore_mem>>)
      %dma_start3A_673 = tpu.memref_slice %arg7[%mul3A_2, %add3A_564] : memref<64x43008xf32, #tpu.memory_space<hbm>> -> memref<1x2048xf32, #tpu.memory_space<hbm>>
      %dma_start3A_674 = tpu.memref_squeeze %dma_start3A_673 : memref<1x2048xf32, #tpu.memory_space<hbm>> -> memref<2048xf32, #tpu.memory_space<hbm>>
      %dma_start3A_675 = tpu.memref_slice %arg7[%mul3A_2, %add3A_564] : memref<64x43008xf32, #tpu.memory_space<hbm>> -> memref<1x2048xf32, #tpu.memory_space<hbm>>
      %dma_start3A_676 = tpu.memref_squeeze %dma_start3A_675 : memref<1x2048xf32, #tpu.memory_space<hbm>> -> memref<2048xf32, #tpu.memory_space<hbm>>
      tpu.enqueue_dma source(%arg32 : memref<2048xf32, #tpu.memory_space<vmem>>) target(%dma_start3A_676 : memref<2048xf32, #tpu.memory_space<hbm>>) target_semaphore(%arg40 : memref<!tpu.dma_semaphore, #tpu.memory_space<semaphore_mem>>)
      %dma_start3A_677 = tpu.memref_slice %arg8[%mul3A_2, %add3A_564] : memref<64x43008xf32, #tpu.memory_space<hbm>> -> memref<1x2048xf32, #tpu.memory_space<hbm>>
      %dma_start3A_678 = tpu.memref_squeeze %dma_start3A_677 : memref<1x2048xf32, #tpu.memory_space<hbm>> -> memref<2048xf32, #tpu.memory_space<hbm>>
      %dma_start3A_679 = tpu.memref_slice %arg8[%mul3A_2, %add3A_564] : memref<64x43008xf32, #tpu.memory_space<hbm>> -> memref<1x2048xf32, #tpu.memory_space<hbm>>
      %dma_start3A_680 = tpu.memref_squeeze %dma_start3A_679 : memref<1x2048xf32, #tpu.memory_space<hbm>> -> memref<2048xf32, #tpu.memory_space<hbm>>
      tpu.enqueue_dma source(%arg34 : memref<2048xf32, #tpu.memory_space<vmem>>) target(%dma_start3A_680 : memref<2048xf32, #tpu.memory_space<hbm>>) target_semaphore(%arg40 : memref<!tpu.dma_semaphore, #tpu.memory_space<semaphore_mem>>)
      %dma_start3A_681 = tpu.memref_slice %arg5[%add3A_4, %add3A_564] : memref<64x43008xf32, #tpu.memory_space<hbm>> -> memref<1x2048xf32, #tpu.memory_space<hbm>>
      %dma_start3A_682 = tpu.memref_squeeze %dma_start3A_681 : memref<1x2048xf32, #tpu.memory_space<hbm>> -> memref<2048xf32, #tpu.memory_space<hbm>>
      %dma_start3A_683 = tpu.memref_slice %arg5[%add3A_4, %add3A_564] : memref<64x43008xf32, #tpu.memory_space<hbm>> -> memref<1x2048xf32, #tpu.memory_space<hbm>>
      %dma_start3A_684 = tpu.memref_squeeze %dma_start3A_683 : memref<1x2048xf32, #tpu.memory_space<hbm>> -> memref<2048xf32, #tpu.memory_space<hbm>>
      tpu.enqueue_dma source(%arg31 : memref<2048xf32, #tpu.memory_space<vmem>>) target(%dma_start3A_684 : memref<2048xf32, #tpu.memory_space<hbm>>) target_semaphore(%arg40 : memref<!tpu.dma_semaphore, #tpu.memory_space<semaphore_mem>>)
      %dma_start3A_685 = tpu.memref_slice %arg7[%add3A_4, %add3A_564] : memref<64x43008xf32, #tpu.memory_space<hbm>> -> memref<1x2048xf32, #tpu.memory_space<hbm>>
      %dma_start3A_686 = tpu.memref_squeeze %dma_start3A_685 : memref<1x2048xf32, #tpu.memory_space<hbm>> -> memref<2048xf32, #tpu.memory_space<hbm>>
      %dma_start3A_687 = tpu.memref_slice %arg7[%add3A_4, %add3A_564] : memref<64x43008xf32, #tpu.memory_space<hbm>> -> memref<1x2048xf32, #tpu.memory_space<hbm>>
      %dma_start3A_688 = tpu.memref_squeeze %dma_start3A_687 : memref<1x2048xf32, #tpu.memory_space<hbm>> -> memref<2048xf32, #tpu.memory_space<hbm>>
      tpu.enqueue_dma source(%arg33 : memref<2048xf32, #tpu.memory_space<vmem>>) target(%dma_start3A_688 : memref<2048xf32, #tpu.memory_space<hbm>>) target_semaphore(%arg40 : memref<!tpu.dma_semaphore, #tpu.memory_space<semaphore_mem>>)
      %dma_start3A_689 = tpu.memref_slice %arg8[%add3A_4, %add3A_564] : memref<64x43008xf32, #tpu.memory_space<hbm>> -> memref<1x2048xf32, #tpu.memory_space<hbm>>
      %dma_start3A_690 = tpu.memref_squeeze %dma_start3A_689 : memref<1x2048xf32, #tpu.memory_space<hbm>> -> memref<2048xf32, #tpu.memory_space<hbm>>
      %dma_start3A_691 = tpu.memref_slice %arg8[%add3A_4, %add3A_564] : memref<64x43008xf32, #tpu.memory_space<hbm>> -> memref<1x2048xf32, #tpu.memory_space<hbm>>
      %dma_start3A_692 = tpu.memref_squeeze %dma_start3A_691 : memref<1x2048xf32, #tpu.memory_space<hbm>> -> memref<2048xf32, #tpu.memory_space<hbm>>
      tpu.enqueue_dma source(%arg35 : memref<2048xf32, #tpu.memory_space<vmem>>) target(%dma_start3A_692 : memref<2048xf32, #tpu.memory_space<hbm>>) target_semaphore(%arg40 : memref<!tpu.dma_semaphore, #tpu.memory_space<semaphore_mem>>)
      %lt3A_693 = arith.constant 9 : i32
      %lt3A_694 = arith.cmpi slt, %scan3A_555, %lt3A_693 : i32
      %convert_element_type3A_695 = arith.extui %lt3A_694 : i1 to i32
      %cond3A_696 = arith.constant 0 : i32
      %cond3A_697 = arith.cmpi ne, %convert_element_type3A_695, %cond3A_696 : i32
      scf.if %cond3A_697 {
        %add3A_698 = arith.constant 4096 : i32
        %add3A_699 = arith.addi %add3A_564, %add3A_698 : i32
        %add3A_700 = arith.constant 0 : i32
        %add3A_701 = arith.addi %add3A_700, %add3A_699 : i32
        %add3A_702 = arith.constant 43008 : i32
        %add3A_703 = arith.addi %add3A_702, %add3A_699 : i32
        %add3A_704 = arith.constant 86016 : i32
        %add3A_705 = arith.addi %add3A_704, %add3A_699 : i32
        %mul3A_706 = arith.constant 43000 : i32
        %mul3A_707 = arith.muli %mul3A_2, %mul3A_706 : i32
        %add3A_708 = arith.addi %mul3A_707, %add3A_699 : i32
        %mul3A_709 = arith.constant 43000 : i32
        %mul3A_710 = arith.muli %add3A_4, %mul3A_709 : i32
        %add3A_711 = arith.addi %mul3A_710, %add3A_699 : i32
        %dma_start3A_712 = tpu.memref_slice %arg4[%add3A_701] : memref<129024xi32, #tpu.memory_space<hbm>> -> memref<2048xi32, #tpu.memory_space<hbm>>
        %dma_start3A_713 = tpu.memref_slice %arg4[%add3A_701] : memref<129024xi32, #tpu.memory_space<hbm>> -> memref<2048xi32, #tpu.memory_space<hbm>>
        tpu.enqueue_dma source(%dma_start3A_713 : memref<2048xi32, #tpu.memory_space<hbm>>) target(%arg19 : memref<2048xi32, #tpu.memory_space<vmem>>) target_semaphore(%arg38 : memref<!tpu.dma_semaphore, #tpu.memory_space<semaphore_mem>>)
        %dma_start3A_714 = tpu.memref_slice %arg4[%add3A_703] : memref<129024xi32, #tpu.memory_space<hbm>> -> memref<2048xi32, #tpu.memory_space<hbm>>
        %dma_start3A_715 = tpu.memref_slice %arg4[%add3A_703] : memref<129024xi32, #tpu.memory_space<hbm>> -> memref<2048xi32, #tpu.memory_space<hbm>>
        tpu.enqueue_dma source(%dma_start3A_715 : memref<2048xi32, #tpu.memory_space<hbm>>) target(%arg20 : memref<2048xi32, #tpu.memory_space<vmem>>) target_semaphore(%arg38 : memref<!tpu.dma_semaphore, #tpu.memory_space<semaphore_mem>>)
        %dma_start3A_716 = tpu.memref_slice %arg4[%add3A_705] : memref<129024xi32, #tpu.memory_space<hbm>> -> memref<2048xi32, #tpu.memory_space<hbm>>
        %dma_start3A_717 = tpu.memref_slice %arg4[%add3A_705] : memref<129024xi32, #tpu.memory_space<hbm>> -> memref<2048xi32, #tpu.memory_space<hbm>>
        tpu.enqueue_dma source(%dma_start3A_717 : memref<2048xi32, #tpu.memory_space<hbm>>) target(%arg21 : memref<2048xi32, #tpu.memory_space<vmem>>) target_semaphore(%arg38 : memref<!tpu.dma_semaphore, #tpu.memory_space<semaphore_mem>>)
        %dma_start3A_718 = arith.constant 0 : i32
        %dma_start3A_719 = tpu.memref_slice %arg22[%dma_start3A_718] : memref<2048xf32, #tpu.memory_space<vmem>> -> memref<2048xf32, #tpu.memory_space<vmem>>
        %dma_start3A_720 = tpu.memref_slice %arg3[%add3A_708] : memref<2752000xf32, #tpu.memory_space<hbm>> -> memref<2048xf32, #tpu.memory_space<hbm>>
        %dma_start3A_721 = arith.constant 0 : i32
        %dma_start3A_722 = tpu.memref_slice %arg22[%dma_start3A_721] : memref<2048xf32, #tpu.memory_space<vmem>> -> memref<2048xf32, #tpu.memory_space<vmem>>
        %dma_start3A_723 = tpu.memref_slice %arg3[%add3A_708] : memref<2752000xf32, #tpu.memory_space<hbm>> -> memref<2048xf32, #tpu.memory_space<hbm>>
        tpu.enqueue_dma source(%dma_start3A_723 : memref<2048xf32, #tpu.memory_space<hbm>>) target(%dma_start3A_722 : memref<2048xf32, #tpu.memory_space<vmem>>) target_semaphore(%arg38 : memref<!tpu.dma_semaphore, #tpu.memory_space<semaphore_mem>>)
        %dma_start3A_724 = arith.constant 0 : i32
        %dma_start3A_725 = tpu.memref_slice %arg23[%dma_start3A_724] : memref<2048xf32, #tpu.memory_space<vmem>> -> memref<2048xf32, #tpu.memory_space<vmem>>
        %dma_start3A_726 = tpu.memref_slice %arg3[%add3A_711] : memref<2752000xf32, #tpu.memory_space<hbm>> -> memref<2048xf32, #tpu.memory_space<hbm>>
        %dma_start3A_727 = arith.constant 0 : i32
        %dma_start3A_728 = tpu.memref_slice %arg23[%dma_start3A_727] : memref<2048xf32, #tpu.memory_space<vmem>> -> memref<2048xf32, #tpu.memory_space<vmem>>
        %dma_start3A_729 = tpu.memref_slice %arg3[%add3A_711] : memref<2752000xf32, #tpu.memory_space<hbm>> -> memref<2048xf32, #tpu.memory_space<hbm>>
        tpu.enqueue_dma source(%dma_start3A_729 : memref<2048xf32, #tpu.memory_space<hbm>>) target(%dma_start3A_728 : memref<2048xf32, #tpu.memory_space<vmem>>) target_semaphore(%arg38 : memref<!tpu.dma_semaphore, #tpu.memory_space<semaphore_mem>>)
      } else {
      }
      scf.yield %parallel_loop3A_668#0, %parallel_loop3A_668#1 : vector<16xf32>, vector<16xf32>
    }
    %scan3A_89 = arith.constant 10 : i32
    %mul3A_90 = arith.constant 43000 : i32
    %mul3A_91 = arith.muli %mul3A_2, %mul3A_90 : i32
    %add3A_92 = arith.constant 40960 : i32
    %add3A_93 = arith.addi %mul3A_91, %add3A_92 : i32
    %mul3A_94 = arith.constant 43000 : i32
    %mul3A_95 = arith.muli %add3A_4, %mul3A_94 : i32
    %add3A_96 = arith.constant 40960 : i32
    %add3A_97 = arith.addi %mul3A_95, %add3A_96 : i32
    %dma_start3A_98 = arith.constant 40960 : i32
    %dma_start3A_99 = tpu.memref_slice %arg4[%dma_start3A_98] : memref<129024xi32, #tpu.memory_space<hbm>> -> memref<2048xi32, #tpu.memory_space<hbm>>
    %dma_start3A_100 = arith.constant 40960 : i32
    %dma_start3A_101 = tpu.memref_slice %arg4[%dma_start3A_100] : memref<129024xi32, #tpu.memory_space<hbm>> -> memref<2048xi32, #tpu.memory_space<hbm>>
    tpu.enqueue_dma source(%dma_start3A_101 : memref<2048xi32, #tpu.memory_space<hbm>>) target(%arg14 : memref<2048xi32, #tpu.memory_space<vmem>>) target_semaphore(%arg37 : memref<!tpu.dma_semaphore, #tpu.memory_space<semaphore_mem>>)
    %dma_start3A_102 = arith.constant 83968 : i32
    %dma_start3A_103 = tpu.memref_slice %arg4[%dma_start3A_102] : memref<129024xi32, #tpu.memory_space<hbm>> -> memref<2048xi32, #tpu.memory_space<hbm>>
    %dma_start3A_104 = arith.constant 83968 : i32
    %dma_start3A_105 = tpu.memref_slice %arg4[%dma_start3A_104] : memref<129024xi32, #tpu.memory_space<hbm>> -> memref<2048xi32, #tpu.memory_space<hbm>>
    tpu.enqueue_dma source(%dma_start3A_105 : memref<2048xi32, #tpu.memory_space<hbm>>) target(%arg15 : memref<2048xi32, #tpu.memory_space<vmem>>) target_semaphore(%arg37 : memref<!tpu.dma_semaphore, #tpu.memory_space<semaphore_mem>>)
    %dma_start3A_106 = arith.constant 126976 : i32
    %dma_start3A_107 = tpu.memref_slice %arg4[%dma_start3A_106] : memref<129024xi32, #tpu.memory_space<hbm>> -> memref<2048xi32, #tpu.memory_space<hbm>>
    %dma_start3A_108 = arith.constant 126976 : i32
    %dma_start3A_109 = tpu.memref_slice %arg4[%dma_start3A_108] : memref<129024xi32, #tpu.memory_space<hbm>> -> memref<2048xi32, #tpu.memory_space<hbm>>
    tpu.enqueue_dma source(%dma_start3A_109 : memref<2048xi32, #tpu.memory_space<hbm>>) target(%arg16 : memref<2048xi32, #tpu.memory_space<vmem>>) target_semaphore(%arg37 : memref<!tpu.dma_semaphore, #tpu.memory_space<semaphore_mem>>)
    %dma_start3A_110 = arith.constant 0 : i32
    %dma_start3A_111 = tpu.memref_slice %arg17[%dma_start3A_110] : memref<2048xf32, #tpu.memory_space<vmem>> -> memref<2040xf32, #tpu.memory_space<vmem>>
    %dma_start3A_112 = tpu.memref_slice %arg3[%add3A_93] : memref<2752000xf32, #tpu.memory_space<hbm>> -> memref<2040xf32, #tpu.memory_space<hbm>>
    %dma_start3A_113 = arith.constant 0 : i32
    %dma_start3A_114 = tpu.memref_slice %arg17[%dma_start3A_113] : memref<2048xf32, #tpu.memory_space<vmem>> -> memref<2040xf32, #tpu.memory_space<vmem>>
    %dma_start3A_115 = tpu.memref_slice %arg3[%add3A_93] : memref<2752000xf32, #tpu.memory_space<hbm>> -> memref<2040xf32, #tpu.memory_space<hbm>>
    tpu.enqueue_dma source(%dma_start3A_115 : memref<2040xf32, #tpu.memory_space<hbm>>) target(%dma_start3A_114 : memref<2040xf32, #tpu.memory_space<vmem>>) target_semaphore(%arg37 : memref<!tpu.dma_semaphore, #tpu.memory_space<semaphore_mem>>)
    %dma_start3A_116 = arith.constant 0 : i32
    %dma_start3A_117 = tpu.memref_slice %arg18[%dma_start3A_116] : memref<2048xf32, #tpu.memory_space<vmem>> -> memref<2040xf32, #tpu.memory_space<vmem>>
    %dma_start3A_118 = tpu.memref_slice %arg3[%add3A_97] : memref<2752000xf32, #tpu.memory_space<hbm>> -> memref<2040xf32, #tpu.memory_space<hbm>>
    %dma_start3A_119 = arith.constant 0 : i32
    %dma_start3A_120 = tpu.memref_slice %arg18[%dma_start3A_119] : memref<2048xf32, #tpu.memory_space<vmem>> -> memref<2040xf32, #tpu.memory_space<vmem>>
    %dma_start3A_121 = tpu.memref_slice %arg3[%add3A_97] : memref<2752000xf32, #tpu.memory_space<hbm>> -> memref<2040xf32, #tpu.memory_space<hbm>>
    tpu.enqueue_dma source(%dma_start3A_121 : memref<2040xf32, #tpu.memory_space<hbm>>) target(%dma_start3A_120 : memref<2040xf32, #tpu.memory_space<vmem>>) target_semaphore(%arg37 : memref<!tpu.dma_semaphore, #tpu.memory_space<semaphore_mem>>)
    %dma_wait3A_122 = arith.constant 40960 : i32
    %dma_wait3A_123 = tpu.memref_slice %arg4[%dma_wait3A_122] : memref<129024xi32, #tpu.memory_space<hbm>> -> memref<2048xi32, #tpu.memory_space<hbm>>
    %dma_wait3A_124 = arith.constant 40960 : i32
    %dma_wait3A_125 = tpu.memref_slice %arg4[%dma_wait3A_124] : memref<129024xi32, #tpu.memory_space<hbm>> -> memref<2048xi32, #tpu.memory_space<hbm>>
    tpu.wait_dma2 semaphore(%arg37 : memref<!tpu.dma_semaphore, #tpu.memory_space<semaphore_mem>>) src(%dma_wait3A_125 : memref<2048xi32, #tpu.memory_space<hbm>>) dst(%arg14 : memref<2048xi32, #tpu.memory_space<vmem>>)
    %dma_wait3A_126 = arith.constant 83968 : i32
    %dma_wait3A_127 = tpu.memref_slice %arg4[%dma_wait3A_126] : memref<129024xi32, #tpu.memory_space<hbm>> -> memref<2048xi32, #tpu.memory_space<hbm>>
    %dma_wait3A_128 = arith.constant 83968 : i32
    %dma_wait3A_129 = tpu.memref_slice %arg4[%dma_wait3A_128] : memref<129024xi32, #tpu.memory_space<hbm>> -> memref<2048xi32, #tpu.memory_space<hbm>>
    tpu.wait_dma2 semaphore(%arg37 : memref<!tpu.dma_semaphore, #tpu.memory_space<semaphore_mem>>) src(%dma_wait3A_129 : memref<2048xi32, #tpu.memory_space<hbm>>) dst(%arg15 : memref<2048xi32, #tpu.memory_space<vmem>>)
    %dma_wait3A_130 = arith.constant 126976 : i32
    %dma_wait3A_131 = tpu.memref_slice %arg4[%dma_wait3A_130] : memref<129024xi32, #tpu.memory_space<hbm>> -> memref<2048xi32, #tpu.memory_space<hbm>>
    %dma_wait3A_132 = arith.constant 126976 : i32
    %dma_wait3A_133 = tpu.memref_slice %arg4[%dma_wait3A_132] : memref<129024xi32, #tpu.memory_space<hbm>> -> memref<2048xi32, #tpu.memory_space<hbm>>
    tpu.wait_dma2 semaphore(%arg37 : memref<!tpu.dma_semaphore, #tpu.memory_space<semaphore_mem>>) src(%dma_wait3A_133 : memref<2048xi32, #tpu.memory_space<hbm>>) dst(%arg16 : memref<2048xi32, #tpu.memory_space<vmem>>)
    %dma_wait3A_134 = arith.constant 0 : i32
    %dma_wait3A_135 = tpu.memref_slice %arg17[%dma_wait3A_134] : memref<2048xf32, #tpu.memory_space<vmem>> -> memref<2040xf32, #tpu.memory_space<vmem>>
    %dma_wait3A_136 = tpu.memref_slice %arg3[%add3A_93] : memref<2752000xf32, #tpu.memory_space<hbm>> -> memref<2040xf32, #tpu.memory_space<hbm>>
    %dma_wait3A_137 = arith.constant 0 : i32
    %dma_wait3A_138 = tpu.memref_slice %arg17[%dma_wait3A_137] : memref<2048xf32, #tpu.memory_space<vmem>> -> memref<2040xf32, #tpu.memory_space<vmem>>
    %dma_wait3A_139 = tpu.memref_slice %arg3[%add3A_93] : memref<2752000xf32, #tpu.memory_space<hbm>> -> memref<2040xf32, #tpu.memory_space<hbm>>
    tpu.wait_dma2 semaphore(%arg37 : memref<!tpu.dma_semaphore, #tpu.memory_space<semaphore_mem>>) src(%dma_wait3A_139 : memref<2040xf32, #tpu.memory_space<hbm>>) dst(%dma_wait3A_138 : memref<2040xf32, #tpu.memory_space<vmem>>)
    %dma_wait3A_140 = arith.constant 0 : i32
    %dma_wait3A_141 = tpu.memref_slice %arg18[%dma_wait3A_140] : memref<2048xf32, #tpu.memory_space<vmem>> -> memref<2040xf32, #tpu.memory_space<vmem>>
    %dma_wait3A_142 = tpu.memref_slice %arg3[%add3A_97] : memref<2752000xf32, #tpu.memory_space<hbm>> -> memref<2040xf32, #tpu.memory_space<hbm>>
    %dma_wait3A_143 = arith.constant 0 : i32
    %dma_wait3A_144 = tpu.memref_slice %arg18[%dma_wait3A_143] : memref<2048xf32, #tpu.memory_space<vmem>> -> memref<2040xf32, #tpu.memory_space<vmem>>
    %dma_wait3A_145 = tpu.memref_slice %arg3[%add3A_97] : memref<2752000xf32, #tpu.memory_space<hbm>> -> memref<2040xf32, #tpu.memory_space<hbm>>
    tpu.wait_dma2 semaphore(%arg37 : memref<!tpu.dma_semaphore, #tpu.memory_space<semaphore_mem>>) src(%dma_wait3A_145 : memref<2040xf32, #tpu.memory_space<hbm>>) dst(%dma_wait3A_144 : memref<2040xf32, #tpu.memory_space<vmem>>)
    %dma_wait3A_146 = arith.constant 36864 : i32
    %dma_wait3A_147 = tpu.memref_slice %arg5[%mul3A_2, %dma_wait3A_146] : memref<64x43008xf32, #tpu.memory_space<hbm>> -> memref<1x2048xf32, #tpu.memory_space<hbm>>
    %dma_wait3A_148 = tpu.memref_squeeze %dma_wait3A_147 : memref<1x2048xf32, #tpu.memory_space<hbm>> -> memref<2048xf32, #tpu.memory_space<hbm>>
    %dma_wait3A_149 = arith.constant 36864 : i32
    %dma_wait3A_150 = tpu.memref_slice %arg5[%mul3A_2, %dma_wait3A_149] : memref<64x43008xf32, #tpu.memory_space<hbm>> -> memref<1x2048xf32, #tpu.memory_space<hbm>>
    %dma_wait3A_151 = tpu.memref_squeeze %dma_wait3A_150 : memref<1x2048xf32, #tpu.memory_space<hbm>> -> memref<2048xf32, #tpu.memory_space<hbm>>
    tpu.wait_dma2 semaphore(%arg39 : memref<!tpu.dma_semaphore, #tpu.memory_space<semaphore_mem>>) src(%arg24 : memref<2048xf32, #tpu.memory_space<vmem>>) dst(%dma_wait3A_151 : memref<2048xf32, #tpu.memory_space<hbm>>)
    %dma_wait3A_152 = arith.constant 36864 : i32
    %dma_wait3A_153 = tpu.memref_slice %arg7[%mul3A_2, %dma_wait3A_152] : memref<64x43008xf32, #tpu.memory_space<hbm>> -> memref<1x2048xf32, #tpu.memory_space<hbm>>
    %dma_wait3A_154 = tpu.memref_squeeze %dma_wait3A_153 : memref<1x2048xf32, #tpu.memory_space<hbm>> -> memref<2048xf32, #tpu.memory_space<hbm>>
    %dma_wait3A_155 = arith.constant 36864 : i32
    %dma_wait3A_156 = tpu.memref_slice %arg7[%mul3A_2, %dma_wait3A_155] : memref<64x43008xf32, #tpu.memory_space<hbm>> -> memref<1x2048xf32, #tpu.memory_space<hbm>>
    %dma_wait3A_157 = tpu.memref_squeeze %dma_wait3A_156 : memref<1x2048xf32, #tpu.memory_space<hbm>> -> memref<2048xf32, #tpu.memory_space<hbm>>
    tpu.wait_dma2 semaphore(%arg39 : memref<!tpu.dma_semaphore, #tpu.memory_space<semaphore_mem>>) src(%arg26 : memref<2048xf32, #tpu.memory_space<vmem>>) dst(%dma_wait3A_157 : memref<2048xf32, #tpu.memory_space<hbm>>)
    %dma_wait3A_158 = arith.constant 36864 : i32
    %dma_wait3A_159 = tpu.memref_slice %arg8[%mul3A_2, %dma_wait3A_158] : memref<64x43008xf32, #tpu.memory_space<hbm>> -> memref<1x2048xf32, #tpu.memory_space<hbm>>
    %dma_wait3A_160 = tpu.memref_squeeze %dma_wait3A_159 : memref<1x2048xf32, #tpu.memory_space<hbm>> -> memref<2048xf32, #tpu.memory_space<hbm>>
    %dma_wait3A_161 = arith.constant 36864 : i32
    %dma_wait3A_162 = tpu.memref_slice %arg8[%mul3A_2, %dma_wait3A_161] : memref<64x43008xf32, #tpu.memory_space<hbm>> -> memref<1x2048xf32, #tpu.memory_space<hbm>>
    %dma_wait3A_163 = tpu.memref_squeeze %dma_wait3A_162 : memref<1x2048xf32, #tpu.memory_space<hbm>> -> memref<2048xf32, #tpu.memory_space<hbm>>
    tpu.wait_dma2 semaphore(%arg39 : memref<!tpu.dma_semaphore, #tpu.memory_space<semaphore_mem>>) src(%arg28 : memref<2048xf32, #tpu.memory_space<vmem>>) dst(%dma_wait3A_163 : memref<2048xf32, #tpu.memory_space<hbm>>)
    %dma_wait3A_164 = arith.constant 36864 : i32
    %dma_wait3A_165 = tpu.memref_slice %arg5[%add3A_4, %dma_wait3A_164] : memref<64x43008xf32, #tpu.memory_space<hbm>> -> memref<1x2048xf32, #tpu.memory_space<hbm>>
    %dma_wait3A_166 = tpu.memref_squeeze %dma_wait3A_165 : memref<1x2048xf32, #tpu.memory_space<hbm>> -> memref<2048xf32, #tpu.memory_space<hbm>>
    %dma_wait3A_167 = arith.constant 36864 : i32
    %dma_wait3A_168 = tpu.memref_slice %arg5[%add3A_4, %dma_wait3A_167] : memref<64x43008xf32, #tpu.memory_space<hbm>> -> memref<1x2048xf32, #tpu.memory_space<hbm>>
    %dma_wait3A_169 = tpu.memref_squeeze %dma_wait3A_168 : memref<1x2048xf32, #tpu.memory_space<hbm>> -> memref<2048xf32, #tpu.memory_space<hbm>>
    tpu.wait_dma2 semaphore(%arg39 : memref<!tpu.dma_semaphore, #tpu.memory_space<semaphore_mem>>) src(%arg25 : memref<2048xf32, #tpu.memory_space<vmem>>) dst(%dma_wait3A_169 : memref<2048xf32, #tpu.memory_space<hbm>>)
    %dma_wait3A_170 = arith.constant 36864 : i32
    %dma_wait3A_171 = tpu.memref_slice %arg7[%add3A_4, %dma_wait3A_170] : memref<64x43008xf32, #tpu.memory_space<hbm>> -> memref<1x2048xf32, #tpu.memory_space<hbm>>
    %dma_wait3A_172 = tpu.memref_squeeze %dma_wait3A_171 : memref<1x2048xf32, #tpu.memory_space<hbm>> -> memref<2048xf32, #tpu.memory_space<hbm>>
    %dma_wait3A_173 = arith.constant 36864 : i32
    %dma_wait3A_174 = tpu.memref_slice %arg7[%add3A_4, %dma_wait3A_173] : memref<64x43008xf32, #tpu.memory_space<hbm>> -> memref<1x2048xf32, #tpu.memory_space<hbm>>
    %dma_wait3A_175 = tpu.memref_squeeze %dma_wait3A_174 : memref<1x2048xf32, #tpu.memory_space<hbm>> -> memref<2048xf32, #tpu.memory_space<hbm>>
    tpu.wait_dma2 semaphore(%arg39 : memref<!tpu.dma_semaphore, #tpu.memory_space<semaphore_mem>>) src(%arg27 : memref<2048xf32, #tpu.memory_space<vmem>>) dst(%dma_wait3A_175 : memref<2048xf32, #tpu.memory_space<hbm>>)
    %dma_wait3A_176 = arith.constant 36864 : i32
    %dma_wait3A_177 = tpu.memref_slice %arg8[%add3A_4, %dma_wait3A_176] : memref<64x43008xf32, #tpu.memory_space<hbm>> -> memref<1x2048xf32, #tpu.memory_space<hbm>>
    %dma_wait3A_178 = tpu.memref_squeeze %dma_wait3A_177 : memref<1x2048xf32, #tpu.memory_space<hbm>> -> memref<2048xf32, #tpu.memory_space<hbm>>
    %dma_wait3A_179 = arith.constant 36864 : i32
    %dma_wait3A_180 = tpu.memref_slice %arg8[%add3A_4, %dma_wait3A_179] : memref<64x43008xf32, #tpu.memory_space<hbm>> -> memref<1x2048xf32, #tpu.memory_space<hbm>>
    %dma_wait3A_181 = tpu.memref_squeeze %dma_wait3A_180 : memref<1x2048xf32, #tpu.memory_space<hbm>> -> memref<2048xf32, #tpu.memory_space<hbm>>
    tpu.wait_dma2 semaphore(%arg39 : memref<!tpu.dma_semaphore, #tpu.memory_space<semaphore_mem>>) src(%arg29 : memref<2048xf32, #tpu.memory_space<vmem>>) dst(%dma_wait3A_181 : memref<2048xf32, #tpu.memory_space<hbm>>)
    %parallel_loop3A_182 = arith.constant 0 : i32
    %parallel_loop3A_183 = arith.constant 127 : i32
    %parallel_loop3A_184 = arith.constant 1 : i32
    %parallel_loop3A_185 = arith.constant 2147483647 : i32
    %parallel_loop3A_186 = arith.constant -2147483648 : i32
    %parallel_loop3A_187 = arith.constant 1065353216 : i32
    %parallel_loop3A_188:2 = scf.for %parallel_loop3A_555 = %parallel_loop3A_182 to %parallel_loop3A_183 step %parallel_loop3A_184 iter_args(%parallel_loop3A_556 = %scan3A_88#0, %parallel_loop3A_557 = %scan3A_88#1) -> (vector<16xf32>, vector<16xf32>)  : i32 {
      %parallel_loop3A_558 = arith.constant 16 : i32
      %parallel_loop3A_559 = arith.muli %parallel_loop3A_555, %parallel_loop3A_558 : i32
      %parallel_loop3A_560 = tpu.assume_multiple %parallel_loop3A_559, 16 : i32
      %parallel_loop3A_561 = arith.index_cast %parallel_loop3A_560 : i32 to index
      %parallel_loop3A_562 = tpu.vector_load %arg14[%parallel_loop3A_561] {strides = array<i32>} : memref<2048xi32, #tpu.memory_space<vmem>>, vector<16xi32>,
      %parallel_loop3A_563 = vector.broadcast %parallel_loop3A_185 : i32 to vector<16xi32>
      %parallel_loop3A_564 = arith.andi %parallel_loop3A_562, %parallel_loop3A_563 : vector<16xi32>
      %parallel_loop3A_565 = arith.constant dense<-1> : vector<16xi32>
      %parallel_loop3A_566 = arith.xori %parallel_loop3A_562, %parallel_loop3A_565 : vector<16xi32>
      %parallel_loop3A_567 = vector.broadcast %parallel_loop3A_186 : i32 to vector<16xi32>
      %parallel_loop3A_568 = arith.andi %parallel_loop3A_566, %parallel_loop3A_567 : vector<16xi32>
      %parallel_loop3A_569 = vector.broadcast %parallel_loop3A_187 : i32 to vector<16xi32>
      %parallel_loop3A_570 = arith.ori %parallel_loop3A_568, %parallel_loop3A_569 : vector<16xi32>
      %parallel_loop3A_571 = vector.bitcast %parallel_loop3A_570 : vector<16xi32> to vector<16xf32>
      %parallel_loop3A_572 = arith.index_cast %parallel_loop3A_560 : i32 to index
      %parallel_loop3A_573 = tpu.vector_load %arg15[%parallel_loop3A_572] {strides = array<i32>} : memref<2048xi32, #tpu.memory_space<vmem>>, vector<16xi32>,
      %parallel_loop3A_574 = vector.broadcast %parallel_loop3A_185 : i32 to vector<16xi32>
      %parallel_loop3A_575 = arith.andi %parallel_loop3A_573, %parallel_loop3A_574 : vector<16xi32>
      %parallel_loop3A_576 = arith.constant dense<-1> : vector<16xi32>
      %parallel_loop3A_577 = arith.xori %parallel_loop3A_573, %parallel_loop3A_576 : vector<16xi32>
      %parallel_loop3A_578 = vector.broadcast %parallel_loop3A_186 : i32 to vector<16xi32>
      %parallel_loop3A_579 = arith.andi %parallel_loop3A_577, %parallel_loop3A_578 : vector<16xi32>
      %parallel_loop3A_580 = vector.broadcast %parallel_loop3A_187 : i32 to vector<16xi32>
      %parallel_loop3A_581 = arith.ori %parallel_loop3A_579, %parallel_loop3A_580 : vector<16xi32>
      %parallel_loop3A_582 = vector.bitcast %parallel_loop3A_581 : vector<16xi32> to vector<16xf32>
      %parallel_loop3A_583 = arith.index_cast %parallel_loop3A_560 : i32 to index
      %parallel_loop3A_584 = tpu.vector_load %arg16[%parallel_loop3A_583] {strides = array<i32>} : memref<2048xi32, #tpu.memory_space<vmem>>, vector<16xi32>,
      %parallel_loop3A_585 = vector.broadcast %parallel_loop3A_185 : i32 to vector<16xi32>
      %parallel_loop3A_586 = arith.andi %parallel_loop3A_584, %parallel_loop3A_585 : vector<16xi32>
      %parallel_loop3A_587 = arith.constant dense<-1> : vector<16xi32>
      %parallel_loop3A_588 = arith.xori %parallel_loop3A_584, %parallel_loop3A_587 : vector<16xi32>
      %parallel_loop3A_589 = vector.broadcast %parallel_loop3A_186 : i32 to vector<16xi32>
      %parallel_loop3A_590 = arith.andi %parallel_loop3A_588, %parallel_loop3A_589 : vector<16xi32>
      %parallel_loop3A_591 = vector.broadcast %parallel_loop3A_187 : i32 to vector<16xi32>
      %parallel_loop3A_592 = arith.ori %parallel_loop3A_590, %parallel_loop3A_591 : vector<16xi32>
      %parallel_loop3A_593 = vector.bitcast %parallel_loop3A_592 : vector<16xi32> to vector<16xf32>
      %parallel_loop3A_594 = tpu.vector_load_idx %arg10[%parallel_loop3A_564] : memref<10000xf32, #tpu.memory_space<vmem>>[vector<16xi32>], vector<16xf32>,
      %parallel_loop3A_595 = tpu.vector_load_idx %arg10[%parallel_loop3A_575] : memref<10000xf32, #tpu.memory_space<vmem>>[vector<16xi32>], vector<16xf32>,
      %parallel_loop3A_596 = tpu.vector_load_idx %arg10[%parallel_loop3A_586] : memref<10000xf32, #tpu.memory_space<vmem>>[vector<16xi32>], vector<16xf32>,
      %parallel_loop3A_597 = arith.mulf %parallel_loop3A_571, %parallel_loop3A_594 : vector<16xf32>
      %parallel_loop3A_598 = arith.constant 1.000000e+00 : f32
      %parallel_loop3A_599 = vector.broadcast %parallel_loop3A_598 : f32 to vector<16xf32>
      %parallel_loop3A_600 = arith.subf %parallel_loop3A_599, %parallel_loop3A_597 : vector<16xf32>
      %parallel_loop3A_601 = arith.mulf %parallel_loop3A_582, %parallel_loop3A_595 : vector<16xf32>
      %parallel_loop3A_602 = arith.constant 1.000000e+00 : f32
      %parallel_loop3A_603 = vector.broadcast %parallel_loop3A_602 : f32 to vector<16xf32>
      %parallel_loop3A_604 = arith.subf %parallel_loop3A_603, %parallel_loop3A_601 : vector<16xf32>
      %parallel_loop3A_605 = arith.mulf %parallel_loop3A_593, %parallel_loop3A_596 : vector<16xf32>
      %parallel_loop3A_606 = arith.constant 1.000000e+00 : f32
      %parallel_loop3A_607 = vector.broadcast %parallel_loop3A_606 : f32 to vector<16xf32>
      %parallel_loop3A_608 = arith.subf %parallel_loop3A_607, %parallel_loop3A_605 : vector<16xf32>
      %parallel_loop3A_609 = arith.minimumf %parallel_loop3A_600, %parallel_loop3A_604 : vector<16xf32>
      %parallel_loop3A_610 = arith.minimumf %parallel_loop3A_604, %parallel_loop3A_608 : vector<16xf32>
      %parallel_loop3A_611 = arith.minimumf %parallel_loop3A_600, %parallel_loop3A_608 : vector<16xf32>
      %parallel_loop3A_612 = arith.minimumf %parallel_loop3A_609, %parallel_loop3A_608 : vector<16xf32>
      %parallel_loop3A_613 = arith.constant 5.000000e-01 : f32
      %parallel_loop3A_614 = vector.broadcast %parallel_loop3A_613 : f32 to vector<16xf32>
      %parallel_loop3A_615 = arith.mulf %parallel_loop3A_614, %parallel_loop3A_612 : vector<16xf32>
      %parallel_loop3A_616 = arith.cmpf ole, %parallel_loop3A_600, %parallel_loop3A_604 : vector<16xf32>
      %parallel_loop3A_617 = arith.cmpf ole, %parallel_loop3A_600, %parallel_loop3A_608 : vector<16xf32>
      %parallel_loop3A_618 = arith.andi %parallel_loop3A_616, %parallel_loop3A_617 : vector<16xi1>
      %parallel_loop3A_619 = arith.cmpf olt, %parallel_loop3A_604, %parallel_loop3A_600 : vector<16xf32>
      %parallel_loop3A_620 = arith.cmpf ole, %parallel_loop3A_604, %parallel_loop3A_608 : vector<16xf32>
      %parallel_loop3A_621 = arith.andi %parallel_loop3A_619, %parallel_loop3A_620 : vector<16xi1>
      %parallel_loop3A_622 = arith.cmpf olt, %parallel_loop3A_608, %parallel_loop3A_600 : vector<16xf32>
      %parallel_loop3A_623 = arith.cmpf olt, %parallel_loop3A_608, %parallel_loop3A_604 : vector<16xf32>
      %parallel_loop3A_624 = arith.andi %parallel_loop3A_622, %parallel_loop3A_623 : vector<16xi1>
      %parallel_loop3A_625 = arith.subf %parallel_loop3A_571, %parallel_loop3A_594 : vector<16xf32>
      %parallel_loop3A_626 = arith.constant 5.000000e-01 : f32
      %parallel_loop3A_627 = vector.broadcast %parallel_loop3A_626 : f32 to vector<16xf32>
      %parallel_loop3A_628 = arith.mulf %parallel_loop3A_627, %parallel_loop3A_625 : vector<16xf32>
      %parallel_loop3A_629 = arith.constant 0.000000e+00 : f32
      %parallel_loop3A_630 = vector.broadcast %parallel_loop3A_629 : f32 to vector<16xf32>
      %parallel_loop3A_631 = arith.select %parallel_loop3A_618, %parallel_loop3A_628, %parallel_loop3A_630 : vector<16xi1>, vector<16xf32>
      %parallel_loop3A_632 = arith.subf %parallel_loop3A_582, %parallel_loop3A_595 : vector<16xf32>
      %parallel_loop3A_633 = arith.constant 5.000000e-01 : f32
      %parallel_loop3A_634 = vector.broadcast %parallel_loop3A_633 : f32 to vector<16xf32>
      %parallel_loop3A_635 = arith.mulf %parallel_loop3A_634, %parallel_loop3A_632 : vector<16xf32>
      %parallel_loop3A_636 = arith.constant 0.000000e+00 : f32
      %parallel_loop3A_637 = vector.broadcast %parallel_loop3A_636 : f32 to vector<16xf32>
      %parallel_loop3A_638 = arith.select %parallel_loop3A_621, %parallel_loop3A_635, %parallel_loop3A_637 : vector<16xi1>, vector<16xf32>
      %parallel_loop3A_639 = arith.subf %parallel_loop3A_593, %parallel_loop3A_596 : vector<16xf32>
      %parallel_loop3A_640 = arith.constant 5.000000e-01 : f32
      %parallel_loop3A_641 = vector.broadcast %parallel_loop3A_640 : f32 to vector<16xf32>
      %parallel_loop3A_642 = arith.mulf %parallel_loop3A_641, %parallel_loop3A_639 : vector<16xf32>
      %parallel_loop3A_643 = arith.constant 0.000000e+00 : f32
      %parallel_loop3A_644 = vector.broadcast %parallel_loop3A_643 : f32 to vector<16xf32>
      %parallel_loop3A_645 = arith.select %parallel_loop3A_624, %parallel_loop3A_642, %parallel_loop3A_644 : vector<16xi1>, vector<16xf32>
      %parallel_loop3A_646 = arith.index_cast %parallel_loop3A_560 : i32 to index
      %parallel_loop3A_647 = tpu.vector_load %arg17[%parallel_loop3A_646] {strides = array<i32>} : memref<2048xf32, #tpu.memory_space<vmem>>, vector<16xf32>,
      %parallel_loop3A_648 = arith.constant 1.000000e+00 : f32
      %parallel_loop3A_649 = vector.broadcast %parallel_loop3A_648 : f32 to vector<16xf32>
      %parallel_loop3A_650 = arith.subf %parallel_loop3A_649, %parallel_loop3A_647 : vector<16xf32>
      %parallel_loop3A_651 = arith.constant 1.100000e+00 : f32
      %parallel_loop3A_652 = vector.broadcast %parallel_loop3A_651 : f32 to vector<16xf32>
      %parallel_loop3A_653 = arith.mulf %parallel_loop3A_652, %parallel_loop3A_650 : vector<16xf32>
      %parallel_loop3A_654 = arith.constant 5.000000e-01 : f32
      %parallel_loop3A_655 = vector.broadcast %parallel_loop3A_654 : f32 to vector<16xf32>
      %parallel_loop3A_656 = arith.mulf %parallel_loop3A_655, %parallel_loop3A_571 : vector<16xf32>
      %parallel_loop3A_657 = arith.mulf %parallel_loop3A_656, %parallel_loop3A_610 : vector<16xf32>
      %parallel_loop3A_658 = arith.mulf %parallel_loop3A_647, %parallel_loop3A_657 : vector<16xf32>
      %parallel_loop3A_659 = arith.mulf %parallel_loop3A_653, %parallel_loop3A_631 : vector<16xf32>
      %parallel_loop3A_660 = arith.addf %parallel_loop3A_658, %parallel_loop3A_659 : vector<16xf32>
      %parallel_loop3A_661 = arith.constant 5.000000e-01 : f32
      %parallel_loop3A_662 = vector.broadcast %parallel_loop3A_661 : f32 to vector<16xf32>
      %parallel_loop3A_663 = arith.mulf %parallel_loop3A_662, %parallel_loop3A_582 : vector<16xf32>
      %parallel_loop3A_664 = arith.mulf %parallel_loop3A_663, %parallel_loop3A_611 : vector<16xf32>
      %parallel_loop3A_665 = arith.mulf %parallel_loop3A_647, %parallel_loop3A_664 : vector<16xf32>
      %parallel_loop3A_666 = arith.mulf %parallel_loop3A_653, %parallel_loop3A_638 : vector<16xf32>
      %parallel_loop3A_667 = arith.addf %parallel_loop3A_665, %parallel_loop3A_666 : vector<16xf32>
      %parallel_loop3A_668 = arith.constant 5.000000e-01 : f32
      %parallel_loop3A_669 = vector.broadcast %parallel_loop3A_668 : f32 to vector<16xf32>
      %parallel_loop3A_670 = arith.mulf %parallel_loop3A_669, %parallel_loop3A_593 : vector<16xf32>
      %parallel_loop3A_671 = arith.mulf %parallel_loop3A_670, %parallel_loop3A_609 : vector<16xf32>
      %parallel_loop3A_672 = arith.mulf %parallel_loop3A_647, %parallel_loop3A_671 : vector<16xf32>
      %parallel_loop3A_673 = arith.mulf %parallel_loop3A_653, %parallel_loop3A_645 : vector<16xf32>
      %parallel_loop3A_674 = arith.addf %parallel_loop3A_672, %parallel_loop3A_673 : vector<16xf32>
      tpu.vector_store_idx %arg12[%parallel_loop3A_564], %parallel_loop3A_660 {add = true} : memref<10000xf32, #tpu.memory_space<vmem>>[vector<16xi32>], vector<16xf32>,
      tpu.vector_store_idx %arg12[%parallel_loop3A_575], %parallel_loop3A_667 {add = true} : memref<10000xf32, #tpu.memory_space<vmem>>[vector<16xi32>], vector<16xf32>,
      tpu.vector_store_idx %arg12[%parallel_loop3A_586], %parallel_loop3A_674 {add = true} : memref<10000xf32, #tpu.memory_space<vmem>>[vector<16xi32>], vector<16xf32>,
      %parallel_loop3A_675 = arith.index_cast %parallel_loop3A_560 : i32 to index
      %parallel_loop3A_676 = tpu.vector_load %arg24[%parallel_loop3A_675] {strides = array<i32>} : memref<2048xf32, #tpu.memory_space<vmem>>, vector<16xf32>,
      tpu.vector_store %arg24[%parallel_loop3A_675], %parallel_loop3A_615 {strides = array<i32>} : memref<2048xf32, #tpu.memory_space<vmem>>, vector<16xf32>,
      %parallel_loop3A_677 = arith.constant 1.000000e-03 : f32
      %parallel_loop3A_678 = vector.broadcast %parallel_loop3A_677 : f32 to vector<16xf32>
      %parallel_loop3A_679 = arith.addf %parallel_loop3A_647, %parallel_loop3A_678 : vector<16xf32>
      %parallel_loop3A_680 = arith.constant 2.000000e+01 : f32
      %parallel_loop3A_681 = vector.broadcast %parallel_loop3A_680 : f32 to vector<16xf32>
      %parallel_loop3A_682 = arith.mulf %parallel_loop3A_681, %parallel_loop3A_679 : vector<16xf32>
      %parallel_loop3A_683 = arith.constant 2.500000e-01 : f32
      %parallel_loop3A_684 = vector.broadcast %parallel_loop3A_683 : f32 to vector<16xf32>
      %parallel_loop3A_685 = arith.subf %parallel_loop3A_615, %parallel_loop3A_684 : vector<16xf32>
      %parallel_loop3A_686 = arith.mulf %parallel_loop3A_682, %parallel_loop3A_685 : vector<16xf32>
      %parallel_loop3A_687 = arith.index_cast %parallel_loop3A_560 : i32 to index
      %parallel_loop3A_688 = tpu.vector_load %arg26[%parallel_loop3A_687] {strides = array<i32>} : memref<2048xf32, #tpu.memory_space<vmem>>, vector<16xf32>,
      tpu.vector_store %arg26[%parallel_loop3A_687], %parallel_loop3A_686 {strides = array<i32>} : memref<2048xf32, #tpu.memory_space<vmem>>, vector<16xf32>,
      %parallel_loop3A_689 = arith.constant 5.000000e-02 : f32
      %parallel_loop3A_690 = vector.broadcast %parallel_loop3A_689 : f32 to vector<16xf32>
      %parallel_loop3A_691 = arith.subf %parallel_loop3A_615, %parallel_loop3A_690 : vector<16xf32>
      %parallel_loop3A_692 = arith.constant 5.000000e+00 : f32
      %parallel_loop3A_693 = vector.broadcast %parallel_loop3A_692 : f32 to vector<16xf32>
      %parallel_loop3A_694 = arith.mulf %parallel_loop3A_693, %parallel_loop3A_691 : vector<16xf32>
      %parallel_loop3A_695 = arith.index_cast %parallel_loop3A_560 : i32 to index
      %parallel_loop3A_696 = tpu.vector_load %arg28[%parallel_loop3A_695] {strides = array<i32>} : memref<2048xf32, #tpu.memory_space<vmem>>, vector<16xf32>,
      tpu.vector_store %arg28[%parallel_loop3A_695], %parallel_loop3A_694 {strides = array<i32>} : memref<2048xf32, #tpu.memory_space<vmem>>, vector<16xf32>,
      %parallel_loop3A_697 = arith.maximumf %parallel_loop3A_556, %parallel_loop3A_615 : vector<16xf32>
      %parallel_loop3A_698 = tpu.vector_load_idx %arg11[%parallel_loop3A_564] : memref<10000xf32, #tpu.memory_space<vmem>>[vector<16xi32>], vector<16xf32>,
      %parallel_loop3A_699 = tpu.vector_load_idx %arg11[%parallel_loop3A_575] : memref<10000xf32, #tpu.memory_space<vmem>>[vector<16xi32>], vector<16xf32>,
      %parallel_loop3A_700 = tpu.vector_load_idx %arg11[%parallel_loop3A_586] : memref<10000xf32, #tpu.memory_space<vmem>>[vector<16xi32>], vector<16xf32>,
      %parallel_loop3A_701 = arith.mulf %parallel_loop3A_571, %parallel_loop3A_698 : vector<16xf32>
      %parallel_loop3A_702 = arith.constant 1.000000e+00 : f32
      %parallel_loop3A_703 = vector.broadcast %parallel_loop3A_702 : f32 to vector<16xf32>
      %parallel_loop3A_704 = arith.subf %parallel_loop3A_703, %parallel_loop3A_701 : vector<16xf32>
      %parallel_loop3A_705 = arith.mulf %parallel_loop3A_582, %parallel_loop3A_699 : vector<16xf32>
      %parallel_loop3A_706 = arith.constant 1.000000e+00 : f32
      %parallel_loop3A_707 = vector.broadcast %parallel_loop3A_706 : f32 to vector<16xf32>
      %parallel_loop3A_708 = arith.subf %parallel_loop3A_707, %parallel_loop3A_705 : vector<16xf32>
      %parallel_loop3A_709 = arith.mulf %parallel_loop3A_593, %parallel_loop3A_700 : vector<16xf32>
      %parallel_loop3A_710 = arith.constant 1.000000e+00 : f32
      %parallel_loop3A_711 = vector.broadcast %parallel_loop3A_710 : f32 to vector<16xf32>
      %parallel_loop3A_712 = arith.subf %parallel_loop3A_711, %parallel_loop3A_709 : vector<16xf32>
      %parallel_loop3A_713 = arith.minimumf %parallel_loop3A_704, %parallel_loop3A_708 : vector<16xf32>
      %parallel_loop3A_714 = arith.minimumf %parallel_loop3A_708, %parallel_loop3A_712 : vector<16xf32>
      %parallel_loop3A_715 = arith.minimumf %parallel_loop3A_704, %parallel_loop3A_712 : vector<16xf32>
      %parallel_loop3A_716 = arith.minimumf %parallel_loop3A_713, %parallel_loop3A_712 : vector<16xf32>
      %parallel_loop3A_717 = arith.constant 5.000000e-01 : f32
      %parallel_loop3A_718 = vector.broadcast %parallel_loop3A_717 : f32 to vector<16xf32>
      %parallel_loop3A_719 = arith.mulf %parallel_loop3A_718, %parallel_loop3A_716 : vector<16xf32>
      %parallel_loop3A_720 = arith.cmpf ole, %parallel_loop3A_704, %parallel_loop3A_708 : vector<16xf32>
      %parallel_loop3A_721 = arith.cmpf ole, %parallel_loop3A_704, %parallel_loop3A_712 : vector<16xf32>
      %parallel_loop3A_722 = arith.andi %parallel_loop3A_720, %parallel_loop3A_721 : vector<16xi1>
      %parallel_loop3A_723 = arith.cmpf olt, %parallel_loop3A_708, %parallel_loop3A_704 : vector<16xf32>
      %parallel_loop3A_724 = arith.cmpf ole, %parallel_loop3A_708, %parallel_loop3A_712 : vector<16xf32>
      %parallel_loop3A_725 = arith.andi %parallel_loop3A_723, %parallel_loop3A_724 : vector<16xi1>
      %parallel_loop3A_726 = arith.cmpf olt, %parallel_loop3A_712, %parallel_loop3A_704 : vector<16xf32>
      %parallel_loop3A_727 = arith.cmpf olt, %parallel_loop3A_712, %parallel_loop3A_708 : vector<16xf32>
      %parallel_loop3A_728 = arith.andi %parallel_loop3A_726, %parallel_loop3A_727 : vector<16xi1>
      %parallel_loop3A_729 = arith.subf %parallel_loop3A_571, %parallel_loop3A_698 : vector<16xf32>
      %parallel_loop3A_730 = arith.constant 5.000000e-01 : f32
      %parallel_loop3A_731 = vector.broadcast %parallel_loop3A_730 : f32 to vector<16xf32>
      %parallel_loop3A_732 = arith.mulf %parallel_loop3A_731, %parallel_loop3A_729 : vector<16xf32>
      %parallel_loop3A_733 = arith.constant 0.000000e+00 : f32
      %parallel_loop3A_734 = vector.broadcast %parallel_loop3A_733 : f32 to vector<16xf32>
      %parallel_loop3A_735 = arith.select %parallel_loop3A_722, %parallel_loop3A_732, %parallel_loop3A_734 : vector<16xi1>, vector<16xf32>
      %parallel_loop3A_736 = arith.subf %parallel_loop3A_582, %parallel_loop3A_699 : vector<16xf32>
      %parallel_loop3A_737 = arith.constant 5.000000e-01 : f32
      %parallel_loop3A_738 = vector.broadcast %parallel_loop3A_737 : f32 to vector<16xf32>
      %parallel_loop3A_739 = arith.mulf %parallel_loop3A_738, %parallel_loop3A_736 : vector<16xf32>
      %parallel_loop3A_740 = arith.constant 0.000000e+00 : f32
      %parallel_loop3A_741 = vector.broadcast %parallel_loop3A_740 : f32 to vector<16xf32>
      %parallel_loop3A_742 = arith.select %parallel_loop3A_725, %parallel_loop3A_739, %parallel_loop3A_741 : vector<16xi1>, vector<16xf32>
      %parallel_loop3A_743 = arith.subf %parallel_loop3A_593, %parallel_loop3A_700 : vector<16xf32>
      %parallel_loop3A_744 = arith.constant 5.000000e-01 : f32
      %parallel_loop3A_745 = vector.broadcast %parallel_loop3A_744 : f32 to vector<16xf32>
      %parallel_loop3A_746 = arith.mulf %parallel_loop3A_745, %parallel_loop3A_743 : vector<16xf32>
      %parallel_loop3A_747 = arith.constant 0.000000e+00 : f32
      %parallel_loop3A_748 = vector.broadcast %parallel_loop3A_747 : f32 to vector<16xf32>
      %parallel_loop3A_749 = arith.select %parallel_loop3A_728, %parallel_loop3A_746, %parallel_loop3A_748 : vector<16xi1>, vector<16xf32>
      %parallel_loop3A_750 = arith.index_cast %parallel_loop3A_560 : i32 to index
      %parallel_loop3A_751 = tpu.vector_load %arg18[%parallel_loop3A_750] {strides = array<i32>} : memref<2048xf32, #tpu.memory_space<vmem>>, vector<16xf32>,
      %parallel_loop3A_752 = arith.constant 1.000000e+00 : f32
      %parallel_loop3A_753 = vector.broadcast %parallel_loop3A_752 : f32 to vector<16xf32>
      %parallel_loop3A_754 = arith.subf %parallel_loop3A_753, %parallel_loop3A_751 : vector<16xf32>
      %parallel_loop3A_755 = arith.constant 1.100000e+00 : f32
      %parallel_loop3A_756 = vector.broadcast %parallel_loop3A_755 : f32 to vector<16xf32>
      %parallel_loop3A_757 = arith.mulf %parallel_loop3A_756, %parallel_loop3A_754 : vector<16xf32>
      %parallel_loop3A_758 = arith.constant 5.000000e-01 : f32
      %parallel_loop3A_759 = vector.broadcast %parallel_loop3A_758 : f32 to vector<16xf32>
      %parallel_loop3A_760 = arith.mulf %parallel_loop3A_759, %parallel_loop3A_571 : vector<16xf32>
      %parallel_loop3A_761 = arith.mulf %parallel_loop3A_760, %parallel_loop3A_714 : vector<16xf32>
      %parallel_loop3A_762 = arith.mulf %parallel_loop3A_751, %parallel_loop3A_761 : vector<16xf32>
      %parallel_loop3A_763 = arith.mulf %parallel_loop3A_757, %parallel_loop3A_735 : vector<16xf32>
      %parallel_loop3A_764 = arith.addf %parallel_loop3A_762, %parallel_loop3A_763 : vector<16xf32>
      %parallel_loop3A_765 = arith.constant 5.000000e-01 : f32
      %parallel_loop3A_766 = vector.broadcast %parallel_loop3A_765 : f32 to vector<16xf32>
      %parallel_loop3A_767 = arith.mulf %parallel_loop3A_766, %parallel_loop3A_582 : vector<16xf32>
      %parallel_loop3A_768 = arith.mulf %parallel_loop3A_767, %parallel_loop3A_715 : vector<16xf32>
      %parallel_loop3A_769 = arith.mulf %parallel_loop3A_751, %parallel_loop3A_768 : vector<16xf32>
      %parallel_loop3A_770 = arith.mulf %parallel_loop3A_757, %parallel_loop3A_742 : vector<16xf32>
      %parallel_loop3A_771 = arith.addf %parallel_loop3A_769, %parallel_loop3A_770 : vector<16xf32>
      %parallel_loop3A_772 = arith.constant 5.000000e-01 : f32
      %parallel_loop3A_773 = vector.broadcast %parallel_loop3A_772 : f32 to vector<16xf32>
      %parallel_loop3A_774 = arith.mulf %parallel_loop3A_773, %parallel_loop3A_593 : vector<16xf32>
      %parallel_loop3A_775 = arith.mulf %parallel_loop3A_774, %parallel_loop3A_713 : vector<16xf32>
      %parallel_loop3A_776 = arith.mulf %parallel_loop3A_751, %parallel_loop3A_775 : vector<16xf32>
      %parallel_loop3A_777 = arith.mulf %parallel_loop3A_757, %parallel_loop3A_749 : vector<16xf32>
      %parallel_loop3A_778 = arith.addf %parallel_loop3A_776, %parallel_loop3A_777 : vector<16xf32>
      tpu.vector_store_idx %arg13[%parallel_loop3A_564], %parallel_loop3A_764 {add = true} : memref<10000xf32, #tpu.memory_space<vmem>>[vector<16xi32>], vector<16xf32>,
      tpu.vector_store_idx %arg13[%parallel_loop3A_575], %parallel_loop3A_771 {add = true} : memref<10000xf32, #tpu.memory_space<vmem>>[vector<16xi32>], vector<16xf32>,
      tpu.vector_store_idx %arg13[%parallel_loop3A_586], %parallel_loop3A_778 {add = true} : memref<10000xf32, #tpu.memory_space<vmem>>[vector<16xi32>], vector<16xf32>,
      %parallel_loop3A_779 = arith.index_cast %parallel_loop3A_560 : i32 to index
      %parallel_loop3A_780 = tpu.vector_load %arg25[%parallel_loop3A_779] {strides = array<i32>} : memref<2048xf32, #tpu.memory_space<vmem>>, vector<16xf32>,
      tpu.vector_store %arg25[%parallel_loop3A_779], %parallel_loop3A_719 {strides = array<i32>} : memref<2048xf32, #tpu.memory_space<vmem>>, vector<16xf32>,
      %parallel_loop3A_781 = arith.constant 1.000000e-03 : f32
      %parallel_loop3A_782 = vector.broadcast %parallel_loop3A_781 : f32 to vector<16xf32>
      %parallel_loop3A_783 = arith.addf %parallel_loop3A_751, %parallel_loop3A_782 : vector<16xf32>
      %parallel_loop3A_784 = arith.constant 2.000000e+01 : f32
      %parallel_loop3A_785 = vector.broadcast %parallel_loop3A_784 : f32 to vector<16xf32>
      %parallel_loop3A_786 = arith.mulf %parallel_loop3A_785, %parallel_loop3A_783 : vector<16xf32>
      %parallel_loop3A_787 = arith.constant 2.500000e-01 : f32
      %parallel_loop3A_788 = vector.broadcast %parallel_loop3A_787 : f32 to vector<16xf32>
      %parallel_loop3A_789 = arith.subf %parallel_loop3A_719, %parallel_loop3A_788 : vector<16xf32>
      %parallel_loop3A_790 = arith.mulf %parallel_loop3A_786, %parallel_loop3A_789 : vector<16xf32>
      %parallel_loop3A_791 = arith.index_cast %parallel_loop3A_560 : i32 to index
      %parallel_loop3A_792 = tpu.vector_load %arg27[%parallel_loop3A_791] {strides = array<i32>} : memref<2048xf32, #tpu.memory_space<vmem>>, vector<16xf32>,
      tpu.vector_store %arg27[%parallel_loop3A_791], %parallel_loop3A_790 {strides = array<i32>} : memref<2048xf32, #tpu.memory_space<vmem>>, vector<16xf32>,
      %parallel_loop3A_793 = arith.constant 5.000000e-02 : f32
      %parallel_loop3A_794 = vector.broadcast %parallel_loop3A_793 : f32 to vector<16xf32>
      %parallel_loop3A_795 = arith.subf %parallel_loop3A_719, %parallel_loop3A_794 : vector<16xf32>
      %parallel_loop3A_796 = arith.constant 5.000000e+00 : f32
      %parallel_loop3A_797 = vector.broadcast %parallel_loop3A_796 : f32 to vector<16xf32>
      %parallel_loop3A_798 = arith.mulf %parallel_loop3A_797, %parallel_loop3A_795 : vector<16xf32>
      %parallel_loop3A_799 = arith.index_cast %parallel_loop3A_560 : i32 to index
      %parallel_loop3A_800 = tpu.vector_load %arg29[%parallel_loop3A_799] {strides = array<i32>} : memref<2048xf32, #tpu.memory_space<vmem>>, vector<16xf32>,
      tpu.vector_store %arg29[%parallel_loop3A_799], %parallel_loop3A_798 {strides = array<i32>} : memref<2048xf32, #tpu.memory_space<vmem>>, vector<16xf32>,
      %parallel_loop3A_801 = arith.maximumf %parallel_loop3A_557, %parallel_loop3A_719 : vector<16xf32>
      scf.yield %parallel_loop3A_697, %parallel_loop3A_801 : vector<16xf32>, vector<16xf32>
    } {sc.loop_unroll_factor = 2 : i64, sc.parallel_access}
    %iota3A = tpu.iota {dimensions = array<i32: 0>} : vector<16xi32>
    %lt3A = arith.constant 8 : i32
    %lt3A_189 = vector.broadcast %lt3A : i32 to vector<16xi32>
    %lt3A_190 = arith.cmpi slt, %iota3A, %lt3A_189 : vector<16xi32>
    %multiple_of3A = arith.constant 2032 : i32
    %multiple_of3A_191 = tpu.assume_multiple %multiple_of3A, 16 : i32
    %get3A = arith.index_cast %multiple_of3A_191 : i32 to index
    %get3A_192 = tpu.vector_load %arg14[%get3A] {strides = array<i32>} : memref<2048xi32, #tpu.memory_space<vmem>>, vector<16xi32>,
    %and3A = arith.constant 2147483647 : i32
    %and3A_193 = vector.broadcast %and3A : i32 to vector<16xi32>
    %and3A_194 = arith.andi %get3A_192, %and3A_193 : vector<16xi32>
    %not3A = arith.constant dense<-1> : vector<16xi32>
    %not3A_195 = arith.xori %get3A_192, %not3A : vector<16xi32>
    %and3A_196 = arith.constant -2147483648 : i32
    %and3A_197 = vector.broadcast %and3A_196 : i32 to vector<16xi32>
    %and3A_198 = arith.andi %not3A_195, %and3A_197 : vector<16xi32>
    %or3A = arith.constant 1065353216 : i32
    %or3A_199 = vector.broadcast %or3A : i32 to vector<16xi32>
    %or3A_200 = arith.ori %and3A_198, %or3A_199 : vector<16xi32>
    %bitcast3A = vector.bitcast %or3A_200 : vector<16xi32> to vector<16xf32>
    %get3A_201 = arith.index_cast %multiple_of3A_191 : i32 to index
    %get3A_202 = tpu.vector_load %arg15[%get3A_201] {strides = array<i32>} : memref<2048xi32, #tpu.memory_space<vmem>>, vector<16xi32>,
    %and3A_203 = arith.constant 2147483647 : i32
    %and3A_204 = vector.broadcast %and3A_203 : i32 to vector<16xi32>
    %and3A_205 = arith.andi %get3A_202, %and3A_204 : vector<16xi32>
    %not3A_206 = arith.constant dense<-1> : vector<16xi32>
    %not3A_207 = arith.xori %get3A_202, %not3A_206 : vector<16xi32>
    %and3A_208 = arith.constant -2147483648 : i32
    %and3A_209 = vector.broadcast %and3A_208 : i32 to vector<16xi32>
    %and3A_210 = arith.andi %not3A_207, %and3A_209 : vector<16xi32>
    %or3A_211 = arith.constant 1065353216 : i32
    %or3A_212 = vector.broadcast %or3A_211 : i32 to vector<16xi32>
    %or3A_213 = arith.ori %and3A_210, %or3A_212 : vector<16xi32>
    %bitcast3A_214 = vector.bitcast %or3A_213 : vector<16xi32> to vector<16xf32>
    %get3A_215 = arith.index_cast %multiple_of3A_191 : i32 to index
    %get3A_216 = tpu.vector_load %arg16[%get3A_215] {strides = array<i32>} : memref<2048xi32, #tpu.memory_space<vmem>>, vector<16xi32>,
    %and3A_217 = arith.constant 2147483647 : i32
    %and3A_218 = vector.broadcast %and3A_217 : i32 to vector<16xi32>
    %and3A_219 = arith.andi %get3A_216, %and3A_218 : vector<16xi32>
    %not3A_220 = arith.constant dense<-1> : vector<16xi32>
    %not3A_221 = arith.xori %get3A_216, %not3A_220 : vector<16xi32>
    %and3A_222 = arith.constant -2147483648 : i32
    %and3A_223 = vector.broadcast %and3A_222 : i32 to vector<16xi32>
    %and3A_224 = arith.andi %not3A_221, %and3A_223 : vector<16xi32>
    %or3A_225 = arith.constant 1065353216 : i32
    %or3A_226 = vector.broadcast %or3A_225 : i32 to vector<16xi32>
    %or3A_227 = arith.ori %and3A_224, %or3A_226 : vector<16xi32>
    %bitcast3A_228 = vector.bitcast %or3A_227 : vector<16xi32> to vector<16xf32>
    %gather3A = tpu.vector_load_idx %arg10[%and3A_194] : memref<10000xf32, #tpu.memory_space<vmem>>[vector<16xi32>], vector<16xf32>,
    %gather3A_229 = tpu.vector_load_idx %arg10[%and3A_205] : memref<10000xf32, #tpu.memory_space<vmem>>[vector<16xi32>], vector<16xf32>,
    %gather3A_230 = tpu.vector_load_idx %arg10[%and3A_219] : memref<10000xf32, #tpu.memory_space<vmem>>[vector<16xi32>], vector<16xf32>,
    %mul3A_231 = arith.mulf %bitcast3A, %gather3A : vector<16xf32>
    %sub3A = arith.constant 1.000000e+00 : f32
    %sub3A_232 = vector.broadcast %sub3A : f32 to vector<16xf32>
    %sub3A_233 = arith.subf %sub3A_232, %mul3A_231 : vector<16xf32>
    %mul3A_234 = arith.mulf %bitcast3A_214, %gather3A_229 : vector<16xf32>
    %sub3A_235 = arith.constant 1.000000e+00 : f32
    %sub3A_236 = vector.broadcast %sub3A_235 : f32 to vector<16xf32>
    %sub3A_237 = arith.subf %sub3A_236, %mul3A_234 : vector<16xf32>
    %mul3A_238 = arith.mulf %bitcast3A_228, %gather3A_230 : vector<16xf32>
    %sub3A_239 = arith.constant 1.000000e+00 : f32
    %sub3A_240 = vector.broadcast %sub3A_239 : f32 to vector<16xf32>
    %sub3A_241 = arith.subf %sub3A_240, %mul3A_238 : vector<16xf32>
    %min3A = arith.minimumf %sub3A_233, %sub3A_237 : vector<16xf32>
    %min3A_242 = arith.minimumf %sub3A_237, %sub3A_241 : vector<16xf32>
    %min3A_243 = arith.minimumf %sub3A_233, %sub3A_241 : vector<16xf32>
    %min3A_244 = arith.minimumf %min3A, %sub3A_241 : vector<16xf32>
    %mul3A_245 = arith.constant 5.000000e-01 : f32
    %mul3A_246 = vector.broadcast %mul3A_245 : f32 to vector<16xf32>
    %mul3A_247 = arith.mulf %mul3A_246, %min3A_244 : vector<16xf32>
    %le3A = arith.cmpf ole, %sub3A_233, %sub3A_237 : vector<16xf32>
    %le3A_248 = arith.cmpf ole, %sub3A_233, %sub3A_241 : vector<16xf32>
    %and3A_249 = arith.andi %le3A, %le3A_248 : vector<16xi1>
    %lt3A_250 = arith.cmpf olt, %sub3A_237, %sub3A_233 : vector<16xf32>
    %le3A_251 = arith.cmpf ole, %sub3A_237, %sub3A_241 : vector<16xf32>
    %and3A_252 = arith.andi %lt3A_250, %le3A_251 : vector<16xi1>
    %lt3A_253 = arith.cmpf olt, %sub3A_241, %sub3A_233 : vector<16xf32>
    %lt3A_254 = arith.cmpf olt, %sub3A_241, %sub3A_237 : vector<16xf32>
    %and3A_255 = arith.andi %lt3A_253, %lt3A_254 : vector<16xi1>
    %sub3A_256 = arith.subf %bitcast3A, %gather3A : vector<16xf32>
    %mul3A_257 = arith.constant 5.000000e-01 : f32
    %mul3A_258 = vector.broadcast %mul3A_257 : f32 to vector<16xf32>
    %mul3A_259 = arith.mulf %mul3A_258, %sub3A_256 : vector<16xf32>
    %jit3A = arith.constant 0.000000e+00 : f32
    %broadcast_in_dim3A_260 = vector.broadcast %jit3A : f32 to vector<16xf32>
    %select_n3A = arith.select %and3A_249, %mul3A_259, %broadcast_in_dim3A_260 : vector<16xi1>, vector<16xf32>
    %sub3A_261 = arith.subf %bitcast3A_214, %gather3A_229 : vector<16xf32>
    %mul3A_262 = arith.constant 5.000000e-01 : f32
    %mul3A_263 = vector.broadcast %mul3A_262 : f32 to vector<16xf32>
    %mul3A_264 = arith.mulf %mul3A_263, %sub3A_261 : vector<16xf32>
    %jit3A_265 = arith.constant 0.000000e+00 : f32
    %broadcast_in_dim3A_266 = vector.broadcast %jit3A_265 : f32 to vector<16xf32>
    %select_n3A_267 = arith.select %and3A_252, %mul3A_264, %broadcast_in_dim3A_266 : vector<16xi1>, vector<16xf32>
    %sub3A_268 = arith.subf %bitcast3A_228, %gather3A_230 : vector<16xf32>
    %mul3A_269 = arith.constant 5.000000e-01 : f32
    %mul3A_270 = vector.broadcast %mul3A_269 : f32 to vector<16xf32>
    %mul3A_271 = arith.mulf %mul3A_270, %sub3A_268 : vector<16xf32>
    %jit3A_272 = arith.constant 0.000000e+00 : f32
    %broadcast_in_dim3A_273 = vector.broadcast %jit3A_272 : f32 to vector<16xf32>
    %select_n3A_274 = arith.select %and3A_255, %mul3A_271, %broadcast_in_dim3A_273 : vector<16xi1>, vector<16xf32>
    %get3A_275 = arith.index_cast %multiple_of3A_191 : i32 to index
    %get3A_276 = tpu.vector_load %arg17[%get3A_275] {strides = array<i32>} : memref<2048xf32, #tpu.memory_space<vmem>>, vector<16xf32>,
    %sub3A_277 = arith.constant 1.000000e+00 : f32
    %sub3A_278 = vector.broadcast %sub3A_277 : f32 to vector<16xf32>
    %sub3A_279 = arith.subf %sub3A_278, %get3A_276 : vector<16xf32>
    %mul3A_280 = arith.constant 1.100000e+00 : f32
    %mul3A_281 = vector.broadcast %mul3A_280 : f32 to vector<16xf32>
    %mul3A_282 = arith.mulf %mul3A_281, %sub3A_279 : vector<16xf32>
    %mul3A_283 = arith.constant 5.000000e-01 : f32
    %mul3A_284 = vector.broadcast %mul3A_283 : f32 to vector<16xf32>
    %mul3A_285 = arith.mulf %mul3A_284, %bitcast3A : vector<16xf32>
    %mul3A_286 = arith.mulf %mul3A_285, %min3A_242 : vector<16xf32>
    %mul3A_287 = arith.mulf %get3A_276, %mul3A_286 : vector<16xf32>
    %mul3A_288 = arith.mulf %mul3A_282, %select_n3A : vector<16xf32>
    %add3A_289 = arith.addf %mul3A_287, %mul3A_288 : vector<16xf32>
    %mul3A_290 = arith.constant 5.000000e-01 : f32
    %mul3A_291 = vector.broadcast %mul3A_290 : f32 to vector<16xf32>
    %mul3A_292 = arith.mulf %mul3A_291, %bitcast3A_214 : vector<16xf32>
    %mul3A_293 = arith.mulf %mul3A_292, %min3A_243 : vector<16xf32>
    %mul3A_294 = arith.mulf %get3A_276, %mul3A_293 : vector<16xf32>
    %mul3A_295 = arith.mulf %mul3A_282, %select_n3A_267 : vector<16xf32>
    %add3A_296 = arith.addf %mul3A_294, %mul3A_295 : vector<16xf32>
    %mul3A_297 = arith.constant 5.000000e-01 : f32
    %mul3A_298 = vector.broadcast %mul3A_297 : f32 to vector<16xf32>
    %mul3A_299 = arith.mulf %mul3A_298, %bitcast3A_228 : vector<16xf32>
    %mul3A_300 = arith.mulf %mul3A_299, %min3A : vector<16xf32>
    %mul3A_301 = arith.mulf %get3A_276, %mul3A_300 : vector<16xf32>
    %mul3A_302 = arith.mulf %mul3A_282, %select_n3A_274 : vector<16xf32>
    %add3A_303 = arith.addf %mul3A_301, %mul3A_302 : vector<16xf32>
    tpu.vector_store_idx %arg12[%and3A_194], %add3A_289 masked %lt3A_190 {add = true} : memref<10000xf32, #tpu.memory_space<vmem>>[vector<16xi32>], vector<16xf32>, vector<16xi1>
    tpu.vector_store_idx %arg12[%and3A_205], %add3A_296 masked %lt3A_190 {add = true} : memref<10000xf32, #tpu.memory_space<vmem>>[vector<16xi32>], vector<16xf32>, vector<16xi1>
    tpu.vector_store_idx %arg12[%and3A_219], %add3A_303 masked %lt3A_190 {add = true} : memref<10000xf32, #tpu.memory_space<vmem>>[vector<16xi32>], vector<16xf32>, vector<16xi1>
    %swap3A = arith.index_cast %multiple_of3A_191 : i32 to index
    %swap3A_304 = tpu.vector_load %arg24[%swap3A] {strides = array<i32>} : memref<2048xf32, #tpu.memory_space<vmem>>, vector<16xf32>,
    tpu.vector_store %arg24[%swap3A], %mul3A_247 {strides = array<i32>} : memref<2048xf32, #tpu.memory_space<vmem>>, vector<16xf32>,
    %add3A_305 = arith.constant 1.000000e-03 : f32
    %add3A_306 = vector.broadcast %add3A_305 : f32 to vector<16xf32>
    %add3A_307 = arith.addf %get3A_276, %add3A_306 : vector<16xf32>
    %mul3A_308 = arith.constant 2.000000e+01 : f32
    %mul3A_309 = vector.broadcast %mul3A_308 : f32 to vector<16xf32>
    %mul3A_310 = arith.mulf %mul3A_309, %add3A_307 : vector<16xf32>
    %sub3A_311 = arith.constant 2.500000e-01 : f32
    %sub3A_312 = vector.broadcast %sub3A_311 : f32 to vector<16xf32>
    %sub3A_313 = arith.subf %mul3A_247, %sub3A_312 : vector<16xf32>
    %mul3A_314 = arith.mulf %mul3A_310, %sub3A_313 : vector<16xf32>
    %swap3A_315 = arith.index_cast %multiple_of3A_191 : i32 to index
    %swap3A_316 = tpu.vector_load %arg26[%swap3A_315] {strides = array<i32>} : memref<2048xf32, #tpu.memory_space<vmem>>, vector<16xf32>,
    tpu.vector_store %arg26[%swap3A_315], %mul3A_314 {strides = array<i32>} : memref<2048xf32, #tpu.memory_space<vmem>>, vector<16xf32>,
    %sub3A_317 = arith.constant 5.000000e-02 : f32
    %sub3A_318 = vector.broadcast %sub3A_317 : f32 to vector<16xf32>
    %sub3A_319 = arith.subf %mul3A_247, %sub3A_318 : vector<16xf32>
    %mul3A_320 = arith.constant 5.000000e+00 : f32
    %mul3A_321 = vector.broadcast %mul3A_320 : f32 to vector<16xf32>
    %mul3A_322 = arith.mulf %mul3A_321, %sub3A_319 : vector<16xf32>
    %swap3A_323 = arith.index_cast %multiple_of3A_191 : i32 to index
    %swap3A_324 = tpu.vector_load %arg28[%swap3A_323] {strides = array<i32>} : memref<2048xf32, #tpu.memory_space<vmem>>, vector<16xf32>,
    tpu.vector_store %arg28[%swap3A_323], %mul3A_322 {strides = array<i32>} : memref<2048xf32, #tpu.memory_space<vmem>>, vector<16xf32>,
    %jit3A_325 = arith.constant 0.000000e+00 : f32
    %broadcast_in_dim3A_326 = vector.broadcast %jit3A_325 : f32 to vector<16xf32>
    %select_n3A_327 = arith.select %lt3A_190, %mul3A_247, %broadcast_in_dim3A_326 : vector<16xi1>, vector<16xf32>
    %max3A = arith.maximumf %parallel_loop3A_188#0, %select_n3A_327 : vector<16xf32>
    %gather3A_328 = tpu.vector_load_idx %arg11[%and3A_194] : memref<10000xf32, #tpu.memory_space<vmem>>[vector<16xi32>], vector<16xf32>,
    %gather3A_329 = tpu.vector_load_idx %arg11[%and3A_205] : memref<10000xf32, #tpu.memory_space<vmem>>[vector<16xi32>], vector<16xf32>,
    %gather3A_330 = tpu.vector_load_idx %arg11[%and3A_219] : memref<10000xf32, #tpu.memory_space<vmem>>[vector<16xi32>], vector<16xf32>,
    %mul3A_331 = arith.mulf %bitcast3A, %gather3A_328 : vector<16xf32>
    %sub3A_332 = arith.constant 1.000000e+00 : f32
    %sub3A_333 = vector.broadcast %sub3A_332 : f32 to vector<16xf32>
    %sub3A_334 = arith.subf %sub3A_333, %mul3A_331 : vector<16xf32>
    %mul3A_335 = arith.mulf %bitcast3A_214, %gather3A_329 : vector<16xf32>
    %sub3A_336 = arith.constant 1.000000e+00 : f32
    %sub3A_337 = vector.broadcast %sub3A_336 : f32 to vector<16xf32>
    %sub3A_338 = arith.subf %sub3A_337, %mul3A_335 : vector<16xf32>
    %mul3A_339 = arith.mulf %bitcast3A_228, %gather3A_330 : vector<16xf32>
    %sub3A_340 = arith.constant 1.000000e+00 : f32
    %sub3A_341 = vector.broadcast %sub3A_340 : f32 to vector<16xf32>
    %sub3A_342 = arith.subf %sub3A_341, %mul3A_339 : vector<16xf32>
    %min3A_343 = arith.minimumf %sub3A_334, %sub3A_338 : vector<16xf32>
    %min3A_344 = arith.minimumf %sub3A_338, %sub3A_342 : vector<16xf32>
    %min3A_345 = arith.minimumf %sub3A_334, %sub3A_342 : vector<16xf32>
    %min3A_346 = arith.minimumf %min3A_343, %sub3A_342 : vector<16xf32>
    %mul3A_347 = arith.constant 5.000000e-01 : f32
    %mul3A_348 = vector.broadcast %mul3A_347 : f32 to vector<16xf32>
    %mul3A_349 = arith.mulf %mul3A_348, %min3A_346 : vector<16xf32>
    %le3A_350 = arith.cmpf ole, %sub3A_334, %sub3A_338 : vector<16xf32>
    %le3A_351 = arith.cmpf ole, %sub3A_334, %sub3A_342 : vector<16xf32>
    %and3A_352 = arith.andi %le3A_350, %le3A_351 : vector<16xi1>
    %lt3A_353 = arith.cmpf olt, %sub3A_338, %sub3A_334 : vector<16xf32>
    %le3A_354 = arith.cmpf ole, %sub3A_338, %sub3A_342 : vector<16xf32>
    %and3A_355 = arith.andi %lt3A_353, %le3A_354 : vector<16xi1>
    %lt3A_356 = arith.cmpf olt, %sub3A_342, %sub3A_334 : vector<16xf32>
    %lt3A_357 = arith.cmpf olt, %sub3A_342, %sub3A_338 : vector<16xf32>
    %and3A_358 = arith.andi %lt3A_356, %lt3A_357 : vector<16xi1>
    %sub3A_359 = arith.subf %bitcast3A, %gather3A_328 : vector<16xf32>
    %mul3A_360 = arith.constant 5.000000e-01 : f32
    %mul3A_361 = vector.broadcast %mul3A_360 : f32 to vector<16xf32>
    %mul3A_362 = arith.mulf %mul3A_361, %sub3A_359 : vector<16xf32>
    %jit3A_363 = arith.constant 0.000000e+00 : f32
    %broadcast_in_dim3A_364 = vector.broadcast %jit3A_363 : f32 to vector<16xf32>
    %select_n3A_365 = arith.select %and3A_352, %mul3A_362, %broadcast_in_dim3A_364 : vector<16xi1>, vector<16xf32>
    %sub3A_366 = arith.subf %bitcast3A_214, %gather3A_329 : vector<16xf32>
    %mul3A_367 = arith.constant 5.000000e-01 : f32
    %mul3A_368 = vector.broadcast %mul3A_367 : f32 to vector<16xf32>
    %mul3A_369 = arith.mulf %mul3A_368, %sub3A_366 : vector<16xf32>
    %jit3A_370 = arith.constant 0.000000e+00 : f32
    %broadcast_in_dim3A_371 = vector.broadcast %jit3A_370 : f32 to vector<16xf32>
    %select_n3A_372 = arith.select %and3A_355, %mul3A_369, %broadcast_in_dim3A_371 : vector<16xi1>, vector<16xf32>
    %sub3A_373 = arith.subf %bitcast3A_228, %gather3A_330 : vector<16xf32>
    %mul3A_374 = arith.constant 5.000000e-01 : f32
    %mul3A_375 = vector.broadcast %mul3A_374 : f32 to vector<16xf32>
    %mul3A_376 = arith.mulf %mul3A_375, %sub3A_373 : vector<16xf32>
    %jit3A_377 = arith.constant 0.000000e+00 : f32
    %broadcast_in_dim3A_378 = vector.broadcast %jit3A_377 : f32 to vector<16xf32>
    %select_n3A_379 = arith.select %and3A_358, %mul3A_376, %broadcast_in_dim3A_378 : vector<16xi1>, vector<16xf32>
    %get3A_380 = arith.index_cast %multiple_of3A_191 : i32 to index
    %get3A_381 = tpu.vector_load %arg18[%get3A_380] {strides = array<i32>} : memref<2048xf32, #tpu.memory_space<vmem>>, vector<16xf32>,
    %sub3A_382 = arith.constant 1.000000e+00 : f32
    %sub3A_383 = vector.broadcast %sub3A_382 : f32 to vector<16xf32>
    %sub3A_384 = arith.subf %sub3A_383, %get3A_381 : vector<16xf32>
    %mul3A_385 = arith.constant 1.100000e+00 : f32
    %mul3A_386 = vector.broadcast %mul3A_385 : f32 to vector<16xf32>
    %mul3A_387 = arith.mulf %mul3A_386, %sub3A_384 : vector<16xf32>
    %mul3A_388 = arith.constant 5.000000e-01 : f32
    %mul3A_389 = vector.broadcast %mul3A_388 : f32 to vector<16xf32>
    %mul3A_390 = arith.mulf %mul3A_389, %bitcast3A : vector<16xf32>
    %mul3A_391 = arith.mulf %mul3A_390, %min3A_344 : vector<16xf32>
    %mul3A_392 = arith.mulf %get3A_381, %mul3A_391 : vector<16xf32>
    %mul3A_393 = arith.mulf %mul3A_387, %select_n3A_365 : vector<16xf32>
    %add3A_394 = arith.addf %mul3A_392, %mul3A_393 : vector<16xf32>
    %mul3A_395 = arith.constant 5.000000e-01 : f32
    %mul3A_396 = vector.broadcast %mul3A_395 : f32 to vector<16xf32>
    %mul3A_397 = arith.mulf %mul3A_396, %bitcast3A_214 : vector<16xf32>
    %mul3A_398 = arith.mulf %mul3A_397, %min3A_345 : vector<16xf32>
    %mul3A_399 = arith.mulf %get3A_381, %mul3A_398 : vector<16xf32>
    %mul3A_400 = arith.mulf %mul3A_387, %select_n3A_372 : vector<16xf32>
    %add3A_401 = arith.addf %mul3A_399, %mul3A_400 : vector<16xf32>
    %mul3A_402 = arith.constant 5.000000e-01 : f32
    %mul3A_403 = vector.broadcast %mul3A_402 : f32 to vector<16xf32>
    %mul3A_404 = arith.mulf %mul3A_403, %bitcast3A_228 : vector<16xf32>
    %mul3A_405 = arith.mulf %mul3A_404, %min3A_343 : vector<16xf32>
    %mul3A_406 = arith.mulf %get3A_381, %mul3A_405 : vector<16xf32>
    %mul3A_407 = arith.mulf %mul3A_387, %select_n3A_379 : vector<16xf32>
    %add3A_408 = arith.addf %mul3A_406, %mul3A_407 : vector<16xf32>
    tpu.vector_store_idx %arg13[%and3A_194], %add3A_394 masked %lt3A_190 {add = true} : memref<10000xf32, #tpu.memory_space<vmem>>[vector<16xi32>], vector<16xf32>, vector<16xi1>
    tpu.vector_store_idx %arg13[%and3A_205], %add3A_401 masked %lt3A_190 {add = true} : memref<10000xf32, #tpu.memory_space<vmem>>[vector<16xi32>], vector<16xf32>, vector<16xi1>
    tpu.vector_store_idx %arg13[%and3A_219], %add3A_408 masked %lt3A_190 {add = true} : memref<10000xf32, #tpu.memory_space<vmem>>[vector<16xi32>], vector<16xf32>, vector<16xi1>
    %swap3A_409 = arith.index_cast %multiple_of3A_191 : i32 to index
    %swap3A_410 = tpu.vector_load %arg25[%swap3A_409] {strides = array<i32>} : memref<2048xf32, #tpu.memory_space<vmem>>, vector<16xf32>,
    tpu.vector_store %arg25[%swap3A_409], %mul3A_349 {strides = array<i32>} : memref<2048xf32, #tpu.memory_space<vmem>>, vector<16xf32>,
    %add3A_411 = arith.constant 1.000000e-03 : f32
    %add3A_412 = vector.broadcast %add3A_411 : f32 to vector<16xf32>
    %add3A_413 = arith.addf %get3A_381, %add3A_412 : vector<16xf32>
    %mul3A_414 = arith.constant 2.000000e+01 : f32
    %mul3A_415 = vector.broadcast %mul3A_414 : f32 to vector<16xf32>
    %mul3A_416 = arith.mulf %mul3A_415, %add3A_413 : vector<16xf32>
    %sub3A_417 = arith.constant 2.500000e-01 : f32
    %sub3A_418 = vector.broadcast %sub3A_417 : f32 to vector<16xf32>
    %sub3A_419 = arith.subf %mul3A_349, %sub3A_418 : vector<16xf32>
    %mul3A_420 = arith.mulf %mul3A_416, %sub3A_419 : vector<16xf32>
    %swap3A_421 = arith.index_cast %multiple_of3A_191 : i32 to index
    %swap3A_422 = tpu.vector_load %arg27[%swap3A_421] {strides = array<i32>} : memref<2048xf32, #tpu.memory_space<vmem>>, vector<16xf32>,
    tpu.vector_store %arg27[%swap3A_421], %mul3A_420 {strides = array<i32>} : memref<2048xf32, #tpu.memory_space<vmem>>, vector<16xf32>,
    %sub3A_423 = arith.constant 5.000000e-02 : f32
    %sub3A_424 = vector.broadcast %sub3A_423 : f32 to vector<16xf32>
    %sub3A_425 = arith.subf %mul3A_349, %sub3A_424 : vector<16xf32>
    %mul3A_426 = arith.constant 5.000000e+00 : f32
    %mul3A_427 = vector.broadcast %mul3A_426 : f32 to vector<16xf32>
    %mul3A_428 = arith.mulf %mul3A_427, %sub3A_425 : vector<16xf32>
    %swap3A_429 = arith.index_cast %multiple_of3A_191 : i32 to index
    %swap3A_430 = tpu.vector_load %arg29[%swap3A_429] {strides = array<i32>} : memref<2048xf32, #tpu.memory_space<vmem>>, vector<16xf32>,
    tpu.vector_store %arg29[%swap3A_429], %mul3A_428 {strides = array<i32>} : memref<2048xf32, #tpu.memory_space<vmem>>, vector<16xf32>,
    %jit3A_431 = arith.constant 0.000000e+00 : f32
    %broadcast_in_dim3A_432 = vector.broadcast %jit3A_431 : f32 to vector<16xf32>
    %select_n3A_433 = arith.select %lt3A_190, %mul3A_349, %broadcast_in_dim3A_432 : vector<16xi1>, vector<16xf32>
    %max3A_434 = arith.maximumf %parallel_loop3A_188#1, %select_n3A_433 : vector<16xf32>
    %dma_start3A_435 = arith.constant 40960 : i32
    %dma_start3A_436 = tpu.memref_slice %arg5[%mul3A_2, %dma_start3A_435] : memref<64x43008xf32, #tpu.memory_space<hbm>> -> memref<1x2048xf32, #tpu.memory_space<hbm>>
    %dma_start3A_437 = tpu.memref_squeeze %dma_start3A_436 : memref<1x2048xf32, #tpu.memory_space<hbm>> -> memref<2048xf32, #tpu.memory_space<hbm>>
    %dma_start3A_438 = arith.constant 40960 : i32
    %dma_start3A_439 = tpu.memref_slice %arg5[%mul3A_2, %dma_start3A_438] : memref<64x43008xf32, #tpu.memory_space<hbm>> -> memref<1x2048xf32, #tpu.memory_space<hbm>>
    %dma_start3A_440 = tpu.memref_squeeze %dma_start3A_439 : memref<1x2048xf32, #tpu.memory_space<hbm>> -> memref<2048xf32, #tpu.memory_space<hbm>>
    tpu.enqueue_dma source(%arg24 : memref<2048xf32, #tpu.memory_space<vmem>>) target(%dma_start3A_440 : memref<2048xf32, #tpu.memory_space<hbm>>) target_semaphore(%arg39 : memref<!tpu.dma_semaphore, #tpu.memory_space<semaphore_mem>>)
    %dma_start3A_441 = arith.constant 40960 : i32
    %dma_start3A_442 = tpu.memref_slice %arg7[%mul3A_2, %dma_start3A_441] : memref<64x43008xf32, #tpu.memory_space<hbm>> -> memref<1x2048xf32, #tpu.memory_space<hbm>>
    %dma_start3A_443 = tpu.memref_squeeze %dma_start3A_442 : memref<1x2048xf32, #tpu.memory_space<hbm>> -> memref<2048xf32, #tpu.memory_space<hbm>>
    %dma_start3A_444 = arith.constant 40960 : i32
    %dma_start3A_445 = tpu.memref_slice %arg7[%mul3A_2, %dma_start3A_444] : memref<64x43008xf32, #tpu.memory_space<hbm>> -> memref<1x2048xf32, #tpu.memory_space<hbm>>
    %dma_start3A_446 = tpu.memref_squeeze %dma_start3A_445 : memref<1x2048xf32, #tpu.memory_space<hbm>> -> memref<2048xf32, #tpu.memory_space<hbm>>
    tpu.enqueue_dma source(%arg26 : memref<2048xf32, #tpu.memory_space<vmem>>) target(%dma_start3A_446 : memref<2048xf32, #tpu.memory_space<hbm>>) target_semaphore(%arg39 : memref<!tpu.dma_semaphore, #tpu.memory_space<semaphore_mem>>)
    %dma_start3A_447 = arith.constant 40960 : i32
    %dma_start3A_448 = tpu.memref_slice %arg8[%mul3A_2, %dma_start3A_447] : memref<64x43008xf32, #tpu.memory_space<hbm>> -> memref<1x2048xf32, #tpu.memory_space<hbm>>
    %dma_start3A_449 = tpu.memref_squeeze %dma_start3A_448 : memref<1x2048xf32, #tpu.memory_space<hbm>> -> memref<2048xf32, #tpu.memory_space<hbm>>
    %dma_start3A_450 = arith.constant 40960 : i32
    %dma_start3A_451 = tpu.memref_slice %arg8[%mul3A_2, %dma_start3A_450] : memref<64x43008xf32, #tpu.memory_space<hbm>> -> memref<1x2048xf32, #tpu.memory_space<hbm>>
    %dma_start3A_452 = tpu.memref_squeeze %dma_start3A_451 : memref<1x2048xf32, #tpu.memory_space<hbm>> -> memref<2048xf32, #tpu.memory_space<hbm>>
    tpu.enqueue_dma source(%arg28 : memref<2048xf32, #tpu.memory_space<vmem>>) target(%dma_start3A_452 : memref<2048xf32, #tpu.memory_space<hbm>>) target_semaphore(%arg39 : memref<!tpu.dma_semaphore, #tpu.memory_space<semaphore_mem>>)
    %dma_start3A_453 = arith.constant 40960 : i32
    %dma_start3A_454 = tpu.memref_slice %arg5[%add3A_4, %dma_start3A_453] : memref<64x43008xf32, #tpu.memory_space<hbm>> -> memref<1x2048xf32, #tpu.memory_space<hbm>>
    %dma_start3A_455 = tpu.memref_squeeze %dma_start3A_454 : memref<1x2048xf32, #tpu.memory_space<hbm>> -> memref<2048xf32, #tpu.memory_space<hbm>>
    %dma_start3A_456 = arith.constant 40960 : i32
    %dma_start3A_457 = tpu.memref_slice %arg5[%add3A_4, %dma_start3A_456] : memref<64x43008xf32, #tpu.memory_space<hbm>> -> memref<1x2048xf32, #tpu.memory_space<hbm>>
    %dma_start3A_458 = tpu.memref_squeeze %dma_start3A_457 : memref<1x2048xf32, #tpu.memory_space<hbm>> -> memref<2048xf32, #tpu.memory_space<hbm>>
    tpu.enqueue_dma source(%arg25 : memref<2048xf32, #tpu.memory_space<vmem>>) target(%dma_start3A_458 : memref<2048xf32, #tpu.memory_space<hbm>>) target_semaphore(%arg39 : memref<!tpu.dma_semaphore, #tpu.memory_space<semaphore_mem>>)
    %dma_start3A_459 = arith.constant 40960 : i32
    %dma_start3A_460 = tpu.memref_slice %arg7[%add3A_4, %dma_start3A_459] : memref<64x43008xf32, #tpu.memory_space<hbm>> -> memref<1x2048xf32, #tpu.memory_space<hbm>>
    %dma_start3A_461 = tpu.memref_squeeze %dma_start3A_460 : memref<1x2048xf32, #tpu.memory_space<hbm>> -> memref<2048xf32, #tpu.memory_space<hbm>>
    %dma_start3A_462 = arith.constant 40960 : i32
    %dma_start3A_463 = tpu.memref_slice %arg7[%add3A_4, %dma_start3A_462] : memref<64x43008xf32, #tpu.memory_space<hbm>> -> memref<1x2048xf32, #tpu.memory_space<hbm>>
    %dma_start3A_464 = tpu.memref_squeeze %dma_start3A_463 : memref<1x2048xf32, #tpu.memory_space<hbm>> -> memref<2048xf32, #tpu.memory_space<hbm>>
    tpu.enqueue_dma source(%arg27 : memref<2048xf32, #tpu.memory_space<vmem>>) target(%dma_start3A_464 : memref<2048xf32, #tpu.memory_space<hbm>>) target_semaphore(%arg39 : memref<!tpu.dma_semaphore, #tpu.memory_space<semaphore_mem>>)
    %dma_start3A_465 = arith.constant 40960 : i32
    %dma_start3A_466 = tpu.memref_slice %arg8[%add3A_4, %dma_start3A_465] : memref<64x43008xf32, #tpu.memory_space<hbm>> -> memref<1x2048xf32, #tpu.memory_space<hbm>>
    %dma_start3A_467 = tpu.memref_squeeze %dma_start3A_466 : memref<1x2048xf32, #tpu.memory_space<hbm>> -> memref<2048xf32, #tpu.memory_space<hbm>>
    %dma_start3A_468 = arith.constant 40960 : i32
    %dma_start3A_469 = tpu.memref_slice %arg8[%add3A_4, %dma_start3A_468] : memref<64x43008xf32, #tpu.memory_space<hbm>> -> memref<1x2048xf32, #tpu.memory_space<hbm>>
    %dma_start3A_470 = tpu.memref_squeeze %dma_start3A_469 : memref<1x2048xf32, #tpu.memory_space<hbm>> -> memref<2048xf32, #tpu.memory_space<hbm>>
    tpu.enqueue_dma source(%arg29 : memref<2048xf32, #tpu.memory_space<vmem>>) target(%dma_start3A_470 : memref<2048xf32, #tpu.memory_space<hbm>>) target_semaphore(%arg39 : memref<!tpu.dma_semaphore, #tpu.memory_space<semaphore_mem>>)
    %dma_wait3A_471 = arith.constant 40960 : i32
    %dma_wait3A_472 = tpu.memref_slice %arg5[%mul3A_2, %dma_wait3A_471] : memref<64x43008xf32, #tpu.memory_space<hbm>> -> memref<1x2048xf32, #tpu.memory_space<hbm>>
    %dma_wait3A_473 = tpu.memref_squeeze %dma_wait3A_472 : memref<1x2048xf32, #tpu.memory_space<hbm>> -> memref<2048xf32, #tpu.memory_space<hbm>>
    %dma_wait3A_474 = arith.constant 40960 : i32
    %dma_wait3A_475 = tpu.memref_slice %arg5[%mul3A_2, %dma_wait3A_474] : memref<64x43008xf32, #tpu.memory_space<hbm>> -> memref<1x2048xf32, #tpu.memory_space<hbm>>
    %dma_wait3A_476 = tpu.memref_squeeze %dma_wait3A_475 : memref<1x2048xf32, #tpu.memory_space<hbm>> -> memref<2048xf32, #tpu.memory_space<hbm>>
    tpu.wait_dma2 semaphore(%arg39 : memref<!tpu.dma_semaphore, #tpu.memory_space<semaphore_mem>>) src(%arg24 : memref<2048xf32, #tpu.memory_space<vmem>>) dst(%dma_wait3A_476 : memref<2048xf32, #tpu.memory_space<hbm>>)
    %dma_wait3A_477 = arith.constant 40960 : i32
    %dma_wait3A_478 = tpu.memref_slice %arg7[%mul3A_2, %dma_wait3A_477] : memref<64x43008xf32, #tpu.memory_space<hbm>> -> memref<1x2048xf32, #tpu.memory_space<hbm>>
    %dma_wait3A_479 = tpu.memref_squeeze %dma_wait3A_478 : memref<1x2048xf32, #tpu.memory_space<hbm>> -> memref<2048xf32, #tpu.memory_space<hbm>>
    %dma_wait3A_480 = arith.constant 40960 : i32
    %dma_wait3A_481 = tpu.memref_slice %arg7[%mul3A_2, %dma_wait3A_480] : memref<64x43008xf32, #tpu.memory_space<hbm>> -> memref<1x2048xf32, #tpu.memory_space<hbm>>
    %dma_wait3A_482 = tpu.memref_squeeze %dma_wait3A_481 : memref<1x2048xf32, #tpu.memory_space<hbm>> -> memref<2048xf32, #tpu.memory_space<hbm>>
    tpu.wait_dma2 semaphore(%arg39 : memref<!tpu.dma_semaphore, #tpu.memory_space<semaphore_mem>>) src(%arg26 : memref<2048xf32, #tpu.memory_space<vmem>>) dst(%dma_wait3A_482 : memref<2048xf32, #tpu.memory_space<hbm>>)
    %dma_wait3A_483 = arith.constant 40960 : i32
    %dma_wait3A_484 = tpu.memref_slice %arg8[%mul3A_2, %dma_wait3A_483] : memref<64x43008xf32, #tpu.memory_space<hbm>> -> memref<1x2048xf32, #tpu.memory_space<hbm>>
    %dma_wait3A_485 = tpu.memref_squeeze %dma_wait3A_484 : memref<1x2048xf32, #tpu.memory_space<hbm>> -> memref<2048xf32, #tpu.memory_space<hbm>>
    %dma_wait3A_486 = arith.constant 40960 : i32
    %dma_wait3A_487 = tpu.memref_slice %arg8[%mul3A_2, %dma_wait3A_486] : memref<64x43008xf32, #tpu.memory_space<hbm>> -> memref<1x2048xf32, #tpu.memory_space<hbm>>
    %dma_wait3A_488 = tpu.memref_squeeze %dma_wait3A_487 : memref<1x2048xf32, #tpu.memory_space<hbm>> -> memref<2048xf32, #tpu.memory_space<hbm>>
    tpu.wait_dma2 semaphore(%arg39 : memref<!tpu.dma_semaphore, #tpu.memory_space<semaphore_mem>>) src(%arg28 : memref<2048xf32, #tpu.memory_space<vmem>>) dst(%dma_wait3A_488 : memref<2048xf32, #tpu.memory_space<hbm>>)
    %dma_wait3A_489 = arith.constant 40960 : i32
    %dma_wait3A_490 = tpu.memref_slice %arg5[%add3A_4, %dma_wait3A_489] : memref<64x43008xf32, #tpu.memory_space<hbm>> -> memref<1x2048xf32, #tpu.memory_space<hbm>>
    %dma_wait3A_491 = tpu.memref_squeeze %dma_wait3A_490 : memref<1x2048xf32, #tpu.memory_space<hbm>> -> memref<2048xf32, #tpu.memory_space<hbm>>
    %dma_wait3A_492 = arith.constant 40960 : i32
    %dma_wait3A_493 = tpu.memref_slice %arg5[%add3A_4, %dma_wait3A_492] : memref<64x43008xf32, #tpu.memory_space<hbm>> -> memref<1x2048xf32, #tpu.memory_space<hbm>>
    %dma_wait3A_494 = tpu.memref_squeeze %dma_wait3A_493 : memref<1x2048xf32, #tpu.memory_space<hbm>> -> memref<2048xf32, #tpu.memory_space<hbm>>
    tpu.wait_dma2 semaphore(%arg39 : memref<!tpu.dma_semaphore, #tpu.memory_space<semaphore_mem>>) src(%arg25 : memref<2048xf32, #tpu.memory_space<vmem>>) dst(%dma_wait3A_494 : memref<2048xf32, #tpu.memory_space<hbm>>)
    %dma_wait3A_495 = arith.constant 40960 : i32
    %dma_wait3A_496 = tpu.memref_slice %arg7[%add3A_4, %dma_wait3A_495] : memref<64x43008xf32, #tpu.memory_space<hbm>> -> memref<1x2048xf32, #tpu.memory_space<hbm>>
    %dma_wait3A_497 = tpu.memref_squeeze %dma_wait3A_496 : memref<1x2048xf32, #tpu.memory_space<hbm>> -> memref<2048xf32, #tpu.memory_space<hbm>>
    %dma_wait3A_498 = arith.constant 40960 : i32
    %dma_wait3A_499 = tpu.memref_slice %arg7[%add3A_4, %dma_wait3A_498] : memref<64x43008xf32, #tpu.memory_space<hbm>> -> memref<1x2048xf32, #tpu.memory_space<hbm>>
    %dma_wait3A_500 = tpu.memref_squeeze %dma_wait3A_499 : memref<1x2048xf32, #tpu.memory_space<hbm>> -> memref<2048xf32, #tpu.memory_space<hbm>>
    tpu.wait_dma2 semaphore(%arg39 : memref<!tpu.dma_semaphore, #tpu.memory_space<semaphore_mem>>) src(%arg27 : memref<2048xf32, #tpu.memory_space<vmem>>) dst(%dma_wait3A_500 : memref<2048xf32, #tpu.memory_space<hbm>>)
    %dma_wait3A_501 = arith.constant 40960 : i32
    %dma_wait3A_502 = tpu.memref_slice %arg8[%add3A_4, %dma_wait3A_501] : memref<64x43008xf32, #tpu.memory_space<hbm>> -> memref<1x2048xf32, #tpu.memory_space<hbm>>
    %dma_wait3A_503 = tpu.memref_squeeze %dma_wait3A_502 : memref<1x2048xf32, #tpu.memory_space<hbm>> -> memref<2048xf32, #tpu.memory_space<hbm>>
    %dma_wait3A_504 = arith.constant 40960 : i32
    %dma_wait3A_505 = tpu.memref_slice %arg8[%add3A_4, %dma_wait3A_504] : memref<64x43008xf32, #tpu.memory_space<hbm>> -> memref<1x2048xf32, #tpu.memory_space<hbm>>
    %dma_wait3A_506 = tpu.memref_squeeze %dma_wait3A_505 : memref<1x2048xf32, #tpu.memory_space<hbm>> -> memref<2048xf32, #tpu.memory_space<hbm>>
    tpu.wait_dma2 semaphore(%arg39 : memref<!tpu.dma_semaphore, #tpu.memory_space<semaphore_mem>>) src(%arg29 : memref<2048xf32, #tpu.memory_space<vmem>>) dst(%dma_wait3A_506 : memref<2048xf32, #tpu.memory_space<hbm>>)
    %dma_wait3A_507 = arith.constant 38912 : i32
    %dma_wait3A_508 = tpu.memref_slice %arg5[%mul3A_2, %dma_wait3A_507] : memref<64x43008xf32, #tpu.memory_space<hbm>> -> memref<1x2048xf32, #tpu.memory_space<hbm>>
    %dma_wait3A_509 = tpu.memref_squeeze %dma_wait3A_508 : memref<1x2048xf32, #tpu.memory_space<hbm>> -> memref<2048xf32, #tpu.memory_space<hbm>>
    %dma_wait3A_510 = arith.constant 38912 : i32
    %dma_wait3A_511 = tpu.memref_slice %arg5[%mul3A_2, %dma_wait3A_510] : memref<64x43008xf32, #tpu.memory_space<hbm>> -> memref<1x2048xf32, #tpu.memory_space<hbm>>
    %dma_wait3A_512 = tpu.memref_squeeze %dma_wait3A_511 : memref<1x2048xf32, #tpu.memory_space<hbm>> -> memref<2048xf32, #tpu.memory_space<hbm>>
    tpu.wait_dma2 semaphore(%arg40 : memref<!tpu.dma_semaphore, #tpu.memory_space<semaphore_mem>>) src(%arg30 : memref<2048xf32, #tpu.memory_space<vmem>>) dst(%dma_wait3A_512 : memref<2048xf32, #tpu.memory_space<hbm>>)
    %dma_wait3A_513 = arith.constant 38912 : i32
    %dma_wait3A_514 = tpu.memref_slice %arg7[%mul3A_2, %dma_wait3A_513] : memref<64x43008xf32, #tpu.memory_space<hbm>> -> memref<1x2048xf32, #tpu.memory_space<hbm>>
    %dma_wait3A_515 = tpu.memref_squeeze %dma_wait3A_514 : memref<1x2048xf32, #tpu.memory_space<hbm>> -> memref<2048xf32, #tpu.memory_space<hbm>>
    %dma_wait3A_516 = arith.constant 38912 : i32
    %dma_wait3A_517 = tpu.memref_slice %arg7[%mul3A_2, %dma_wait3A_516] : memref<64x43008xf32, #tpu.memory_space<hbm>> -> memref<1x2048xf32, #tpu.memory_space<hbm>>
    %dma_wait3A_518 = tpu.memref_squeeze %dma_wait3A_517 : memref<1x2048xf32, #tpu.memory_space<hbm>> -> memref<2048xf32, #tpu.memory_space<hbm>>
    tpu.wait_dma2 semaphore(%arg40 : memref<!tpu.dma_semaphore, #tpu.memory_space<semaphore_mem>>) src(%arg32 : memref<2048xf32, #tpu.memory_space<vmem>>) dst(%dma_wait3A_518 : memref<2048xf32, #tpu.memory_space<hbm>>)
    %dma_wait3A_519 = arith.constant 38912 : i32
    %dma_wait3A_520 = tpu.memref_slice %arg8[%mul3A_2, %dma_wait3A_519] : memref<64x43008xf32, #tpu.memory_space<hbm>> -> memref<1x2048xf32, #tpu.memory_space<hbm>>
    %dma_wait3A_521 = tpu.memref_squeeze %dma_wait3A_520 : memref<1x2048xf32, #tpu.memory_space<hbm>> -> memref<2048xf32, #tpu.memory_space<hbm>>
    %dma_wait3A_522 = arith.constant 38912 : i32
    %dma_wait3A_523 = tpu.memref_slice %arg8[%mul3A_2, %dma_wait3A_522] : memref<64x43008xf32, #tpu.memory_space<hbm>> -> memref<1x2048xf32, #tpu.memory_space<hbm>>
    %dma_wait3A_524 = tpu.memref_squeeze %dma_wait3A_523 : memref<1x2048xf32, #tpu.memory_space<hbm>> -> memref<2048xf32, #tpu.memory_space<hbm>>
    tpu.wait_dma2 semaphore(%arg40 : memref<!tpu.dma_semaphore, #tpu.memory_space<semaphore_mem>>) src(%arg34 : memref<2048xf32, #tpu.memory_space<vmem>>) dst(%dma_wait3A_524 : memref<2048xf32, #tpu.memory_space<hbm>>)
    %dma_wait3A_525 = arith.constant 38912 : i32
    %dma_wait3A_526 = tpu.memref_slice %arg5[%add3A_4, %dma_wait3A_525] : memref<64x43008xf32, #tpu.memory_space<hbm>> -> memref<1x2048xf32, #tpu.memory_space<hbm>>
    %dma_wait3A_527 = tpu.memref_squeeze %dma_wait3A_526 : memref<1x2048xf32, #tpu.memory_space<hbm>> -> memref<2048xf32, #tpu.memory_space<hbm>>
    %dma_wait3A_528 = arith.constant 38912 : i32
    %dma_wait3A_529 = tpu.memref_slice %arg5[%add3A_4, %dma_wait3A_528] : memref<64x43008xf32, #tpu.memory_space<hbm>> -> memref<1x2048xf32, #tpu.memory_space<hbm>>
    %dma_wait3A_530 = tpu.memref_squeeze %dma_wait3A_529 : memref<1x2048xf32, #tpu.memory_space<hbm>> -> memref<2048xf32, #tpu.memory_space<hbm>>
    tpu.wait_dma2 semaphore(%arg40 : memref<!tpu.dma_semaphore, #tpu.memory_space<semaphore_mem>>) src(%arg31 : memref<2048xf32, #tpu.memory_space<vmem>>) dst(%dma_wait3A_530 : memref<2048xf32, #tpu.memory_space<hbm>>)
    %dma_wait3A_531 = arith.constant 38912 : i32
    %dma_wait3A_532 = tpu.memref_slice %arg7[%add3A_4, %dma_wait3A_531] : memref<64x43008xf32, #tpu.memory_space<hbm>> -> memref<1x2048xf32, #tpu.memory_space<hbm>>
    %dma_wait3A_533 = tpu.memref_squeeze %dma_wait3A_532 : memref<1x2048xf32, #tpu.memory_space<hbm>> -> memref<2048xf32, #tpu.memory_space<hbm>>
    %dma_wait3A_534 = arith.constant 38912 : i32
    %dma_wait3A_535 = tpu.memref_slice %arg7[%add3A_4, %dma_wait3A_534] : memref<64x43008xf32, #tpu.memory_space<hbm>> -> memref<1x2048xf32, #tpu.memory_space<hbm>>
    %dma_wait3A_536 = tpu.memref_squeeze %dma_wait3A_535 : memref<1x2048xf32, #tpu.memory_space<hbm>> -> memref<2048xf32, #tpu.memory_space<hbm>>
    tpu.wait_dma2 semaphore(%arg40 : memref<!tpu.dma_semaphore, #tpu.memory_space<semaphore_mem>>) src(%arg33 : memref<2048xf32, #tpu.memory_space<vmem>>) dst(%dma_wait3A_536 : memref<2048xf32, #tpu.memory_space<hbm>>)
    %dma_wait3A_537 = arith.constant 38912 : i32
    %dma_wait3A_538 = tpu.memref_slice %arg8[%add3A_4, %dma_wait3A_537] : memref<64x43008xf32, #tpu.memory_space<hbm>> -> memref<1x2048xf32, #tpu.memory_space<hbm>>
    %dma_wait3A_539 = tpu.memref_squeeze %dma_wait3A_538 : memref<1x2048xf32, #tpu.memory_space<hbm>> -> memref<2048xf32, #tpu.memory_space<hbm>>
    %dma_wait3A_540 = arith.constant 38912 : i32
    %dma_wait3A_541 = tpu.memref_slice %arg8[%add3A_4, %dma_wait3A_540] : memref<64x43008xf32, #tpu.memory_space<hbm>> -> memref<1x2048xf32, #tpu.memory_space<hbm>>
    %dma_wait3A_542 = tpu.memref_squeeze %dma_wait3A_541 : memref<1x2048xf32, #tpu.memory_space<hbm>> -> memref<2048xf32, #tpu.memory_space<hbm>>
    tpu.wait_dma2 semaphore(%arg40 : memref<!tpu.dma_semaphore, #tpu.memory_space<semaphore_mem>>) src(%arg35 : memref<2048xf32, #tpu.memory_space<vmem>>) dst(%dma_wait3A_542 : memref<2048xf32, #tpu.memory_space<hbm>>)
    %mul3A_543 = arith.constant 10000 : i32
    %mul3A_544 = arith.muli %mul3A_2, %mul3A_543 : i32
    "tpu.region"() ({
      %run_scoped3A = tpu.sem_alloc : memref<!tpu.dma_semaphore, #tpu.memory_space<semaphore_mem>>
      %dma_start3A_555 = tpu.memref_slice %arg6[%mul3A_544] : memref<640000xf32, #tpu.memory_space<hbm>> -> memref<10000xf32, #tpu.memory_space<hbm>>
      %dma_start3A_556 = tpu.memref_slice %arg6[%mul3A_544] : memref<640000xf32, #tpu.memory_space<hbm>> -> memref<10000xf32, #tpu.memory_space<hbm>>
      tpu.enqueue_dma source(%arg12 : memref<10000xf32, #tpu.memory_space<vmem>>) target(%dma_start3A_556 : memref<10000xf32, #tpu.memory_space<hbm>>) target_semaphore(%run_scoped3A : memref<!tpu.dma_semaphore, #tpu.memory_space<semaphore_mem>>)
      %dma_wait3A_557 = tpu.memref_slice %arg6[%mul3A_544] : memref<640000xf32, #tpu.memory_space<hbm>> -> memref<10000xf32, #tpu.memory_space<hbm>>
      %dma_wait3A_558 = tpu.memref_slice %arg6[%mul3A_544] : memref<640000xf32, #tpu.memory_space<hbm>> -> memref<10000xf32, #tpu.memory_space<hbm>>
      tpu.wait_dma2 semaphore(%run_scoped3A : memref<!tpu.dma_semaphore, #tpu.memory_space<semaphore_mem>>) src(%arg12 : memref<10000xf32, #tpu.memory_space<vmem>>) dst(%dma_wait3A_558 : memref<10000xf32, #tpu.memory_space<hbm>>)
      tpu.yield
    }) : () -> ()
    %mul3A_545 = arith.constant 10000 : i32
    %mul3A_546 = arith.muli %add3A_4, %mul3A_545 : i32
    "tpu.region"() ({
      %run_scoped3A = tpu.sem_alloc : memref<!tpu.dma_semaphore, #tpu.memory_space<semaphore_mem>>
      %dma_start3A_555 = tpu.memref_slice %arg6[%mul3A_546] : memref<640000xf32, #tpu.memory_space<hbm>> -> memref<10000xf32, #tpu.memory_space<hbm>>
      %dma_start3A_556 = tpu.memref_slice %arg6[%mul3A_546] : memref<640000xf32, #tpu.memory_space<hbm>> -> memref<10000xf32, #tpu.memory_space<hbm>>
      tpu.enqueue_dma source(%arg13 : memref<10000xf32, #tpu.memory_space<vmem>>) target(%dma_start3A_556 : memref<10000xf32, #tpu.memory_space<hbm>>) target_semaphore(%run_scoped3A : memref<!tpu.dma_semaphore, #tpu.memory_space<semaphore_mem>>)
      %dma_wait3A_557 = tpu.memref_slice %arg6[%mul3A_546] : memref<640000xf32, #tpu.memory_space<hbm>> -> memref<10000xf32, #tpu.memory_space<hbm>>
      %dma_wait3A_558 = tpu.memref_slice %arg6[%mul3A_546] : memref<640000xf32, #tpu.memory_space<hbm>> -> memref<10000xf32, #tpu.memory_space<hbm>>
      tpu.wait_dma2 semaphore(%run_scoped3A : memref<!tpu.dma_semaphore, #tpu.memory_space<semaphore_mem>>) src(%arg13 : memref<10000xf32, #tpu.memory_space<vmem>>) dst(%dma_wait3A_558 : memref<10000xf32, #tpu.memory_space<hbm>>)
      tpu.yield
    }) : () -> ()
    %swap3A_547 = arith.constant 0 : index
    %swap3A_548 = tpu.vector_load %arg36[%swap3A_547] {strides = array<i32>} : memref<16xf32, #tpu.memory_space<vmem>>, vector<16xf32>,
    tpu.vector_store %arg36[%swap3A_547], %max3A {strides = array<i32>} : memref<16xf32, #tpu.memory_space<vmem>>, vector<16xf32>,
    %mul3A_549 = arith.constant 16 : i32
    %mul3A_550 = arith.muli %mul3A_2, %mul3A_549 : i32
    "tpu.region"() ({
      %run_scoped3A = tpu.sem_alloc : memref<!tpu.dma_semaphore, #tpu.memory_space<semaphore_mem>>
      %dma_start3A_555 = tpu.memref_slice %arg9[%mul3A_550] : memref<1024xf32, #tpu.memory_space<hbm>> -> memref<16xf32, #tpu.memory_space<hbm>>
      %dma_start3A_556 = tpu.memref_slice %arg9[%mul3A_550] : memref<1024xf32, #tpu.memory_space<hbm>> -> memref<16xf32, #tpu.memory_space<hbm>>
      tpu.enqueue_dma source(%arg36 : memref<16xf32, #tpu.memory_space<vmem>>) target(%dma_start3A_556 : memref<16xf32, #tpu.memory_space<hbm>>) target_semaphore(%run_scoped3A : memref<!tpu.dma_semaphore, #tpu.memory_space<semaphore_mem>>)
      %dma_wait3A_557 = tpu.memref_slice %arg9[%mul3A_550] : memref<1024xf32, #tpu.memory_space<hbm>> -> memref<16xf32, #tpu.memory_space<hbm>>
      %dma_wait3A_558 = tpu.memref_slice %arg9[%mul3A_550] : memref<1024xf32, #tpu.memory_space<hbm>> -> memref<16xf32, #tpu.memory_space<hbm>>
      tpu.wait_dma2 semaphore(%run_scoped3A : memref<!tpu.dma_semaphore, #tpu.memory_space<semaphore_mem>>) src(%arg36 : memref<16xf32, #tpu.memory_space<vmem>>) dst(%dma_wait3A_558 : memref<16xf32, #tpu.memory_space<hbm>>)
      tpu.yield
    }) : () -> ()
    %swap3A_551 = arith.constant 0 : index
    %swap3A_552 = tpu.vector_load %arg36[%swap3A_551] {strides = array<i32>} : memref<16xf32, #tpu.memory_space<vmem>>, vector<16xf32>,
    tpu.vector_store %arg36[%swap3A_551], %max3A_434 {strides = array<i32>} : memref<16xf32, #tpu.memory_space<vmem>>, vector<16xf32>,
    %mul3A_553 = arith.constant 16 : i32
    %mul3A_554 = arith.muli %add3A_4, %mul3A_553 : i32
    "tpu.region"() ({
      %run_scoped3A = tpu.sem_alloc : memref<!tpu.dma_semaphore, #tpu.memory_space<semaphore_mem>>
      %dma_start3A_555 = tpu.memref_slice %arg9[%mul3A_554] : memref<1024xf32, #tpu.memory_space<hbm>> -> memref<16xf32, #tpu.memory_space<hbm>>
      %dma_start3A_556 = tpu.memref_slice %arg9[%mul3A_554] : memref<1024xf32, #tpu.memory_space<hbm>> -> memref<16xf32, #tpu.memory_space<hbm>>
      tpu.enqueue_dma source(%arg36 : memref<16xf32, #tpu.memory_space<vmem>>) target(%dma_start3A_556 : memref<16xf32, #tpu.memory_space<hbm>>) target_semaphore(%run_scoped3A : memref<!tpu.dma_semaphore, #tpu.memory_space<semaphore_mem>>)
      %dma_wait3A_557 = tpu.memref_slice %arg9[%mul3A_554] : memref<1024xf32, #tpu.memory_space<hbm>> -> memref<16xf32, #tpu.memory_space<hbm>>
      %dma_wait3A_558 = tpu.memref_slice %arg9[%mul3A_554] : memref<1024xf32, #tpu.memory_space<hbm>> -> memref<16xf32, #tpu.memory_space<hbm>>
      tpu.wait_dma2 semaphore(%run_scoped3A : memref<!tpu.dma_semaphore, #tpu.memory_space<semaphore_mem>>) src(%arg36 : memref<16xf32, #tpu.memory_space<vmem>>) dst(%dma_wait3A_558 : memref<16xf32, #tpu.memory_space<hbm>>)
      tpu.yield
    }) : () -> ()
    return
  }
}

</mosaic_0001>

<sc_bundles>
// kernel: kernel.3.cloned.1.call-start
scs
__scs_entry_jumppad:
0x0: {  	(pc) =	sbr.rel $0x88, $3  }
0x1: {  	(tag) =	ssettag $0x0;
	lr =	simm.s32 $0x1  }
0x2: {  	[smem:$0x3F9D] =	sst lr;
	_ =	strace $0xD0000000  }
0x3: {  	_ = 	snop  }
0x4: {  	_ = 	snop  }
0x5: {  	_ = 	snop  }
0x6: {  	_ = 	snop  }
0x7: {  	_ = 	snop  }
__scs_overlays_trampoline_lowered:
0x8: {  	[smem:$0x3FAC] =	sst s0  }
0x9: {  	[smem:$0x3FAD] =	sst s1  }
0xa: {  	[smem:$0x3FAE] =	sst s2  }
0xb: {  	[smem:$0x3FAF] =	sst s3  }
0xc: {  	[smem:$0x3FB0] =	sst s4  }
0xd: {  	[smem:$0x3FB1] =	sst s5  }
0xe: {  	[smem:$0x3FB2] =	sst s6  }
0xf: {  	[smem:$0x3FB3] =	sst s7  }
0x10: {  	[smem:$0x3FB4] =	sst s8  }
0x11: {  	[smem:$0x3FB5] =	sst s9;
	s0 =	simm.s32 @!p0 $0x0  }
0x12: {  	s1 =	sld [smem:$0x3F9B];
	s0 =	simm.s32 @p0 $0x1  }
0x13: {  	[smem:$0x3FB6] =	sst s0;
	s0 =	simm.s32 @!p1 $0x0  }
0x14: {  	s2 =	sld [smem:$0x3F9A];
	s0 =	simm.s32 @p1 $0x1  }
0x15: {  	[smem:$0x3FB7] =	sst s0;
	s0 =	simm.s32 @!p2 $0x0  }
0x16: {  	s3 =	sld [smem:$0x3FDB];
	s0 =	simm.s32 @p2 $0x1  }
0x17: {  	s4 =	simm.s32 $0x1BF5;
	[smem:$0x3FB9] =	sst s0  }
0x18: {  	s0 =	sld [smem:$0x3F9C];
	_ =	swait.ge [sflag:s4], $0x0  }
0x19: {  	s7 =	sld [smem:$0x3F9D]  }
0x1a: {  	s8 =	sadd.s32 $0xFFFFE003, lr  }
0x1b: {  	s9 =	sadd.s32 $0xFFFFFEF7, lr;
	s5 =	simm.s32 $0xFFFFFFFF;
	p2 =	slt.u32 s8, $0xFFFFF086  }
0x1c: {  	p1 =	slt.u32 s9, $0xF7A;
	s5 =	simm.s32 @!p2 $0x0  }
0x1d: {  	s5 =	simm.s32 @p1 $0x1;
	p0 =	seq.s32 s7, s2  }
0x1e: {  	s7 =	smul.u32 @!p0 $0xF7A, s2;
	p2 =	seq.s32 @!p0 s5, $0x0  }
0x1f: {  	s9 =	smul.u32 $0xF7A, s1;
	s8 =	simm.s32 @!p0 $0x1BF5;
	p2 =	por !p2, p0  }
0x20: {  	[sflag:s8] =	ssyncset.s32 @!p0 $0xFFFFF086;
	s6 =	sadd.s32 @!p0 s3, s7;
	s7 =	simm.s32 @!p0 $0x108  }
0x21: {  	s3 =	sadd.s32 s3, s9;
	s6 =	sadd.s32 @!p0 $0x88, s6;
	s7 =	simm.s32 @p2 $0x1082  }
0x22: {  	[simem:s7], [sflag:s8] =	dma.local @!p0 [hbm:s6], $0xF7A  }
0x23: {  	s9 =	sor.u32 $0xD0000000, s2;
	s6 =	simm.s32 $0x108;
	_ =	swait.ge @!p0 [sflag:s8], $0x0  }
0x24: {  	s3 =	sadd.s32 $0x88, s3;
	s6 =	simm.s32 @!p1 $0x1082;
	[sflag:s4] =	ssyncset.s32 $0xFFFFF086  }
0x25: {  	[simem:s6], [sflag:s4] =	dma.local [hbm:s3], $0xF7A  }
0x26: {  	[smem:$0x3F9D] =	sst s1;
	(tag) =	ssettag s2;
	_ =	strace s9  }
0x27: {  	s1 =	sld [smem:$0x3FAD]  }
0x28: {  	s2 =	sld [smem:$0x3FAE]  }
0x29: {  	s4 =	sld [smem:$0x3FB0]  }
0x2a: {  	p0 =	seq.s32 s5, $0x0;
	s5 =	sld [smem:$0x3FB1]  }
0x2b: {  	s6 =	sld [smem:$0x3FB2]  }
0x2c: {  	s7 =	sld [smem:$0x3FB3]  }
0x2d: {  	s3 =	simm.s32 $0x108;
	s8 =	sld [smem:$0x3FB4]  }
0x2e: {  	s3 =	simm.s32 @!p0 $0x1082;
	s9 =	sld [smem:$0x3FB5]  }
0x2f: {  	lr =	sadd.s32 s0, s3;
	s0 =	sld [smem:$0x3FAC]  }
0x30: {  	s3 =	sld [smem:$0x3FAF]  }
0x31: {  	[smem:$0x3FB8] =	sst s10  }
0x32: {  	s10 =	sld [smem:$0x3FB6];
	_ =	sdelay $0x3  }
0x33: {  	p0 =	seq.s32 s10, $0x1;
	s10 =	sld [smem:$0x3FB8];
	_ =	sdelay $0x3  }
0x34: {  	[smem:$0x3FB8] =	sst s10  }
0x35: {  	s10 =	sld [smem:$0x3FB7];
	_ =	sdelay $0x3  }
0x36: {  	p1 =	seq.s32 s10, $0x1;
	s10 =	sld [smem:$0x3FB8];
	_ =	sdelay $0x3  }
0x37: {  	[smem:$0x3FB8] =	sst s10  }
0x38: {  	s10 =	sld [smem:$0x3FB9]  }
0x39: {  	_ = 	snop;
	(pc) =	sbr.ind lr, $3  }
0x3a: {  	_ = 	snop  }
0x3b: {  	_ = 	snop  }
0x3c: {  	p2 =	seq.s32 s10, $0x1;
	s10 =	sld [smem:$0x3FB8]  }
0x3d: {  	_ =	shalt  }
0x3e: {  	_ =	shalt  }
0x3f: {  	_ =	shalt  }
0x40: {  	_ =	shalt  }
0x41: {  	_ =	shalt  }
0x42: {  	_ =	shalt  }
0x43: {  	_ =	shalt  }
0x44: {  	_ =	shalt  }
0x45: {  	_ =	shalt  }
0x46: {  	_ =	shalt  }
0x47: {  	_ =	shalt  }
0x48: {  	_ =	shalt  }
0x49: {  	_ =	shalt  }
0x4a: {  	_ =	shalt  }
0x4b: {  	_ =	shalt  }
0x4c: {  	_ =	shalt  }
0x4d: {  	_ =	shalt  }
0x4e: {  	_ =	shalt  }
0x4f: {  	_ =	shalt  }
0x50: {  	_ =	shalt  }
0x51: {  	_ =	shalt  }
0x52: {  	_ =	shalt  }
0x53: {  	_ =	shalt  }
0x54: {  	_ =	shalt  }
0x55: {  	_ =	shalt  }
0x56: {  	_ =	shalt  }
0x57: {  	_ =	shalt  }
0x58: {  	_ =	shalt  }
0x59: {  	_ =	shalt  }
0x5a: {  	_ =	shalt  }
0x5b: {  	_ =	shalt  }
0x5c: {  	_ =	shalt  }
0x5d: {  	_ =	shalt  }
0x5e: {  	_ =	shalt  }
0x5f: {  	_ =	shalt  }
0x60: {  	_ =	shalt  }
0x61: {  	_ =	shalt  }
0x62: {  	_ =	shalt  }
0x63: {  	_ =	shalt  }
0x64: {  	_ =	shalt  }
0x65: {  	_ =	shalt  }
0x66: {  	_ =	shalt  }
0x67: {  	_ =	shalt  }
0x68: {  	_ =	shalt  }
0x69: {  	_ =	shalt  }
0x6a: {  	_ =	shalt  }
0x6b: {  	_ =	shalt  }
0x6c: {  	_ =	shalt  }
0x6d: {  	_ =	shalt  }
0x6e: {  	_ =	shalt  }
0x6f: {  	_ =	shalt  }
0x70: {  	_ =	shalt  }
0x71: {  	_ =	shalt  }
0x72: {  	_ =	shalt  }
0x73: {  	_ =	shalt  }
0x74: {  	_ =	shalt  }
0x75: {  	_ =	shalt  }
0x76: {  	_ =	shalt  }
0x77: {  	_ =	shalt  }
0x78: {  	_ =	shalt  }
0x79: {  	_ =	shalt  }
0x7a: {  	_ =	shalt  }
0x7b: {  	_ =	shalt  }
0x7c: {  	_ =	shalt  }
0x7d: {  	_ =	shalt  }
0x7e: {  	_ =	shalt  }
0x7f: {  	_ =	shalt  }
0x80: {  	_ =	shalt  }
0x81: {  	_ =	shalt  }
0x82: {  	_ =	shalt  }
0x83: {  	_ =	shalt  }
0x84: {  	_ =	shalt  }
0x85: {  	_ =	shalt  }
0x86: {  	_ =	shalt  }
0x87: {  	_ =	shalt  }
.Lfunc_end0:
.L_simem_size_0:
called_computation_lowered:
.L_overlay_start_0:
0x88: {  	s2 =	sld [smem:$0x3FD9]  }
0x89: {  	s3 =	sld [smem:$0x3FFE];
	_ =	sdelay $0x1  }
0x8a: {  	s1 =	srdreg.scid  }
0x8b: {  	s0 =	sand.u32 $0x1, s1  }
0x8c: {  	s14 =	sshll.u32 s0, $0xA;
	s2 =	sadd.s32 s3, s2  }
0x8d: {  	s2 =	sadd.s32 s2, s14  }
0x8e: {  	[smem:$0x3FC4] =	sst s2  }
0x8f: {  	_ = 	snop  }
0x90: {  	s2 =	sld [smem:$0x3FD0];
	_ =	sdelay $0x2  }
0x91: {  	s15 =	simm.s32 $0xA;
	s4 =	simm.s32 $0x10  }
0x92: {  	[smem:s4], [sflag:s15] =	dma.local [hbm:s2], $0x1  }
0x93: {  	_ =	swait.eq [sflag:s15], $0x1  }
0x94: {  	s16 =	sld [smem:$0x10]  }
0x95: {  	s17 =	sld [smem:$0x11];
	[sflag:s15] =	ssyncset.done $0x0  }
0x96: {  	s5 =	sld [smem:$0x12];
	[sflag:s15] =	ssyncadd.s32 $0xFFFFFFFF  }
0x97: {  	s18 =	sld [smem:$0x13];
	(tm) =	ssettm $0x1  }
0x98: {  	s6 =	sld [smem:$0x3FFB];
	_ =	sdelay $0x3  }
0x99: {  	_ =	strace s6  }
0x9a: {  	s6 =	sld [smem:$0x3FFC];
	_ =	sdelay $0x3  }
0x9b: {  	_ =	strace s6  }
0x9c: {  	s6 =	sld [smem:$0x3FFD];
	_ =	sdelay $0x3  }
0x9d: {  	_ =	strace s6  }
0x9e: {  	_ =	strace $0x8FFFFFFF  }
0x9f: {  	s19 =	sld [smem:$0x3FDB];
	_ =	sdelay $0x1  }
0xa0: {  	s7 =	simm.s32 $_scs_section_size  }
0xa1: {  	s8 =	simm.s32 $_size__tile_overlayer_lowered;
	s9 =	simm.s32 $_tile_overlayer_lowered  }
0xa2: {  	s22 =	simm.s32 $0x1BFF;
	s21 =	sshll.u32 s9, $0x1;
	s6 =	sadd.s32 s7, s19  }
0xa3: {  	s10 =	simm.s32 $0x0;
	s20 =	sshll.u32 s8, $0x1;
	s8 =	sadd.s32 s21, s6  }
0xa4: {  	[timem:s10], [sflag:s22] =	dma.local [hbm:s8], s20  }
0xa5: {  	_ =	swait.ge [sflag:s22], s20  }
0xa6: {  	s7 =	ssub.s32 $0x0, s20;
	[sflag:s22] =	ssyncset.done $0x0  }
0xa7: {  	[sflag:s22] =	ssyncadd.s32 s7;
	_ =	sdelay $0x1  }
0xa8: {  	s23 =	simm.s32 $0x1B8B  }
0xa9: {  	_ =	swait.ge [sflag:s23], $0x1  }
0xaa: {  	[sflag:s23] =	ssyncset.done $0x0  }
0xab: {  	s25 =	simm.s32 $0x1B8E;
	s24 =	sld [smem:$0x3FFE];
	[sflag:s23] =	ssyncadd.s32 $0xFFFFFFFF  }
0xac: {  	s26 =	simm.s32 $execute0_lowered;
	[smem:$0x3FD2] =	sst s25  }
0xad: {  	s8 =	sshll.u32 s26, $0x1;
	_ =	strace $0x80000046;
	[dreg:$0x1] =	wrdreg $0xFFFFFFFF  }
0xae: {  	s28 =	simm.s32 $_size_execute0_lowered;
	s6 =	sadd.s32 s6, s8;
	[dreg:$0x0] =	wrdreg $0x0  }
0xaf: {  	s8 =	sshll.u32 s28, $0x1;
	[dreg:$0x2] =	wrdreg s6  }
0xb0: {  	[dreg:$0x3] =	wrdreg s8  }
0xb1: {  	[dreg:$0x4] =	wrdreg $0xC0  }
0xb2: {  	_ =	task [dreg:s10], $0x5FFFF  }
0xb3: {  	[dreg:$0x1] =	wrdreg $0xFFFFFFFF  }
0xb4: {  	[dreg:$0x0] =	wrdreg $0x60  }
0xb5: {  	[dreg:$0x2] =	wrdreg s17  }
0xb6: {  	[dreg:$0x3] =	wrdreg s24  }
0xb7: {  	[dreg:$0x4] =	wrdreg s16  }
0xb8: {  	[dreg:$0x5] =	wrdreg s5  }
0xb9: {  	[dreg:$0x6] =	wrdreg s18  }
0xba: {  	[dreg:$0x7] =	wrdreg $0x9  }
0xbb: {  	_ =	task.clear_ibuf [dreg:s10], $0x8FFFF;
	_ =	strace $0x90000046  }
0xbc: {  	s29 =	simm.s32 $0x9;
	_ =	strace $0x80000048  }
0xbd: {  	_ =	swait.ge [sflag:s29], $0x1  }
0xbe: {  	[sflag:s29] =	ssyncadd.s32 $0xFFFFFFFF  }
0xbf: {  	_ =	strace $0x90000048  }
0xc0: {  	_ =	sfence  }
0xc1: {  	s30 =	sld [smem:$0x0];
	_ =	sdelay $0x2  }
0xc2: {  	s31 =	sshll.u32 s1, $0xD;
	s1 =	sshrl.u32 s1, $0x2  }
0xc3: {  	s3 =	sand.u32 $0x4000, s31;
	s1 =	sadd.s32 s1, s30  }
0xc4: {  	s0 =	sor.u32 s3, s0;
	s1 =	sshll.u32 s1, $0x11  }
0xc5: {  	s0 =	sor.u32 s1, s0  }
0xc6: {  	s0 =	sadd.s32 $0x8F2B, s0  }
0xc7: {  	[sflag:s0] =	ssyncadd.remote.s32 $0x1  }
0xc8: {  	_ =	sfence.sel $0xFFFF  }
0xc9: {  	[dreg:$0x0] =	wrdreg $0xFFFFFFFF;
	(pc) =	sbr.abs _section_cstart, $3  }
0xca: {  	[dreg:$0x1] =	wrdreg $0xFFFFFFFF  }
0xcb: {  	_ =	task.clear_ibuf [dreg:s10], $0x2FFFF;
	_ =	strace $0x9FFFFFFF  }
0xcc: {  	(tm) =	ssettm $0x7FFFFFFF  }
0xcd: {  	_ =	shalt  }
tec
execute0_lowered:
.L_overlay_start_1:
0x0: {  	(tag) =	ssettag $0x1  }
0x1: {  	s0 =	rddreg [dreg:$0x0]  }
0x2: {  	s1 =	rddreg [dreg:$0x1]  }
0x3: {  	s2 =	rddreg [dreg:$0x2]  }
0x4: {  	s3 =	rddreg [dreg:$0x3]  }
0x5: {  	s5 =	rddreg [dreg:$0x4];
	s6 =	simm.s32 $0x0;
	s4 =	srdreg.scid  }
0x6: {  	s11 =	stileid.u32;
	[smem:$0x7FF] =	sst s6  }
0x7: {  	s4 =	sand.u32 $0x1, s4;
	s7 =	sshll.u32 s11, $0x1;
	s15 =	sadd.s32 $0x58200, s1  }
0x8: {  	s18 =	sadd.s32 $0x58000, s1;
	_ =	strace $0x80000047;
	s10 =	sor.u32 s4, s7  }
0x9: {  	s4 =	ssub.s32 $0x2, s4;
	s12 =	sshllo.u32 s10, $0x1;
	s13 =	smul.u32 $0x9C4, s10  }
0xa: {  	s8 =	smul.u32 $0x14FF0, s10;
	s26 =	sshll.u32 s10, $0x8;
	s10 =	sshll.u32 s10, $0x2  }
0xb: {  	s9 =	sshrl.u32 s4, $0x1;
	s17 =	smul.u32 $0x4E2, s12;
	s10 =	sadd.s32 s18, s10  }
0xc: {  	s4 =	ssub.s32 s4, s9;
	s14 =	sadd.s32 s0, s13;
	[dreg:$0xd] =	wrdreg s10  }
0xd: {  	s24 =	sshll.u32 s12, $0x1;
	s13 =	sadd.s32 s15, s13;
	[dreg:$0x6] =	wrdreg s14  }
0xe: {  	s9 =	smul.u32 $0xA7F8, s12;
	s10 =	sadd.s32 s18, s24;
	[dreg:$0xa] =	wrdreg s13  }
0xf: {  	s29 =	sshll.u32 s12, $0x7;
	s12 =	smax.u32 s4, $0x1;
	[dreg:$0xe] =	wrdreg s10  }
0x10: {  	s18 =	sadd.s32 $0x1600, s1;
	[dreg:$0x14] =	wrdreg s12  }
0x11: {  	s11 =	sshrl.u32 s11, $0x1;
	s24 =	sadd.s32 $0x1400, s1;
	[dreg:$0x18] =	wrdreg s18  }
0x12: {  	s11 =	smul.u32 $0x54000, s11;
	s0 =	sadd.s32 s0, s17;
	[dreg:$0x1c] =	wrdreg s24  }
0x13: {  	s7 =	sadd.s32 $0x4000, s1;
	s22 =	sadd.s32 s15, s17;
	[dreg:$0x7] =	wrdreg s0  }
0x14: {  	s28 =	sadd.s32 $0x50000, s11;
	s13 =	sadd.s32 $0x1500, s1;
	[dreg:$0xb] =	wrdreg s22  }
0x15: {  	s25 =	sshrl.u32 s8, $0x3;
	s15 =	sadd.s32 $0x2A00, s1;
	[dreg:$0x15] =	wrdreg s13  }
0x16: {  	s20 =	sadd.s32 s7, s25;
	s17 =	sadd.s32 $0x100, s1;
	[dreg:$0x16] =	wrdreg s15  }
0x17: {  	s16 =	sshrl.u32 s9, $0x3;
	s14 =	sand.u32 $0x300, s26;
	[dreg:$0x17] =	wrdreg s17  }
0x18: {  	s19 =	sor.u32 s28, s14;
	s22 =	sadd.s32 $0x100, s20;
	[dreg:$0x8] =	wrdreg s20  }
0x19: {  	s21 =	sadd.s32 s7, s16;
	s19 =	sshrl.u32 s19, $0x3;
	[dreg:$0x1a] =	wrdreg s22  }
0x1a: {  	[dreg:$0x9] =	wrdreg s21;
	s23 =	sadd.s32 s2, s19  }
0x1b: {  	s16 =	sand.u32 $0x380, s29;
	s25 =	sadd.s32 s3, s19;
	[dreg:$0xc] =	wrdreg s23  }
0x1c: {  	s0 =	sor.u32 s28, s16;
	s26 =	sadd.s32 s5, s19;
	[dreg:$0xf] =	wrdreg s25  }
0x1d: {  	s0 =	sshrl.u32 s0, $0x3;
	s19 =	sadd.s32 $0x2B00, s1;
	[dreg:$0x10] =	wrdreg s26  }
0x1e: {  	s31 =	simm.s32 $0x4F00;
	s28 =	sadd.s32 s2, s0;
	[dreg:$0x19] =	wrdreg s19  }
0x1f: {  	s30 =	simm.s32 $0x3;
	s29 =	sadd.s32 s3, s0;
	[dreg:$0x11] =	wrdreg s28  }
0x20: {  	s4 =	simm.s32 $0x80;
	s0 =	sadd.s32 s5, s0;
	[dreg:$0x12] =	wrdreg s29  }
0x21: {  	s24 =	simm.s32 $0x2;
	s23 =	sadd.s32 $0x100, s21;
	[dreg:$0x13] =	wrdreg s0  }
0x22: {  	s10 =	simm.s32 $0x400;
	s25 =	sadd.s32 $0x2900, s1;
	[dreg:$0x1b] =	wrdreg s23  }
0x23: {  	s15 =	simm.s32 $0x0;
	s26 =	sadd.s32 $0x3E00, s1;
	[dreg:$0x1d] =	wrdreg s25  }
0x24: {  	s22 =	simm.s32 $0x2780;
	[dreg:$0x1e] =	wrdreg s26;
	s28 =	sadd.s32 $0x1400, s20  }
0x25: {  	s29 =	sadd.s32 $0x1400, s21;
	s23 =	simm.s32 $0x1;
	[dreg:$0x1f] =	wrdreg s28  }
0x26: {  	v0 =	vimm.f32 $0.0e+00;
	s21 =	simm.s32 $0x9E00;
	s0 =	simm.s32 $0x7680;
	[smem:$0x7FD] =	sst s29  }
.LBB2_1:
0x27: {  	[smem:$0x7FC] =	sst s15  }
0x28: {  	s12 =	rddreg [dreg:$0x6]  }
0x29: {  	[tilespmem:s6], [sflag:$0x1] =	stream.linear.gather [hbm4b:s12+s6], $0x2710, $0x38;
	[tilespmem:$0x14E80] =	vst v63  }
0x2a: {  	s29 =	rddreg [dreg:$0x7];
	s13 =	simm.s32 $0x4F20  }
0x2b: {  	[tilespmem:s22], [sflag:$0x2] =	stream.linear.gather [hbm4b:s29+s6], $0x2710, $0x38;
	[tilespmem:$0x14E80] =	vst v63  }
0x2c: {  	[tilespmem:s13+$0xFFFFFFF0] =	vst v0  }
0x2d: {  	[tilespmem:s13+$0x0] =	vst v0  }
0x2e: {  	[tilespmem:s13+$0x10] =	vst v0  }
0x2f: {  	s12 =	simm.s32 $0x76A0;
	[tilespmem:s13+$0xFFFFFFE0] =	vst v0  }
0x30: {  	[tilespmem:s12+$0xFFFFFFF0] =	vst v0  }
0x31: {  	[tilespmem:s12+$0x0] =	vst v0  }
0x32: {  	[tilespmem:s12+$0x10] =	vst v0  }
0x33: {  	s15 =	simm.s32 $0x4F60;
	s13 =	simm.s32 $0x0;
	[tilespmem:s12+$0xFFFFFFE0] =	vst v0  }
.LBB2_2:
0x34: {  	[tilespmem:s15+$0xFFFFFFF0] =	vst v0;
	s12 =	sadd.s32 $0x40, s12  }
0x35: {  	s13 =	sadd.s32 $0x4, s13;
	[tilespmem:s12+$0xFFFFFFF0] =	vst v0  }
0x36: {  	p0 =	slt.u32 s13, $0x26C;
	[tilespmem:s15+$0x0] =	vst v0  }
.Ltmp0:
0x37: {  	[tilespmem:s12+$0x0] =	vst v0;
	(pc) =	sbr.rel @p0 .LBB2_2-.Ltmp0, $4  }
0x38: {  	[tilespmem:s15+$0x10] =	vst v0  }
0x39: {  	[tilespmem:s12+$0x10] =	vst v0  }
0x3a: {  	[tilespmem:s15+$0xFFFFFFE0] =	vst v0  }
0x3b: {  	s15 =	sadd.s32 $0x40, s15;
	[tilespmem:s12+$0xFFFFFFE0] =	vst v0  }
0x3c: {  	v1 =	vimm.f32 $0.0e+00  }
0x3d: {  	[tilespmem:$0x7600] =	vst v1  }
0x3e: {  	[tilespmem:$0x9D80] =	vst v1  }
0x3f: {  	_ =	swait.ge [sflag:s23], $0x2710  }
0x40: {  	[sflag:s23] =	ssyncset.done $0x0  }
0x41: {  	[sflag:s23] =	ssyncadd.s32 $0xFFFFD8F0  }
0x42: {  	_ =	swait.ge [sflag:s24], $0x2710  }
0x43: {  	[sflag:s24] =	ssyncset.done $0x0  }
0x44: {  	s13 =	simm.s32 $0x0;
	[sflag:s24] =	ssyncadd.s32 $0xFFFFD8F0  }
0x45: {  	[tilespmem:s21], [sflag:$0x1] =	stream.linear.gather [hbm4b:s1+s13], $0x800, $0x38;
	[tilespmem:$0x14E80] =	vst v63  }
0x46: {  	s15 =	simm.s32 $0xA600;
	s12 =	rddreg [dreg:$0x15]  }
0x47: {  	[tilespmem:s15], [sflag:$0x1] =	stream.linear.gather [hbm4b:s12+s13], $0x800, $0x38;
	[tilespmem:$0x14E80] =	vst v63  }
0x48: {  	s18 =	simm.s32 $0xAE00;
	s17 =	rddreg [dreg:$0x16]  }
0x49: {  	[tilespmem:s18], [sflag:$0x1] =	stream.linear.gather [hbm4b:s17+s13], $0x800, $0x38;
	[tilespmem:$0x14E80] =	vst v63  }
0x4a: {  	s20 =	simm.s32 $0xB600;
	s19 =	rddreg [dreg:$0x8]  }
0x4b: {  	[tilespmem:s20], [sflag:$0x1] =	stream.linear.gather [hbm4b:s19+s13], $0x800, $0x38;
	[tilespmem:$0x14E80] =	vst v63  }
0x4c: {  	s26 =	simm.s32 $0xBE00;
	s25 =	rddreg [dreg:$0x9]  }
0x4d: {  	[tilespmem:s26], [sflag:$0x1] =	stream.linear.gather [hbm4b:s25+s13], $0x800, $0x38;
	[tilespmem:$0x14E80] =	vst v63  }
0x4e: {  	s29 =	simm.s32 $0xC600;
	s28 =	rddreg [dreg:$0x17]  }
0x4f: {  	[tilespmem:s29], [sflag:$0x2] =	stream.linear.gather [hbm4b:s28+s13], $0x800, $0x38;
	[tilespmem:$0x14E80] =	vst v63  }
0x50: {  	s17 =	rddreg [dreg:$0x18];
	s18 =	simm.s32 $0xCE00  }
0x51: {  	[tilespmem:s18], [sflag:$0x2] =	stream.linear.gather [hbm4b:s17+s13], $0x800, $0x38;
	[tilespmem:$0x14E80] =	vst v63  }
0x52: {  	s19 =	rddreg [dreg:$0x19];
	s20 =	simm.s32 $0xD600  }
0x53: {  	[tilespmem:s20], [sflag:$0x2] =	stream.linear.gather [hbm4b:s19+s13], $0x800, $0x38;
	[tilespmem:$0x14E80] =	vst v63  }
0x54: {  	s25 =	rddreg [dreg:$0x1a];
	s26 =	simm.s32 $0xDE00  }
0x55: {  	[tilespmem:s26], [sflag:$0x2] =	stream.linear.gather [hbm4b:s25+s13], $0x800, $0x38;
	[tilespmem:$0x14E80] =	vst v63  }
0x56: {  	s28 =	rddreg [dreg:$0x1b];
	s29 =	simm.s32 $0xE600  }
0x57: {  	v2 =	vimm.f32 $0.0e+00;
	[tilespmem:s29], [sflag:$0x2] =	stream.linear.gather [hbm4b:s28+s13], $0x800, $0x38;
	[tilespmem:$0x14E80] =	vst v63  }
.LBB2_4:
0x58: {  	_ =	swait.ge [sflag:s23], $0x800  }
0x59: {  	[sflag:s23] =	ssyncset.done $0x0  }
0x5a: {  	[sflag:s23] =	ssyncadd.s32 $0xFFFFF800  }
0x5b: {  	_ =	swait.ge [sflag:s23], $0x800  }
0x5c: {  	[sflag:s23] =	ssyncset.done $0x0  }
0x5d: {  	[sflag:s23] =	ssyncadd.s32 $0xFFFFF800  }
0x5e: {  	_ =	swait.ge [sflag:s23], $0x800  }
0x5f: {  	[sflag:s23] =	ssyncset.done $0x0  }
0x60: {  	[sflag:s23] =	ssyncadd.s32 $0xFFFFF800  }
0x61: {  	_ =	swait.ge [sflag:s23], $0x800  }
0x62: {  	[sflag:s23] =	ssyncset.done $0x0  }
0x63: {  	[sflag:s23] =	ssyncadd.s32 $0xFFFFF800  }
0x64: {  	_ =	swait.ge [sflag:s23], $0x800  }
0x65: {  	p0 =	seq.s32 s13, $0x0;
	[sflag:s23] =	ssyncset.done $0x0  }
0x66: {  	s12 =	simm.s32 @!p0 $0x3;
	[sflag:s23] =	ssyncadd.s32 $0xFFFFF800  }
0x67: {  	_ =	swait.ge @!p0 [sflag:s12], $0x800  }
0x68: {  	[sflag:s12] =	ssyncset.done @!p0 $0x0  }
0x69: {  	[sflag:s12] =	ssyncadd.s32 @!p0 $0xFFFFF800  }
0x6a: {  	_ =	swait.ge @!p0 [sflag:s12], $0x800  }
0x6b: {  	[sflag:s12] =	ssyncset.done @!p0 $0x0  }
0x6c: {  	[sflag:s12] =	ssyncadd.s32 @!p0 $0xFFFFF800  }
0x6d: {  	_ =	swait.ge @!p0 [sflag:s12], $0x800  }
0x6e: {  	[sflag:s12] =	ssyncset.done @!p0 $0x0  }
0x6f: {  	[sflag:s12] =	ssyncadd.s32 @!p0 $0xFFFFF800  }
0x70: {  	_ =	swait.ge @!p0 [sflag:s12], $0x800  }
0x71: {  	[sflag:s12] =	ssyncset.done @!p0 $0x0  }
0x72: {  	[sflag:s12] =	ssyncadd.s32 @!p0 $0xFFFFF800  }
0x73: {  	_ =	swait.ge @!p0 [sflag:s12], $0x800  }
0x74: {  	[sflag:s12] =	ssyncset.done @!p0 $0x0  }
0x75: {  	[sflag:s12] =	ssyncadd.s32 @!p0 $0xFFFFF800  }
0x76: {  	_ =	swait.ge @!p0 [sflag:s12], $0x800  }
0x77: {  	s15 =	sshll.u32 s13, $0xC;
	[sflag:s12] =	ssyncset.done @!p0 $0x0  }
0x78: {  	s25 =	simm.s32 $0xFFFFFFFC;
	s26 =	simm.s32 $0x0;
	[sflag:s12] =	ssyncadd.s32 @!p0 $0xFFFFF800  }
.LBB2_5:
0x79: {  	s28 =	sshra.s32 s26, $0x2  }
0x7a: {  	v3 =	vld [tilespmem:s28+$0x9E00]  }
0x7b: {  	v7 =	vld [tilespmem:s28+$0xA600]  }
0x7c: {  	v8 =	vld [tilespmem:s28+$0xAE00];
	_ =	sdelay $0x2  }
0x7d: {  	v6 =	vand.u32 $0x7FFFFFFF, v3  }
0x7e: {  	v5 =	vand.u32 $0x7FFFFFFF, v7  }
0x7f: {  	v4 =	vand.u32 $0x7FFFFFFF, v8;
	_ =	sdelay $0x1  }
0x80: {  	v19 =	vld [tilespmem:s28+$0xB600]  }
0x81: {  	v9 =	vld.idx.msk [tilespmem:v6+s6+$0x0], $0xffff  }
0x82: {  	v10 =	vld.idx.msk [tilespmem:v5+s6+$0x0], $0xffff  }
0x83: {  	v11 =	vld.idx.msk [tilespmem:v4+s6+$0x0], $0xffff  }
0x84: {  	v3 =	vand.u32 $0x80000000, v3  }
0x85: {  	v34 =	vand.u32 $0x80000000, v8;
	v14 =	vxor.u32 $0xBF800000, v3;
	v3 =	vand.u32 $0x80000000, v7  }
0x86: {  	v39 =	vsub.f32 $1.000000000e+00, v19;
	v13 =	vxor.u32 $0xBF800000, v3;
	v17 =	vmul.f32 $5.000000000e-01, v14  }
0x87: {  	v12 =	vxor.u32 $0xBF800000, v34;
	v3 =	vmul.f32 v14, v9;
	v35 =	vmul.f32 v13, v10  }
0x88: {  	v36 =	vmul.f32 v12, v11;
	v10 =	vsub.f32 v13, v10;
	v11 =	vsub.f32 v12, v11  }
0x89: {  	v16 =	vmul.f32 $5.000000000e-01, v13;
	v3 =	vsub.f32 $1.000000000e+00, v3;
	v7 =	vsub.f32 $1.000000000e+00, v35  }
0x8a: {  	v9 =	vsub.f32 v14, v9;
	v8 =	vsub.f32 $1.000000000e+00, v36;
	v37 =	vmul.f32 $5.000000000e-01, v10  }
0x8b: {  	v38 =	vmul.f32 $5.000000000e-01, v11;
	v11 =	vmul.f32 $1.100000020e+00, v39;
	v18 =	vmin.f32 v3, v7  }
0x8c: {  	vm0 =	vle.f32 v3, v7;
	vm1 =	vle.f32 v3, v8;
	v15 =	vmin.f32 v7, v8  }
0x8d: {  	v20 =	vmin.f32 v3, v8;
	vm14 =	vlt.f32 v7, v3;
	vm2 =	vle.f32 v7, v8  }
0x8e: {  	vm15 =	vlt.f32 v8, v3;
	v3 =	vmul.f32 $5.000000000e-01, v9;
	vm3 =	vlt.f32 v8, v7  }
0x8f: {  	vm0 =	vmand vm0, vm1;
	vm1 =	vmand vm14, vm2;
	v40 =	vmul.f32 v15, v17  }
0x90: {  	v15 =	vmul.f32 $5.000000000e-01, v12;
	v20 =	vmul.f32 v20, v16;
	v3 =	vnsel vm0, $0x0, v3  }
0x91: {  	v47 =	vld [tilespmem:s28+$0xA610];
	vm2 =	vmand vm15, vm3;
	v7 =	vmul.f32 v40, v19;
	v3 =	vmul.f32 v3, v11  }
0x92: {  	v45 =	vld [tilespmem:s28+$0x9E10];
	v9 =	vnsel vm1, $0x0, v37;
	v10 =	vnsel vm2, $0x0, v38;
	v21 =	vmul.f32 v18, v15  }
0x93: {  	v20 =	vmul.f32 v20, v19;
	v9 =	vmul.f32 v9, v11;
	v3 =	vadd.f32 v3, v7  }
0x94: {  	v42 =	vadd.f32 $1.000000050e-03, v19;
	v8 =	vmin.f32 v18, v8;
	v10 =	vmul.f32 v10, v11  }
0x95: {  	v41 =	vmul.f32 v21, v19;
	v9 =	vadd.f32 v9, v20;
	[tilespmem:v6+s31+$0x0] =	vst.idx.add.f32.msk $0xffff, v3;
	v3 =	vmul.f32 $5.000000000e-01, v8  }
0x96: {  	v48 =	vld [tilespmem:s28+$0xAE10];
	v43 =	vmul.f32 $2.000000000e+01, v42;
	v8 =	vand.u32 $0x7FFFFFFF, v47  }
0x97: {  	v7 =	vadd.f32 v10, v41;
	[tilespmem:v5+s31+$0x0] =	vst.idx.add.f32.msk $0xffff, v9;
	v9 =	vand.u32 $0x7FFFFFFF, v45;
	v44 =	vadd.f32 $-2.500000000e-01, v3  }
0x98: {  	v35 =	vld [tilespmem:s28+$0xB610];
	v46 =	vadd.f32 $-5.000000070e-02, v3  }
0x99: {  	[tilespmem:v4+s31+$0x0] =	vst.idx.add.f32.msk $0xffff, v7;
	v7 =	vmul.f32 v44, v43  }
0x9a: {  	[tilespmem:s28+$0xEE00] =	vst v3;
	v63 =	vld [tilespmem:s28+$0xBE00];
	v49 =	vmul.f32 $5.000000000e+00, v46  }
0x9b: {  	v25 =	vld.idx.msk [tilespmem:v8+s6+$0x0], $0xffff;
	[tilespmem:s28+$0xFE00] =	vst v7  }
0x9c: {  	[tilespmem:s28+$0x10E00] =	vst v49;
	v23 =	vld.idx.msk [tilespmem:v9+s6+$0x0], $0xffff  }
0x9d: {  	v50 =	vld.idx.msk [tilespmem:v6+s22+$0x0], $0xffff  }
0x9e: {  	v52 =	vand.u32 $0x80000000, v47;
	v59 =	vsub.f32 $1.000000000e+00, v35;
	v24 =	vld.idx.msk [tilespmem:v5+s22+$0x0], $0xffff  }
0x9f: {  	v53 =	vand.u32 $0x80000000, v48;
	v22 =	vxor.u32 $0xBF800000, v52;
	v41 =	vadd.f32 $1.000000050e-03, v35;
	v27 =	vld.idx.msk [tilespmem:v4+s22+$0x0], $0xffff  }
0xa0: {  	v21 =	vxor.u32 $0xBF800000, v53;
	v61 =	vmul.f32 $1.100000020e+00, v59;
	v10 =	vand.u32 $0x80000000, v45  }
0xa1: {  	v20 =	vxor.u32 $0xBF800000, v10;
	v42 =	vmul.f32 $2.000000000e+01, v41;
	v7 =	vand.u32 $0x7FFFFFFF, v48  }
0xa2: {  	v52 =	vsub.f32 $1.000000000e+00, v63;
	v56 =	vmul.f32 v22, v25;
	v25 =	vsub.f32 v22, v25  }
0xa3: {  	v54 =	vmul.f32 v20, v23;
	v23 =	vsub.f32 v20, v23;
	v51 =	vmul.f32 v14, v50  }
0xa4: {  	v47 =	vld [tilespmem:s28+$0xAE20];
	v29 =	vmul.f32 v13, v24;
	v30 =	vmul.f32 v12, v27;
	v11 =	vsub.f32 $1.000000000e+00, v56  }
0xa5: {  	v38 =	vmul.f32 $5.000000000e-01, v25;
	v14 =	vsub.f32 v14, v50;
	v13 =	vsub.f32 v13, v24  }
0xa6: {  	v26 =	vld.idx.msk [tilespmem:v7+s6+$0x0], $0xffff;
	v25 =	vmul.f32 $5.000000000e-01, v22;
	v12 =	vsub.f32 v12, v27;
	v10 =	vsub.f32 $1.000000000e+00, v54  }
0xa7: {  	v58 =	vmul.f32 $5.000000000e-01, v23;
	v23 =	vmul.f32 $5.000000000e-01, v20;
	v28 =	vsub.f32 $1.000000000e+00, v51  }
0xa8: {  	v55 =	vsub.f32 $1.000000000e+00, v29;
	v30 =	vsub.f32 $1.000000000e+00, v30;
	v14 =	vmul.f32 $5.000000000e-01, v14  }
0xa9: {  	v53 =	vmul.f32 $5.000000000e-01, v13;
	v54 =	vmul.f32 $5.000000000e-01, v12;
	v12 =	vand.u32 $0x7FFFFFFF, v47  }
0xaa: {  	v34 =	vmin.f32 v10, v11;
	vm4 =	vle.f32 v10, v11;
	vm6 =	vlt.f32 v11, v10  }
0xab: {  	v57 =	vmul.f32 v21, v26;
	v31 =	vmin.f32 v28, v55;
	v32 =	vmin.f32 v55, v30  }
0xac: {  	v33 =	vmin.f32 v28, v30;
	v26 =	vsub.f32 v21, v26;
	vm10 =	vle.f32 v28, v55  }
0xad: {  	vm11 =	vle.f32 v28, v30;
	vm12 =	vlt.f32 v55, v28;
	vm13 =	vle.f32 v55, v30  }
0xae: {  	vm14 =	vlt.f32 v30, v28;
	vm15 =	vlt.f32 v30, v55;
	v55 =	vmul.f32 $1.100000020e+00, v52  }
0xaf: {  	v62 =	vmin.f32 v31, v30;
	v17 =	vmul.f32 v32, v17;
	v16 =	vmul.f32 v33, v16  }
0xb0: {  	v15 =	vmul.f32 v31, v15;
	v30 =	vand.u32 $0x80000000, v47;
	v39 =	vmul.f32 $5.000000000e-01, v26  }
0xb1: {  	v29 =	vsub.f32 $1.000000000e+00, v57;
	v26 =	vmul.f32 $5.000000000e-01, v21;
	v17 =	vmul.f32 v17, v63  }
0xb2: {  	v57 =	vadd.f32 $1.000000050e-03, v63;
	v16 =	vmul.f32 v16, v63;
	v15 =	vmul.f32 v15, v63  }
0xb3: {  	vm5 =	vle.f32 v10, v29;
	v36 =	vmin.f32 v11, v29;
	v37 =	vmin.f32 v10, v29  }
0xb4: {  	vm7 =	vle.f32 v11, v29;
	vm8 =	vlt.f32 v29, v10;
	vm9 =	vlt.f32 v29, v11  }
0xb5: {  	v45 =	vld [tilespmem:s28+$0xA620];
	v40 =	vmul.f32 v34, v26;
	v29 =	vmin.f32 v34, v29;
	vm0 =	vmand vm4, vm5  }
0xb6: {  	vm1 =	vmand vm6, vm7;
	v60 =	vmul.f32 v36, v23;
	vm2 =	vmand vm8, vm9  }
0xb7: {  	v37 =	vmul.f32 v37, v25;
	v10 =	vnsel vm0, $0x0, v58;
	v38 =	vnsel vm1, $0x0, v38  }
0xb8: {  	v34 =	vld [tilespmem:s28+$0x9E20];
	v39 =	vnsel vm2, $0x0, v39;
	v11 =	vmul.f32 v60, v35;
	v10 =	vmul.f32 v10, v61  }
0xb9: {  	vm0 =	vmand vm10, vm11;
	v37 =	vmul.f32 v37, v35;
	v38 =	vmul.f32 v38, v61  }
0xba: {  	v51 =	vnsel vm0, $0x0, v14;
	v14 =	vand.u32 $0x7FFFFFFF, v45;
	v11 =	vadd.f32 v10, v11  }
0xbb: {  	v40 =	vmul.f32 v40, v35;
	vm1 =	vmand vm12, vm13;
	vm2 =	vmand vm14, vm15  }
0xbc: {  	v36 =	vmul.f32 v39, v61;
	v37 =	vadd.f32 v38, v37;
	[tilespmem:v9+s31+$0x0] =	vst.idx.add.f32.msk $0xffff, v11;
	v11 =	vmul.f32 $5.000000000e-01, v29  }
0xbd: {  	v18 =	vnsel vm1, $0x0, v53;
	v19 =	vnsel vm2, $0x0, v54;
	v60 =	vld.idx.msk [tilespmem:v12+s6+$0x0], $0xffff;
	v13 =	vand.u32 $0x7FFFFFFF, v34  }
0xbe: {  	v61 =	vmul.f32 $2.000000000e+01, v57;
	v40 =	vadd.f32 v36, v40;
	[tilespmem:v8+s31+$0x0] =	vst.idx.add.f32.msk $0xffff, v37;
	v43 =	vadd.f32 $-2.500000000e-01, v11  }
0xbf: {  	v24 =	vmul.f32 v51, v55;
	v18 =	vmul.f32 v18, v55;
	v59 =	vld.idx.msk [tilespmem:v14+s6+$0x0], $0xffff;
	v44 =	vadd.f32 $-5.000000070e-02, v11  }
0xc0: {  	v51 =	vand.u32 $0x80000000, v45;
	v10 =	vmul.f32 $5.000000000e-01, v62;
	[tilespmem:v7+s31+$0x0] =	vst.idx.add.f32.msk $0xffff, v40;
	v46 =	vmul.f32 v43, v42  }
0xc1: {  	v27 =	vmul.f32 v19, v55;
	v32 =	vxor.u32 $0xBF800000, v51;
	[tilespmem:s28+$0xEE10] =	vst v11;
	v50 =	vmul.f32 $5.000000000e+00, v44  }
0xc2: {  	v19 =	vadd.f32 v24, v17;
	v24 =	vxor.u32 $0xBF800000, v30;
	v62 =	vadd.f32 $-2.500000000e-01, v10;
	v56 =	vld.idx.msk [tilespmem:v13+s6+$0x0], $0xffff;
	[tilespmem:s28+$0xFE10] =	vst v46  }
0xc3: {  	v45 =	vld [tilespmem:s28+$0xB620];
	v18 =	vadd.f32 v18, v16;
	v17 =	vadd.f32 v27, v15;
	v55 =	vmul.f32 v24, v60;
	[tilespmem:s28+$0x10E10] =	vst v50  }
0xc4: {  	v27 =	vmul.f32 $5.000000000e-01, v32;
	v16 =	vsub.f32 v24, v60;
	v15 =	vmul.f32 v62, v61;
	v36 =	vld.idx.msk [tilespmem:v9+s22+$0x0], $0xffff  }
0xc5: {  	v39 =	vsub.f32 $1.000000000e+00, v55;
	v50 =	vand.u32 $0x80000000, v34;
	v54 =	vmul.f32 v32, v59;
	v31 =	vld.idx.msk [tilespmem:v8+s22+$0x0], $0xffff  }
0xc6: {  	v16 =	vmul.f32 $5.000000000e-01, v16;
	v37 =	vsub.f32 v32, v59;
	v33 =	vld.idx.msk [tilespmem:v7+s22+$0x0], $0xffff;
	v29 =	vxor.u32 $0xBF800000, v50  }
0xc7: {  	v52 =	vmul.f32 v29, v56;
	v35 =	vsub.f32 $1.000000000e+00, v54;
	v56 =	vsub.f32 v29, v56  }
0xc8: {  	v62 =	vadd.f32 $1.000000050e-03, v45;
	v46 =	vmul.f32 $5.000000000e-01, v29;
	v37 =	vmul.f32 $5.000000000e-01, v37  }
0xc9: {  	v38 =	vld [tilespmem:s28+$0x9E30];
	v30 =	vsub.f32 $1.000000000e+00, v52;
	v57 =	vmin.f32 v35, v39;
	v47 =	vmul.f32 $5.000000000e-01, v56  }
0xca: {  	vm8 =	vle.f32 v35, v39;
	v28 =	vmul.f32 v57, v46;
	v58 =	vmul.f32 v20, v36  }
0xcb: {  	vm10 =	vlt.f32 v39, v35;
	v48 =	vmul.f32 v22, v31;
	v49 =	vmul.f32 v21, v33  }
0xcc: {  	vm5 =	vle.f32 v30, v35;
	vm6 =	vle.f32 v30, v39;
	vm7 =	vlt.f32 v35, v30  }
0xcd: {  	vm9 =	vlt.f32 v39, v30;
	v22 =	vsub.f32 v22, v31;
	v33 =	vsub.f32 v21, v33  }
0xce: {  	v21 =	vand.u32 $0x7FFFFFFF, v38;
	v38 =	vand.u32 $0x80000000, v38;
	vm1 =	vmand vm5, vm6  }
0xcf: {  	vm2 =	vmand vm7, vm8;
	vm3 =	vmand vm9, vm10;
	v50 =	vmul.f32 v28, v45  }
0xd0: {  	v28 =	vmul.f32 $5.000000000e-01, v24;
	v63 =	vsub.f32 $1.000000000e+00, v58;
	v53 =	vsub.f32 $1.000000000e+00, v48  }
0xd1: {  	v38 =	vxor.u32 $0xBF800000, v38;
	v40 =	vsub.f32 $1.000000000e+00, v49;
	v48 =	vsub.f32 $1.000000000e+00, v45  }
0xd2: {  	v49 =	vmin.f32 v30, v39;
	v47 =	vnsel vm1, $0x0, v47;
	v37 =	vnsel vm2, $0x0, v37  }
0xd3: {  	v30 =	vmin.f32 v30, v35;
	v60 =	vnsel vm3, $0x0, v16;
	v54 =	vmul.f32 $5.000000000e-01, v22  }
0xd4: {  	v59 =	vld [tilespmem:s28+$0xBE10];
	v56 =	vmul.f32 $5.000000000e-01, v33;
	v49 =	vmul.f32 v49, v27;
	v39 =	vmin.f32 v30, v39  }
0xd5: {  	v30 =	vmul.f32 v30, v28;
	v41 =	vmin.f32 v63, v53;
	v42 =	vmin.f32 v53, v40  }
0xd6: {  	v43 =	vmin.f32 v63, v40;
	vm11 =	vle.f32 v63, v53;
	v48 =	vmul.f32 $1.100000020e+00, v48  }
0xd7: {  	vm12 =	vle.f32 v63, v40;
	vm13 =	vlt.f32 v53, v63;
	vm14 =	vle.f32 v53, v40  }
0xd8: {  	v16 =	vmul.f32 $5.000000000e-01, v39;
	vm6 =	vlt.f32 v40, v63;
	v63 =	vmul.f32 $2.000000000e+01, v62  }
0xd9: {  	vm7 =	vlt.f32 v40, v53;
	v53 =	vsub.f32 $1.000000000e+00, v59;
	v47 =	vmul.f32 v47, v48  }
0xda: {  	v44 =	vmin.f32 v41, v40;
	v49 =	vmul.f32 v49, v45;
	v37 =	vmul.f32 v37, v48  }
0xdb: {  	v30 =	vmul.f32 v30, v45;
	v61 =	vmul.f32 v60, v48;
	v58 =	vadd.f32 v47, v50  }
0xdc: {  	v39 =	vld [tilespmem:s28+$0xA630];
	v55 =	vmul.f32 v42, v23;
	v25 =	vmul.f32 v43, v25;
	v37 =	vadd.f32 v37, v49  }
0xdd: {  	v26 =	vmul.f32 v41, v26;
	v45 =	vadd.f32 $-2.500000000e-01, v16;
	v30 =	vadd.f32 v61, v30;
	[tilespmem:v13+s31+$0x0] =	vst.idx.add.f32.msk $0xffff, v58  }
0xde: {  	v48 =	vsub.f32 v20, v36;
	v20 =	vmul.f32 $5.000000000e-01, v44;
	v49 =	vadd.f32 $-5.000000070e-02, v16;
	[tilespmem:v14+s31+$0x0] =	vst.idx.add.f32.msk $0xffff, v37  }
0xdf: {  	vm1 =	vmand vm11, vm12;
	v36 =	vmul.f32 v55, v59;
	v51 =	vmul.f32 v45, v63;
	[tilespmem:v12+s31+$0x0] =	vst.idx.add.f32.msk $0xffff, v30  }
0xe0: {  	vm15 =	vmand vm13, vm14;
	v41 =	vld.idx.msk [tilespmem:v21+s6+$0x0], $0xffff;
	v25 =	vmul.f32 v25, v59;
	v52 =	vmul.f32 $5.000000000e+00, v49;
	[tilespmem:s28+$0xEE20] =	vst v16  }
0xe1: {  	v26 =	vmul.f32 v26, v59;
	v59 =	vadd.f32 $1.000000050e-03, v59;
	v50 =	vld [tilespmem:s28+$0xAE30];
	v22 =	vand.u32 $0x7FFFFFFF, v39;
	[tilespmem:s28+$0xFE20] =	vst v51  }
0xe2: {  	vm2 =	vmand vm6, vm7;
	v57 =	vmul.f32 $1.100000020e+00, v53;
	v34 =	vmul.f32 $5.000000000e-01, v48;
	[tilespmem:s28+$0x10E20] =	vst v52  }
0xe3: {  	v31 =	vnsel vm2, $0x0, v56;
	v62 =	vadd.f32 $-2.500000000e-01, v20;
	v61 =	vmul.f32 $2.000000000e+01, v59;
	v35 =	vld.idx.msk [tilespmem:v14+s22+$0x0], $0xffff  }
0xe4: {  	v39 =	vand.u32 $0x80000000, v39;
	v34 =	vnsel vm1, $0x0, v34;
	v58 =	vmul.f32 v31, v57;
	v37 =	vld.idx.msk [tilespmem:v12+s22+$0x0], $0xffff  }
0xe5: {  	v39 =	vxor.u32 $0xBF800000, v39;
	v53 =	vmul.f32 v38, v41;
	v41 =	vsub.f32 v38, v41;
	v63 =	vld.idx.msk [tilespmem:v13+s22+$0x0], $0xffff  }
0xe6: {  	v34 =	vmul.f32 v34, v57;
	v30 =	vnsel vm15, $0x0, v54;
	v23 =	vand.u32 $0x7FFFFFFF, v50;
	v44 =	vld.idx.msk [tilespmem:v22+s6+$0x0], $0xffff  }
0xe7: {  	v45 =	vsub.f32 $1.000000000e+00, v53;
	v41 =	vmul.f32 $5.000000000e-01, v41;
	v30 =	vmul.f32 v30, v57;
	v51 =	vld [tilespmem:s28+$0xB630]  }
0xe8: {  	v33 =	vadd.f32 v34, v36;
	v40 =	vand.u32 $0x80000000, v50;
	v50 =	vmul.f32 $5.000000000e-01, v39  }
0xe9: {  	v31 =	vadd.f32 v30, v25;
	v30 =	vadd.f32 v58, v26;
	v60 =	vmul.f32 v32, v35  }
0xea: {  	v52 =	vmul.f32 v24, v37;
	v56 =	vmul.f32 v29, v63;
	v29 =	vsub.f32 v29, v63  }
0xeb: {  	v34 =	vld.idx.msk [tilespmem:v23+s6+$0x0], $0xffff;
	v54 =	vmul.f32 v39, v44;
	v32 =	vsub.f32 v32, v35;
	v44 =	vsub.f32 v39, v44  }
0xec: {  	v40 =	vxor.u32 $0xBF800000, v40;
	v63 =	vsub.f32 $1.000000000e+00, v51;
	v24 =	vsub.f32 v24, v37  }
0xed: {  	v26 =	vmul.f32 v62, v61;
	v43 =	vsub.f32 $1.000000000e+00, v60;
	v47 =	vsub.f32 $1.000000000e+00, v52  }
0xee: {  	v58 =	vsub.f32 $1.000000000e+00, v54;
	v44 =	vmul.f32 $5.000000000e-01, v44;
	v52 =	vmul.f32 $5.000000000e-01, v40  }
0xef: {  	v36 =	vsub.f32 $1.000000000e+00, v56;
	v29 =	vmul.f32 $5.000000000e-01, v29;
	v32 =	vmul.f32 $5.000000000e-01, v32  }
0xf0: {  	v24 =	vmul.f32 $5.000000000e-01, v24;
	v55 =	vmul.f32 v40, v34;
	v57 =	vmin.f32 v43, v47  }
0xf1: {  	v59 =	vmin.f32 v45, v58;
	vm8 =	vle.f32 v45, v58;
	vm10 =	vlt.f32 v58, v45  }
0xf2: {  	v34 =	vsub.f32 v40, v34;
	vm14 =	vle.f32 v36, v43;
	vm15 =	vle.f32 v36, v47  }
0xf3: {  	vm4 =	vlt.f32 v43, v36;
	v42 =	vmul.f32 v59, v52;
	v48 =	vsub.f32 $1.000000000e+00, v55  }
0xf4: {  	vm5 =	vle.f32 v43, v47;
	v35 =	vmul.f32 v57, v46;
	v34 =	vmul.f32 $5.000000000e-01, v34  }
0xf5: {  	v42 =	vmul.f32 v42, v51;
	v60 =	vmin.f32 v58, v48;
	v61 =	vmin.f32 v45, v48  }
0xf6: {  	v62 =	vmin.f32 v59, v48;
	vm9 =	vle.f32 v45, v48;
	vm11 =	vle.f32 v58, v48  }
0xf7: {  	vm12 =	vlt.f32 v48, v45;
	vm13 =	vlt.f32 v48, v58;
	v48 =	vmul.f32 $5.000000000e-01, v38  }
0xf8: {  	v45 =	vmul.f32 $1.100000020e+00, v63;
	v25 =	vmul.f32 $5.000000000e-01, v62;
	vm0 =	vmand vm8, vm9  }
0xf9: {  	[tilespmem:v6+s0+$0x0] =	vst.idx.add.f32.msk $0xffff, v19;
	vm1 =	vmand vm10, vm11;
	vm2 =	vmand vm12, vm13;
	v46 =	vmul.f32 v60, v48  }
0xfa: {  	[tilespmem:v5+s0+$0x0] =	vst.idx.add.f32.msk $0xffff, v18;
	v49 =	vmul.f32 v61, v50;
	v41 =	vnsel vm0, $0x0, v41;
	v44 =	vnsel vm1, $0x0, v44  }
0xfb: {  	v56 =	vld [tilespmem:s28+$0xBE20];
	v34 =	vnsel vm2, $0x0, v34;
	v41 =	vmul.f32 v41, v45;
	v46 =	vmul.f32 v46, v51  }
0xfc: {  	[tilespmem:v9+s0+$0x0] =	vst.idx.add.f32.msk $0xffff, v33;
	v49 =	vmul.f32 v49, v51;
	v44 =	vmul.f32 v44, v45;
	v51 =	vadd.f32 $1.000000050e-03, v51  }
0xfd: {  	vm6 =	vlt.f32 v47, v43;
	v34 =	vmul.f32 v34, v45;
	v41 =	vadd.f32 v41, v46  }
0xfe: {  	[tilespmem:v8+s0+$0x0] =	vst.idx.add.f32.msk $0xffff, v31;
	v58 =	vadd.f32 $-2.500000000e-01, v25;
	v44 =	vadd.f32 v44, v49;
	v57 =	vmul.f32 $2.000000000e+01, v51  }
0xff: {  	vm7 =	vlt.f32 v47, v36;
	v60 =	vadd.f32 $-5.000000070e-02, v25;
	v34 =	vadd.f32 v34, v42;
	[tilespmem:v21+s31+$0x0] =	vst.idx.add.f32.msk $0xffff, v41  }
0x100: {  	v35 =	vmul.f32 v35, v56;
	v59 =	vmul.f32 v58, v57;
	[tilespmem:v22+s31+$0x0] =	vst.idx.add.f32.msk $0xffff, v44  }
0x101: {  	v63 =	vsub.f32 $1.000000000e+00, v56;
	v62 =	vmin.f32 v36, v43;
	v61 =	vmul.f32 $5.000000000e+00, v60;
	[tilespmem:v23+s31+$0x0] =	vst.idx.add.f32.msk $0xffff, v34  }
0x102: {  	vm8 =	vmand vm7, vm6;
	vm0 =	vmand vm14, vm15;
	vm1 =	vmand vm4, vm5;
	[tilespmem:s28+$0xFE30] =	vst v59  }
0x103: {  	v28 =	vmul.f32 v62, v28;
	v24 =	vnsel vm8, $0x0, v24;
	v29 =	vnsel vm0, $0x0, v29;
	[tilespmem:s28+$0x10E30] =	vst v61  }
0x104: {  	v32 =	vnsel vm1, $0x0, v32;
	v41 =	vmul.f32 $1.100000020e+00, v63;
	v44 =	vmin.f32 v36, v47;
	[tilespmem:s28+$0xEE30] =	vst v25  }
0x105: {  	v28 =	vmul.f32 v28, v56;
	v46 =	vmin.f32 v62, v47;
	v27 =	vmul.f32 v44, v27;
	v47 =	vld.idx.msk [tilespmem:v22+s22+$0x0], $0xffff  }
0x106: {  	v51 =	vadd.f32 $1.000000050e-03, v56;
	v36 =	vmul.f32 $5.000000000e-01, v46;
	v29 =	vmul.f32 v29, v41;
	v53 =	vld.idx.msk [tilespmem:v21+s22+$0x0], $0xffff  }
0x107: {  	v46 =	vadd.f32 $-5.000000070e-02, v20;
	v32 =	vmul.f32 v32, v41;
	v49 =	vld.idx.msk [tilespmem:v23+s22+$0x0], $0xffff;
	v27 =	vmul.f32 v27, v56  }
0x108: {  	v54 =	vmul.f32 v24, v41;
	v41 =	vld [tilespmem:s28+$0xBE30];
	v61 =	vadd.f32 $-5.000000070e-02, v10;
	v29 =	vadd.f32 v29, v35  }
0x109: {  	[tilespmem:v7+s0+$0x0] =	vst.idx.add.f32.msk $0xffff, v30;
	v55 =	vmul.f32 $2.000000000e+01, v51;
	v56 =	vadd.f32 $-2.500000000e-01, v36;
	v27 =	vadd.f32 v32, v27  }
0x10a: {  	v7 =	vmul.f32 $5.000000000e+00, v46;
	v59 =	vadd.f32 v54, v28;
	v54 =	vadd.f32 $-5.000000070e-02, v36;
	[tilespmem:v13+s0+$0x0] =	vst.idx.add.f32.msk $0xffff, v29  }
0x10b: {  	v18 =	vmul.f32 $5.000000000e+00, v61;
	[tilespmem:v14+s0+$0x0] =	vst.idx.add.f32.msk $0xffff, v27;
	v57 =	vmul.f32 v39, v47;
	v42 =	vsub.f32 v38, v53  }
0x10c: {  	v58 =	vmul.f32 v40, v49;
	v43 =	vsub.f32 v39, v47;
	v44 =	vsub.f32 v40, v49  }
0x10d: {  	v62 =	vmul.f32 v38, v53;
	v47 =	vsub.f32 $1.000000000e+00, v41;
	[tilespmem:v12+s0+$0x0] =	vst.idx.add.f32.msk $0xffff, v59;
	v59 =	vadd.f32 $1.000000050e-03, v41  }
0x10e: {  	v60 =	vmul.f32 v56, v55;
	v63 =	vsub.f32 $1.000000000e+00, v57;
	v35 =	vsub.f32 $1.000000000e+00, v58  }
0x10f: {  	[tilespmem:v4+s0+$0x0] =	vst.idx.add.f32.msk $0xffff, v17;
	v4 =	vsub.f32 $1.000000000e+00, v62;
	v9 =	vmul.f32 $5.000000000e-01, v42;
	v56 =	vmul.f32 $5.000000000e-01, v43  }
0x110: {  	v57 =	vmul.f32 $5.000000000e+00, v54;
	v8 =	vmul.f32 $5.000000000e-01, v44;
	v45 =	vmin.f32 v63, v35  }
0x111: {  	vm9 =	vle.f32 v4, v63;
	vm10 =	vle.f32 v4, v35;
	vm11 =	vlt.f32 v63, v4  }
0x112: {  	[tilespmem:s28+$0x10600] =	vst v15;
	vm12 =	vle.f32 v63, v35;
	vm13 =	vlt.f32 v35, v63;
	v53 =	vmin.f32 v4, v63  }
0x113: {  	[tilespmem:s28+$0xF600] =	vst v10;
	vm14 =	vlt.f32 v35, v4;
	v4 =	vmin.f32 v4, v35;
	v28 =	vmul.f32 v45, v48  }
0x114: {  	[tilespmem:s28+$0x10610] =	vst v26;
	vm0 =	vmand vm9, vm10;
	v48 =	vmul.f32 $1.100000020e+00, v47;
	v4 =	vmul.f32 v4, v50  }
0x115: {  	[tilespmem:s28+$0xF610] =	vst v20;
	v55 =	vmin.f32 v53, v35;
	v12 =	vmul.f32 v53, v52;
	vm15 =	vmand vm14, vm13  }
0x116: {  	[tilespmem:s28+$0x11610] =	vst v7;
	v49 =	vnsel vm0, $0x0, v9;
	vm0 =	vmand vm11, vm12;
	v7 =	vmul.f32 $5.000000000e-01, v55  }
0x117: {  	[tilespmem:s28+$0x11600] =	vst v18;
	v51 =	vmul.f32 v28, v41;
	v5 =	vmul.f32 v49, v48;
	v58 =	vnsel vm0, $0x0, v56  }
0x118: {  	[tilespmem:s28+$0x10620] =	vst v60;
	v8 =	vnsel vm15, $0x0, v8;
	v4 =	vmul.f32 v4, v41;
	v9 =	vmul.f32 v58, v48  }
0x119: {  	[tilespmem:s28+$0xF620] =	vst v36;
	v12 =	vmul.f32 v12, v41;
	v8 =	vmul.f32 v8, v48;
	v5 =	vadd.f32 v5, v51  }
0x11a: {  	s25 =	sadd.s32 $0x4, s25;
	[tilespmem:s28+$0x11620] =	vst v57;
	v4 =	vadd.f32 v9, v4  }
0x11b: {  	p1 =	slt.u32 s25, $0x7C;
	v61 =	vmul.f32 $2.000000000e+01, v59;
	v62 =	vadd.f32 $-2.500000000e-01, v7;
	v60 =	vadd.f32 v8, v12;
	[tilespmem:v21+s0+$0x0] =	vst.idx.add.f32.msk $0xffff, v5  }
.Ltmp1:
0x11c: {  	v2 =	vmax.f32 v2, v3;
	v3 =	vadd.f32 $-5.000000070e-02, v7;
	[tilespmem:v22+s0+$0x0] =	vst.idx.add.f32.msk $0xffff, v4;
	(pc) =	sbr.rel @p1 .LBB2_5-.Ltmp1, $4  }
0x11d: {  	v1 =	vmax.f32 v1, v10;
	v63 =	vmul.f32 v62, v61;
	[tilespmem:v23+s0+$0x0] =	vst.idx.add.f32.msk $0xffff, v60  }
0x11e: {  	v2 =	vmax.f32 v2, v11;
	v1 =	vmax.f32 v1, v20;
	v3 =	vmul.f32 $5.000000000e+00, v3;
	[tilespmem:s28+$0xF630] =	vst v7  }
0x11f: {  	v2 =	vmax.f32 v2, v16;
	v1 =	vmax.f32 v1, v36;
	[tilespmem:s28+$0x10630] =	vst v63  }
0x120: {  	s26 =	sadd.s32 $0x100, s26;
	v2 =	vmax.f32 v2, v25;
	v1 =	vmax.f32 v1, v7;
	[tilespmem:s28+$0x11630] =	vst v3  }
0x121: {  	s25 =	sshll.u32 s13, $0xF  }
0x122: {  	s12 =	sadd.s32 s11, s25  }
0x123: {  	s17 =	sor.u32 s14, s12  }
0x124: {  	s17 =	sshrl.u32 s17, $0x3  }
0x125: {  	s19 =	simm.s32 $0xEE00;
	s18 =	sadd.s32 s2, s17  }
0x126: {  	[hbm4b:s18+s4] =	stream.strided.scatter [tilespmem:s19], [sflag:$0x3], $0x800, s10, s4, $0x38;
	[tilespmem:$0x14E80] =	vst v63  }
0x127: {  	s26 =	simm.s32 $0xFE00;
	s12 =	sor.u32 s16, s12;
	s20 =	sadd.s32 s3, s17  }
0x128: {  	[hbm4b:s20+s4] =	stream.strided.scatter [tilespmem:s26], [sflag:$0x3], $0x800, s10, s4, $0x38;
	[tilespmem:$0x14E80] =	vst v63  }
0x129: {  	s29 =	simm.s32 $0x10E00;
	s12 =	sshrl.u32 s12, $0x3;
	s17 =	sadd.s32 s5, s17  }
0x12a: {  	[hbm4b:s17+s4] =	stream.strided.scatter [tilespmem:s29], [sflag:$0x3], $0x800, s10, s4, $0x38;
	[tilespmem:$0x14E80] =	vst v63  }
0x12b: {  	s18 =	sadd.s32 s2, s12;
	s19 =	simm.s32 $0xF600  }
0x12c: {  	[hbm4b:s18+s4] =	stream.strided.scatter [tilespmem:s19], [sflag:$0x3], $0x800, s10, s4, $0x38;
	[tilespmem:$0x14E80] =	vst v63  }
0x12d: {  	s20 =	sadd.s32 s3, s12;
	s26 =	simm.s32 $0x10600  }
0x12e: {  	[hbm4b:s20+s4] =	stream.strided.scatter [tilespmem:s26], [sflag:$0x3], $0x800, s10, s4, $0x38;
	[tilespmem:$0x14E80] =	vst v63  }
0x12f: {  	p1 =	seq.s32 s13, $0x9;
	s12 =	sadd.s32 s5, s12;
	s29 =	simm.s32 $0x11600  }
0x130: {  	[hbm4b:s12+s4] =	stream.strided.scatter [tilespmem:s29], [sflag:$0x3], $0x800, s10, s4, $0x38;
	[tilespmem:$0x14E80] =	vst v63  }
0x131: {  	s12 =	sadd.s32 @!p1 $0x1000, s15  }
0x132: {  	s17 =	sshrl.u32 @!p1 s12, $0x3  }
0x133: {  	s18 =	simm.s32 @!p1 $0x0;
	s19 =	simm.s32 @!p1 $0x9E00;
	s17 =	sadd.s32 @!p1 s1, s17  }
0x134: {  	[tilespmem:s19], [sflag:$0x1] =	stream.linear.gather @!p1 [hbm4b:s17+s18], $0x800, $0x38;
	[tilespmem:$0x14E80] =	vst v63  }
0x135: {  	s17 =	sshrl.u32 @!p1 s15, $0x3  }
0x136: {  	s17 =	sadd.s32 @!p1 s1, s17  }
0x137: {  	s20 =	simm.s32 @!p1 $0xA600;
	s19 =	sadd.s32 @!p1 $0x1700, s17  }
0x138: {  	[tilespmem:s20], [sflag:$0x1] =	stream.linear.gather @!p1 [hbm4b:s19+s18], $0x800, $0x38;
	[tilespmem:$0x14E80] =	vst v63  }
0x139: {  	s17 =	sadd.s32 @!p1 $0x2C00, s17;
	s19 =	simm.s32 @!p1 $0xAE00  }
0x13a: {  	[tilespmem:s19], [sflag:$0x1] =	stream.linear.gather @!p1 [hbm4b:s17+s18], $0x800, $0x38;
	[tilespmem:$0x14E80] =	vst v63  }
0x13b: {  	s17 =	sadd.s32 @!p1 s8, s12  }
0x13c: {  	s12 =	sadd.s32 @!p1 s9, s12;
	s17 =	sshrl.u32 @!p1 s17, $0x3  }
0x13d: {  	s19 =	simm.s32 @!p1 $0xB600;
	s12 =	sshrl.u32 @!p1 s12, $0x3;
	s17 =	sadd.s32 @!p1 s7, s17  }
0x13e: {  	[tilespmem:s19], [sflag:$0x1] =	stream.linear.gather @!p1 [hbm4b:s17+s18], $0x800, $0x38;
	[tilespmem:$0x14E80] =	vst v63  }
0x13f: {  	s12 =	sadd.s32 @!p1 s7, s12;
	s17 =	simm.s32 @!p1 $0xBE00  }
0x140: {  	[tilespmem:s17], [sflag:$0x1] =	stream.linear.gather @!p1 [hbm4b:s12+s18], $0x800, $0x38;
	[tilespmem:$0x14E80] =	vst v63  }
0x141: {  	_ =	swait.ge [sflag:s24], $0x800  }
0x142: {  	[sflag:s24] =	ssyncset.done $0x0  }
0x143: {  	[sflag:s24] =	ssyncadd.s32 $0xFFFFF800  }
0x144: {  	_ =	swait.ge [sflag:s24], $0x800  }
0x145: {  	[sflag:s24] =	ssyncset.done $0x0  }
0x146: {  	[sflag:s24] =	ssyncadd.s32 $0xFFFFF800  }
0x147: {  	_ =	swait.ge [sflag:s24], $0x800  }
0x148: {  	[sflag:s24] =	ssyncset.done $0x0  }
0x149: {  	[sflag:s24] =	ssyncadd.s32 $0xFFFFF800  }
0x14a: {  	_ =	swait.ge [sflag:s24], $0x800  }
0x14b: {  	[sflag:s24] =	ssyncset.done $0x0  }
0x14c: {  	[sflag:s24] =	ssyncadd.s32 $0xFFFFF800  }
0x14d: {  	_ =	swait.ge [sflag:s24], $0x800  }
0x14e: {  	[sflag:s24] =	ssyncset.done $0x0  }
0x14f: {  	s12 =	simm.s32 @!p0 $0x4;
	[sflag:s24] =	ssyncadd.s32 $0xFFFFF800  }
0x150: {  	_ =	swait.ge @!p0 [sflag:s12], $0x800  }
0x151: {  	[sflag:s12] =	ssyncset.done @!p0 $0x0  }
0x152: {  	[sflag:s12] =	ssyncadd.s32 @!p0 $0xFFFFF800  }
0x153: {  	_ =	swait.ge @!p0 [sflag:s12], $0x800  }
0x154: {  	[sflag:s12] =	ssyncset.done @!p0 $0x0  }
0x155: {  	[sflag:s12] =	ssyncadd.s32 @!p0 $0xFFFFF800  }
0x156: {  	_ =	swait.ge @!p0 [sflag:s12], $0x800  }
0x157: {  	[sflag:s12] =	ssyncset.done @!p0 $0x0  }
0x158: {  	[sflag:s12] =	ssyncadd.s32 @!p0 $0xFFFFF800  }
0x159: {  	_ =	swait.ge @!p0 [sflag:s12], $0x800  }
0x15a: {  	[sflag:s12] =	ssyncset.done @!p0 $0x0  }
0x15b: {  	[sflag:s12] =	ssyncadd.s32 @!p0 $0xFFFFF800  }
0x15c: {  	_ =	swait.ge @!p0 [sflag:s12], $0x800  }
0x15d: {  	[sflag:s12] =	ssyncset.done @!p0 $0x0  }
0x15e: {  	[sflag:s12] =	ssyncadd.s32 @!p0 $0xFFFFF800  }
0x15f: {  	_ =	swait.ge @!p0 [sflag:s12], $0x800  }
0x160: {  	[sflag:s12] =	ssyncset.done @!p0 $0x0  }
0x161: {  	s28 =	simm.s32 $0x0;
	s26 =	simm.s32 $0xFFFFFFFC;
	[sflag:s12] =	ssyncadd.s32 @!p0 $0xFFFFF800  }
.LBB2_7:
0x162: {  	s29 =	sshra.s32 s28, $0x2  }
0x163: {  	v3 =	vld [tilespmem:s29+$0xC600]  }
0x164: {  	v7 =	vld [tilespmem:s29+$0xCE00]  }
0x165: {  	v8 =	vld [tilespmem:s29+$0xD600];
	_ =	sdelay $0x2  }
0x166: {  	v6 =	vand.u32 $0x7FFFFFFF, v3  }
0x167: {  	v5 =	vand.u32 $0x7FFFFFFF, v7  }
0x168: {  	v4 =	vand.u32 $0x7FFFFFFF, v8;
	_ =	sdelay $0x1  }
0x169: {  	v19 =	vld [tilespmem:s29+$0xDE00]  }
0x16a: {  	v9 =	vld.idx.msk [tilespmem:v6+s6+$0x0], $0xffff  }
0x16b: {  	v10 =	vld.idx.msk [tilespmem:v5+s6+$0x0], $0xffff  }
0x16c: {  	v11 =	vld.idx.msk [tilespmem:v4+s6+$0x0], $0xffff  }
0x16d: {  	v3 =	vand.u32 $0x80000000, v3  }
0x16e: {  	v34 =	vand.u32 $0x80000000, v8;
	v14 =	vxor.u32 $0xBF800000, v3;
	v3 =	vand.u32 $0x80000000, v7  }
0x16f: {  	v39 =	vsub.f32 $1.000000000e+00, v19;
	v13 =	vxor.u32 $0xBF800000, v3;
	v17 =	vmul.f32 $5.000000000e-01, v14  }
0x170: {  	v12 =	vxor.u32 $0xBF800000, v34;
	v3 =	vmul.f32 v14, v9;
	v35 =	vmul.f32 v13, v10  }
0x171: {  	v36 =	vmul.f32 v12, v11;
	v10 =	vsub.f32 v13, v10;
	v11 =	vsub.f32 v12, v11  }
0x172: {  	v16 =	vmul.f32 $5.000000000e-01, v13;
	v3 =	vsub.f32 $1.000000000e+00, v3;
	v7 =	vsub.f32 $1.000000000e+00, v35  }
0x173: {  	v9 =	vsub.f32 v14, v9;
	v8 =	vsub.f32 $1.000000000e+00, v36;
	v37 =	vmul.f32 $5.000000000e-01, v10  }
0x174: {  	v38 =	vmul.f32 $5.000000000e-01, v11;
	v11 =	vmul.f32 $1.100000020e+00, v39;
	v18 =	vmin.f32 v3, v7  }
0x175: {  	vm0 =	vle.f32 v3, v7;
	vm1 =	vle.f32 v3, v8;
	v15 =	vmin.f32 v7, v8  }
0x176: {  	v20 =	vmin.f32 v3, v8;
	vm14 =	vlt.f32 v7, v3;
	vm2 =	vle.f32 v7, v8  }
0x177: {  	vm15 =	vlt.f32 v8, v3;
	v3 =	vmul.f32 $5.000000000e-01, v9;
	vm3 =	vlt.f32 v8, v7  }
0x178: {  	vm0 =	vmand vm0, vm1;
	vm1 =	vmand vm14, vm2;
	v40 =	vmul.f32 v15, v17  }
0x179: {  	v15 =	vmul.f32 $5.000000000e-01, v12;
	v20 =	vmul.f32 v20, v16;
	v3 =	vnsel vm0, $0x0, v3  }
0x17a: {  	v47 =	vld [tilespmem:s29+$0xCE10];
	vm2 =	vmand vm15, vm3;
	v7 =	vmul.f32 v40, v19;
	v3 =	vmul.f32 v3, v11  }
0x17b: {  	v45 =	vld [tilespmem:s29+$0xC610];
	v9 =	vnsel vm1, $0x0, v37;
	v10 =	vnsel vm2, $0x0, v38;
	v21 =	vmul.f32 v18, v15  }
0x17c: {  	v20 =	vmul.f32 v20, v19;
	v9 =	vmul.f32 v9, v11;
	v3 =	vadd.f32 v3, v7  }
0x17d: {  	v42 =	vadd.f32 $1.000000050e-03, v19;
	v8 =	vmin.f32 v18, v8;
	v10 =	vmul.f32 v10, v11  }
0x17e: {  	v41 =	vmul.f32 v21, v19;
	v9 =	vadd.f32 v9, v20;
	[tilespmem:v6+s31+$0x0] =	vst.idx.add.f32.msk $0xffff, v3;
	v3 =	vmul.f32 $5.000000000e-01, v8  }
0x17f: {  	v48 =	vld [tilespmem:s29+$0xD610];
	v43 =	vmul.f32 $2.000000000e+01, v42;
	v8 =	vand.u32 $0x7FFFFFFF, v47  }
0x180: {  	v7 =	vadd.f32 v10, v41;
	[tilespmem:v5+s31+$0x0] =	vst.idx.add.f32.msk $0xffff, v9;
	v9 =	vand.u32 $0x7FFFFFFF, v45;
	v44 =	vadd.f32 $-2.500000000e-01, v3  }
0x181: {  	v35 =	vld [tilespmem:s29+$0xDE10];
	v46 =	vadd.f32 $-5.000000070e-02, v3  }
0x182: {  	[tilespmem:v4+s31+$0x0] =	vst.idx.add.f32.msk $0xffff, v7;
	v7 =	vmul.f32 v44, v43  }
0x183: {  	[tilespmem:s29+$0x11E00] =	vst v3;
	v63 =	vld [tilespmem:s29+$0xE600];
	v49 =	vmul.f32 $5.000000000e+00, v46  }
0x184: {  	v25 =	vld.idx.msk [tilespmem:v8+s6+$0x0], $0xffff;
	[tilespmem:s29+$0x12E00] =	vst v7  }
0x185: {  	[tilespmem:s29+$0x13E00] =	vst v49;
	v23 =	vld.idx.msk [tilespmem:v9+s6+$0x0], $0xffff  }
0x186: {  	v50 =	vld.idx.msk [tilespmem:v6+s22+$0x0], $0xffff  }
0x187: {  	v52 =	vand.u32 $0x80000000, v47;
	v59 =	vsub.f32 $1.000000000e+00, v35;
	v24 =	vld.idx.msk [tilespmem:v5+s22+$0x0], $0xffff  }
0x188: {  	v53 =	vand.u32 $0x80000000, v48;
	v22 =	vxor.u32 $0xBF800000, v52;
	v41 =	vadd.f32 $1.000000050e-03, v35;
	v27 =	vld.idx.msk [tilespmem:v4+s22+$0x0], $0xffff  }
0x189: {  	v21 =	vxor.u32 $0xBF800000, v53;
	v61 =	vmul.f32 $1.100000020e+00, v59;
	v10 =	vand.u32 $0x80000000, v45  }
0x18a: {  	v20 =	vxor.u32 $0xBF800000, v10;
	v42 =	vmul.f32 $2.000000000e+01, v41;
	v7 =	vand.u32 $0x7FFFFFFF, v48  }
0x18b: {  	v52 =	vsub.f32 $1.000000000e+00, v63;
	v56 =	vmul.f32 v22, v25;
	v25 =	vsub.f32 v22, v25  }
0x18c: {  	v54 =	vmul.f32 v20, v23;
	v23 =	vsub.f32 v20, v23;
	v51 =	vmul.f32 v14, v50  }
0x18d: {  	v47 =	vld [tilespmem:s29+$0xD620];
	v29 =	vmul.f32 v13, v24;
	v30 =	vmul.f32 v12, v27;
	v11 =	vsub.f32 $1.000000000e+00, v56  }
0x18e: {  	v38 =	vmul.f32 $5.000000000e-01, v25;
	v14 =	vsub.f32 v14, v50;
	v13 =	vsub.f32 v13, v24  }
0x18f: {  	v26 =	vld.idx.msk [tilespmem:v7+s6+$0x0], $0xffff;
	v25 =	vmul.f32 $5.000000000e-01, v22;
	v12 =	vsub.f32 v12, v27;
	v10 =	vsub.f32 $1.000000000e+00, v54  }
0x190: {  	v58 =	vmul.f32 $5.000000000e-01, v23;
	v23 =	vmul.f32 $5.000000000e-01, v20;
	v28 =	vsub.f32 $1.000000000e+00, v51  }
0x191: {  	v55 =	vsub.f32 $1.000000000e+00, v29;
	v30 =	vsub.f32 $1.000000000e+00, v30;
	v14 =	vmul.f32 $5.000000000e-01, v14  }
0x192: {  	v53 =	vmul.f32 $5.000000000e-01, v13;
	v54 =	vmul.f32 $5.000000000e-01, v12;
	v12 =	vand.u32 $0x7FFFFFFF, v47  }
0x193: {  	v34 =	vmin.f32 v10, v11;
	vm4 =	vle.f32 v10, v11;
	vm6 =	vlt.f32 v11, v10  }
0x194: {  	v57 =	vmul.f32 v21, v26;
	v31 =	vmin.f32 v28, v55;
	v32 =	vmin.f32 v55, v30  }
0x195: {  	v33 =	vmin.f32 v28, v30;
	v26 =	vsub.f32 v21, v26;
	vm10 =	vle.f32 v28, v55  }
0x196: {  	vm11 =	vle.f32 v28, v30;
	vm12 =	vlt.f32 v55, v28;
	vm13 =	vle.f32 v55, v30  }
0x197: {  	vm14 =	vlt.f32 v30, v28;
	vm15 =	vlt.f32 v30, v55;
	v55 =	vmul.f32 $1.100000020e+00, v52  }
0x198: {  	v62 =	vmin.f32 v31, v30;
	v17 =	vmul.f32 v32, v17;
	v16 =	vmul.f32 v33, v16  }
0x199: {  	v15 =	vmul.f32 v31, v15;
	v30 =	vand.u32 $0x80000000, v47;
	v39 =	vmul.f32 $5.000000000e-01, v26  }
0x19a: {  	v29 =	vsub.f32 $1.000000000e+00, v57;
	v26 =	vmul.f32 $5.000000000e-01, v21;
	v17 =	vmul.f32 v17, v63  }
0x19b: {  	v57 =	vadd.f32 $1.000000050e-03, v63;
	v16 =	vmul.f32 v16, v63;
	v15 =	vmul.f32 v15, v63  }
0x19c: {  	vm5 =	vle.f32 v10, v29;
	v36 =	vmin.f32 v11, v29;
	v37 =	vmin.f32 v10, v29  }
0x19d: {  	vm7 =	vle.f32 v11, v29;
	vm8 =	vlt.f32 v29, v10;
	vm9 =	vlt.f32 v29, v11  }
0x19e: {  	v45 =	vld [tilespmem:s29+$0xCE20];
	v40 =	vmul.f32 v34, v26;
	v29 =	vmin.f32 v34, v29;
	vm0 =	vmand vm4, vm5  }
0x19f: {  	vm1 =	vmand vm6, vm7;
	v60 =	vmul.f32 v36, v23;
	vm2 =	vmand vm8, vm9  }
0x1a0: {  	v37 =	vmul.f32 v37, v25;
	v10 =	vnsel vm0, $0x0, v58;
	v38 =	vnsel vm1, $0x0, v38  }
0x1a1: {  	v34 =	vld [tilespmem:s29+$0xC620];
	v39 =	vnsel vm2, $0x0, v39;
	v11 =	vmul.f32 v60, v35;
	v10 =	vmul.f32 v10, v61  }
0x1a2: {  	vm0 =	vmand vm10, vm11;
	v37 =	vmul.f32 v37, v35;
	v38 =	vmul.f32 v38, v61  }
0x1a3: {  	v51 =	vnsel vm0, $0x0, v14;
	v14 =	vand.u32 $0x7FFFFFFF, v45;
	v11 =	vadd.f32 v10, v11  }
0x1a4: {  	v40 =	vmul.f32 v40, v35;
	vm1 =	vmand vm12, vm13;
	vm2 =	vmand vm14, vm15  }
0x1a5: {  	v36 =	vmul.f32 v39, v61;
	v37 =	vadd.f32 v38, v37;
	[tilespmem:v9+s31+$0x0] =	vst.idx.add.f32.msk $0xffff, v11;
	v11 =	vmul.f32 $5.000000000e-01, v29  }
0x1a6: {  	v18 =	vnsel vm1, $0x0, v53;
	v19 =	vnsel vm2, $0x0, v54;
	v60 =	vld.idx.msk [tilespmem:v12+s6+$0x0], $0xffff;
	v13 =	vand.u32 $0x7FFFFFFF, v34  }
0x1a7: {  	v61 =	vmul.f32 $2.000000000e+01, v57;
	v40 =	vadd.f32 v36, v40;
	[tilespmem:v8+s31+$0x0] =	vst.idx.add.f32.msk $0xffff, v37;
	v43 =	vadd.f32 $-2.500000000e-01, v11  }
0x1a8: {  	v24 =	vmul.f32 v51, v55;
	v18 =	vmul.f32 v18, v55;
	v59 =	vld.idx.msk [tilespmem:v14+s6+$0x0], $0xffff;
	v44 =	vadd.f32 $-5.000000070e-02, v11  }
0x1a9: {  	v51 =	vand.u32 $0x80000000, v45;
	v10 =	vmul.f32 $5.000000000e-01, v62;
	[tilespmem:v7+s31+$0x0] =	vst.idx.add.f32.msk $0xffff, v40;
	v46 =	vmul.f32 v43, v42  }
0x1aa: {  	v27 =	vmul.f32 v19, v55;
	v32 =	vxor.u32 $0xBF800000, v51;
	[tilespmem:s29+$0x11E10] =	vst v11;
	v50 =	vmul.f32 $5.000000000e+00, v44  }
0x1ab: {  	v19 =	vadd.f32 v24, v17;
	v24 =	vxor.u32 $0xBF800000, v30;
	v62 =	vadd.f32 $-2.500000000e-01, v10;
	v56 =	vld.idx.msk [tilespmem:v13+s6+$0x0], $0xffff;
	[tilespmem:s29+$0x12E10] =	vst v46  }
0x1ac: {  	v45 =	vld [tilespmem:s29+$0xDE20];
	v18 =	vadd.f32 v18, v16;
	v17 =	vadd.f32 v27, v15;
	v55 =	vmul.f32 v24, v60;
	[tilespmem:s29+$0x13E10] =	vst v50  }
0x1ad: {  	v27 =	vmul.f32 $5.000000000e-01, v32;
	v16 =	vsub.f32 v24, v60;
	v15 =	vmul.f32 v62, v61;
	v36 =	vld.idx.msk [tilespmem:v9+s22+$0x0], $0xffff  }
0x1ae: {  	v39 =	vsub.f32 $1.000000000e+00, v55;
	v50 =	vand.u32 $0x80000000, v34;
	v54 =	vmul.f32 v32, v59;
	v31 =	vld.idx.msk [tilespmem:v8+s22+$0x0], $0xffff  }
0x1af: {  	v16 =	vmul.f32 $5.000000000e-01, v16;
	v37 =	vsub.f32 v32, v59;
	v33 =	vld.idx.msk [tilespmem:v7+s22+$0x0], $0xffff;
	v29 =	vxor.u32 $0xBF800000, v50  }
0x1b0: {  	v52 =	vmul.f32 v29, v56;
	v35 =	vsub.f32 $1.000000000e+00, v54;
	v56 =	vsub.f32 v29, v56  }
0x1b1: {  	v62 =	vadd.f32 $1.000000050e-03, v45;
	v46 =	vmul.f32 $5.000000000e-01, v29;
	v37 =	vmul.f32 $5.000000000e-01, v37  }
0x1b2: {  	v38 =	vld [tilespmem:s29+$0xC630];
	v30 =	vsub.f32 $1.000000000e+00, v52;
	v57 =	vmin.f32 v35, v39;
	v47 =	vmul.f32 $5.000000000e-01, v56  }
0x1b3: {  	vm8 =	vle.f32 v35, v39;
	v28 =	vmul.f32 v57, v46;
	v58 =	vmul.f32 v20, v36  }
0x1b4: {  	vm10 =	vlt.f32 v39, v35;
	v48 =	vmul.f32 v22, v31;
	v49 =	vmul.f32 v21, v33  }
0x1b5: {  	vm5 =	vle.f32 v30, v35;
	vm6 =	vle.f32 v30, v39;
	vm7 =	vlt.f32 v35, v30  }
0x1b6: {  	vm9 =	vlt.f32 v39, v30;
	v22 =	vsub.f32 v22, v31;
	v33 =	vsub.f32 v21, v33  }
0x1b7: {  	v21 =	vand.u32 $0x7FFFFFFF, v38;
	v38 =	vand.u32 $0x80000000, v38;
	vm1 =	vmand vm5, vm6  }
0x1b8: {  	vm2 =	vmand vm7, vm8;
	vm3 =	vmand vm9, vm10;
	v50 =	vmul.f32 v28, v45  }
0x1b9: {  	v28 =	vmul.f32 $5.000000000e-01, v24;
	v63 =	vsub.f32 $1.000000000e+00, v58;
	v53 =	vsub.f32 $1.000000000e+00, v48  }
0x1ba: {  	v38 =	vxor.u32 $0xBF800000, v38;
	v40 =	vsub.f32 $1.000000000e+00, v49;
	v48 =	vsub.f32 $1.000000000e+00, v45  }
0x1bb: {  	v49 =	vmin.f32 v30, v39;
	v47 =	vnsel vm1, $0x0, v47;
	v37 =	vnsel vm2, $0x0, v37  }
0x1bc: {  	v30 =	vmin.f32 v30, v35;
	v60 =	vnsel vm3, $0x0, v16;
	v54 =	vmul.f32 $5.000000000e-01, v22  }
0x1bd: {  	v59 =	vld [tilespmem:s29+$0xE610];
	v56 =	vmul.f32 $5.000000000e-01, v33;
	v49 =	vmul.f32 v49, v27;
	v39 =	vmin.f32 v30, v39  }
0x1be: {  	v30 =	vmul.f32 v30, v28;
	v41 =	vmin.f32 v63, v53;
	v42 =	vmin.f32 v53, v40  }
0x1bf: {  	v43 =	vmin.f32 v63, v40;
	vm11 =	vle.f32 v63, v53;
	v48 =	vmul.f32 $1.100000020e+00, v48  }
0x1c0: {  	vm12 =	vle.f32 v63, v40;
	vm13 =	vlt.f32 v53, v63;
	vm14 =	vle.f32 v53, v40  }
0x1c1: {  	v16 =	vmul.f32 $5.000000000e-01, v39;
	vm6 =	vlt.f32 v40, v63;
	v63 =	vmul.f32 $2.000000000e+01, v62  }
0x1c2: {  	vm7 =	vlt.f32 v40, v53;
	v53 =	vsub.f32 $1.000000000e+00, v59;
	v47 =	vmul.f32 v47, v48  }
0x1c3: {  	v44 =	vmin.f32 v41, v40;
	v49 =	vmul.f32 v49, v45;
	v37 =	vmul.f32 v37, v48  }
0x1c4: {  	v30 =	vmul.f32 v30, v45;
	v61 =	vmul.f32 v60, v48;
	v58 =	vadd.f32 v47, v50  }
0x1c5: {  	v39 =	vld [tilespmem:s29+$0xCE30];
	v55 =	vmul.f32 v42, v23;
	v25 =	vmul.f32 v43, v25;
	v37 =	vadd.f32 v37, v49  }
0x1c6: {  	v26 =	vmul.f32 v41, v26;
	v45 =	vadd.f32 $-2.500000000e-01, v16;
	v30 =	vadd.f32 v61, v30;
	[tilespmem:v13+s31+$0x0] =	vst.idx.add.f32.msk $0xffff, v58  }
0x1c7: {  	v48 =	vsub.f32 v20, v36;
	v20 =	vmul.f32 $5.000000000e-01, v44;
	v49 =	vadd.f32 $-5.000000070e-02, v16;
	[tilespmem:v14+s31+$0x0] =	vst.idx.add.f32.msk $0xffff, v37  }
0x1c8: {  	vm1 =	vmand vm11, vm12;
	v36 =	vmul.f32 v55, v59;
	v51 =	vmul.f32 v45, v63;
	[tilespmem:v12+s31+$0x0] =	vst.idx.add.f32.msk $0xffff, v30  }
0x1c9: {  	vm15 =	vmand vm13, vm14;
	v41 =	vld.idx.msk [tilespmem:v21+s6+$0x0], $0xffff;
	v25 =	vmul.f32 v25, v59;
	v52 =	vmul.f32 $5.000000000e+00, v49;
	[tilespmem:s29+$0x11E20] =	vst v16  }
0x1ca: {  	v26 =	vmul.f32 v26, v59;
	v59 =	vadd.f32 $1.000000050e-03, v59;
	v50 =	vld [tilespmem:s29+$0xD630];
	v22 =	vand.u32 $0x7FFFFFFF, v39;
	[tilespmem:s29+$0x12E20] =	vst v51  }
0x1cb: {  	vm2 =	vmand vm6, vm7;
	v57 =	vmul.f32 $1.100000020e+00, v53;
	v34 =	vmul.f32 $5.000000000e-01, v48;
	[tilespmem:s29+$0x13E20] =	vst v52  }
0x1cc: {  	v31 =	vnsel vm2, $0x0, v56;
	v62 =	vadd.f32 $-2.500000000e-01, v20;
	v61 =	vmul.f32 $2.000000000e+01, v59;
	v35 =	vld.idx.msk [tilespmem:v14+s22+$0x0], $0xffff  }
0x1cd: {  	v39 =	vand.u32 $0x80000000, v39;
	v34 =	vnsel vm1, $0x0, v34;
	v58 =	vmul.f32 v31, v57;
	v37 =	vld.idx.msk [tilespmem:v12+s22+$0x0], $0xffff  }
0x1ce: {  	v39 =	vxor.u32 $0xBF800000, v39;
	v53 =	vmul.f32 v38, v41;
	v41 =	vsub.f32 v38, v41;
	v63 =	vld.idx.msk [tilespmem:v13+s22+$0x0], $0xffff  }
0x1cf: {  	v34 =	vmul.f32 v34, v57;
	v30 =	vnsel vm15, $0x0, v54;
	v23 =	vand.u32 $0x7FFFFFFF, v50;
	v44 =	vld.idx.msk [tilespmem:v22+s6+$0x0], $0xffff  }
0x1d0: {  	v45 =	vsub.f32 $1.000000000e+00, v53;
	v41 =	vmul.f32 $5.000000000e-01, v41;
	v30 =	vmul.f32 v30, v57;
	v51 =	vld [tilespmem:s29+$0xDE30]  }
0x1d1: {  	v33 =	vadd.f32 v34, v36;
	v40 =	vand.u32 $0x80000000, v50;
	v50 =	vmul.f32 $5.000000000e-01, v39  }
0x1d2: {  	v31 =	vadd.f32 v30, v25;
	v30 =	vadd.f32 v58, v26;
	v60 =	vmul.f32 v32, v35  }
0x1d3: {  	v52 =	vmul.f32 v24, v37;
	v56 =	vmul.f32 v29, v63;
	v29 =	vsub.f32 v29, v63  }
0x1d4: {  	v34 =	vld.idx.msk [tilespmem:v23+s6+$0x0], $0xffff;
	v54 =	vmul.f32 v39, v44;
	v32 =	vsub.f32 v32, v35;
	v44 =	vsub.f32 v39, v44  }
0x1d5: {  	v40 =	vxor.u32 $0xBF800000, v40;
	v63 =	vsub.f32 $1.000000000e+00, v51;
	v24 =	vsub.f32 v24, v37  }
0x1d6: {  	v26 =	vmul.f32 v62, v61;
	v43 =	vsub.f32 $1.000000000e+00, v60;
	v47 =	vsub.f32 $1.000000000e+00, v52  }
0x1d7: {  	v58 =	vsub.f32 $1.000000000e+00, v54;
	v44 =	vmul.f32 $5.000000000e-01, v44;
	v52 =	vmul.f32 $5.000000000e-01, v40  }
0x1d8: {  	v36 =	vsub.f32 $1.000000000e+00, v56;
	v29 =	vmul.f32 $5.000000000e-01, v29;
	v32 =	vmul.f32 $5.000000000e-01, v32  }
0x1d9: {  	v24 =	vmul.f32 $5.000000000e-01, v24;
	v55 =	vmul.f32 v40, v34;
	v57 =	vmin.f32 v43, v47  }
0x1da: {  	v59 =	vmin.f32 v45, v58;
	vm8 =	vle.f32 v45, v58;
	vm10 =	vlt.f32 v58, v45  }
0x1db: {  	v34 =	vsub.f32 v40, v34;
	vm14 =	vle.f32 v36, v43;
	vm15 =	vle.f32 v36, v47  }
0x1dc: {  	vm4 =	vlt.f32 v43, v36;
	v42 =	vmul.f32 v59, v52;
	v48 =	vsub.f32 $1.000000000e+00, v55  }
0x1dd: {  	vm5 =	vle.f32 v43, v47;
	v35 =	vmul.f32 v57, v46;
	v34 =	vmul.f32 $5.000000000e-01, v34  }
0x1de: {  	v42 =	vmul.f32 v42, v51;
	v60 =	vmin.f32 v58, v48;
	v61 =	vmin.f32 v45, v48  }
0x1df: {  	v62 =	vmin.f32 v59, v48;
	vm9 =	vle.f32 v45, v48;
	vm11 =	vle.f32 v58, v48  }
0x1e0: {  	vm12 =	vlt.f32 v48, v45;
	vm13 =	vlt.f32 v48, v58;
	v48 =	vmul.f32 $5.000000000e-01, v38  }
0x1e1: {  	v45 =	vmul.f32 $1.100000020e+00, v63;
	v25 =	vmul.f32 $5.000000000e-01, v62;
	vm0 =	vmand vm8, vm9  }
0x1e2: {  	[tilespmem:v6+s0+$0x0] =	vst.idx.add.f32.msk $0xffff, v19;
	vm1 =	vmand vm10, vm11;
	vm2 =	vmand vm12, vm13;
	v46 =	vmul.f32 v60, v48  }
0x1e3: {  	[tilespmem:v5+s0+$0x0] =	vst.idx.add.f32.msk $0xffff, v18;
	v49 =	vmul.f32 v61, v50;
	v41 =	vnsel vm0, $0x0, v41;
	v44 =	vnsel vm1, $0x0, v44  }
0x1e4: {  	v56 =	vld [tilespmem:s29+$0xE620];
	v34 =	vnsel vm2, $0x0, v34;
	v41 =	vmul.f32 v41, v45;
	v46 =	vmul.f32 v46, v51  }
0x1e5: {  	[tilespmem:v9+s0+$0x0] =	vst.idx.add.f32.msk $0xffff, v33;
	v49 =	vmul.f32 v49, v51;
	v44 =	vmul.f32 v44, v45;
	v51 =	vadd.f32 $1.000000050e-03, v51  }
0x1e6: {  	vm6 =	vlt.f32 v47, v43;
	v34 =	vmul.f32 v34, v45;
	v41 =	vadd.f32 v41, v46  }
0x1e7: {  	[tilespmem:v8+s0+$0x0] =	vst.idx.add.f32.msk $0xffff, v31;
	v58 =	vadd.f32 $-2.500000000e-01, v25;
	v44 =	vadd.f32 v44, v49;
	v57 =	vmul.f32 $2.000000000e+01, v51  }
0x1e8: {  	vm7 =	vlt.f32 v47, v36;
	v60 =	vadd.f32 $-5.000000070e-02, v25;
	v34 =	vadd.f32 v34, v42;
	[tilespmem:v21+s31+$0x0] =	vst.idx.add.f32.msk $0xffff, v41  }
0x1e9: {  	v35 =	vmul.f32 v35, v56;
	v59 =	vmul.f32 v58, v57;
	[tilespmem:v22+s31+$0x0] =	vst.idx.add.f32.msk $0xffff, v44  }
0x1ea: {  	v63 =	vsub.f32 $1.000000000e+00, v56;
	v62 =	vmin.f32 v36, v43;
	v61 =	vmul.f32 $5.000000000e+00, v60;
	[tilespmem:v23+s31+$0x0] =	vst.idx.add.f32.msk $0xffff, v34  }
0x1eb: {  	vm8 =	vmand vm7, vm6;
	vm0 =	vmand vm14, vm15;
	vm1 =	vmand vm4, vm5;
	[tilespmem:s29+$0x12E30] =	vst v59  }
0x1ec: {  	v28 =	vmul.f32 v62, v28;
	v24 =	vnsel vm8, $0x0, v24;
	v29 =	vnsel vm0, $0x0, v29;
	[tilespmem:s29+$0x13E30] =	vst v61  }
0x1ed: {  	v32 =	vnsel vm1, $0x0, v32;
	v41 =	vmul.f32 $1.100000020e+00, v63;
	v44 =	vmin.f32 v36, v47;
	[tilespmem:s29+$0x11E30] =	vst v25  }
0x1ee: {  	v28 =	vmul.f32 v28, v56;
	v46 =	vmin.f32 v62, v47;
	v27 =	vmul.f32 v44, v27;
	v47 =	vld.idx.msk [tilespmem:v22+s22+$0x0], $0xffff  }
0x1ef: {  	v51 =	vadd.f32 $1.000000050e-03, v56;
	v36 =	vmul.f32 $5.000000000e-01, v46;
	v29 =	vmul.f32 v29, v41;
	v53 =	vld.idx.msk [tilespmem:v21+s22+$0x0], $0xffff  }
0x1f0: {  	v46 =	vadd.f32 $-5.000000070e-02, v20;
	v32 =	vmul.f32 v32, v41;
	v49 =	vld.idx.msk [tilespmem:v23+s22+$0x0], $0xffff;
	v27 =	vmul.f32 v27, v56  }
0x1f1: {  	v54 =	vmul.f32 v24, v41;
	v41 =	vld [tilespmem:s29+$0xE630];
	v61 =	vadd.f32 $-5.000000070e-02, v10;
	v29 =	vadd.f32 v29, v35  }
0x1f2: {  	[tilespmem:v7+s0+$0x0] =	vst.idx.add.f32.msk $0xffff, v30;
	v55 =	vmul.f32 $2.000000000e+01, v51;
	v56 =	vadd.f32 $-2.500000000e-01, v36;
	v27 =	vadd.f32 v32, v27  }
0x1f3: {  	v7 =	vmul.f32 $5.000000000e+00, v46;
	v59 =	vadd.f32 v54, v28;
	v54 =	vadd.f32 $-5.000000070e-02, v36;
	[tilespmem:v13+s0+$0x0] =	vst.idx.add.f32.msk $0xffff, v29  }
0x1f4: {  	v18 =	vmul.f32 $5.000000000e+00, v61;
	[tilespmem:v14+s0+$0x0] =	vst.idx.add.f32.msk $0xffff, v27;
	v57 =	vmul.f32 v39, v47;
	v42 =	vsub.f32 v38, v53  }
0x1f5: {  	v58 =	vmul.f32 v40, v49;
	v43 =	vsub.f32 v39, v47;
	v44 =	vsub.f32 v40, v49  }
0x1f6: {  	v62 =	vmul.f32 v38, v53;
	v47 =	vsub.f32 $1.000000000e+00, v41;
	[tilespmem:v12+s0+$0x0] =	vst.idx.add.f32.msk $0xffff, v59;
	v59 =	vadd.f32 $1.000000050e-03, v41  }
0x1f7: {  	v60 =	vmul.f32 v56, v55;
	v63 =	vsub.f32 $1.000000000e+00, v57;
	v35 =	vsub.f32 $1.000000000e+00, v58  }
0x1f8: {  	[tilespmem:v4+s0+$0x0] =	vst.idx.add.f32.msk $0xffff, v17;
	v4 =	vsub.f32 $1.000000000e+00, v62;
	v9 =	vmul.f32 $5.000000000e-01, v42;
	v56 =	vmul.f32 $5.000000000e-01, v43  }
0x1f9: {  	v57 =	vmul.f32 $5.000000000e+00, v54;
	v8 =	vmul.f32 $5.000000000e-01, v44;
	v45 =	vmin.f32 v63, v35  }
0x1fa: {  	vm9 =	vle.f32 v4, v63;
	vm10 =	vle.f32 v4, v35;
	vm11 =	vlt.f32 v63, v4  }
0x1fb: {  	[tilespmem:s29+$0x13600] =	vst v15;
	vm12 =	vle.f32 v63, v35;
	vm13 =	vlt.f32 v35, v63;
	v53 =	vmin.f32 v4, v63  }
0x1fc: {  	[tilespmem:s29+$0x12600] =	vst v10;
	vm14 =	vlt.f32 v35, v4;
	v4 =	vmin.f32 v4, v35;
	v28 =	vmul.f32 v45, v48  }
0x1fd: {  	[tilespmem:s29+$0x13610] =	vst v26;
	vm0 =	vmand vm9, vm10;
	v48 =	vmul.f32 $1.100000020e+00, v47;
	v4 =	vmul.f32 v4, v50  }
0x1fe: {  	[tilespmem:s29+$0x12610] =	vst v20;
	v55 =	vmin.f32 v53, v35;
	v12 =	vmul.f32 v53, v52;
	vm15 =	vmand vm14, vm13  }
0x1ff: {  	[tilespmem:s29+$0x14610] =	vst v7;
	v49 =	vnsel vm0, $0x0, v9;
	vm0 =	vmand vm11, vm12;
	v7 =	vmul.f32 $5.000000000e-01, v55  }
0x200: {  	[tilespmem:s29+$0x14600] =	vst v18;
	v51 =	vmul.f32 v28, v41;
	v5 =	vmul.f32 v49, v48;
	v58 =	vnsel vm0, $0x0, v56  }
0x201: {  	[tilespmem:s29+$0x13620] =	vst v60;
	v8 =	vnsel vm15, $0x0, v8;
	v4 =	vmul.f32 v4, v41;
	v9 =	vmul.f32 v58, v48  }
0x202: {  	[tilespmem:s29+$0x12620] =	vst v36;
	v12 =	vmul.f32 v12, v41;
	v8 =	vmul.f32 v8, v48;
	v5 =	vadd.f32 v5, v51  }
0x203: {  	s26 =	sadd.s32 $0x4, s26;
	[tilespmem:s29+$0x14620] =	vst v57;
	v4 =	vadd.f32 v9, v4  }
0x204: {  	p0 =	slt.u32 s26, $0x7C;
	v61 =	vmul.f32 $2.000000000e+01, v59;
	v62 =	vadd.f32 $-2.500000000e-01, v7;
	v60 =	vadd.f32 v8, v12;
	[tilespmem:v21+s0+$0x0] =	vst.idx.add.f32.msk $0xffff, v5  }
.Ltmp2:
0x205: {  	v2 =	vmax.f32 v2, v3;
	v3 =	vadd.f32 $-5.000000070e-02, v7;
	[tilespmem:v22+s0+$0x0] =	vst.idx.add.f32.msk $0xffff, v4;
	(pc) =	sbr.rel @p0 .LBB2_7-.Ltmp2, $4  }
0x206: {  	v1 =	vmax.f32 v1, v10;
	v63 =	vmul.f32 v62, v61;
	[tilespmem:v23+s0+$0x0] =	vst.idx.add.f32.msk $0xffff, v60  }
0x207: {  	v2 =	vmax.f32 v2, v11;
	v1 =	vmax.f32 v1, v20;
	v3 =	vmul.f32 $5.000000000e+00, v3;
	[tilespmem:s29+$0x12630] =	vst v7  }
0x208: {  	v2 =	vmax.f32 v2, v16;
	v1 =	vmax.f32 v1, v36;
	[tilespmem:s29+$0x13630] =	vst v63  }
0x209: {  	s28 =	sadd.s32 $0x100, s28;
	v2 =	vmax.f32 v2, v25;
	v1 =	vmax.f32 v1, v7;
	[tilespmem:s29+$0x14630] =	vst v3  }
0x20a: {  	s12 =	sadd.s32 s25, s11  }
0x20b: {  	s12 =	sadd.s32 $0x4000, s12  }
0x20c: {  	s17 =	sor.u32 s14, s12  }
0x20d: {  	s17 =	sshrl.u32 s17, $0x3  }
0x20e: {  	s19 =	simm.s32 $0x11E00;
	s18 =	sadd.s32 s2, s17  }
0x20f: {  	[hbm4b:s18+s4] =	stream.strided.scatter [tilespmem:s19], [sflag:$0x4], $0x800, s10, s4, $0x38;
	[tilespmem:$0x14E80] =	vst v63  }
0x210: {  	s29 =	simm.s32 $0x12E00;
	s12 =	sor.u32 s16, s12;
	s28 =	sadd.s32 s3, s17  }
0x211: {  	[hbm4b:s28+s4] =	stream.strided.scatter [tilespmem:s29], [sflag:$0x4], $0x800, s10, s4, $0x38;
	[tilespmem:$0x14E80] =	vst v63  }
0x212: {  	s12 =	sshrl.u32 s12, $0x3;
	s17 =	sadd.s32 s5, s17;
	s19 =	simm.s32 $0x13E00  }
0x213: {  	[hbm4b:s17+s4] =	stream.strided.scatter [tilespmem:s19], [sflag:$0x4], $0x800, s10, s4, $0x38;
	[tilespmem:$0x14E80] =	vst v63  }
0x214: {  	s25 =	simm.s32 $0x12600;
	s20 =	sadd.s32 s2, s12  }
0x215: {  	[hbm4b:s20+s4] =	stream.strided.scatter [tilespmem:s25], [sflag:$0x4], $0x800, s10, s4, $0x38;
	[tilespmem:$0x14E80] =	vst v63  }
.Ltmp3:
0x216: {  	_ = 	snop;
	(pc) =	sbr.rel @p1 .LBB2_10-.Ltmp3, $4  }
0x217: {  	s26 =	sadd.s32 s3, s12;
	s28 =	simm.s32 $0x13600  }
0x218: {  	[hbm4b:s26+s4] =	stream.strided.scatter [tilespmem:s28], [sflag:$0x4], $0x800, s10, s4, $0x38;
	[tilespmem:$0x14E80] =	vst v63  }
0x219: {  	s12 =	sadd.s32 s5, s12;
	s29 =	simm.s32 $0x14600  }
0x21a: {  	[hbm4b:s12+s4] =	stream.strided.scatter [tilespmem:s29], [sflag:$0x4], $0x800, s10, s4, $0x38;
	[tilespmem:$0x14E80] =	vst v63  }
0x21b: {  	s12 =	sadd.s32 $0x1800, s15  }
0x21c: {  	s17 =	sshrl.u32 s12, $0x3  }
0x21d: {  	s18 =	simm.s32 $0xC600;
	s17 =	sadd.s32 s1, s17  }
0x21e: {  	[tilespmem:s18], [sflag:$0x2] =	stream.linear.gather [hbm4b:s17+s6], $0x800, $0x38;
	[tilespmem:$0x14E80] =	vst v63  }
0x21f: {  	s17 =	sshrl.u32 s15, $0x3  }
0x220: {  	s15 =	sadd.s32 s1, s17  }
0x221: {  	s19 =	simm.s32 $0xCE00;
	s18 =	sadd.s32 $0x1800, s15  }
0x222: {  	[tilespmem:s19], [sflag:$0x2] =	stream.linear.gather [hbm4b:s18+s6], $0x800, $0x38;
	[tilespmem:$0x14E80] =	vst v63  }
0x223: {  	s25 =	simm.s32 $0xD600;
	s20 =	sadd.s32 s8, s12;
	s15 =	sadd.s32 $0x2D00, s15  }
0x224: {  	[tilespmem:s25], [sflag:$0x2] =	stream.linear.gather [hbm4b:s15+s6], $0x800, $0x38;
	[tilespmem:$0x14E80] =	vst v63  }
.Ltmp4:
0x225: {  	s12 =	sadd.s32 s9, s12;
	s26 =	sshrl.u32 s20, $0x3;
	(pc) =	sbr.rel .LBB2_4-.Ltmp4, $4  }
0x226: {  	s28 =	simm.s32 $0xDE00;
	s12 =	sshrl.u32 s12, $0x3;
	s15 =	sadd.s32 s7, s26  }
0x227: {  	[tilespmem:s28], [sflag:$0x2] =	stream.linear.gather [hbm4b:s15+s6], $0x800, $0x38;
	[tilespmem:$0x14E80] =	vst v63  }
0x228: {  	s29 =	simm.s32 $0xE600;
	s13 =	sadd.s32 $0x1, s13;
	s12 =	sadd.s32 s7, s12  }
0x229: {  	[tilespmem:s29], [sflag:$0x2] =	stream.linear.gather [hbm4b:s12+s6], $0x800, $0x38;
	[tilespmem:$0x14E80] =	vst v63  }
.LBB2_10:
0x22a: {  	s12 =	rddreg [dreg:$0x1c]  }
0x22b: {  	s17 =	rddreg [dreg:$0x1d]  }
0x22c: {  	[tilespmem:s21], [sflag:$0x1] =	stream.linear.gather [hbm4b:s12+s6], $0x800, $0x38;
	[tilespmem:$0x14E80] =	vst v63  }
0x22d: {  	s13 =	simm.s32 $0xA600;
	s18 =	rddreg [dreg:$0x1e]  }
0x22e: {  	[tilespmem:s13], [sflag:$0x1] =	stream.linear.gather [hbm4b:s17+s6], $0x800, $0x38;
	[tilespmem:$0x14E80] =	vst v63  }
0x22f: {  	s19 =	simm.s32 $0xAE00;
	s20 =	rddreg [dreg:$0x1f]  }
0x230: {  	[tilespmem:s19], [sflag:$0x1] =	stream.linear.gather [hbm4b:s18+s6], $0x800, $0x38;
	[tilespmem:$0x14E80] =	vst v63  }
0x231: {  	s25 =	sld [smem:$0x7FD];
	s21 =	simm.s32 $0xB600  }
0x232: {  	[tilespmem:s21], [sflag:$0x1] =	stream.linear.gather [hbm4b:s20+s6], $0x7F8, $0x38;
	[tilespmem:$0x14E80] =	vst v63  }
0x233: {  	s26 =	simm.s32 $0xBE00  }
0x234: {  	[tilespmem:s26], [sflag:$0x1] =	stream.linear.gather [hbm4b:s25+s6], $0x7F8, $0x38;
	[tilespmem:$0x14E80] =	vst v63  }
0x235: {  	_ =	swait.ge [sflag:s23], $0x800  }
0x236: {  	[sflag:s23] =	ssyncset.done $0x0  }
0x237: {  	[sflag:s23] =	ssyncadd.s32 $0xFFFFF800  }
0x238: {  	_ =	swait.ge [sflag:s23], $0x800  }
0x239: {  	[sflag:s23] =	ssyncset.done $0x0  }
0x23a: {  	[sflag:s23] =	ssyncadd.s32 $0xFFFFF800  }
0x23b: {  	_ =	swait.ge [sflag:s23], $0x800  }
0x23c: {  	[sflag:s23] =	ssyncset.done $0x0  }
0x23d: {  	[sflag:s23] =	ssyncadd.s32 $0xFFFFF800  }
0x23e: {  	_ =	swait.ge [sflag:s23], $0x7F8  }
0x23f: {  	[sflag:s23] =	ssyncset.done $0x0  }
0x240: {  	[sflag:s23] =	ssyncadd.s32 $0xFFFFF808  }
0x241: {  	_ =	swait.ge [sflag:s23], $0x7F8  }
0x242: {  	[sflag:s23] =	ssyncset.done $0x0  }
0x243: {  	[sflag:s23] =	ssyncadd.s32 $0xFFFFF808  }
0x244: {  	_ =	swait.ge [sflag:s30], $0x800  }
0x245: {  	[sflag:s30] =	ssyncset.done $0x0  }
0x246: {  	[sflag:s30] =	ssyncadd.s32 $0xFFFFF800  }
0x247: {  	_ =	swait.ge [sflag:s30], $0x800  }
0x248: {  	[sflag:s30] =	ssyncset.done $0x0  }
0x249: {  	[sflag:s30] =	ssyncadd.s32 $0xFFFFF800  }
0x24a: {  	_ =	swait.ge [sflag:s30], $0x800  }
0x24b: {  	[sflag:s30] =	ssyncset.done $0x0  }
0x24c: {  	[sflag:s30] =	ssyncadd.s32 $0xFFFFF800  }
0x24d: {  	_ =	swait.ge [sflag:s30], $0x800  }
0x24e: {  	[sflag:s30] =	ssyncset.done $0x0  }
0x24f: {  	[sflag:s30] =	ssyncadd.s32 $0xFFFFF800  }
0x250: {  	_ =	swait.ge [sflag:s30], $0x800  }
0x251: {  	[sflag:s30] =	ssyncset.done $0x0  }
0x252: {  	[sflag:s30] =	ssyncadd.s32 $0xFFFFF800  }
0x253: {  	_ =	swait.ge [sflag:s30], $0x800  }
0x254: {  	[sflag:s30] =	ssyncset.done $0x0  }
0x255: {  	s13 =	simm.s32 $0xB610;
	[sflag:s30] =	ssyncadd.s32 $0xFFFFF800  }
0x256: {  	v16 =	vld [tilespmem:s13+$0xFFFFFFF0]  }
0x257: {  	s15 =	simm.s32 $0xAE10;
	v21 =	vld [tilespmem:s13+$0x0]  }
0x258: {  	v4 =	vld [tilespmem:s15+$0xFFFFFFF0]  }
0x259: {  	s17 =	simm.s32 $0x9E10;
	v5 =	vld [tilespmem:s15+$0x0]  }
0x25a: {  	s18 =	simm.s32 $0xA610;
	v6 =	vld [tilespmem:s17+$0xFFFFFFF0]  }
0x25b: {  	v7 =	vld [tilespmem:s18+$0xFFFFFFF0]  }
0x25c: {  	v8 =	vld [tilespmem:s17+$0x0]  }
0x25d: {  	v9 =	vld [tilespmem:s18+$0x0];
	v17 =	vand.u32 $0x7FFFFFFF, v4  }
0x25e: {  	v58 =	vand.u32 $0x7FFFFFFF, v5  }
0x25f: {  	v22 =	vand.u32 $0x7FFFFFFF, v6  }
0x260: {  	v20 =	vand.u32 $0x7FFFFFFF, v7  }
0x261: {  	v18 =	vand.u32 $0x7FFFFFFF, v8;
	v23 =	vadd.f32 $1.000000050e-03, v16;
	v24 =	vadd.f32 $1.000000050e-03, v21  }
0x262: {  	v19 =	vand.u32 $0x7FFFFFFF, v9;
	v10 =	vsub.f32 $1.000000000e+00, v16;
	v11 =	vsub.f32 $1.000000000e+00, v21;
	v25 =	vld.idx.msk [tilespmem:v17+s6+$0x0], $0xffff  }
0x263: {  	v6 =	vand.u32 $0x80000000, v6;
	v4 =	vand.u32 $0x80000000, v4;
	v5 =	vand.u32 $0x80000000, v5;
	v26 =	vld.idx.msk [tilespmem:v58+s6+$0x0], $0xffff  }
0x264: {  	v7 =	vand.u32 $0x80000000, v7;
	v12 =	vand.u32 $0x80000000, v8;
	v13 =	vand.u32 $0x80000000, v9;
	v27 =	vld.idx.msk [tilespmem:v22+s6+$0x0], $0xffff  }
0x265: {  	v9 =	vxor.u32 $0xBF800000, v6;
	v6 =	vxor.u32 $0xBF800000, v4;
	v4 =	vxor.u32 $0xBF800000, v5;
	v28 =	vld.idx.msk [tilespmem:v20+s6+$0x0], $0xffff  }
0x266: {  	v8 =	vxor.u32 $0xBF800000, v7;
	v30 =	vmul.f32 $1.100000020e+00, v10;
	v31 =	vmul.f32 $1.100000020e+00, v11;
	v29 =	vld.idx.msk [tilespmem:v18+s6+$0x0], $0xffff  }
0x267: {  	v7 =	vxor.u32 $0xBF800000, v12;
	v15 =	vmul.f32 $5.000000000e-01, v9;
	v14 =	vmul.f32 $5.000000000e-01, v8;
	v32 =	vld.idx.msk [tilespmem:v19+s6+$0x0], $0xffff  }
0x268: {  	v5 =	vxor.u32 $0xBF800000, v13;
	v11 =	vmul.f32 $5.000000000e-01, v6;
	v12 =	vmul.f32 $5.000000000e-01, v7  }
0x269: {  	v13 =	vmul.f32 $5.000000000e-01, v5;
	v10 =	vmul.f32 $5.000000000e-01, v4;
	v33 =	vsub.f32 v9, v27  }
0x26a: {  	v34 =	vmul.f32 v6, v25;
	v35 =	vsub.f32 v8, v28;
	v36 =	vmul.f32 v4, v26  }
0x26b: {  	v27 =	vmul.f32 v9, v27;
	v28 =	vmul.f32 v8, v28;
	v25 =	vsub.f32 v6, v25  }
0x26c: {  	v37 =	vmul.f32 v7, v29;
	v38 =	vmul.f32 v5, v32;
	v29 =	vsub.f32 v7, v29  }
0x26d: {  	v32 =	vsub.f32 v5, v32;
	v33 =	vmul.f32 $5.000000000e-01, v33;
	v35 =	vmul.f32 $5.000000000e-01, v35  }
0x26e: {  	v26 =	vsub.f32 v4, v26;
	v25 =	vmul.f32 $5.000000000e-01, v25;
	v29 =	vmul.f32 $5.000000000e-01, v29  }
0x26f: {  	v28 =	vsub.f32 $1.000000000e+00, v28;
	v34 =	vsub.f32 $1.000000000e+00, v34;
	v32 =	vmul.f32 $5.000000000e-01, v32  }
0x270: {  	v27 =	vsub.f32 $1.000000000e+00, v27;
	v36 =	vsub.f32 $1.000000000e+00, v36;
	v26 =	vmul.f32 $5.000000000e-01, v26  }
0x271: {  	v37 =	vsub.f32 $1.000000000e+00, v37;
	v38 =	vsub.f32 $1.000000000e+00, v38;
	v39 =	vmin.f32 v28, v34  }
0x272: {  	v40 =	vmin.f32 v27, v34;
	vm0 =	vle.f32 v27, v28;
	vm1 =	vle.f32 v27, v34  }
0x273: {  	vm2 =	vlt.f32 v28, v27;
	vm3 =	vle.f32 v28, v34;
	vm4 =	vlt.f32 v34, v27  }
0x274: {  	vm5 =	vlt.f32 v34, v28;
	v41 =	vmin.f32 v38, v36;
	v42 =	vmin.f32 v37, v36  }
0x275: {  	vm6 =	vle.f32 v37, v38;
	vm7 =	vle.f32 v37, v36;
	vm8 =	vlt.f32 v38, v37  }
0x276: {  	vm9 =	vle.f32 v38, v36;
	vm10 =	vlt.f32 v36, v37;
	vm11 =	vlt.f32 v36, v38  }
0x277: {  	v27 =	vmin.f32 v27, v28;
	v28 =	vmin.f32 v37, v38;
	vm0 =	vmand vm0, vm1  }
0x278: {  	vm1 =	vmand vm2, vm3;
	vm2 =	vmand vm4, vm5;
	v45 =	vmul.f32 v39, v15  }
0x279: {  	v46 =	vmul.f32 v40, v14;
	v47 =	vmul.f32 v27, v11;
	vm3 =	vmand vm6, vm7  }
0x27a: {  	vm4 =	vmand vm8, vm9;
	vm5 =	vmand vm10, vm11;
	v48 =	vmul.f32 v41, v12  }
0x27b: {  	v27 =	vmin.f32 v27, v34;
	v49 =	vmul.f32 v42, v13;
	v50 =	vmul.f32 v28, v10  }
0x27c: {  	v33 =	vnsel vm0, $0x0, v33;
	v35 =	vnsel vm1, $0x0, v35;
	v25 =	vnsel vm2, $0x0, v25  }
0x27d: {  	v29 =	vnsel vm3, $0x0, v29;
	v37 =	vmul.f32 v45, v16;
	v33 =	vmul.f32 v33, v30  }
0x27e: {  	v32 =	vnsel vm4, $0x0, v32;
	v38 =	vmul.f32 v46, v16;
	v35 =	vmul.f32 v35, v30  }
0x27f: {  	v51 =	vmul.f32 v47, v16;
	v25 =	vmul.f32 v25, v30;
	v33 =	vadd.f32 v33, v37  }
0x280: {  	v52 =	vmul.f32 v48, v21;
	v29 =	vmul.f32 v29, v31;
	v30 =	vadd.f32 v35, v38  }
0x281: {  	v16 =	vmul.f32 $5.000000000e-01, v27;
	v27 =	vmul.f32 v49, v21;
	v25 =	vadd.f32 v25, v51;
	[tilespmem:v22+s31+$0x0] =	vst.idx.add.f32.msk $0xffff, v33  }
0x282: {  	v26 =	vnsel vm5, $0x0, v26;
	v21 =	vmul.f32 v50, v21;
	[tilespmem:v20+s31+$0x0] =	vst.idx.add.f32.msk $0xffff, v30;
	v30 =	vmul.f32 v32, v31  }
0x283: {  	s19 =	simm.s32 $0xEE10;
	s25 =	simm.s32 $0xA630;
	v23 =	vmul.f32 $2.000000000e+01, v23;
	v26 =	vmul.f32 v26, v31;
	[tilespmem:v17+s31+$0x0] =	vst.idx.add.f32.msk $0xffff, v25;
	v25 =	vadd.f32 v29, v52  }
0x284: {  	v54 =	vld [tilespmem:s25+$0xFFFFFFF0];
	v28 =	vmin.f32 v28, v36;
	v29 =	vadd.f32 $-2.500000000e-01, v16;
	[tilespmem:s19+$0xFFFFFFF0] =	vst v16;
	v27 =	vadd.f32 v30, v27  }
0x285: {  	v21 =	vadd.f32 v26, v21;
	v31 =	vadd.f32 $-5.000000070e-02, v16;
	v30 =	vmul.f32 $5.000000000e-01, v28;
	[tilespmem:v18+s31+$0x0] =	vst.idx.add.f32.msk $0xffff, v25  }
0x286: {  	v23 =	vmul.f32 v29, v23;
	[tilespmem:v19+s31+$0x0] =	vst.idx.add.f32.msk $0xffff, v27  }
0x287: {  	s20 =	simm.s32 $0xFE10;
	s13 =	simm.s32 $0xAE30;
	v25 =	vmul.f32 $5.000000000e+00, v31;
	[tilespmem:v58+s31+$0x0] =	vst.idx.add.f32.msk $0xffff, v21;
	v21 =	vmul.f32 $2.000000000e+01, v24;
	v24 =	vadd.f32 $-2.500000000e-01, v30  }
0x288: {  	s15 =	simm.s32 $0x10E10;
	v55 =	vld [tilespmem:s13+$0x0];
	[tilespmem:s20+$0xFFFFFFF0] =	vst v23;
	v23 =	vadd.f32 $-5.000000070e-02, v30  }
0x289: {  	v28 =	vld [tilespmem:s13+$0xFFFFFFF0];
	[tilespmem:s15+$0xFFFFFFF0] =	vst v25;
	v21 =	vmul.f32 v24, v21  }
0x28a: {  	[tilespmem:s19+$0x0] =	vst v30;
	v24 =	vld.idx.msk [tilespmem:v17+s22+$0x0], $0xffff;
	v23 =	vmul.f32 $5.000000000e+00, v23  }
0x28b: {  	v25 =	vld.idx.msk [tilespmem:v22+s22+$0x0], $0xffff;
	[tilespmem:s20+$0x0] =	vst v21  }
0x28c: {  	v21 =	vld.idx.msk [tilespmem:v20+s22+$0x0], $0xffff;
	[tilespmem:s15+$0x0] =	vst v23  }
0x28d: {  	v0 =	vimm.s32 $0x0;
	v23 =	vld.idx.msk [tilespmem:v18+s22+$0x0], $0xffff  }
0x28e: {  	v62 =	vand.u32 $0x7FFFFFFF, v54;
	v50 =	vand.u32 $0x7FFFFFFF, v55;
	v2 =	vmax.f32 v2, v16;
	v26 =	vld.idx.msk [tilespmem:v19+s22+$0x0], $0xffff  }
0x28f: {  	v2 =	vmax.f32 v2, v30;
	v59 =	vand.u32 $0x7FFFFFFF, v28;
	v27 =	vld.idx.msk [tilespmem:v58+s22+$0x0], $0xffff;
	v31 =	vsub.f32 v6, v24  }
0x290: {  	v32 =	vsub.f32 v9, v25;
	v9 =	vmul.f32 v9, v25;
	v6 =	vmul.f32 v6, v24  }
0x291: {  	v25 =	vmul.f32 v8, v21;
	v24 =	vsub.f32 v8, v21;
	v31 =	vmul.f32 $5.000000000e-01, v31  }
0x292: {  	v53 =	vsub.f32 $1.000000000e+00, v9;
	v32 =	vmul.f32 $5.000000000e-01, v32;
	v8 =	vmul.f32 v7, v23  }
0x293: {  	v29 =	vmul.f32 v5, v26;
	v25 =	vsub.f32 $1.000000000e+00, v25;
	v33 =	vsub.f32 v7, v23  }
0x294: {  	s15 =	simm.s32 $0x9E30;
	v23 =	vsub.f32 $1.000000000e+00, v6;
	v6 =	vmul.f32 v4, v27;
	v34 =	vsub.f32 v5, v26  }
0x295: {  	v21 =	vld [tilespmem:s15+$0xFFFFFFF0];
	v36 =	vsub.f32 v4, v27;
	v24 =	vmul.f32 $5.000000000e-01, v24;
	v40 =	vsub.f32 $1.000000000e+00, v8  }
0x296: {  	v41 =	vsub.f32 $1.000000000e+00, v29;
	v42 =	vmin.f32 v53, v25;
	v43 =	vsub.f32 $1.000000000e+00, v6  }
0x297: {  	v27 =	vmin.f32 v25, v23;
	v45 =	vmin.f32 v53, v23;
	vm6 =	vle.f32 v53, v25  }
0x298: {  	vm8 =	vle.f32 v53, v23;
	vm2 =	vlt.f32 v25, v53;
	vm5 =	vle.f32 v25, v23  }
0x299: {  	v26 =	vld [tilespmem:s25+$0x0];
	vm3 =	vlt.f32 v23, v53;
	vm7 =	vlt.f32 v23, v25;
	v25 =	vand.u32 $0x80000000, v28  }
0x29a: {  	v28 =	vand.u32 $0x80000000, v54;
	v33 =	vmul.f32 $5.000000000e-01, v33;
	v61 =	vand.u32 $0x7FFFFFFF, v21  }
0x29b: {  	v34 =	vmul.f32 $5.000000000e-01, v34;
	v36 =	vmul.f32 $5.000000000e-01, v36;
	v37 =	vmin.f32 v42, v23  }
0x29c: {  	v35 =	vmul.f32 v27, v15;
	v23 =	vmul.f32 v45, v14;
	v14 =	vand.u32 $0x80000000, v21  }
0x29d: {  	v29 =	vld [tilespmem:s15+$0x0];
	v27 =	vand.u32 $0x80000000, v55;
	v28 =	vxor.u32 $0xBF800000, v28;
	vm0 =	vlt.f32 v41, v40  }
0x29e: {  	v46 =	vld.idx.msk [tilespmem:v59+s6+$0x0], $0xffff;
	v42 =	vmul.f32 v42, v11;
	v60 =	vand.u32 $0x7FFFFFFF, v26;
	v0 =	vsel vm0, $0xFFFFFFFF, v0  }
0x29f: {  	vm2 =	vmand vm2, vm5;
	vm3 =	vmand vm3, vm7;
	v44 =	vmin.f32 v40, v41;
	v48 =	vld.idx.msk [tilespmem:v61+s6+$0x0], $0xffff;
	[tilespmem:$0x1FFF0] =	vst v0  }
0x2a0: {  	v47 =	vmin.f32 v41, v43;
	vm1 =	vle.f32 v40, v41;
	vm4 =	vle.f32 v40, v43;
	v15 =	vld.idx.msk [tilespmem:v62+s6+$0x0], $0xffff  }
0x2a1: {  	s21 =	simm.s32 $0xB630;
	v21 =	vxor.u32 $0xBF800000, v14;
	v24 =	vnsel vm2, $0x0, v24;
	v31 =	vnsel vm3, $0x0, v31;
	v45 =	vld.idx.msk [tilespmem:v50+s6+$0x0], $0xffff  }
0x2a2: {  	v26 =	vand.u32 $0x80000000, v26;
	v39 =	vmul.f32 v44, v10;
	v4 =	vand.u32 $0x7FFFFFFF, v29;
	v55 =	vld [tilespmem:s21+$0xFFFFFFF0]  }
0x2a3: {  	vm1 =	vmand vm1, vm4;
	v57 =	vand.u32 $0x80000000, v29;
	v29 =	vxor.u32 $0xBF800000, v25;
	v14 =	vld.idx.msk [tilespmem:v60+s6+$0x0], $0xffff  }
0x2a4: {  	v26 =	vxor.u32 $0xBF800000, v26;
	v33 =	vnsel vm1, $0x0, v33;
	v56 =	vmul.f32 v29, v46  }
0x2a5: {  	v25 =	vxor.u32 $0xBF800000, v27;
	v27 =	vxor.u32 $0xBF800000, v57;
	v46 =	vsub.f32 v29, v46  }
0x2a6: {  	v0 =	vsub.f32 $1.000000000e+00, v56;
	v38 =	vsub.f32 v21, v48;
	v48 =	vmul.f32 v21, v48  }
0x2a7: {  	v49 =	vld.idx.msk [tilespmem:v4+s6+$0x0], $0xffff;
	v63 =	vmul.f32 v28, v15;
	v15 =	vsub.f32 v28, v15;
	v51 =	vmul.f32 v25, v45  }
0x2a8: {  	v11 =	vsub.f32 $1.000000000e+00, v55;
	v45 =	vsub.f32 v25, v45;
	v57 =	vmul.f32 v26, v14  }
0x2a9: {  	v48 =	vsub.f32 $1.000000000e+00, v48;
	v38 =	vmul.f32 $5.000000000e-01, v38;
	v14 =	vsub.f32 v26, v14  }
0x2aa: {  	v53 =	vsub.f32 $1.000000000e+00, v63;
	v51 =	vsub.f32 $1.000000000e+00, v51;
	v15 =	vmul.f32 $5.000000000e-01, v15  }
0x2ab: {  	v63 =	vmin.f32 v40, v43;
	v10 =	vmul.f32 $1.100000020e+00, v11;
	v11 =	vmul.f32 $5.000000000e-01, v28  }
0x2ac: {  	v52 =	vmul.f32 v27, v49;
	v54 =	vsub.f32 $1.000000000e+00, v57;
	vm10 =	vle.f32 v48, v0  }
0x2ad: {  	vm13 =	vlt.f32 v0, v48;
	v49 =	vsub.f32 v27, v49;
	v14 =	vmul.f32 $5.000000000e-01, v14  }
0x2ae: {  	vm9 =	vle.f32 v48, v53;
	vm11 =	vlt.f32 v53, v48;
	vm12 =	vle.f32 v53, v0  }
0x2af: {  	vm14 =	vlt.f32 v0, v53;
	v52 =	vsub.f32 $1.000000000e+00, v52;
	vm10 =	vmand vm9, vm10  }
0x2b0: {  	vm11 =	vmand vm11, vm12;
	vm15 =	vmand vm13, vm14;
	vm13 =	vle.f32 v54, v51  }
0x2b1: {  	v16 =	vmul.f32 $5.000000000e-01, v49;
	v57 =	vnsel vm10, $0x0, v38;
	vm10 =	vle.f32 v41, v43  }
0x2b2: {  	v56 =	vld [tilespmem:s21+$0x0];
	v38 =	vmul.f32 v63, v13;
	v15 =	vnsel vm11, $0x0, v15;
	vm11 =	vlt.f32 v43, v41  }
0x2b3: {  	v13 =	vmul.f32 $5.000000000e-01, v29;
	v63 =	vmin.f32 v53, v0;
	vm0 =	vle.f32 v52, v54  }
0x2b4: {  	vm9 =	vle.f32 v52, v51;
	vm12 =	vlt.f32 v54, v52;
	v49 =	vmul.f32 v57, v10  }
0x2b5: {  	vm14 =	vmand vm0, vm9;
	vm0 =	vlt.f32 v51, v52;
	vm9 =	vlt.f32 v51, v54  }
0x2b6: {  	v15 =	vmul.f32 v15, v10;
	vm13 =	vmand vm12, vm13;
	vm12 =	vmand vm0, vm9  }
0x2b7: {  	vm9 =	vlt.f32 v43, v40;
	v40 =	vmul.f32 v47, v12;
	v12 =	vsub.f32 $1.000000000e+00, v56  }
0x2b8: {  	v43 =	vmin.f32 v44, v43;
	v44 =	vmul.f32 $5.000000000e-01, v46;
	v47 =	vmin.f32 v48, v53  }
0x2b9: {  	v48 =	vmin.f32 v48, v0;
	v16 =	vnsel vm14, $0x0, v16;
	v53 =	vnsel vm13, $0x0, v14  }
0x2ba: {  	v14 =	vmul.f32 $5.000000000e-01, v27;
	vm0 =	vmand vm6, vm8;
	v48 =	vmul.f32 v48, v11  }
0x2bb: {  	v57 =	vmul.f32 v47, v13;
	v47 =	vmin.f32 v47, v0;
	v32 =	vnsel vm0, $0x0, v32  }
0x2bc: {  	v41 =	vmul.f32 $1.100000020e+00, v12;
	v12 =	vmul.f32 $5.000000000e-01, v21;
	v44 =	vnsel vm15, $0x0, v44  }
0x2bd: {  	s26 =	simm.s32 $0xBE10;
	vm4 =	vmand vm9, vm11;
	v47 =	vmul.f32 $5.000000000e-01, v47;
	v10 =	vmul.f32 v44, v10  }
0x2be: {  	v0 =	vld [tilespmem:s26+$0xFFFFFFF0];
	v36 =	vnsel vm4, $0x0, v36;
	v44 =	vmul.f32 v57, v55;
	v46 =	vmul.f32 v63, v12  }
0x2bf: {  	v57 =	vmin.f32 v54, v51;
	v63 =	vmul.f32 v48, v55;
	v16 =	vmul.f32 v16, v41  }
0x2c0: {  	v53 =	vmul.f32 v53, v41;
	v2 =	vmax.f32 v2, v47;
	v30 =	vmul.f32 v46, v55  }
0x2c1: {  	v44 =	vadd.f32 v10, v44;
	v10 =	vmul.f32 $5.000000000e-01, v45;
	v46 =	vadd.f32 v15, v63  }
0x2c2: {  	v15 =	vmul.f32 $5.000000000e-01, v26;
	v49 =	vadd.f32 v49, v30;
	v30 =	vmul.f32 v57, v14  }
0x2c3: {  	v45 =	vmin.f32 v52, v54;
	v52 =	vmin.f32 v52, v51;
	v35 =	vmul.f32 v35, v0  }
0x2c4: {  	v48 =	vld [tilespmem:s26+$0x0];
	v63 =	vnsel vm12, $0x0, v10;
	v10 =	vmul.f32 v52, v15;
	v54 =	vmul.f32 v30, v56  }
0x2c5: {  	v51 =	vmin.f32 v45, v51;
	v23 =	vmul.f32 v23, v0;
	v42 =	vmul.f32 v42, v0  }
0x2c6: {  	v30 =	vmul.f32 $5.000000000e-01, v37;
	v37 =	vadd.f32 v16, v54;
	v16 =	vmul.f32 v10, v56  }
0x2c7: {  	v51 =	vmul.f32 $5.000000000e-01, v51;
	v52 =	vsub.f32 $1.000000000e+00, v0;
	v41 =	vmul.f32 v63, v41  }
0x2c8: {  	v63 =	vadd.f32 $1.000000050e-03, v55;
	v53 =	vadd.f32 v53, v16;
	v16 =	vmul.f32 $5.000000000e-01, v25  }
0x2c9: {  	v57 =	vadd.f32 $1.000000050e-03, v56;
	v40 =	vmul.f32 v40, v48;
	v39 =	vmul.f32 v39, v48  }
0x2ca: {  	v55 =	vadd.f32 $1.000000050e-03, v48;
	[tilespmem:v61+s31+$0x0] =	vst.idx.add.f32.msk $0xffff, v49;
	v49 =	vmul.f32 $1.100000020e+00, v52;
	v45 =	vmul.f32 v45, v16  }
0x2cb: {  	v52 =	vadd.f32 $1.000000050e-03, v0;
	[tilespmem:v62+s31+$0x0] =	vst.idx.add.f32.msk $0xffff, v46;
	v10 =	vmul.f32 $5.000000000e-01, v43;
	v43 =	vsub.f32 $1.000000000e+00, v48  }
0x2cc: {  	s26 =	simm.s32 $0xEE30;
	v54 =	vmul.f32 $2.000000000e+01, v63;
	v63 =	vadd.f32 $-2.500000000e-01, v47;
	[tilespmem:v59+s31+$0x0] =	vst.idx.add.f32.msk $0xffff, v44;
	v45 =	vmul.f32 v45, v56  }
0x2cd: {  	v1 =	vmax.f32 v1, v30;
	v32 =	vmul.f32 v32, v49;
	v24 =	vmul.f32 v24, v49;
	v3 =	vld [tilespmem:$0x1FFF0];
	[tilespmem:s26+$0xFFFFFFF0] =	vst v47  }
0x2ce: {  	[tilespmem:v4+s31+$0x0] =	vst.idx.add.f32.msk $0xffff, v37;
	v41 =	vadd.f32 v41, v45;
	v45 =	vmul.f32 v63, v54;
	v54 =	vadd.f32 $-5.000000070e-02, v47  }
0x2cf: {  	v44 =	vmul.f32 $2.000000000e+01, v52;
	[tilespmem:v60+s31+$0x0] =	vst.idx.add.f32.msk $0xffff, v53;
	v56 =	vmul.f32 $2.000000000e+01, v57;
	v57 =	vadd.f32 $-2.500000000e-01, v51  }
0x2d0: {  	s28 =	simm.s32 $0xFE30;
	s29 =	simm.s32 $0x10E30;
	v1 =	vmax.f32 v1, v10;
	v32 =	vadd.f32 v32, v35;
	[tilespmem:v50+s31+$0x0] =	vst.idx.add.f32.msk $0xffff, v41;
	v35 =	vmul.f32 $5.000000000e+00, v54  }
0x2d1: {  	v43 =	vmul.f32 $1.100000020e+00, v43;
	v63 =	vmul.f32 v57, v56;
	v56 =	vadd.f32 $-5.000000070e-02, v51;
	[tilespmem:s28+$0xFFFFFFF0] =	vst v45  }
0x2d2: {  	v46 =	vadd.f32 v24, v23;
	v23 =	vadd.f32 $-5.000000070e-02, v30;
	v24 =	vmul.f32 v31, v49;
	[tilespmem:s29+$0xFFFFFFF0] =	vst v35  }
0x2d3: {  	v31 =	vadd.f32 $-2.500000000e-01, v10;
	vm0 =	vnez.u8 v3;
	v45 =	vmul.f32 $5.000000000e+00, v56;
	[tilespmem:s26+$0x0] =	vst v51;
	v37 =	vld.idx.msk [tilespmem:v59+s22+$0x0], $0xffff  }
0x2d4: {  	v42 =	vadd.f32 v24, v42;
	v24 =	vmul.f32 v33, v43;
	vm0 =	vmand vm0, vm10;
	[tilespmem:s28+$0x0] =	vst v63;
	v49 =	vld.idx.msk [tilespmem:v61+s22+$0x0], $0xffff  }
0x2d5: {  	v36 =	vmul.f32 v36, v43;
	v34 =	vnsel vm0, $0x0, v34;
	v57 =	vmul.f32 v38, v48;
	[tilespmem:s29+$0x0] =	vst v45;
	v45 =	vld.idx.msk [tilespmem:v62+s22+$0x0], $0xffff  }
0x2d6: {  	v48 =	vadd.f32 v24, v40;
	v24 =	vmul.f32 $2.000000000e+01, v55;
	v34 =	vmul.f32 v34, v43;
	v56 =	vld.idx.msk [tilespmem:v4+s22+$0x0], $0xffff  }
0x2d7: {  	v43 =	vmax.f32 v2, v51;
	v35 =	vadd.f32 $-2.500000000e-01, v30;
	v63 =	vadd.f32 $-5.000000070e-02, v10;
	v0 =	vld.idx.msk [tilespmem:v60+s22+$0x0], $0xffff  }
0x2d8: {  	[tilespmem:v22+s0+$0x0] =	vst.idx.add.f32.msk $0xffff, v32;
	v41 =	vmul.f32 $5.000000000e+00, v23;
	v24 =	vmul.f32 v31, v24;
	v52 =	vadd.f32 v34, v57  }
0x2d9: {  	v53 =	vld.idx.msk [tilespmem:v50+s22+$0x0], $0xffff;
	v23 =	vmul.f32 $5.000000000e+00, v63;
	v38 =	vmul.f32 v35, v44;
	v35 =	vadd.f32 v36, v39  }
0x2da: {  	v57 =	vsub.f32 v29, v37;
	v63 =	vsub.f32 v21, v49;
	v44 =	vmul.f32 v29, v37  }
0x2db: {  	v29 =	vsub.f32 v28, v45;
	v54 =	vmul.f32 v21, v49;
	v28 =	vmul.f32 v28, v45  }
0x2dc: {  	v31 =	vsub.f32 v27, v56;
	v27 =	vmul.f32 v27, v56;
	v55 =	vmul.f32 v26, v0  }
0x2dd: {  	[tilespmem:v20+s0+$0x0] =	vst.idx.add.f32.msk $0xffff, v46;
	v33 =	vsub.f32 v26, v0;
	v39 =	vmul.f32 $5.000000000e-01, v57;
	v37 =	vsub.f32 $1.000000000e+00, v44  }
0x2de: {  	s19 =	simm.s32 $0xBE30;
	[tilespmem:v18+s0+$0x0] =	vst.idx.add.f32.msk $0xffff, v48;
	v56 =	vsub.f32 $1.000000000e+00, v54;
	v57 =	vsub.f32 $1.000000000e+00, v28;
	v28 =	vmul.f32 v25, v53  }
0x2df: {  	v21 =	vld [tilespmem:s19+$0xFFFFFFF0];
	v40 =	vmul.f32 $5.000000000e-01, v63;
	v63 =	vsub.f32 $1.000000000e+00, v27;
	v32 =	vsub.f32 $1.000000000e+00, v55  }
0x2e0: {  	[tilespmem:v19+s0+$0x0] =	vst.idx.add.f32.msk $0xffff, v52;
	v27 =	vmin.f32 v56, v57;
	v34 =	vsub.f32 $1.000000000e+00, v28;
	v28 =	vsub.f32 v25, v53  }
0x2e1: {  	vm2 =	vle.f32 v56, v57;
	vm0 =	vlt.f32 v57, v56;
	vm1 =	vle.f32 v57, v37  }
0x2e2: {  	vm3 =	vlt.f32 v37, v57;
	v36 =	vmin.f32 v57, v37;
	vm5 =	vle.f32 v56, v37  }
0x2e3: {  	v20 =	vld [tilespmem:s19+$0x0];
	vm4 =	vlt.f32 v37, v56;
	v19 =	vmin.f32 v56, v37;
	v26 =	vmin.f32 v27, v37  }
0x2e4: {  	v22 =	vmin.f32 v63, v32;
	v25 =	vsub.f32 $1.000000000e+00, v21;
	vm6 =	vle.f32 v63, v32  }
0x2e5: {  	s18 =	simm.s32 $0xF610;
	[tilespmem:v17+s0+$0x0] =	vst.idx.add.f32.msk $0xffff, v42;
	vm7 =	vlt.f32 v32, v63;
	v17 =	vmul.f32 $5.000000000e-01, v26;
	v26 =	vmin.f32 v22, v34  }
0x2e6: {  	s17 =	simm.s32 $0x10610;
	[tilespmem:s18+$0xFFFFFFF0] =	vst v30;
	v30 =	vmin.f32 v32, v34;
	vm9 =	vle.f32 v63, v34;
	v18 =	vmul.f32 $5.000000000e-01, v26  }
0x2e7: {  	s12 =	simm.s32 $0x11610;
	[tilespmem:s17+$0xFFFFFFF0] =	vst v38;
	vm8 =	vlt.f32 v34, v63;
	v37 =	vmin.f32 v63, v34;
	v1 =	vmax.f32 v1, v17  }
0x2e8: {  	s20 =	simm.s32 $0x2;
	s21 =	simm.s32 $0xB650;
	[tilespmem:s12+$0xFFFFFFF0] =	vst v41;
	vm10 =	vle.f32 v32, v34;
	v26 =	vsub.f32 $1.000000000e+00, v20;
	v42 =	vmax.f32 v1, v18  }
.LBB2_11:
0x2e9: {  	v51 =	vld [tilespmem:s21+$0xFFFFFFF0];
	v41 =	vmul.f32 $5.000000000e-01, v29  }
0x2ea: {  	vm11 =	vlt.f32 v34, v32;
	v47 =	vld [tilespmem:s21+$0x0];
	vm2 =	vmand vm2, vm5;
	s13 =	sadd.s32 $0x20, s13;
	vm0 =	vmand vm0, vm1  }
0x2eb: {  	vm1 =	vmand vm4, vm3;
	v12 =	vmul.f32 v36, v12;
	v36 =	vmul.f32 v19, v11;
	v44 =	vld [tilespmem:s13+$0xFFFFFFF0]  }
0x2ec: {  	[tilespmem:$0x1FFA0] =	vst v59;
	v32 =	vmul.f32 v27, v13;
	vm3 =	vmand vm6, vm9;
	s15 =	sadd.s32 $0x20, s15;
	vm4 =	vmand vm7, vm10;
	v46 =	vld [tilespmem:s13+$0x0]  }
0x2ed: {  	[tilespmem:$0x1FFC0] =	vst v60;
	v30 =	vmul.f32 v30, v14;
	s25 =	sadd.s32 $0x20, s25;
	v0 =	vadd.f32 $1.000000050e-03, v21;
	v60 =	vmul.f32 v22, v16;
	v11 =	vld [tilespmem:s15+$0xFFFFFFF0]  }
0x2ee: {  	[tilespmem:$0x1FFB0] =	vst v4;
	v63 =	vadd.f32 $1.000000050e-03, v20;
	v57 =	vmul.f32 $5.000000000e-01, v31;
	v59 =	vmul.f32 $5.000000000e-01, v33;
	v13 =	vld [tilespmem:s25+$0xFFFFFFF0]  }
0x2ef: {  	[tilespmem:$0x1FFD0] =	vst v43;
	v28 =	vmul.f32 $5.000000000e-01, v28;
	vm5 =	vmand vm8, vm11;
	v33 =	vmul.f32 v37, v15;
	v14 =	vld [tilespmem:s15+$0x0]  }
0x2f0: {  	[tilespmem:$0x1FFE0] =	vst v42;
	v38 =	vmul.f32 $1.100000020e+00, v25;
	v31 =	vmul.f32 $1.100000020e+00, v26;
	v15 =	vld [tilespmem:s25+$0x0];
	v22 =	vand.u32 $0x7FFFFFFF, v44  }
0x2f1: {  	v4 =	vmovc v50;
	v52 =	vnsel vm2, $0x0, v40;
	v45 =	vnsel vm1, $0x0, v39;
	[tilespmem:v58+s0+$0x0] =	vst.idx.add.f32.msk $0xffff, v35;
	v50 =	vand.u32 $0x7FFFFFFF, v46  }
0x2f2: {  	v27 =	vnsel vm0, $0x0, v41;
	[tilespmem:s18+$0x0] =	vst v10;
	v42 =	vnsel vm3, $0x0, v57;
	v26 =	vand.u32 $0x7FFFFFFF, v11  }
0x2f3: {  	v43 =	vnsel vm4, $0x0, v59;
	v29 =	vnsel vm5, $0x0, v28;
	[tilespmem:s17+$0x0] =	vst v24;
	v25 =	vand.u32 $0x7FFFFFFF, v13  }
0x2f4: {  	v10 =	vmovc v18;
	[tilespmem:s12+$0x0] =	vst v23;
	v23 =	vmul.f32 v12, v21;
	v54 =	vadd.f32 $1.000000050e-03, v51;
	v18 =	vand.u32 $0x7FFFFFFF, v14  }
0x2f5: {  	v16 =	vsub.f32 $1.000000000e+00, v51;
	v2 =	vsub.f32 $1.000000000e+00, v47;
	v19 =	vand.u32 $0x7FFFFFFF, v15;
	v55 =	vld.idx.msk [tilespmem:v22+s6+$0x0], $0xffff  }
0x2f6: {  	v11 =	vand.u32 $0x80000000, v11;
	v12 =	vand.u32 $0x80000000, v44;
	v28 =	vand.u32 $0x80000000, v46;
	v56 =	vld.idx.msk [tilespmem:v50+s6+$0x0], $0xffff  }
0x2f7: {  	v13 =	vand.u32 $0x80000000, v13;
	v14 =	vand.u32 $0x80000000, v14;
	v15 =	vand.u32 $0x80000000, v15;
	v57 =	vld.idx.msk [tilespmem:v26+s6+$0x0], $0xffff  }
0x2f8: {  	v44 =	vxor.u32 $0xBF800000, v11;
	v48 =	vxor.u32 $0xBF800000, v12;
	v28 =	vxor.u32 $0xBF800000, v28;
	v58 =	vld.idx.msk [tilespmem:v25+s6+$0x0], $0xffff  }
0x2f9: {  	v40 =	vmovc v62;
	[tilespmem:$0x1FF70] =	vst v60;
	v46 =	vxor.u32 $0xBF800000, v13;
	v60 =	vmul.f32 $1.100000020e+00, v16;
	v62 =	vmul.f32 $1.100000020e+00, v2;
	v59 =	vld.idx.msk [tilespmem:v18+s6+$0x0], $0xffff  }
0x2fa: {  	v34 =	vmovc v61;
	v49 =	vxor.u32 $0xBF800000, v14;
	v12 =	vmul.f32 $5.000000000e-01, v44;
	v11 =	vmul.f32 $5.000000000e-01, v46;
	v61 =	vld.idx.msk [tilespmem:v19+s6+$0x0], $0xffff  }
0x2fb: {  	v37 =	vxor.u32 $0xBF800000, v15;
	v13 =	vmul.f32 $5.000000000e-01, v48;
	v14 =	vmul.f32 $5.000000000e-01, v49  }
0x2fc: {  	[tilespmem:$0x1FF90] =	vst v63;
	v15 =	vmul.f32 $5.000000000e-01, v37;
	v16 =	vmul.f32 $5.000000000e-01, v28;
	v63 =	vsub.f32 v44, v57  }
0x2fd: {  	[tilespmem:$0x1FF80] =	vst v0;
	v0 =	vmul.f32 v48, v55;
	v3 =	vsub.f32 v46, v58;
	v1 =	vmul.f32 v28, v56  }
0x2fe: {  	v57 =	vmul.f32 v44, v57;
	v58 =	vmul.f32 v46, v58;
	v55 =	vsub.f32 v48, v55  }
0x2ff: {  	v2 =	vmul.f32 v49, v59;
	v5 =	vmul.f32 v37, v61;
	v59 =	vsub.f32 v49, v59  }
0x300: {  	v61 =	vsub.f32 v37, v61;
	v63 =	vmul.f32 $5.000000000e-01, v63;
	v3 =	vmul.f32 $5.000000000e-01, v3  }
0x301: {  	v56 =	vsub.f32 v28, v56;
	v55 =	vmul.f32 $5.000000000e-01, v55;
	v59 =	vmul.f32 $5.000000000e-01, v59  }
0x302: {  	v58 =	vsub.f32 $1.000000000e+00, v58;
	v0 =	vsub.f32 $1.000000000e+00, v0;
	v61 =	vmul.f32 $5.000000000e-01, v61  }
0x303: {  	v57 =	vsub.f32 $1.000000000e+00, v57;
	v1 =	vsub.f32 $1.000000000e+00, v1;
	v56 =	vmul.f32 $5.000000000e-01, v56  }
0x304: {  	v2 =	vsub.f32 $1.000000000e+00, v2;
	v5 =	vsub.f32 $1.000000000e+00, v5;
	v6 =	vmin.f32 v58, v0  }
0x305: {  	v7 =	vmin.f32 v57, v0;
	vm0 =	vle.f32 v57, v58;
	vm1 =	vle.f32 v57, v0  }
0x306: {  	vm2 =	vlt.f32 v58, v57;
	vm3 =	vle.f32 v58, v0;
	vm4 =	vlt.f32 v0, v57  }
0x307: {  	vm5 =	vlt.f32 v0, v58;
	v8 =	vmin.f32 v5, v1;
	v9 =	vmin.f32 v2, v1  }
0x308: {  	vm6 =	vle.f32 v2, v5;
	vm7 =	vle.f32 v2, v1;
	vm8 =	vlt.f32 v5, v2  }
0x309: {  	vm9 =	vle.f32 v5, v1;
	vm10 =	vlt.f32 v1, v2;
	vm11 =	vlt.f32 v1, v5  }
0x30a: {  	v57 =	vmin.f32 v57, v58;
	v2 =	vmin.f32 v2, v5;
	vm1 =	vmand vm0, vm1  }
0x30b: {  	vm2 =	vmand vm2, vm3;
	vm3 =	vmand vm4, vm5;
	v5 =	vmul.f32 v6, v12  }
0x30c: {  	v6 =	vmul.f32 v7, v11;
	v7 =	vmul.f32 v57, v13;
	vm4 =	vmand vm6, vm7  }
0x30d: {  	vm5 =	vmand vm8, vm9;
	v8 =	vmul.f32 v8, v14;
	v0 =	vmin.f32 v57, v0  }
0x30e: {  	v9 =	vmul.f32 v9, v15;
	v63 =	vnsel vm1, $0x0, v63;
	v3 =	vnsel vm2, $0x0, v3  }
0x30f: {  	v55 =	vnsel vm3, $0x0, v55;
	v5 =	vmul.f32 v5, v51;
	v63 =	vmul.f32 v63, v60  }
0x310: {  	v59 =	vnsel vm4, $0x0, v59;
	v6 =	vmul.f32 v6, v51;
	v3 =	vmul.f32 v3, v60  }
0x311: {  	v61 =	vnsel vm5, $0x0, v61;
	v7 =	vmul.f32 v7, v51;
	v55 =	vmul.f32 v55, v60  }
0x312: {  	v51 =	vmul.f32 $5.000000000e-01, v0;
	v5 =	vadd.f32 v63, v5;
	v3 =	vadd.f32 v3, v6  }
0x313: {  	v58 =	vmovc v4;
	v4 =	vld [tilespmem:$0x1FF70];
	v6 =	vmul.f32 v8, v47;
	v8 =	vmul.f32 v59, v62;
	v55 =	vadd.f32 v55, v7  }
0x314: {  	v7 =	vmul.f32 v61, v62;
	[tilespmem:v26+s31+$0x0] =	vst.idx.add.f32.msk $0xffff, v5;
	v5 =	vmul.f32 v9, v47  }
0x315: {  	v59 =	vmul.f32 $2.000000000e+01, v54;
	v6 =	vadd.f32 v8, v6;
	v8 =	vadd.f32 $-2.500000000e-01, v51;
	[tilespmem:v25+s31+$0x0] =	vst.idx.add.f32.msk $0xffff, v3  }
0x316: {  	v57 =	vmul.f32 v2, v16;
	[tilespmem:v22+s31+$0x0] =	vst.idx.add.f32.msk $0xffff, v55;
	v60 =	vadd.f32 v7, v5;
	v5 =	vadd.f32 $-5.000000070e-02, v51  }
0x317: {  	s26 =	sadd.s32 $0x20, s26;
	vm0 =	vmand vm10, vm11;
	[tilespmem:v18+s31+$0x0] =	vst.idx.add.f32.msk $0xffff, v6;
	v0 =	vmul.f32 v8, v59;
	v7 =	vmul.f32 v36, v21  }
0x318: {  	s28 =	sadd.s32 $0x20, s28;
	v3 =	vnsel vm0, $0x0, v56;
	v8 =	vmul.f32 v27, v38;
	[tilespmem:s26+$0xFFFFFFF0] =	vst v51;
	v5 =	vmul.f32 $5.000000000e+00, v5  }
0x319: {  	s29 =	sadd.s32 $0x20, s29;
	v1 =	vmin.f32 v2, v1;
	v9 =	vmul.f32 v57, v47;
	v3 =	vmul.f32 v3, v62;
	[tilespmem:s28+$0xFFFFFFF0] =	vst v0  }
0x31a: {  	v7 =	vadd.f32 v8, v7;
	v8 =	vmul.f32 v45, v38;
	[tilespmem:s29+$0xFFFFFFF0] =	vst v5;
	v5 =	vmul.f32 v32, v21  }
0x31b: {  	v53 =	vadd.f32 $1.000000050e-03, v47;
	v1 =	vmul.f32 $5.000000000e-01, v1;
	v3 =	vadd.f32 v3, v9;
	[tilespmem:v19+s31+$0x0] =	vst.idx.add.f32.msk $0xffff, v60  }
0x31c: {  	v5 =	vadd.f32 v8, v5;
	v8 =	vmul.f32 v4, v20;
	v4 =	vld [tilespmem:$0x1FF80]  }
0x31d: {  	v6 =	vadd.f32 $-2.500000000e-01, v1;
	[tilespmem:v50+s31+$0x0] =	vst.idx.add.f32.msk $0xffff, v3;
	v3 =	vmul.f32 $2.000000000e+01, v53;
	_ =	sdelay $0x1  }
0x31e: {  	v3 =	vmul.f32 v6, v3  }
0x31f: {  	v45 =	vmul.f32 v33, v20;
	[tilespmem:s26+$0x0] =	vst v1  }
0x320: {  	[tilespmem:s28+$0x0] =	vst v3;
	v3 =	vmul.f32 v30, v20;
	v20 =	vmul.f32 $2.000000000e+01, v4;
	v4 =	vld [tilespmem:$0x1FF90];
	_ =	sdelay $0x4  }
0x321: {  	v27 =	vmul.f32 $2.000000000e+01, v4;
	v4 =	vld [tilespmem:$0x1FFA0];
	_ =	sdelay $0x1  }
0x322: {  	v61 =	vmul.f32 v52, v38;
	v9 =	vld.idx.msk [tilespmem:v26+s22+$0x0], $0xffff  }
0x323: {  	v21 =	vmul.f32 v42, v31;
	v63 =	vld.idx.msk [tilespmem:v25+s22+$0x0], $0xffff  }
0x324: {  	s19 =	sadd.s32 $0x20, s19;
	v2 =	vadd.f32 v61, v23;
	v6 =	vld.idx.msk [tilespmem:v22+s22+$0x0], $0xffff  }
0x325: {  	v3 =	vadd.f32 v21, v3;
	v21 =	vld [tilespmem:s19+$0xFFFFFFF0]  }
0x326: {  	[tilespmem:v34+s0+$0x0] =	vst.idx.add.f32.msk $0xffff, v2  }
0x327: {  	[tilespmem:v40+s0+$0x0] =	vst.idx.add.f32.msk $0xffff, v7  }
0x328: {  	v62 =	vadd.f32 $-5.000000070e-02, v1;
	[tilespmem:v4+s0+$0x0] =	vst.idx.add.f32.msk $0xffff, v5  }
0x329: {  	v4 =	vld [tilespmem:$0x1FFB0]  }
0x32a: {  	v0 =	vmul.f32 $5.000000000e+00, v62;
	_ =	sdelay $0x1  }
0x32b: {  	[tilespmem:s29+$0x0] =	vst v0  }
0x32c: {  	v39 =	vadd.f32 $-5.000000070e-02, v17;
	v47 =	vld.idx.msk [tilespmem:v18+s22+$0x0], $0xffff  }
0x32d: {  	v35 =	vadd.f32 $-2.500000000e-01, v17;
	v52 =	vld.idx.msk [tilespmem:v19+s22+$0x0], $0xffff  }
0x32e: {  	v41 =	vadd.f32 $-5.000000070e-02, v10;
	v54 =	vmul.f32 $5.000000000e+00, v39;
	v23 =	vmul.f32 v43, v31;
	v53 =	vld.idx.msk [tilespmem:v50+s22+$0x0], $0xffff  }
0x32f: {  	v24 =	vadd.f32 $-2.500000000e-01, v10;
	v30 =	vmul.f32 v29, v31;
	v55 =	vmul.f32 v35, v20;
	v20 =	vld [tilespmem:s19+$0x0]  }
0x330: {  	v0 =	vadd.f32 v23, v45;
	v23 =	vmul.f32 $5.000000000e+00, v41;
	v59 =	vmul.f32 v44, v9;
	[tilespmem:v4+s0+$0x0] =	vst.idx.add.f32.msk $0xffff, v3  }
0x331: {  	v29 =	vsub.f32 v46, v63;
	v31 =	vsub.f32 v48, v6;
	v6 =	vmul.f32 v48, v6;
	v3 =	vld [tilespmem:$0x1FFC0]  }
0x332: {  	v2 =	vsub.f32 $1.000000000e+00, v59;
	v35 =	vadd.f32 v30, v8;
	v8 =	vmul.f32 v46, v63  }
0x333: {  	v39 =	vmul.f32 $5.000000000e-01, v31;
	v6 =	vsub.f32 $1.000000000e+00, v6;
	v31 =	vsub.f32 v49, v47  }
0x334: {  	v61 =	vmovc v26;
	v26 =	vmul.f32 v37, v52;
	v7 =	vsub.f32 $1.000000000e+00, v8;
	v33 =	vsub.f32 v37, v52  }
0x335: {  	v62 =	vmovc v25;
	v8 =	vmul.f32 v28, v53;
	v28 =	vsub.f32 v28, v53;
	v25 =	vsub.f32 $1.000000000e+00, v21  }
0x336: {  	v60 =	vmovc v19;
	v19 =	vmin.f32 v2, v6;
	vm5 =	vle.f32 v2, v6;
	vm4 =	vlt.f32 v6, v2  }
0x337: {  	v32 =	vsub.f32 $1.000000000e+00, v26;
	v36 =	vmin.f32 v7, v6;
	vm2 =	vle.f32 v2, v7  }
0x338: {  	v63 =	vld [tilespmem:$0x1FFD0];
	v24 =	vmul.f32 v24, v27;
	v27 =	vsub.f32 v44, v9;
	v9 =	vmul.f32 v49, v47  }
0x339: {  	v34 =	vsub.f32 $1.000000000e+00, v8;
	vm0 =	vlt.f32 v7, v2;
	vm1 =	vle.f32 v7, v6;
	[tilespmem:v3+s0+$0x0] =	vst.idx.add.f32.msk $0xffff, v0  }
0x33a: {  	s20 =	sadd.s32 $0x2, s20;
	vm3 =	vlt.f32 v6, v7;
	v26 =	vsub.f32 $1.000000000e+00, v20;
	v5 =	vsub.f32 $1.000000000e+00, v9;
	v3 =	vld [tilespmem:$0x1FFE0]  }
0x33b: {  	p0 =	slt.u32 s20, $0x7C;
	v30 =	vmin.f32 v32, v34;
	v40 =	vmul.f32 $5.000000000e-01, v27;
	v27 =	vmin.f32 v2, v7  }
.Ltmp5:
0x33c: {  	s18 =	sadd.s32 $0x20, s18;
	v59 =	vmovc v22;
	vm10 =	vle.f32 v32, v34;
	v8 =	vmin.f32 v27, v6;
	v22 =	vmin.f32 v5, v32;
	(pc) =	sbr.rel @p0 .LBB2_11-.Ltmp5, $4  }
0x33d: {  	[tilespmem:s18+$0xFFFFFFF0] =	vst v17;
	v17 =	vmul.f32 $5.000000000e-01, v8;
	v37 =	vmin.f32 v5, v34;
	v8 =	vmin.f32 v22, v34  }
0x33e: {  	s17 =	sadd.s32 $0x20, s17;
	vm6 =	vle.f32 v5, v32;
	vm9 =	vle.f32 v5, v34;
	v4 =	vmovc v18;
	v18 =	vmul.f32 $5.000000000e-01, v8  }
0x33f: {  	s12 =	sadd.s32 $0x20, s12;
	[tilespmem:s17+$0xFFFFFFF0] =	vst v55;
	vm7 =	vlt.f32 v32, v5;
	v0 =	vmax.f32 v63, v51;
	v3 =	vmax.f32 v3, v17  }
0x340: {  	s21 =	sadd.s32 $0x20, s21;
	vm8 =	vlt.f32 v34, v5;
	[tilespmem:s12+$0xFFFFFFF0] =	vst v54;
	v43 =	vmax.f32 v0, v1;
	v42 =	vmax.f32 v3, v18  }
0x341: {  	v0 =	vmul.f32 $5.000000000e-01, v29  }
0x342: {  	vm11 =	vlt.f32 v34, v32;
	v1 =	vmul.f32 $5.000000000e-01, v31;
	vm2 =	vmand vm2, vm5  }
0x343: {  	v2 =	vmul.f32 $5.000000000e-01, v33;
	v3 =	vmul.f32 $5.000000000e-01, v28;
	vm0 =	vmand vm0, vm1  }
0x344: {  	vm13 =	vmand vm4, vm3;
	v5 =	vmul.f32 v36, v12;
	v6 =	vmul.f32 v19, v11  }
0x345: {  	v7 =	vmul.f32 v27, v13;
	vm14 =	vmand vm6, vm9;
	v8 =	vmul.f32 v30, v14  }
0x346: {  	vm15 =	vmand vm7, vm10;
	v9 =	vmul.f32 v37, v15;
	v55 =	vmul.f32 $1.100000020e+00, v25  }
0x347: {  	v54 =	vmul.f32 v22, v16;
	v56 =	vmul.f32 $1.100000020e+00, v26;
	v57 =	vnsel vm2, $0x0, v40  }
0x348: {  	v63 =	vnsel vm13, $0x0, v39;
	v5 =	vmul.f32 v5, v21;
	v14 =	vmul.f32 v57, v55  }
0x349: {  	[tilespmem:v58+s0+$0x0] =	vst.idx.add.f32.msk $0xffff, v35;
	v0 =	vnsel vm0, $0x0, v0;
	v6 =	vmul.f32 v6, v21;
	v7 =	vmul.f32 v7, v21  }
0x34a: {  	[tilespmem:s18+$0x0] =	vst v10;
	v1 =	vnsel vm14, $0x0, v1;
	v12 =	vmul.f32 v63, v55;
	v0 =	vmul.f32 v0, v55  }
0x34b: {  	v15 =	vmul.f32 v8, v20;
	[tilespmem:s17+$0x0] =	vst v24;
	v1 =	vmul.f32 v1, v56;
	v5 =	vadd.f32 v14, v5  }
0x34c: {  	v2 =	vnsel vm15, $0x0, v2;
	v16 =	vmul.f32 v9, v20;
	[tilespmem:s12+$0x0] =	vst v23;
	v0 =	vadd.f32 v0, v6  }
0x34d: {  	vm8 =	vmand vm8, vm11;
	v2 =	vmul.f32 v2, v56;
	v1 =	vadd.f32 v1, v15;
	[tilespmem:v61+s0+$0x0] =	vst.idx.add.f32.msk $0xffff, v5  }
0x34e: {  	v3 =	vnsel vm8, $0x0, v3;
	v19 =	vmul.f32 v54, v20;
	v7 =	vadd.f32 v12, v7;
	[tilespmem:v62+s0+$0x0] =	vst.idx.add.f32.msk $0xffff, v0  }
0x34f: {  	v2 =	vadd.f32 v2, v16;
	v0 =	vmul.f32 v3, v56;
	v3 =	vadd.f32 $1.000000050e-03, v21;
	[tilespmem:v4+s0+$0x0] =	vst.idx.add.f32.msk $0xffff, v1  }
0x350: {  	v21 =	vadd.f32 $1.000000050e-03, v20;
	[tilespmem:v59+s0+$0x0] =	vst.idx.add.f32.msk $0xffff, v7  }
0x351: {  	s13 =	sadd.s32 $0x20, s18;
	v1 =	vadd.f32 $-2.500000000e-01, v17;
	[tilespmem:v60+s0+$0x0] =	vst.idx.add.f32.msk $0xffff, v2;
	v0 =	vadd.f32 v0, v19;
	v3 =	vmul.f32 $2.000000000e+01, v3  }
0x352: {  	v2 =	vadd.f32 $-2.500000000e-01, v18;
	[tilespmem:s13+$0xFFFFFFF0] =	vst v17;
	v22 =	vmul.f32 $2.000000000e+01, v21  }
0x353: {  	[tilespmem:v50+s0+$0x0] =	vst.idx.add.f32.msk $0xffff, v0;
	v0 =	vmul.f32 v1, v3;
	v1 =	vadd.f32 $-5.000000070e-02, v17  }
0x354: {  	s29 =	sadd.s32 $0x20, s17;
	v2 =	vmul.f32 v2, v22;
	v3 =	vadd.f32 $-5.000000070e-02, v18;
	[tilespmem:s13+$0x0] =	vst v18  }
0x355: {  	[tilespmem:s29+$0xFFFFFFF0] =	vst v0;
	v0 =	vmul.f32 $5.000000000e+00, v1  }
0x356: {  	s15 =	sadd.s32 $0x20, s12;
	[tilespmem:s29+$0x0] =	vst v2;
	v1 =	vmul.f32 $5.000000000e+00, v3  }
0x357: {  	[tilespmem:s15+$0xFFFFFFF0] =	vst v0  }
0x358: {  	[tilespmem:s15+$0x0] =	vst v1  }
0x359: {  	v0 =	vld [tilespmem:$0xA5E0]  }
0x35a: {  	v1 =	vld [tilespmem:$0xADE0]  }
0x35b: {  	v2 =	vld [tilespmem:$0xB5E0];
	_ =	sdelay $0x2  }
0x35c: {  	v24 =	vand.u32 $0x7FFFFFFF, v0  }
0x35d: {  	v25 =	vand.u32 $0x7FFFFFFF, v1  }
0x35e: {  	v26 =	vand.u32 $0x7FFFFFFF, v2  }
0x35f: {  	v35 =	vld [tilespmem:$0xBDE0];
	_ =	sdelay $0x1  }
0x360: {  	v7 =	vld.idx.msk [tilespmem:v24+s6+$0x0], $0xffff  }
0x361: {  	v27 =	vld.idx.msk [tilespmem:v25+s6+$0x0], $0xffff  }
0x362: {  	v0 =	vand.u32 $0x80000000, v0;
	v28 =	vld.idx.msk [tilespmem:v26+s6+$0x0], $0xffff  }
0x363: {  	v1 =	vand.u32 $0x80000000, v1;
	v37 =	vsub.f32 $1.000000000e+00, v35;
	v0 =	vxor.u32 $0xBF800000, v0  }
0x364: {  	v1 =	vxor.u32 $0xBF800000, v1;
	v36 =	vmul.f32 $5.000000000e-01, v0  }
0x365: {  	v2 =	vand.u32 $0x80000000, v2;
	v39 =	vmul.f32 $1.100000020e+00, v37;
	v40 =	vmul.f32 $5.000000000e-01, v1  }
0x366: {  	v2 =	vxor.u32 $0xBF800000, v2;
	v3 =	vmul.f32 v0, v7;
	v29 =	vmul.f32 v1, v27  }
0x367: {  	v30 =	vmul.f32 v2, v28;
	v7 =	vsub.f32 v0, v7;
	v8 =	vsub.f32 v1, v27  }
0x368: {  	v41 =	vmul.f32 $5.000000000e-01, v2;
	v9 =	vsub.f32 v2, v28;
	v31 =	vsub.f32 $1.000000000e+00, v3  }
0x369: {  	v10 =	vsub.f32 $1.000000000e+00, v29;
	v11 =	vsub.f32 $1.000000000e+00, v30;
	v7 =	vmul.f32 $5.000000000e-01, v7  }
0x36a: {  	v45 =	vadd.f32 $1.000000050e-03, v35;
	v8 =	vmul.f32 $5.000000000e-01, v8;
	v9 =	vmul.f32 $5.000000000e-01, v9  }
0x36b: {  	v32 =	vmin.f32 v31, v10;
	v33 =	vmin.f32 v10, v11;
	v34 =	vmin.f32 v31, v11  }
0x36c: {  	vm9 =	vle.f32 v31, v10;
	vm10 =	vle.f32 v31, v11;
	vm11 =	vlt.f32 v10, v31  }
0x36d: {  	vm12 =	vle.f32 v10, v11;
	vm13 =	vlt.f32 v11, v31;
	vm14 =	vlt.f32 v11, v10  }
0x36e: {  	v3 =	vmin.f32 v32, v11;
	vm0 =	vmand vm9, vm10;
	vm1 =	vmand vm11, vm12  }
0x36f: {  	v38 =	vmul.f32 v33, v36;
	vm15 =	vmand vm13, vm14;
	v15 =	vmul.f32 v34, v40  }
0x370: {  	v13 =	vmul.f32 v32, v41;
	v3 =	vmul.f32 $5.000000000e-01, v3;
	v7 =	vnsel vm0, $0x0, v7  }
0x371: {  	v8 =	vnsel vm1, $0x0, v8;
	v12 =	vmul.f32 v38, v35;
	v7 =	vmul.f32 v7, v39  }
0x372: {  	v9 =	vnsel vm15, $0x0, v9;
	v44 =	vmul.f32 v15, v35;
	v8 =	vmul.f32 v8, v39  }
0x373: {  	v13 =	vmul.f32 v13, v35;
	v9 =	vmul.f32 v9, v39;
	v7 =	vadd.f32 v7, v12  }
0x374: {  	v8 =	vadd.f32 v8, v44  }
0x375: {  	v46 =	vmul.f32 $2.000000000e+01, v45;
	v47 =	vadd.f32 $-2.500000000e-01, v3;
	v9 =	vadd.f32 v9, v13;
	[tilespmem:v24+s31+$0x0] =	vst.idx.add.f32.msk $0xffff, v7  }
0x376: {  	v48 =	vadd.f32 $-5.000000070e-02, v3;
	[tilespmem:v25+s31+$0x0] =	vst.idx.add.f32.msk $0xffff, v8  }
0x377: {  	v7 =	vmul.f32 v47, v46;
	[tilespmem:v26+s31+$0x0] =	vst.idx.add.f32.msk $0xffff, v9  }
0x378: {  	v8 =	vmul.f32 $5.000000000e+00, v48;
	[tilespmem:$0xF5E0] =	vst v3  }
0x379: {  	[tilespmem:$0x105E0] =	vst v7  }
0x37a: {  	[tilespmem:$0x115E0] =	vst v8;
	v52 =	vld [tilespmem:$0xC5E0]  }
0x37b: {  	v7 =	vld.idx.msk [tilespmem:v24+s22+$0x0], $0xffff  }
0x37c: {  	v8 =	vld.idx.msk [tilespmem:v25+s22+$0x0], $0xffff  }
0x37d: {  	v9 =	vld.idx.msk [tilespmem:v26+s22+$0x0], $0xffff;
	_ =	sdelay $0x2  }
0x37e: {  	v56 =	vsub.f32 $1.000000000e+00, v52  }
0x37f: {  	v49 =	vmul.f32 v0, v7;
	v50 =	vmul.f32 v1, v8;
	v0 =	vsub.f32 v0, v7  }
0x380: {  	v51 =	vmul.f32 v2, v9;
	v1 =	vsub.f32 v1, v8;
	v2 =	vsub.f32 v2, v9  }
0x381: {  	v10 =	vsub.f32 $1.000000000e+00, v49;
	v12 =	vsub.f32 $1.000000000e+00, v50  }
0x382: {  	v7 =	vmul.f32 $1.100000020e+00, v56;
	v13 =	vsub.f32 $1.000000000e+00, v51;
	v0 =	vmul.f32 $5.000000000e-01, v0  }
0x383: {  	v1 =	vmul.f32 $5.000000000e-01, v1;
	v2 =	vmul.f32 $5.000000000e-01, v2;
	v53 =	vmin.f32 v10, v12  }
0x384: {  	vm4 =	vle.f32 v10, v12;
	vm5 =	vle.f32 v10, v13;
	v54 =	vmin.f32 v12, v13  }
0x385: {  	v55 =	vmin.f32 v10, v13;
	vm6 =	vlt.f32 v12, v10;
	vm7 =	vle.f32 v12, v13  }
0x386: {  	vm8 =	vlt.f32 v13, v10;
	vm9 =	vlt.f32 v13, v12;
	vm0 =	vmand vm4, vm5  }
0x387: {  	vm1 =	vmand vm6, vm7;
	v57 =	vmul.f32 v54, v36;
	vm2 =	vmand vm8, vm9  }
0x388: {  	v58 =	vmul.f32 v55, v40;
	v59 =	vmul.f32 v53, v41;
	v0 =	vnsel vm0, $0x0, v0  }
0x389: {  	v1 =	vnsel vm1, $0x0, v1;
	v8 =	vmul.f32 v57, v52;
	v0 =	vmul.f32 v0, v7  }
0x38a: {  	v2 =	vnsel vm2, $0x0, v2;
	v9 =	vmul.f32 v58, v52;
	v1 =	vmul.f32 v1, v7  }
0x38b: {  	v60 =	vmul.f32 v59, v52;
	v2 =	vmul.f32 v2, v7;
	v0 =	vadd.f32 v0, v8  }
0x38c: {  	v1 =	vadd.f32 v1, v9  }
0x38d: {  	v2 =	vadd.f32 v2, v60;
	[tilespmem:v24+s0+$0x0] =	vst.idx.add.f32.msk $0xffff, v0  }
0x38e: {  	[tilespmem:v25+s0+$0x0] =	vst.idx.add.f32.msk $0xffff, v1  }
0x38f: {  	[tilespmem:v26+s0+$0x0] =	vst.idx.add.f32.msk $0xffff, v2  }
0x390: {  	v0 =	vld [tilespmem:$0xA5F0]  }
0x391: {  	v1 =	vmin.f32 v53, v13;
	v2 =	vld [tilespmem:$0xADF0]  }
0x392: {  	v4 =	vmul.f32 $5.000000000e-01, v1;
	v1 =	vadd.f32 $1.000000050e-03, v52;
	v5 =	vld [tilespmem:$0xB5F0];
	_ =	sdelay $0x1  }
0x393: {  	v1 =	vmul.f32 $2.000000000e+01, v1;
	v61 =	vadd.f32 $-2.500000000e-01, v4  }
0x394: {  	v62 =	vadd.f32 $-5.000000070e-02, v4;
	v63 =	vand.u32 $0x7FFFFFFF, v0  }
0x395: {  	v1 =	vmul.f32 v61, v1;
	v6 =	vand.u32 $0x7FFFFFFF, v2  }
0x396: {  	[tilespmem:$0xFDE0] =	vst v4;
	v7 =	vmul.f32 $5.000000000e+00, v62;
	v24 =	vand.u32 $0x7FFFFFFF, v5  }
0x397: {  	v34 =	vld [tilespmem:$0xBDF0];
	[tilespmem:$0x10DE0] =	vst v1  }
0x398: {  	[tilespmem:$0x11DE0] =	vst v7  }
0x399: {  	v1 =	vld.idx.msk [tilespmem:v63+s6+$0x0], $0xffff  }
0x39a: {  	v7 =	vld.idx.msk [tilespmem:v6+s6+$0x0], $0xffff  }
0x39b: {  	v0 =	vand.u32 $0x80000000, v0;
	v25 =	vld.idx.msk [tilespmem:v24+s6+$0x0], $0xffff  }
0x39c: {  	v2 =	vand.u32 $0x80000000, v2;
	v37 =	vsub.f32 $1.000000000e+00, v34;
	v0 =	vxor.u32 $0xBF800000, v0  }
0x39d: {  	v2 =	vxor.u32 $0xBF800000, v2;
	v36 =	vmul.f32 $5.000000000e-01, v0  }
0x39e: {  	v5 =	vand.u32 $0x80000000, v5;
	v39 =	vmul.f32 $1.100000020e+00, v37;
	v40 =	vmul.f32 $5.000000000e-01, v2  }
0x39f: {  	v26 =	vxor.u32 $0xBF800000, v5;
	v27 =	vmul.f32 v0, v1;
	v28 =	vmul.f32 v2, v7  }
0x3a0: {  	v29 =	vmul.f32 v26, v25;
	v1 =	vsub.f32 v0, v1;
	v7 =	vsub.f32 v2, v7  }
0x3a1: {  	v41 =	vmul.f32 $5.000000000e-01, v26;
	v10 =	vsub.f32 v26, v25;
	v30 =	vsub.f32 $1.000000000e+00, v27  }
0x3a2: {  	v12 =	vsub.f32 $1.000000000e+00, v28;
	v13 =	vsub.f32 $1.000000000e+00, v29;
	v1 =	vmul.f32 $5.000000000e-01, v1  }
0x3a3: {  	v7 =	vmul.f32 $5.000000000e-01, v7;
	v10 =	vmul.f32 $5.000000000e-01, v10  }
0x3a4: {  	v31 =	vmin.f32 v30, v12;
	v32 =	vmin.f32 v12, v13;
	v33 =	vmin.f32 v30, v13  }
0x3a5: {  	vm10 =	vle.f32 v30, v12;
	vm11 =	vle.f32 v30, v13;
	vm12 =	vlt.f32 v12, v30  }
0x3a6: {  	vm13 =	vle.f32 v12, v13;
	vm14 =	vlt.f32 v13, v30;
	vm15 =	vlt.f32 v13, v12  }
0x3a7: {  	v35 =	vmin.f32 v31, v13;
	vm0 =	vmand vm10, vm11;
	vm1 =	vmand vm12, vm13  }
0x3a8: {  	v38 =	vmul.f32 v32, v36;
	vm6 =	vmand vm14, vm15;
	v17 =	vmul.f32 v33, v40  }
0x3a9: {  	v15 =	vmul.f32 v31, v41;
	v5 =	vmul.f32 $5.000000000e-01, v35;
	v1 =	vnsel vm0, $0x0, v1  }
0x3aa: {  	v7 =	vnsel vm1, $0x0, v7;
	v14 =	vmul.f32 v38, v34;
	v1 =	vmul.f32 v1, v39  }
0x3ab: {  	v10 =	vnsel vm6, $0x0, v10;
	v44 =	vmul.f32 v17, v34;
	v7 =	vmul.f32 v7, v39  }
0x3ac: {  	v15 =	vmul.f32 v15, v34;
	v10 =	vmul.f32 v10, v39;
	v1 =	vadd.f32 v1, v14  }
0x3ad: {  	v45 =	vadd.f32 $1.000000050e-03, v34;
	v7 =	vadd.f32 v7, v44  }
0x3ae: {  	v47 =	vadd.f32 $-5.000000070e-02, v5;
	v10 =	vadd.f32 v10, v15;
	[tilespmem:v63+s31+$0x0] =	vst.idx.add.f32.msk $0xff, v1  }
0x3af: {  	v46 =	vadd.f32 $-2.500000000e-01, v5;
	v1 =	vmul.f32 $2.000000000e+01, v45;
	[tilespmem:v6+s31+$0x0] =	vst.idx.add.f32.msk $0xff, v7  }
0x3b0: {  	v7 =	vmul.f32 $5.000000000e+00, v47;
	[tilespmem:v24+s31+$0x0] =	vst.idx.add.f32.msk $0xff, v10  }
0x3b1: {  	v1 =	vmul.f32 v46, v1;
	[tilespmem:$0xF5F0] =	vst v5  }
0x3b2: {  	[tilespmem:$0x115F0] =	vst v7  }
0x3b3: {  	v52 =	vld [tilespmem:$0xC5F0];
	[tilespmem:$0x105F0] =	vst v1  }
0x3b4: {  	v1 =	vld.idx.msk [tilespmem:v63+s22+$0x0], $0xffff  }
0x3b5: {  	v7 =	vld.idx.msk [tilespmem:v6+s22+$0x0], $0xffff  }
0x3b6: {  	v10 =	vld.idx.msk [tilespmem:v24+s22+$0x0], $0xffff;
	_ =	sdelay $0x2  }
0x3b7: {  	v48 =	vmul.f32 v0, v1  }
0x3b8: {  	v49 =	vmul.f32 v2, v7;
	v0 =	vsub.f32 v0, v1;
	v1 =	vsub.f32 v2, v7  }
0x3b9: {  	v50 =	vmul.f32 v26, v10;
	v2 =	vsub.f32 $1.000000000e+00, v52;
	v56 =	vsub.f32 v26, v10  }
0x3ba: {  	v12 =	vsub.f32 $1.000000000e+00, v48;
	v14 =	vsub.f32 $1.000000000e+00, v49  }
0x3bb: {  	v15 =	vsub.f32 $1.000000000e+00, v50;
	v0 =	vmul.f32 $5.000000000e-01, v0;
	v1 =	vmul.f32 $5.000000000e-01, v1  }
0x3bc: {  	v62 =	vadd.f32 $1.000000050e-03, v52;
	v2 =	vmul.f32 $1.100000020e+00, v2;
	v7 =	vmul.f32 $5.000000000e-01, v56  }
0x3bd: {  	v51 =	vmin.f32 v12, v14;
	v53 =	vmin.f32 v14, v15;
	v55 =	vmin.f32 v12, v15  }
0x3be: {  	vm7 =	vle.f32 v12, v14;
	vm8 =	vle.f32 v12, v15;
	vm9 =	vlt.f32 v14, v12  }
0x3bf: {  	vm10 =	vle.f32 v14, v15;
	vm12 =	vlt.f32 v15, v12;
	vm13 =	vlt.f32 v15, v14  }
0x3c0: {  	v54 =	vmin.f32 v51, v15;
	vm0 =	vmand vm7, vm8;
	vm11 =	vmand vm9, vm10  }
0x3c1: {  	v57 =	vmul.f32 v53, v36;
	vm14 =	vmand vm12, vm13;
	v58 =	vmul.f32 v55, v40  }
0x3c2: {  	v59 =	vmul.f32 v51, v41;
	v21 =	vmul.f32 $5.000000000e-01, v54;
	v0 =	vnsel vm0, $0x0, v0  }
0x3c3: {  	v1 =	vnsel vm11, $0x0, v1;
	v10 =	vmul.f32 v57, v52;
	v0 =	vmul.f32 v0, v2  }
0x3c4: {  	v7 =	vnsel vm14, $0x0, v7;
	v60 =	vmul.f32 v58, v52;
	v1 =	vmul.f32 v1, v2  }
0x3c5: {  	v61 =	vmul.f32 v59, v52;
	v2 =	vmul.f32 v7, v2;
	v0 =	vadd.f32 v0, v10  }
0x3c6: {  	v1 =	vadd.f32 v1, v60  }
0x3c7: {  	v2 =	vadd.f32 v2, v61;
	[tilespmem:v63+s0+$0x0] =	vst.idx.add.f32.msk $0xff, v0;
	v0 =	vmul.f32 $2.000000000e+01, v62;
	v63 =	vadd.f32 $-2.500000000e-01, v21  }
0x3c8: {  	[tilespmem:v6+s0+$0x0] =	vst.idx.add.f32.msk $0xff, v1;
	v1 =	vadd.f32 $-5.000000070e-02, v21  }
0x3c9: {  	[tilespmem:v24+s0+$0x0] =	vst.idx.add.f32.msk $0xff, v2;
	v0 =	vmul.f32 v63, v0  }
0x3ca: {  	[tilespmem:$0xFDF0] =	vst v21;
	v1 =	vmul.f32 $5.000000000e+00, v1  }
0x3cb: {  	[tilespmem:$0x10DF0] =	vst v0  }
0x3cc: {  	s17 =	simm.s32 $0xEE00;
	s12 =	rddreg [dreg:$0xc];
	[tilespmem:$0x11DF0] =	vst v1  }
0x3cd: {  	[hbm4b:s12+s4] =	stream.strided.scatter [tilespmem:s17], [sflag:$0x3], $0x800, s10, s4, $0x38;
	[tilespmem:$0x14E80] =	vst v63  }
0x3ce: {  	s19 =	simm.s32 $0xFE00;
	s18 =	rddreg [dreg:$0xf]  }
0x3cf: {  	[hbm4b:s18+s4] =	stream.strided.scatter [tilespmem:s19], [sflag:$0x3], $0x800, s10, s4, $0x38;
	[tilespmem:$0x14E80] =	vst v63  }
0x3d0: {  	s21 =	simm.s32 $0x10E00;
	s20 =	rddreg [dreg:$0x10]  }
0x3d1: {  	[hbm4b:s20+s4] =	stream.strided.scatter [tilespmem:s21], [sflag:$0x3], $0x800, s10, s4, $0x38;
	[tilespmem:$0x14E80] =	vst v63  }
0x3d2: {  	s26 =	simm.s32 $0xF600;
	s25 =	rddreg [dreg:$0x11]  }
0x3d3: {  	[hbm4b:s25+s4] =	stream.strided.scatter [tilespmem:s26], [sflag:$0x3], $0x800, s10, s4, $0x38;
	[tilespmem:$0x14E80] =	vst v63  }
0x3d4: {  	s29 =	simm.s32 $0x10600;
	s28 =	rddreg [dreg:$0x12]  }
0x3d5: {  	[hbm4b:s28+s4] =	stream.strided.scatter [tilespmem:s29], [sflag:$0x3], $0x800, s10, s4, $0x38;
	[tilespmem:$0x14E80] =	vst v63  }
0x3d6: {  	s15 =	rddreg [dreg:$0x13];
	s17 =	simm.s32 $0x11600  }
0x3d7: {  	[hbm4b:s15+s4] =	stream.strided.scatter [tilespmem:s17], [sflag:$0x3], $0x800, s10, s4, $0x38;
	[tilespmem:$0x14E80] =	vst v63  }
0x3d8: {  	_ =	swait.ge [sflag:s30], $0x800  }
0x3d9: {  	[sflag:s30] =	ssyncset.done $0x0  }
0x3da: {  	[sflag:s30] =	ssyncadd.s32 $0xFFFFF800  }
0x3db: {  	_ =	swait.ge [sflag:s30], $0x800  }
0x3dc: {  	[sflag:s30] =	ssyncset.done $0x0  }
0x3dd: {  	[sflag:s30] =	ssyncadd.s32 $0xFFFFF800  }
0x3de: {  	_ =	swait.ge [sflag:s30], $0x800  }
0x3df: {  	[sflag:s30] =	ssyncset.done $0x0  }
0x3e0: {  	[sflag:s30] =	ssyncadd.s32 $0xFFFFF800  }
0x3e1: {  	_ =	swait.ge [sflag:s30], $0x800  }
0x3e2: {  	[sflag:s30] =	ssyncset.done $0x0  }
0x3e3: {  	[sflag:s30] =	ssyncadd.s32 $0xFFFFF800  }
0x3e4: {  	_ =	swait.ge [sflag:s30], $0x800  }
0x3e5: {  	[sflag:s30] =	ssyncset.done $0x0  }
0x3e6: {  	[sflag:s30] =	ssyncadd.s32 $0xFFFFF800  }
0x3e7: {  	_ =	swait.ge [sflag:s30], $0x800  }
0x3e8: {  	[sflag:s30] =	ssyncset.done $0x0  }
0x3e9: {  	s18 =	simm.s32 $0x4;
	[sflag:s30] =	ssyncadd.s32 $0xFFFFF800  }
0x3ea: {  	_ =	swait.ge [sflag:s18], $0x800  }
0x3eb: {  	[sflag:s18] =	ssyncset.done $0x0  }
0x3ec: {  	[sflag:s18] =	ssyncadd.s32 $0xFFFFF800  }
0x3ed: {  	_ =	swait.ge [sflag:s18], $0x800  }
0x3ee: {  	[sflag:s18] =	ssyncset.done $0x0  }
0x3ef: {  	[sflag:s18] =	ssyncadd.s32 $0xFFFFF800  }
0x3f0: {  	_ =	swait.ge [sflag:s18], $0x800  }
0x3f1: {  	[sflag:s18] =	ssyncset.done $0x0  }
0x3f2: {  	[sflag:s18] =	ssyncadd.s32 $0xFFFFF800  }
0x3f3: {  	_ =	swait.ge [sflag:s18], $0x800  }
0x3f4: {  	[sflag:s18] =	ssyncset.done $0x0  }
0x3f5: {  	[sflag:s18] =	ssyncadd.s32 $0xFFFFF800  }
0x3f6: {  	_ =	swait.ge [sflag:s18], $0x800  }
0x3f7: {  	[sflag:s18] =	ssyncset.done $0x0  }
0x3f8: {  	[sflag:s18] =	ssyncadd.s32 $0xFFFFF800  }
0x3f9: {  	_ =	swait.ge [sflag:s18], $0x800  }
0x3fa: {  	[sflag:s18] =	ssyncset.done $0x0  }
0x3fb: {  	s20 =	simm.s32 $0x5;
	s19 =	rddreg [dreg:$0xa];
	[sflag:s18] =	ssyncadd.s32 $0xFFFFF800  }
0x3fc: {  	[hbm4b:s19+s6] =	stream.linear.scatter [tilespmem:s31], [sflag:$0x5], $0x2710, $0x38;
	[tilespmem:$0x14E80] =	vst v63  }
0x3fd: {  	_ =	swait.ge [sflag:s20], $0x2710  }
0x3fe: {  	[sflag:s20] =	ssyncset.done $0x0  }
0x3ff: {  	s21 =	rddreg [dreg:$0xb];
	[sflag:s20] =	ssyncadd.s32 $0xFFFFD8F0  }
0x400: {  	[hbm4b:s21+s6] =	stream.linear.scatter [tilespmem:s0], [sflag:$0x5], $0x2710, $0x38;
	[tilespmem:$0x14E80] =	vst v63  }
0x401: {  	vm15 =	vmmov $0xff;
	_ =	swait.ge [sflag:s20], $0x2710  }
0x402: {  	v0 =	vmax.f32 v43, v3;
	v1 =	vnsel vm15, $0x0, v5;
	[sflag:s20] =	ssyncset.done $0x0  }
0x403: {  	v0 =	vmax.f32 v0, v1;
	[sflag:s20] =	ssyncadd.s32 $0xFFFFD8F0  }
0x404: {  	s15 =	simm.s32 $0x14E00;
	s25 =	rddreg [dreg:$0xd];
	[tilespmem:$0x14E00] =	vst v0  }
0x405: {  	[hbm4b:s25+s6] =	stream.linear.scatter [tilespmem:s15], [sflag:$0x5], $0x10, $0x38;
	[tilespmem:$0x14E80] =	vst v63  }
0x406: {  	_ =	swait.ge [sflag:s20], $0x10  }
0x407: {  	v1 =	vnsel vm15, $0x0, v21;
	v0 =	vmax.f32 v42, v4;
	[sflag:s20] =	ssyncset.done $0x0  }
0x408: {  	v0 =	vmax.f32 v0, v1;
	[sflag:s20] =	ssyncadd.s32 $0xFFFFFFF0  }
0x409: {  	s26 =	rddreg [dreg:$0xe];
	[tilespmem:$0x14E00] =	vst v0  }
0x40a: {  	[hbm4b:s26+s6] =	stream.linear.scatter [tilespmem:s15], [sflag:$0x5], $0x10, $0x38;
	[tilespmem:$0x14E80] =	vst v63  }
0x40b: {  	_ =	swait.ge [sflag:s20], $0x10  }
0x40c: {  	s28 =	sld [smem:$0x7FC];
	_ =	sdelay $0x2  }
0x40d: {  	s29 =	rddreg [dreg:$0x14];
	s15 =	sadd.s32 $0x1, s28  }
0x40e: {  	p0 =	sne.s32 s15, s29  }
.Ltmp6:
0x40f: {  	_ = 	snop;
	(pc) =	sbr.rel @p0 .LBB2_1-.Ltmp6, $3  }
0x410: {  	_ =	sdelay $0x1  }
0x411: {  	[sflag:s20] =	ssyncset.done $0x0  }
0x412: {  	s21 =	simm.s32 $0x9E00;
	v0 =	vimm.f32 $0.0e+00;
	[sflag:s20] =	ssyncadd.s32 $0xFFFFFFF0  }
0x413: {  	_ =	sfence.sel $0x180000  }
0x414: {  	[bflag:$0x0] =	sbarrier.arrive $0xFFFF  }
0x415: {  	_ =	strace $0x90000047  }
0x416: {  	s0 =	stileid.u32;
	[bflag:$0x2] =	sbarrier.arrive $0xFFFF  }
0x417: {  	p0 =	sne.s32 s0, $0x0;
	s0 =	rddreg [dreg:$0x5]  }
0x418: {  	s0 =	sadd.s32 @!p0 $0x100000, s0  }
0x419: {  	[sflag:s0] =	ssyncadd.tile.s32 @!p0 $0x1;
	_ =	shalt  }
.Lfunc_end2:
_tile_overlayer_lowered:
.L_overlay_start_2:
0x41a: {  	(tag) =	ssettag $0x2  }
0x41b: {  	s0 =	rddreg [dreg:$0x0];
	s2 =	stileid.u32  }
0x41c: {  	s1 =	rddreg [dreg:$0x1];
	p0 =	sne.s32 s2, $0x0  }
0x41d: {  	s3 =	rddreg [dreg:$0x2];
	[bflag:$0x3] =	sbarrier.arrive $0xFFFF;
	s2 =	simm.s32 @!p0 $0x1C05  }
0x41e: {  	[timem:s3], [sflag:s2] =	dma.local @!p0 [hbm:s0], s1  }
0x41f: {  	s0 =	simm.s32 @!p0 $0x5  }
0x420: {  	_ =	swait.ge @!p0 [sflag:s0], s1  }
0x421: {  	s1 =	ssub.s32 @!p0 $0x0, s1;
	[sflag:s0] =	ssyncset.done @!p0 $0x0  }
0x422: {  	[sflag:s0] =	ssyncadd.s32 @!p0 s1  }
0x423: {  	[bflag:$0x3] =	sbarrier.arrive $0xFFFF  }
0x424: {  	_ =	shalt  }

</sc_bundles>
